<compile_context>
chip_gen: v7x
topology: tpu7x:2x2x1
jax: 0.10.2.dev20260603
libtpu: 0.0.44.dev20260713+nightly
codegen_flags: <defaults>
</compile_context>

<pallas_src>
import functools

import jax
import jax.numpy as jnp
import numpy as np
from jax import lax
from jax.experimental import pallas as pl
from jax.experimental.pallas import tpu as pltpu
from jax.experimental.pallas import tpu_sc as plsc

N_NODES = 50000
D = 128
CS = 10
TILE = 16
IPT = TILE * 8
NW = 32
TPW = 98
N_TILES = NW * TPW
NP = N_TILES * TILE

_PERM = np.concatenate(
    [np.concatenate([np.arange(32 * g, 32 * g + 32, 2),
                     np.arange(32 * g + 1, 32 * g + 32, 2)])
     for g in range(4)])


def _elu(m):
    return jnp.where(m > 0, m, jnp.exp(m) - 1.0)


def _pack_bf16_pair(de, do):
    be = jax.lax.bitcast_convert_type(
        de.astype(jnp.bfloat16).astype(jnp.float32), jnp.uint32)
    bo = jax.lax.bitcast_convert_type(
        do.astype(jnp.bfloat16).astype(jnp.float32), jnp.uint32)
    return jax.lax.bitcast_convert_type(
        (be >> 16) | (bo & jnp.uint32(0xFFFF0000)), jnp.int32)


def _embed_body(x_ref, w0e, w0o, c0e, c0o, w1e, w1o, c1e, c1o,
                w2e, w2o, c2e, c2o, o0, o1, o2):
    xb = x_ref[...]

    def emb(we, wo, ce, co):
        de = jnp.dot(xb, we[...], preferred_element_type=jnp.float32) + ce[...]
        do = jnp.dot(xb, wo[...], preferred_element_type=jnp.float32) + co[...]
        return _pack_bf16_pair(de, do)

    o0[...] = emb(w0e, w0o, c0e, c0o)
    o1[...] = emb(w1e, w1o, c1e, c1o)
    o2[...] = emb(w2e, w2o, c2e, c2o)


def _embed(x, W0, b0, W1, b1, W2, b2):
    BM = 2000
    grid = (N_NODES // BM,)
    row = pl.BlockSpec((BM, D), lambda i: (i, 0))
    rowh = pl.BlockSpec((BM, D // 2), lambda i: (i, 0))
    half = pl.BlockSpec((D, D // 2), lambda i: (0, 0))
    biash = pl.BlockSpec((1, D // 2), lambda i: (0, 0))
    args = [x]
    in_specs = [row]
    for W, b in ((W0, b0), (W1, b1), (W2, b2)):
        args += [W[:, 0::2], W[:, 1::2],
                 b[0::2].reshape(1, D // 2), b[1::2].reshape(1, D // 2)]
        in_specs += [half, half, biash, biash]
    return pl.pallas_call(
        _embed_body,
        grid=grid,
        in_specs=in_specs,
        out_specs=[rowh, rowh, rowh],
        out_shape=[jax.ShapeDtypeStruct((N_NODES, D // 2), jnp.int32)] * 3,
    )(*args)


def _sc_gather_reduce(e0, e1, e2, pp, ci_flat, pnt):
    mesh = plsc.VectorSubcoreMesh(core_axis_name="c", subcore_axis_name="s")

    @functools.partial(
        pl.kernel,
        mesh=mesh,
        compiler_params=pltpu.CompilerParams(needs_layout_passes=False,
                                             use_tc_tiling_on_sc=False),
        out_type=[jax.ShapeDtypeStruct((NP, D), jnp.float32),
                  jax.ShapeDtypeStruct((NP, D), jnp.float32)],
        scratch_types=[
            pltpu.VMEM((3, IPT), jnp.int32),
            pltpu.VMEM((3, IPT), jnp.int32),
            pltpu.VMEM((TILE * CS,), jnp.int32),
            pltpu.VMEM((TILE * CS,), jnp.int32),
            pltpu.VMEM((TILE,), jnp.int32),
            pltpu.VMEM((TILE,), jnp.int32),
            pltpu.VMEM((IPT, D // 2), jnp.int32),
            pltpu.VMEM((IPT, D // 2), jnp.int32),
            pltpu.VMEM((IPT, D // 2), jnp.int32),
            pltpu.VMEM((IPT, D // 2), jnp.int32),
            pltpu.VMEM((IPT, D // 2), jnp.int32),
            pltpu.VMEM((IPT, D // 2), jnp.int32),
            pltpu.VMEM((TILE, D), jnp.float32),
            pltpu.VMEM((TILE, D), jnp.float32),
            pltpu.VMEM((TILE, D), jnp.float32),
            pltpu.VMEM((TILE, D), jnp.float32),
            pltpu.SemaphoreType.DMA,
            pltpu.SemaphoreType.DMA,
            pltpu.SemaphoreType.DMA,
            pltpu.SemaphoreType.DMA,
            pltpu.SemaphoreType.DMA,
            pltpu.SemaphoreType.DMA,
        ],
    )
    def k(e0_h, e1_h, e2_h, pp_h, ci_h, pn_h, s_h, pg_h,
          idxv0, idxv1, civ0, civ1, pnv0, pnv1,
          b0a, b0b, b1a, b1b, b2a, b2b, bpa, bpb, ova, ovb,
          isem0, isem1, gsem0, gsem1, wsem0, wsem1):
        wid = lax.axis_index("s") * 2 + lax.axis_index("c")
        start = wid * TPW
        idxv = [idxv0, idxv1]
        civ = [civ0, civ1]
        pnv = [pnv0, pnv1]
        b0 = [b0a, b0b]
        b1 = [b1a, b1b]
        b2 = [b2a, b2b]
        bp = [bpa, bpb]
        ov = [ova, ovb]
        isem = [isem0, isem1]
        gsem = [gsem0, gsem1]
        wsem = [wsem0, wsem1]
        HALF = TPW // 2

        def issue_idx(tile, s):
            pltpu.async_copy(ci_h.at[pl.ds(tile * TILE * CS, TILE * CS)],
                             civ[s], isem[s])
            pltpu.async_copy(pn_h.at[tile], pnv[s], isem[s])

        def drain_idx(s):
            pltpu.make_async_copy(ci_h.at[pl.ds(0, TILE * CS)], civ[s],
                                  isem[s]).wait()
            pltpu.make_async_copy(pn_h.at[0], pnv[s], isem[s]).wait()

        iota = lax.iota(jnp.int32, 16)
        pat = 10 * (iota >> 3) + (iota & 7)

        def build_idx(s):
            for i in range(3):
                for j in range(8):
                    src = pat + (20 * j + i)
                    vals = plsc.load_gather(civ[s], [src])
                    idxv[s][i, pl.ds(16 * j, 16)] = vals

        def fire_gathers(s):
            pltpu.async_copy(e0_h.at[idxv[s].at[0]], b0[s], gsem[s])
            pltpu.async_copy(e1_h.at[idxv[s].at[1]], b1[s], gsem[s])
            pltpu.async_copy(e2_h.at[idxv[s].at[2]], b2[s], gsem[s])
            pltpu.async_copy(pp_h.at[pnv[s]], bp[s], gsem[s])

        def drain_gathers(s):
            pltpu.make_async_copy(e0_h.at[pl.ds(0, IPT)], b0[s], gsem[s]).wait()
            pltpu.make_async_copy(e0_h.at[pl.ds(0, IPT)], b1[s], gsem[s]).wait()
            pltpu.make_async_copy(e0_h.at[pl.ds(0, IPT)], b2[s], gsem[s]).wait()
            pltpu.make_async_copy(pp_h.at[pl.ds(0, TILE)], bp[s], gsem[s]).wait()

        def issue_wb(tile, s):
            nb = tile * TILE
            pltpu.async_copy(ov[s], s_h.at[pl.ds(nb, TILE)], wsem[s])
            pltpu.async_copy(bp[s], pg_h.at[pl.ds(nb, TILE)], wsem[s])

        def drain_wb(s):
            pltpu.make_async_copy(ov[s], s_h.at[pl.ds(0, TILE)], wsem[s]).wait()
            pltpu.make_async_copy(bp[s], pg_h.at[pl.ds(0, TILE)], wsem[s]).wait()

        def compute(s):
            hi_mask = jnp.int32(-65536)

            def split(u):
                even = plsc.bitcast(u << 16, jnp.float32)
                odd = plsc.bitcast(u & hi_mask, jnp.float32)
                return even, odd

            def node_body(n, carry):
                r0 = n * 8
                accs = [jnp.zeros((16,), jnp.float32) for _ in range(8)]
                for c in range(8):
                    row = r0 + c
                    for g in range(4):
                        sl = pl.ds(16 * g, 16)
                        a0, c0 = split(b0[s][row, sl])
                        a1, c1 = split(b1[s][row, sl])
                        a2, c2 = split(b2[s][row, sl])
                        accs[2 * g] = accs[2 * g] + _elu(a0 + a1 + a2)
                        accs[2 * g + 1] = accs[2 * g + 1] + _elu(c0 + c1 + c2)
                for g in range(4):
                    ov[s][n, pl.ds(32 * g, 16)] = accs[2 * g]
                    ov[s][n, pl.ds(32 * g + 16, 16)] = accs[2 * g + 1]
                return carry

            lax.fori_loop(0, TILE, node_body, 0)

        pltpu.sync_copy(ci_h.at[pl.ds(start * TILE * CS, TILE * CS)], civ[0])
        pltpu.sync_copy(pn_h.at[start], pnv[0])
        build_idx(0)
        fire_gathers(0)
        issue_idx(start + 1, 1)

        def pair_body(i, carry):
            for s in range(2):
                s2 = 1 - s
                tile = start + 2 * i + s
                if s == 0:
                    @pl.when(i > 0)
                    def _():
                        drain_wb(s2)
                else:
                    drain_wb(s2)
                if s == 0:
                    drain_idx(s2)
                    build_idx(s2)
                    fire_gathers(s2)
                else:
                    @pl.when(i < HALF - 1)
                    def _():
                        drain_idx(s2)
                        build_idx(s2)
                        fire_gathers(s2)
                drain_gathers(s)
                @pl.when(i < HALF - 1)
                def _():
                    issue_idx(tile + 2, s)
                compute(s)
                issue_wb(tile, s)
            return carry

        lax.fori_loop(0, HALF, pair_body, 0)
        drain_wb(1)

    return k(e0, e1, e2, pp, ci_flat, pnt)


def _final_body(s_ref, x_ref, xg_ref, wf, bf, ws, bs, wp, bp, o_ref):
    a = jnp.dot(s_ref[...], wf[...], preferred_element_type=jnp.float32)
    a = a + jnp.dot(x_ref[...], ws[...], preferred_element_type=jnp.float32)
    a = a + jnp.dot(xg_ref[...], wp[...], preferred_element_type=jnp.float32)
    a = a + (8.0 * bf[...] + bs[...] + bp[...])
    o_ref[...] = _elu(a)


def _final(s, x, xg, Wf, bf, Ws, bs, Wp, bp):
    BM = 2000
    grid = (N_NODES // BM,)
    row = pl.BlockSpec((BM, D), lambda i: (i, 0))
    full = pl.BlockSpec((D, D), lambda i: (0, 0))
    bias = pl.BlockSpec((1, D), lambda i: (0, 0))
    return pl.pallas_call(
        _final_body,
        grid=grid,
        in_specs=[row, row, row, full, bias, full, bias, full, bias],
        out_specs=row,
        out_shape=jax.ShapeDtypeStruct((N_NODES, D), jnp.float32),
    )(s, x, xg, Wf, bf.reshape(1, D), Ws, bs.reshape(1, D),
      Wp, bp.reshape(1, D))


def kernel(x, circle_index, parallel_node_index, W_nb0, b_nb0, W_nb1, b_nb1,
           W_nb2, b_nb2, W_fin, b_fin, W_self, b_self, W_par, b_par):
    ci = circle_index.astype(jnp.int32)
    pn = parallel_node_index.astype(jnp.int32)

    ci_flat = jnp.pad(ci.reshape(-1), (0, (NP - N_NODES) * CS))
    pnt = jnp.pad(pn, (0, NP - N_NODES)).reshape(N_TILES, TILE)

    e0, e1, e2 = _embed(x, W_nb0, b_nb0, W_nb1, b_nb1, W_nb2, b_nb2)
    s, xg = _sc_gather_reduce(e0, e1, e2, x, ci_flat, pnt)
    return _final(s, x, xg, W_fin[_PERM, :], b_fin, W_self, b_self,
                  W_par, b_par)

# --- scband reference (transcript-rebuilt; emitter-appended) ---
"""Pipeline reference for scband-chi-ennlayer-86139864089507 (READ-ONLY COPY).

The authoritative reference and input builder live on the scoring server;
editing this copy changes nothing except your own understanding.
"""

import jax, jax.numpy as jnp
import numpy as np

N, D, CS, K = 50000, 128, 10, 3

def _linear(x, W, b):
    return x @ W + b

def _forward(x, circle_index, parallel_node_index, W_nb0, b_nb0, W_nb1, b_nb1, W_nb2, b_nb2, W_fin, b_fin, W_self, b_self, W_par, b_par):
    num_nodes, circle_size = circle_index.shape
    hidden_dim = x.shape[1]
    k = K
    nb_params = [(W_nb0, b_nb0), (W_nb1, b_nb1), (W_nb2, b_nb2)]
    # ChiENNMessage: k shifted neighbor embeddings summed (== concat+linear), then ELU+linear
    embeddings_list = [_linear(x, W, b) for (W, b) in nb_params]
    zeros = jnp.zeros((1, hidden_dim), dtype=x.dtype)
    embeddings_list = [jnp.concatenate([zeros, e], axis=0) for e in embeddings_list]
    wrapping_length = k - 1
    padding_size = jnp.sum(circle_index == -1, axis=-1)
    num_neighbors = circle_size - padding_size - wrapping_length
    num_neighbors = jnp.where(padding_size == circle_size, 0, num_neighbors)
    flat = circle_index.reshape(-1) + 1
    L = flat.shape[0]
    padded = jnp.concatenate([flat, jnp.zeros((wrapping_length,), dtype=flat.dtype)])
    shifted_list = []
    for i, emb in enumerate(embeddings_list):
        idx = padded[i:i + L]
        se = jnp.take(emb, idx, axis=0)
        m = (num_neighbors <= i)
        m = jnp.repeat(m.reshape(-1, 1), circle_size, axis=1).reshape(-1, 1)
        se = jnp.where(m, 0.0, se)
        shifted_list.append(se)
    shifted = jnp.stack(shifted_list, axis=-2)
    msg = jnp.sum(shifted, axis=-2)
    msg = _linear(jax.nn.elu(msg), W_fin, b_fin)
    msg = msg.reshape(num_nodes, circle_size, hidden_dim)
    mask = jnp.arange(circle_size)[None, :] < num_neighbors[:, None]
    msg = jnp.where(mask[..., None], msg, 0.0)
    max_nb = circle_size - wrapping_length
    msg = msg[:, :max_nb]
    mask = mask[:, :max_nb]
    # ChiENNAggregate: self + parallel messages, masked sum, post-aggregation ELU
    self_msg = _linear(x, W_self, b_self)[:, None, :]
    self_mask = jnp.ones((num_nodes, 1), dtype=bool)
    par_msg = jnp.take(_linear(x, W_par, b_par), parallel_node_index, axis=0)[:, None, :]
    par_mask = jnp.ones((num_nodes, 1), dtype=bool)
    all_msg = jnp.concatenate([msg, self_msg, par_msg], axis=1)
    all_mask = jnp.concatenate([mask, self_mask, par_mask], axis=1)
    agg = jnp.sum(jnp.where(all_mask[..., None], all_msg, 0.0), axis=1)
    out = jax.nn.elu(agg)
    all_masked = jnp.sum(all_mask, axis=-1) == 0
    out = jnp.where(all_masked[:, None], 0.0, out)
    return out

def setup_inputs(seed: int = 0):
    key = jax.random.key(seed)
    ks = jax.random.split(key, 9)
    x = jax.random.normal(ks[0], (N, D), dtype=jnp.float32)
    circle_index = jax.random.randint(ks[1], (N, CS), 0, N)
    parallel_node_index = jax.random.randint(ks[2], (N,), 0, N)
    def lin(k):
        k1, k2 = jax.random.split(k)
        W = jax.random.normal(k1, (D, D), dtype=jnp.float32) / np.sqrt(D)
        b = jax.random.normal(k2, (D,), dtype=jnp.float32) * 0.01
        return W, b
    W_nb0, b_nb0 = lin(ks[3])
    W_nb1, b_nb1 = lin(ks[4])
    W_nb2, b_nb2 = lin(ks[5])
    W_fin, b_fin = lin(ks[6])
    W_self, b_self = lin(ks[7])
    W_par, b_par = lin(ks[8])
    return dict(x=x, circle_index=circle_index, parallel_node_index=parallel_node_index,
                W_nb0=W_nb0, b_nb0=b_nb0, W_nb1=W_nb1, b_nb1=b_nb1, W_nb2=W_nb2, b_nb2=b_nb2,
                W_fin=W_fin, b_fin=b_fin, W_self=W_self, b_self=b_self, W_par=W_par, b_par=b_par)

def reference(x, circle_index, parallel_node_index, W_nb0, b_nb0, W_nb1, b_nb1, W_nb2, b_nb2, W_fin, b_fin, W_self, b_self, W_par, b_par):
    return _forward(x, circle_index, parallel_node_index, W_nb0, b_nb0, W_nb1, b_nb1, W_nb2, b_nb2, W_fin, b_fin, W_self, b_self, W_par, b_par)

if __name__ == "__main__":
    import jax
    _d = setup_inputs()
    print(jax.jit(kernel)(*tuple(_d.values())))

</pallas_src>

<mosaic_0001>
#map = affine_map<(d0, d1) -> (0, 0)>
#map1 = affine_map<(d0, d1) -> (0)>
module attributes {stable_mosaic.version = 14 : i64} {
  func.func @k(%arg0: i32, %arg1: i32, %arg2: memref<50000x64xi32, #tpu.memory_space<hbm>>, %arg3: memref<50000x64xi32, #tpu.memory_space<hbm>>, %arg4: memref<50000x64xi32, #tpu.memory_space<hbm>>, %arg5: memref<50000x128xf32, #tpu.memory_space<hbm>>, %arg6: memref<501760xi32, #tpu.memory_space<hbm>>, %arg7: memref<3136x16xi32, #tpu.memory_space<hbm>>, %arg8: memref<50176x128xf32, #tpu.memory_space<hbm>>, %arg9: memref<50176x128xf32, #tpu.memory_space<hbm>>, %arg10: memref<3x128xi32, #tpu.memory_space<vmem>>, %arg11: memref<3x128xi32, #tpu.memory_space<vmem>>, %arg12: memref<160xi32, #tpu.memory_space<vmem>>, %arg13: memref<160xi32, #tpu.memory_space<vmem>>, %arg14: memref<16xi32, #tpu.memory_space<vmem>>, %arg15: memref<16xi32, #tpu.memory_space<vmem>>, %arg16: memref<128x64xi32, #tpu.memory_space<vmem>>, %arg17: memref<128x64xi32, #tpu.memory_space<vmem>>, %arg18: memref<128x64xi32, #tpu.memory_space<vmem>>, %arg19: memref<128x64xi32, #tpu.memory_space<vmem>>, %arg20: memref<128x64xi32, #tpu.memory_space<vmem>>, %arg21: memref<128x64xi32, #tpu.memory_space<vmem>>, %arg22: memref<16x128xf32, #tpu.memory_space<vmem>>, %arg23: memref<16x128xf32, #tpu.memory_space<vmem>>, %arg24: memref<16x128xf32, #tpu.memory_space<vmem>>, %arg25: memref<16x128xf32, #tpu.memory_space<vmem>>, %arg26: memref<!tpu.dma_semaphore, #tpu.memory_space<semaphore_mem>>, %arg27: memref<!tpu.dma_semaphore, #tpu.memory_space<semaphore_mem>>, %arg28: memref<!tpu.dma_semaphore, #tpu.memory_space<semaphore_mem>>, %arg29: memref<!tpu.dma_semaphore, #tpu.memory_space<semaphore_mem>>, %arg30: memref<!tpu.dma_semaphore, #tpu.memory_space<semaphore_mem>>, %arg31: memref<!tpu.dma_semaphore, #tpu.memory_space<semaphore_mem>>) attributes {dimension_semantics = [#tpu.dimension_semantics<core_parallel>, #tpu.dimension_semantics<subcore_parallel>], iteration_bounds = array<i64: 2, 16>, scalar_prefetch = 0 : i64, scratch_operands = 22 : i64, tpu.core_type = #tpu.core_type<sc_vector_subcore>, window_params = [{transform_indices = #map}, {transform_indices = #map}, {transform_indices = #map}, {transform_indices = #map}, {transform_indices = #map1}, {transform_indices = #map}, {transform_indices = #map}, {transform_indices = #map}]} {
    %mul3A = arith.constant 2 : i32
    %mul3A_0 = arith.muli %arg1, %mul3A : i32
    %add3A = arith.addi %mul3A_0, %arg0 : i32
    %mul3A_1 = arith.constant 98 : i32
    %mul3A_2 = arith.muli %add3A, %mul3A_1 : i32
    %iota3A = tpu.iota {dimensions = array<i32: 0>} : vector<16xi32>
    %shift_right_arithmetic3A = arith.constant 3 : i32
    %shift_right_arithmetic3A_3 = vector.broadcast %shift_right_arithmetic3A : i32 to vector<16xi32>
    %shift_right_arithmetic3A_4 = arith.shrsi %iota3A, %shift_right_arithmetic3A_3 : vector<16xi32>
    %mul3A_5 = arith.constant 10 : i32
    %mul3A_6 = vector.broadcast %mul3A_5 : i32 to vector<16xi32>
    %mul3A_7 = arith.muli %mul3A_6, %shift_right_arithmetic3A_4 : vector<16xi32>
    %and3A = arith.constant 7 : i32
    %and3A_8 = vector.broadcast %and3A : i32 to vector<16xi32>
    %and3A_9 = arith.andi %iota3A, %and3A_8 : vector<16xi32>
    %add3A_10 = arith.addi %mul3A_7, %and3A_9 : vector<16xi32>
    %mul3A_11 = arith.constant 16 : i32
    %mul3A_12 = arith.muli %mul3A_2, %mul3A_11 : i32
    %mul3A_13 = arith.constant 10 : i32
    %mul3A_14 = arith.muli %mul3A_12, %mul3A_13 : i32
    "tpu.region"() ({
      %run_scoped3A = tpu.sem_alloc : memref<!tpu.dma_semaphore, #tpu.memory_space<semaphore_mem>>
      %dma_start3A_258 = tpu.memref_slice %arg6[%mul3A_14] : memref<501760xi32, #tpu.memory_space<hbm>> -> memref<160xi32, #tpu.memory_space<hbm>>
      %dma_start3A_259 = tpu.memref_slice %arg6[%mul3A_14] : memref<501760xi32, #tpu.memory_space<hbm>> -> memref<160xi32, #tpu.memory_space<hbm>>
      tpu.enqueue_dma source(%dma_start3A_259 : memref<160xi32, #tpu.memory_space<hbm>>) target(%arg12 : memref<160xi32, #tpu.memory_space<vmem>>) target_semaphore(%run_scoped3A : memref<!tpu.dma_semaphore, #tpu.memory_space<semaphore_mem>>)
      %dma_wait3A_260 = tpu.memref_slice %arg6[%mul3A_14] : memref<501760xi32, #tpu.memory_space<hbm>> -> memref<160xi32, #tpu.memory_space<hbm>>
      %dma_wait3A_261 = tpu.memref_slice %arg6[%mul3A_14] : memref<501760xi32, #tpu.memory_space<hbm>> -> memref<160xi32, #tpu.memory_space<hbm>>
      tpu.wait_dma2 semaphore(%run_scoped3A : memref<!tpu.dma_semaphore, #tpu.memory_space<semaphore_mem>>) src(%dma_wait3A_261 : memref<160xi32, #tpu.memory_space<hbm>>) dst(%arg12 : memref<160xi32, #tpu.memory_space<vmem>>)
      tpu.yield
    }) : () -> ()
    "tpu.region"() ({
      %run_scoped3A = tpu.sem_alloc : memref<!tpu.dma_semaphore, #tpu.memory_space<semaphore_mem>>
      %dma_start3A_258 = arith.constant 0 : i32
      %dma_start3A_259 = tpu.memref_slice %arg7[%mul3A_2, %dma_start3A_258] : memref<3136x16xi32, #tpu.memory_space<hbm>> -> memref<1x16xi32, #tpu.memory_space<hbm>>
      %dma_start3A_260 = tpu.memref_squeeze %dma_start3A_259 : memref<1x16xi32, #tpu.memory_space<hbm>> -> memref<16xi32, #tpu.memory_space<hbm>>
      %dma_start3A_261 = arith.constant 0 : i32
      %dma_start3A_262 = tpu.memref_slice %arg7[%mul3A_2, %dma_start3A_261] : memref<3136x16xi32, #tpu.memory_space<hbm>> -> memref<1x16xi32, #tpu.memory_space<hbm>>
      %dma_start3A_263 = tpu.memref_squeeze %dma_start3A_262 : memref<1x16xi32, #tpu.memory_space<hbm>> -> memref<16xi32, #tpu.memory_space<hbm>>
      tpu.enqueue_dma source(%dma_start3A_263 : memref<16xi32, #tpu.memory_space<hbm>>) target(%arg14 : memref<16xi32, #tpu.memory_space<vmem>>) target_semaphore(%run_scoped3A : memref<!tpu.dma_semaphore, #tpu.memory_space<semaphore_mem>>)
      %dma_wait3A_264 = arith.constant 0 : i32
      %dma_wait3A_265 = tpu.memref_slice %arg7[%mul3A_2, %dma_wait3A_264] : memref<3136x16xi32, #tpu.memory_space<hbm>> -> memref<1x16xi32, #tpu.memory_space<hbm>>
      %dma_wait3A_266 = tpu.memref_squeeze %dma_wait3A_265 : memref<1x16xi32, #tpu.memory_space<hbm>> -> memref<16xi32, #tpu.memory_space<hbm>>
      %dma_wait3A_267 = arith.constant 0 : i32
      %dma_wait3A_268 = tpu.memref_slice %arg7[%mul3A_2, %dma_wait3A_267] : memref<3136x16xi32, #tpu.memory_space<hbm>> -> memref<1x16xi32, #tpu.memory_space<hbm>>
      %dma_wait3A_269 = tpu.memref_squeeze %dma_wait3A_268 : memref<1x16xi32, #tpu.memory_space<hbm>> -> memref<16xi32, #tpu.memory_space<hbm>>
      tpu.wait_dma2 semaphore(%run_scoped3A : memref<!tpu.dma_semaphore, #tpu.memory_space<semaphore_mem>>) src(%dma_wait3A_269 : memref<16xi32, #tpu.memory_space<hbm>>) dst(%arg14 : memref<16xi32, #tpu.memory_space<vmem>>)
      tpu.yield
    }) : () -> ()
    %add3A_15 = arith.constant 0 : i32
    %add3A_16 = vector.broadcast %add3A_15 : i32 to vector<16xi32>
    %add3A_17 = arith.addi %add3A_10, %add3A_16 : vector<16xi32>
    %gather3A = tpu.vector_load_idx %arg12[%add3A_17] : memref<160xi32, #tpu.memory_space<vmem>>[vector<16xi32>], vector<16xi32>,
    %swap3A = arith.constant 0 : i32
    %swap3A_18 = arith.index_cast %swap3A : i32 to index
    %swap3A_19 = arith.constant 0 : index
    %swap3A_20 = tpu.vector_load %arg10[%swap3A_18, %swap3A_19] {strides = array<i32>} : memref<3x128xi32, #tpu.memory_space<vmem>>, vector<16xi32>,
    tpu.vector_store %arg10[%swap3A_18, %swap3A_19], %gather3A {strides = array<i32>} : memref<3x128xi32, #tpu.memory_space<vmem>>, vector<16xi32>,
    %add3A_21 = arith.constant 20 : i32
    %add3A_22 = vector.broadcast %add3A_21 : i32 to vector<16xi32>
    %add3A_23 = arith.addi %add3A_10, %add3A_22 : vector<16xi32>
    %gather3A_24 = tpu.vector_load_idx %arg12[%add3A_23] : memref<160xi32, #tpu.memory_space<vmem>>[vector<16xi32>], vector<16xi32>,
    %swap3A_25 = arith.constant 0 : i32
    %swap3A_26 = arith.index_cast %swap3A_25 : i32 to index
    %swap3A_27 = arith.constant 16 : index
    %swap3A_28 = tpu.vector_load %arg10[%swap3A_26, %swap3A_27] {strides = array<i32>} : memref<3x128xi32, #tpu.memory_space<vmem>>, vector<16xi32>,
    tpu.vector_store %arg10[%swap3A_26, %swap3A_27], %gather3A_24 {strides = array<i32>} : memref<3x128xi32, #tpu.memory_space<vmem>>, vector<16xi32>,
    %add3A_29 = arith.constant 40 : i32
    %add3A_30 = vector.broadcast %add3A_29 : i32 to vector<16xi32>
    %add3A_31 = arith.addi %add3A_10, %add3A_30 : vector<16xi32>
    %gather3A_32 = tpu.vector_load_idx %arg12[%add3A_31] : memref<160xi32, #tpu.memory_space<vmem>>[vector<16xi32>], vector<16xi32>,
    %swap3A_33 = arith.constant 0 : i32
    %swap3A_34 = arith.index_cast %swap3A_33 : i32 to index
    %swap3A_35 = arith.constant 32 : index
    %swap3A_36 = tpu.vector_load %arg10[%swap3A_34, %swap3A_35] {strides = array<i32>} : memref<3x128xi32, #tpu.memory_space<vmem>>, vector<16xi32>,
    tpu.vector_store %arg10[%swap3A_34, %swap3A_35], %gather3A_32 {strides = array<i32>} : memref<3x128xi32, #tpu.memory_space<vmem>>, vector<16xi32>,
    %add3A_37 = arith.constant 60 : i32
    %add3A_38 = vector.broadcast %add3A_37 : i32 to vector<16xi32>
    %add3A_39 = arith.addi %add3A_10, %add3A_38 : vector<16xi32>
    %gather3A_40 = tpu.vector_load_idx %arg12[%add3A_39] : memref<160xi32, #tpu.memory_space<vmem>>[vector<16xi32>], vector<16xi32>,
    %swap3A_41 = arith.constant 0 : i32
    %swap3A_42 = arith.index_cast %swap3A_41 : i32 to index
    %swap3A_43 = arith.constant 48 : index
    %swap3A_44 = tpu.vector_load %arg10[%swap3A_42, %swap3A_43] {strides = array<i32>} : memref<3x128xi32, #tpu.memory_space<vmem>>, vector<16xi32>,
    tpu.vector_store %arg10[%swap3A_42, %swap3A_43], %gather3A_40 {strides = array<i32>} : memref<3x128xi32, #tpu.memory_space<vmem>>, vector<16xi32>,
    %add3A_45 = arith.constant 80 : i32
    %add3A_46 = vector.broadcast %add3A_45 : i32 to vector<16xi32>
    %add3A_47 = arith.addi %add3A_10, %add3A_46 : vector<16xi32>
    %gather3A_48 = tpu.vector_load_idx %arg12[%add3A_47] : memref<160xi32, #tpu.memory_space<vmem>>[vector<16xi32>], vector<16xi32>,
    %swap3A_49 = arith.constant 0 : i32
    %swap3A_50 = arith.index_cast %swap3A_49 : i32 to index
    %swap3A_51 = arith.constant 64 : index
    %swap3A_52 = tpu.vector_load %arg10[%swap3A_50, %swap3A_51] {strides = array<i32>} : memref<3x128xi32, #tpu.memory_space<vmem>>, vector<16xi32>,
    tpu.vector_store %arg10[%swap3A_50, %swap3A_51], %gather3A_48 {strides = array<i32>} : memref<3x128xi32, #tpu.memory_space<vmem>>, vector<16xi32>,
    %add3A_53 = arith.constant 100 : i32
    %add3A_54 = vector.broadcast %add3A_53 : i32 to vector<16xi32>
    %add3A_55 = arith.addi %add3A_10, %add3A_54 : vector<16xi32>
    %gather3A_56 = tpu.vector_load_idx %arg12[%add3A_55] : memref<160xi32, #tpu.memory_space<vmem>>[vector<16xi32>], vector<16xi32>,
    %swap3A_57 = arith.constant 0 : i32
    %swap3A_58 = arith.index_cast %swap3A_57 : i32 to index
    %swap3A_59 = arith.constant 80 : index
    %swap3A_60 = tpu.vector_load %arg10[%swap3A_58, %swap3A_59] {strides = array<i32>} : memref<3x128xi32, #tpu.memory_space<vmem>>, vector<16xi32>,
    tpu.vector_store %arg10[%swap3A_58, %swap3A_59], %gather3A_56 {strides = array<i32>} : memref<3x128xi32, #tpu.memory_space<vmem>>, vector<16xi32>,
    %add3A_61 = arith.constant 120 : i32
    %add3A_62 = vector.broadcast %add3A_61 : i32 to vector<16xi32>
    %add3A_63 = arith.addi %add3A_10, %add3A_62 : vector<16xi32>
    %gather3A_64 = tpu.vector_load_idx %arg12[%add3A_63] : memref<160xi32, #tpu.memory_space<vmem>>[vector<16xi32>], vector<16xi32>,
    %swap3A_65 = arith.constant 0 : i32
    %swap3A_66 = arith.index_cast %swap3A_65 : i32 to index
    %swap3A_67 = arith.constant 96 : index
    %swap3A_68 = tpu.vector_load %arg10[%swap3A_66, %swap3A_67] {strides = array<i32>} : memref<3x128xi32, #tpu.memory_space<vmem>>, vector<16xi32>,
    tpu.vector_store %arg10[%swap3A_66, %swap3A_67], %gather3A_64 {strides = array<i32>} : memref<3x128xi32, #tpu.memory_space<vmem>>, vector<16xi32>,
    %add3A_69 = arith.constant 140 : i32
    %add3A_70 = vector.broadcast %add3A_69 : i32 to vector<16xi32>
    %add3A_71 = arith.addi %add3A_10, %add3A_70 : vector<16xi32>
    %gather3A_72 = tpu.vector_load_idx %arg12[%add3A_71] : memref<160xi32, #tpu.memory_space<vmem>>[vector<16xi32>], vector<16xi32>,
    %swap3A_73 = arith.constant 0 : i32
    %swap3A_74 = arith.index_cast %swap3A_73 : i32 to index
    %swap3A_75 = arith.constant 112 : index
    %swap3A_76 = tpu.vector_load %arg10[%swap3A_74, %swap3A_75] {strides = array<i32>} : memref<3x128xi32, #tpu.memory_space<vmem>>, vector<16xi32>,
    tpu.vector_store %arg10[%swap3A_74, %swap3A_75], %gather3A_72 {strides = array<i32>} : memref<3x128xi32, #tpu.memory_space<vmem>>, vector<16xi32>,
    %add3A_77 = arith.constant 1 : i32
    %add3A_78 = vector.broadcast %add3A_77 : i32 to vector<16xi32>
    %add3A_79 = arith.addi %add3A_10, %add3A_78 : vector<16xi32>
    %gather3A_80 = tpu.vector_load_idx %arg12[%add3A_79] : memref<160xi32, #tpu.memory_space<vmem>>[vector<16xi32>], vector<16xi32>,
    %swap3A_81 = arith.constant 1 : i32
    %swap3A_82 = arith.index_cast %swap3A_81 : i32 to index
    %swap3A_83 = arith.constant 0 : index
    %swap3A_84 = tpu.vector_load %arg10[%swap3A_82, %swap3A_83] {strides = array<i32>} : memref<3x128xi32, #tpu.memory_space<vmem>>, vector<16xi32>,
    tpu.vector_store %arg10[%swap3A_82, %swap3A_83], %gather3A_80 {strides = array<i32>} : memref<3x128xi32, #tpu.memory_space<vmem>>, vector<16xi32>,
    %add3A_85 = arith.constant 21 : i32
    %add3A_86 = vector.broadcast %add3A_85 : i32 to vector<16xi32>
    %add3A_87 = arith.addi %add3A_10, %add3A_86 : vector<16xi32>
    %gather3A_88 = tpu.vector_load_idx %arg12[%add3A_87] : memref<160xi32, #tpu.memory_space<vmem>>[vector<16xi32>], vector<16xi32>,
    %swap3A_89 = arith.constant 1 : i32
    %swap3A_90 = arith.index_cast %swap3A_89 : i32 to index
    %swap3A_91 = arith.constant 16 : index
    %swap3A_92 = tpu.vector_load %arg10[%swap3A_90, %swap3A_91] {strides = array<i32>} : memref<3x128xi32, #tpu.memory_space<vmem>>, vector<16xi32>,
    tpu.vector_store %arg10[%swap3A_90, %swap3A_91], %gather3A_88 {strides = array<i32>} : memref<3x128xi32, #tpu.memory_space<vmem>>, vector<16xi32>,
    %add3A_93 = arith.constant 41 : i32
    %add3A_94 = vector.broadcast %add3A_93 : i32 to vector<16xi32>
    %add3A_95 = arith.addi %add3A_10, %add3A_94 : vector<16xi32>
    %gather3A_96 = tpu.vector_load_idx %arg12[%add3A_95] : memref<160xi32, #tpu.memory_space<vmem>>[vector<16xi32>], vector<16xi32>,
    %swap3A_97 = arith.constant 1 : i32
    %swap3A_98 = arith.index_cast %swap3A_97 : i32 to index
    %swap3A_99 = arith.constant 32 : index
    %swap3A_100 = tpu.vector_load %arg10[%swap3A_98, %swap3A_99] {strides = array<i32>} : memref<3x128xi32, #tpu.memory_space<vmem>>, vector<16xi32>,
    tpu.vector_store %arg10[%swap3A_98, %swap3A_99], %gather3A_96 {strides = array<i32>} : memref<3x128xi32, #tpu.memory_space<vmem>>, vector<16xi32>,
    %add3A_101 = arith.constant 61 : i32
    %add3A_102 = vector.broadcast %add3A_101 : i32 to vector<16xi32>
    %add3A_103 = arith.addi %add3A_10, %add3A_102 : vector<16xi32>
    %gather3A_104 = tpu.vector_load_idx %arg12[%add3A_103] : memref<160xi32, #tpu.memory_space<vmem>>[vector<16xi32>], vector<16xi32>,
    %swap3A_105 = arith.constant 1 : i32
    %swap3A_106 = arith.index_cast %swap3A_105 : i32 to index
    %swap3A_107 = arith.constant 48 : index
    %swap3A_108 = tpu.vector_load %arg10[%swap3A_106, %swap3A_107] {strides = array<i32>} : memref<3x128xi32, #tpu.memory_space<vmem>>, vector<16xi32>,
    tpu.vector_store %arg10[%swap3A_106, %swap3A_107], %gather3A_104 {strides = array<i32>} : memref<3x128xi32, #tpu.memory_space<vmem>>, vector<16xi32>,
    %add3A_109 = arith.constant 81 : i32
    %add3A_110 = vector.broadcast %add3A_109 : i32 to vector<16xi32>
    %add3A_111 = arith.addi %add3A_10, %add3A_110 : vector<16xi32>
    %gather3A_112 = tpu.vector_load_idx %arg12[%add3A_111] : memref<160xi32, #tpu.memory_space<vmem>>[vector<16xi32>], vector<16xi32>,
    %swap3A_113 = arith.constant 1 : i32
    %swap3A_114 = arith.index_cast %swap3A_113 : i32 to index
    %swap3A_115 = arith.constant 64 : index
    %swap3A_116 = tpu.vector_load %arg10[%swap3A_114, %swap3A_115] {strides = array<i32>} : memref<3x128xi32, #tpu.memory_space<vmem>>, vector<16xi32>,
    tpu.vector_store %arg10[%swap3A_114, %swap3A_115], %gather3A_112 {strides = array<i32>} : memref<3x128xi32, #tpu.memory_space<vmem>>, vector<16xi32>,
    %add3A_117 = arith.constant 101 : i32
    %add3A_118 = vector.broadcast %add3A_117 : i32 to vector<16xi32>
    %add3A_119 = arith.addi %add3A_10, %add3A_118 : vector<16xi32>
    %gather3A_120 = tpu.vector_load_idx %arg12[%add3A_119] : memref<160xi32, #tpu.memory_space<vmem>>[vector<16xi32>], vector<16xi32>,
    %swap3A_121 = arith.constant 1 : i32
    %swap3A_122 = arith.index_cast %swap3A_121 : i32 to index
    %swap3A_123 = arith.constant 80 : index
    %swap3A_124 = tpu.vector_load %arg10[%swap3A_122, %swap3A_123] {strides = array<i32>} : memref<3x128xi32, #tpu.memory_space<vmem>>, vector<16xi32>,
    tpu.vector_store %arg10[%swap3A_122, %swap3A_123], %gather3A_120 {strides = array<i32>} : memref<3x128xi32, #tpu.memory_space<vmem>>, vector<16xi32>,
    %add3A_125 = arith.constant 121 : i32
    %add3A_126 = vector.broadcast %add3A_125 : i32 to vector<16xi32>
    %add3A_127 = arith.addi %add3A_10, %add3A_126 : vector<16xi32>
    %gather3A_128 = tpu.vector_load_idx %arg12[%add3A_127] : memref<160xi32, #tpu.memory_space<vmem>>[vector<16xi32>], vector<16xi32>,
    %swap3A_129 = arith.constant 1 : i32
    %swap3A_130 = arith.index_cast %swap3A_129 : i32 to index
    %swap3A_131 = arith.constant 96 : index
    %swap3A_132 = tpu.vector_load %arg10[%swap3A_130, %swap3A_131] {strides = array<i32>} : memref<3x128xi32, #tpu.memory_space<vmem>>, vector<16xi32>,
    tpu.vector_store %arg10[%swap3A_130, %swap3A_131], %gather3A_128 {strides = array<i32>} : memref<3x128xi32, #tpu.memory_space<vmem>>, vector<16xi32>,
    %add3A_133 = arith.constant 141 : i32
    %add3A_134 = vector.broadcast %add3A_133 : i32 to vector<16xi32>
    %add3A_135 = arith.addi %add3A_10, %add3A_134 : vector<16xi32>
    %gather3A_136 = tpu.vector_load_idx %arg12[%add3A_135] : memref<160xi32, #tpu.memory_space<vmem>>[vector<16xi32>], vector<16xi32>,
    %swap3A_137 = arith.constant 1 : i32
    %swap3A_138 = arith.index_cast %swap3A_137 : i32 to index
    %swap3A_139 = arith.constant 112 : index
    %swap3A_140 = tpu.vector_load %arg10[%swap3A_138, %swap3A_139] {strides = array<i32>} : memref<3x128xi32, #tpu.memory_space<vmem>>, vector<16xi32>,
    tpu.vector_store %arg10[%swap3A_138, %swap3A_139], %gather3A_136 {strides = array<i32>} : memref<3x128xi32, #tpu.memory_space<vmem>>, vector<16xi32>,
    %add3A_141 = arith.constant 2 : i32
    %add3A_142 = vector.broadcast %add3A_141 : i32 to vector<16xi32>
    %add3A_143 = arith.addi %add3A_10, %add3A_142 : vector<16xi32>
    %gather3A_144 = tpu.vector_load_idx %arg12[%add3A_143] : memref<160xi32, #tpu.memory_space<vmem>>[vector<16xi32>], vector<16xi32>,
    %swap3A_145 = arith.constant 2 : i32
    %swap3A_146 = arith.index_cast %swap3A_145 : i32 to index
    %swap3A_147 = arith.constant 0 : index
    %swap3A_148 = tpu.vector_load %arg10[%swap3A_146, %swap3A_147] {strides = array<i32>} : memref<3x128xi32, #tpu.memory_space<vmem>>, vector<16xi32>,
    tpu.vector_store %arg10[%swap3A_146, %swap3A_147], %gather3A_144 {strides = array<i32>} : memref<3x128xi32, #tpu.memory_space<vmem>>, vector<16xi32>,
    %add3A_149 = arith.constant 22 : i32
    %add3A_150 = vector.broadcast %add3A_149 : i32 to vector<16xi32>
    %add3A_151 = arith.addi %add3A_10, %add3A_150 : vector<16xi32>
    %gather3A_152 = tpu.vector_load_idx %arg12[%add3A_151] : memref<160xi32, #tpu.memory_space<vmem>>[vector<16xi32>], vector<16xi32>,
    %swap3A_153 = arith.constant 2 : i32
    %swap3A_154 = arith.index_cast %swap3A_153 : i32 to index
    %swap3A_155 = arith.constant 16 : index
    %swap3A_156 = tpu.vector_load %arg10[%swap3A_154, %swap3A_155] {strides = array<i32>} : memref<3x128xi32, #tpu.memory_space<vmem>>, vector<16xi32>,
    tpu.vector_store %arg10[%swap3A_154, %swap3A_155], %gather3A_152 {strides = array<i32>} : memref<3x128xi32, #tpu.memory_space<vmem>>, vector<16xi32>,
    %add3A_157 = arith.constant 42 : i32
    %add3A_158 = vector.broadcast %add3A_157 : i32 to vector<16xi32>
    %add3A_159 = arith.addi %add3A_10, %add3A_158 : vector<16xi32>
    %gather3A_160 = tpu.vector_load_idx %arg12[%add3A_159] : memref<160xi32, #tpu.memory_space<vmem>>[vector<16xi32>], vector<16xi32>,
    %swap3A_161 = arith.constant 2 : i32
    %swap3A_162 = arith.index_cast %swap3A_161 : i32 to index
    %swap3A_163 = arith.constant 32 : index
    %swap3A_164 = tpu.vector_load %arg10[%swap3A_162, %swap3A_163] {strides = array<i32>} : memref<3x128xi32, #tpu.memory_space<vmem>>, vector<16xi32>,
    tpu.vector_store %arg10[%swap3A_162, %swap3A_163], %gather3A_160 {strides = array<i32>} : memref<3x128xi32, #tpu.memory_space<vmem>>, vector<16xi32>,
    %add3A_165 = arith.constant 62 : i32
    %add3A_166 = vector.broadcast %add3A_165 : i32 to vector<16xi32>
    %add3A_167 = arith.addi %add3A_10, %add3A_166 : vector<16xi32>
    %gather3A_168 = tpu.vector_load_idx %arg12[%add3A_167] : memref<160xi32, #tpu.memory_space<vmem>>[vector<16xi32>], vector<16xi32>,
    %swap3A_169 = arith.constant 2 : i32
    %swap3A_170 = arith.index_cast %swap3A_169 : i32 to index
    %swap3A_171 = arith.constant 48 : index
    %swap3A_172 = tpu.vector_load %arg10[%swap3A_170, %swap3A_171] {strides = array<i32>} : memref<3x128xi32, #tpu.memory_space<vmem>>, vector<16xi32>,
    tpu.vector_store %arg10[%swap3A_170, %swap3A_171], %gather3A_168 {strides = array<i32>} : memref<3x128xi32, #tpu.memory_space<vmem>>, vector<16xi32>,
    %add3A_173 = arith.constant 82 : i32
    %add3A_174 = vector.broadcast %add3A_173 : i32 to vector<16xi32>
    %add3A_175 = arith.addi %add3A_10, %add3A_174 : vector<16xi32>
    %gather3A_176 = tpu.vector_load_idx %arg12[%add3A_175] : memref<160xi32, #tpu.memory_space<vmem>>[vector<16xi32>], vector<16xi32>,
    %swap3A_177 = arith.constant 2 : i32
    %swap3A_178 = arith.index_cast %swap3A_177 : i32 to index
    %swap3A_179 = arith.constant 64 : index
    %swap3A_180 = tpu.vector_load %arg10[%swap3A_178, %swap3A_179] {strides = array<i32>} : memref<3x128xi32, #tpu.memory_space<vmem>>, vector<16xi32>,
    tpu.vector_store %arg10[%swap3A_178, %swap3A_179], %gather3A_176 {strides = array<i32>} : memref<3x128xi32, #tpu.memory_space<vmem>>, vector<16xi32>,
    %add3A_181 = arith.constant 102 : i32
    %add3A_182 = vector.broadcast %add3A_181 : i32 to vector<16xi32>
    %add3A_183 = arith.addi %add3A_10, %add3A_182 : vector<16xi32>
    %gather3A_184 = tpu.vector_load_idx %arg12[%add3A_183] : memref<160xi32, #tpu.memory_space<vmem>>[vector<16xi32>], vector<16xi32>,
    %swap3A_185 = arith.constant 2 : i32
    %swap3A_186 = arith.index_cast %swap3A_185 : i32 to index
    %swap3A_187 = arith.constant 80 : index
    %swap3A_188 = tpu.vector_load %arg10[%swap3A_186, %swap3A_187] {strides = array<i32>} : memref<3x128xi32, #tpu.memory_space<vmem>>, vector<16xi32>,
    tpu.vector_store %arg10[%swap3A_186, %swap3A_187], %gather3A_184 {strides = array<i32>} : memref<3x128xi32, #tpu.memory_space<vmem>>, vector<16xi32>,
    %add3A_189 = arith.constant 122 : i32
    %add3A_190 = vector.broadcast %add3A_189 : i32 to vector<16xi32>
    %add3A_191 = arith.addi %add3A_10, %add3A_190 : vector<16xi32>
    %gather3A_192 = tpu.vector_load_idx %arg12[%add3A_191] : memref<160xi32, #tpu.memory_space<vmem>>[vector<16xi32>], vector<16xi32>,
    %swap3A_193 = arith.constant 2 : i32
    %swap3A_194 = arith.index_cast %swap3A_193 : i32 to index
    %swap3A_195 = arith.constant 96 : index
    %swap3A_196 = tpu.vector_load %arg10[%swap3A_194, %swap3A_195] {strides = array<i32>} : memref<3x128xi32, #tpu.memory_space<vmem>>, vector<16xi32>,
    tpu.vector_store %arg10[%swap3A_194, %swap3A_195], %gather3A_192 {strides = array<i32>} : memref<3x128xi32, #tpu.memory_space<vmem>>, vector<16xi32>,
    %add3A_197 = arith.constant 142 : i32
    %add3A_198 = vector.broadcast %add3A_197 : i32 to vector<16xi32>
    %add3A_199 = arith.addi %add3A_10, %add3A_198 : vector<16xi32>
    %gather3A_200 = tpu.vector_load_idx %arg12[%add3A_199] : memref<160xi32, #tpu.memory_space<vmem>>[vector<16xi32>], vector<16xi32>,
    %swap3A_201 = arith.constant 2 : i32
    %swap3A_202 = arith.index_cast %swap3A_201 : i32 to index
    %swap3A_203 = arith.constant 112 : index
    %swap3A_204 = tpu.vector_load %arg10[%swap3A_202, %swap3A_203] {strides = array<i32>} : memref<3x128xi32, #tpu.memory_space<vmem>>, vector<16xi32>,
    tpu.vector_store %arg10[%swap3A_202, %swap3A_203], %gather3A_200 {strides = array<i32>} : memref<3x128xi32, #tpu.memory_space<vmem>>, vector<16xi32>,
    %dma_start3A = arith.constant 0 : i32
    %dma_start3A_205 = arith.constant 0 : i32
    %dma_start3A_206 = tpu.memref_slice %arg10[%dma_start3A, %dma_start3A_205] : memref<3x128xi32, #tpu.memory_space<vmem>> -> memref<1x128xi32, #tpu.memory_space<vmem>>
    %dma_start3A_207 = tpu.memref_squeeze %dma_start3A_206 : memref<1x128xi32, #tpu.memory_space<vmem>> -> memref<128xi32, #tpu.memory_space<vmem>>
    %dma_start3A_208 = arith.constant 0 : i32
    %dma_start3A_209 = arith.constant 0 : i32
    %dma_start3A_210 = tpu.memref_slice %arg2[%dma_start3A_208, %dma_start3A_209] : memref<50000x64xi32, #tpu.memory_space<hbm>> -> memref<50000x64xi32, #tpu.memory_space<hbm>>
    tpu.enqueue_indirect_dma source(%dma_start3A_210 : memref<50000x64xi32, #tpu.memory_space<hbm>>) target(%arg16 : memref<128x64xi32, #tpu.memory_space<vmem>>) offsets(%dma_start3A_207 : memref<128xi32, #tpu.memory_space<vmem>>) semaphore(%arg28 : memref<!tpu.dma_semaphore, #tpu.memory_space<semaphore_mem>>)
    %dma_start3A_211 = arith.constant 1 : i32
    %dma_start3A_212 = arith.constant 0 : i32
    %dma_start3A_213 = tpu.memref_slice %arg10[%dma_start3A_211, %dma_start3A_212] : memref<3x128xi32, #tpu.memory_space<vmem>> -> memref<1x128xi32, #tpu.memory_space<vmem>>
    %dma_start3A_214 = tpu.memref_squeeze %dma_start3A_213 : memref<1x128xi32, #tpu.memory_space<vmem>> -> memref<128xi32, #tpu.memory_space<vmem>>
    %dma_start3A_215 = arith.constant 0 : i32
    %dma_start3A_216 = arith.constant 0 : i32
    %dma_start3A_217 = tpu.memref_slice %arg3[%dma_start3A_215, %dma_start3A_216] : memref<50000x64xi32, #tpu.memory_space<hbm>> -> memref<50000x64xi32, #tpu.memory_space<hbm>>
    tpu.enqueue_indirect_dma source(%dma_start3A_217 : memref<50000x64xi32, #tpu.memory_space<hbm>>) target(%arg18 : memref<128x64xi32, #tpu.memory_space<vmem>>) offsets(%dma_start3A_214 : memref<128xi32, #tpu.memory_space<vmem>>) semaphore(%arg28 : memref<!tpu.dma_semaphore, #tpu.memory_space<semaphore_mem>>)
    %dma_start3A_218 = arith.constant 2 : i32
    %dma_start3A_219 = arith.constant 0 : i32
    %dma_start3A_220 = tpu.memref_slice %arg10[%dma_start3A_218, %dma_start3A_219] : memref<3x128xi32, #tpu.memory_space<vmem>> -> memref<1x128xi32, #tpu.memory_space<vmem>>
    %dma_start3A_221 = tpu.memref_squeeze %dma_start3A_220 : memref<1x128xi32, #tpu.memory_space<vmem>> -> memref<128xi32, #tpu.memory_space<vmem>>
    %dma_start3A_222 = arith.constant 0 : i32
    %dma_start3A_223 = arith.constant 0 : i32
    %dma_start3A_224 = tpu.memref_slice %arg4[%dma_start3A_222, %dma_start3A_223] : memref<50000x64xi32, #tpu.memory_space<hbm>> -> memref<50000x64xi32, #tpu.memory_space<hbm>>
    tpu.enqueue_indirect_dma source(%dma_start3A_224 : memref<50000x64xi32, #tpu.memory_space<hbm>>) target(%arg20 : memref<128x64xi32, #tpu.memory_space<vmem>>) offsets(%dma_start3A_221 : memref<128xi32, #tpu.memory_space<vmem>>) semaphore(%arg28 : memref<!tpu.dma_semaphore, #tpu.memory_space<semaphore_mem>>)
    %dma_start3A_225 = arith.constant 0 : i32
    %dma_start3A_226 = arith.constant 0 : i32
    %dma_start3A_227 = tpu.memref_slice %arg5[%dma_start3A_225, %dma_start3A_226] : memref<50000x128xf32, #tpu.memory_space<hbm>> -> memref<50000x128xf32, #tpu.memory_space<hbm>>
    tpu.enqueue_indirect_dma source(%dma_start3A_227 : memref<50000x128xf32, #tpu.memory_space<hbm>>) target(%arg22 : memref<16x128xf32, #tpu.memory_space<vmem>>) offsets(%arg14 : memref<16xi32, #tpu.memory_space<vmem>>) semaphore(%arg28 : memref<!tpu.dma_semaphore, #tpu.memory_space<semaphore_mem>>)
    %add3A_228 = arith.constant 1 : i32
    %add3A_229 = arith.addi %mul3A_2, %add3A_228 : i32
    %mul3A_230 = arith.constant 16 : i32
    %mul3A_231 = arith.muli %add3A_229, %mul3A_230 : i32
    %mul3A_232 = arith.constant 10 : i32
    %mul3A_233 = arith.muli %mul3A_231, %mul3A_232 : i32
    %dma_start3A_234 = tpu.memref_slice %arg6[%mul3A_233] : memref<501760xi32, #tpu.memory_space<hbm>> -> memref<160xi32, #tpu.memory_space<hbm>>
    %dma_start3A_235 = tpu.memref_slice %arg6[%mul3A_233] : memref<501760xi32, #tpu.memory_space<hbm>> -> memref<160xi32, #tpu.memory_space<hbm>>
    tpu.enqueue_dma source(%dma_start3A_235 : memref<160xi32, #tpu.memory_space<hbm>>) target(%arg13 : memref<160xi32, #tpu.memory_space<vmem>>) target_semaphore(%arg27 : memref<!tpu.dma_semaphore, #tpu.memory_space<semaphore_mem>>)
    %dma_start3A_236 = arith.constant 0 : i32
    %dma_start3A_237 = tpu.memref_slice %arg7[%add3A_229, %dma_start3A_236] : memref<3136x16xi32, #tpu.memory_space<hbm>> -> memref<1x16xi32, #tpu.memory_space<hbm>>
    %dma_start3A_238 = tpu.memref_squeeze %dma_start3A_237 : memref<1x16xi32, #tpu.memory_space<hbm>> -> memref<16xi32, #tpu.memory_space<hbm>>
    %dma_start3A_239 = arith.constant 0 : i32
    %dma_start3A_240 = tpu.memref_slice %arg7[%add3A_229, %dma_start3A_239] : memref<3136x16xi32, #tpu.memory_space<hbm>> -> memref<1x16xi32, #tpu.memory_space<hbm>>
    %dma_start3A_241 = tpu.memref_squeeze %dma_start3A_240 : memref<1x16xi32, #tpu.memory_space<hbm>> -> memref<16xi32, #tpu.memory_space<hbm>>
    tpu.enqueue_dma source(%dma_start3A_241 : memref<16xi32, #tpu.memory_space<hbm>>) target(%arg15 : memref<16xi32, #tpu.memory_space<vmem>>) target_semaphore(%arg27 : memref<!tpu.dma_semaphore, #tpu.memory_space<semaphore_mem>>)
    %scan3A = arith.constant 0 : i32
    %scan3A_242 = arith.constant 0 : i32
    %scan3A_243 = arith.constant 49 : i32
    %scan3A_244 = arith.addi %scan3A_242, %scan3A_243 : i32
    %scan3A_245 = arith.constant 1 : i32
    scf.for %scan3A_258 = %scan3A_242 to %scan3A_244 step %scan3A_245  : i32 {
      %mul3A_259 = arith.constant 2 : i32
      %mul3A_260 = arith.muli %mul3A_259, %scan3A_258 : i32
      %add3A_261 = arith.addi %mul3A_2, %mul3A_260 : i32
      %add3A_262 = arith.constant 0 : i32
      %add3A_263 = arith.addi %add3A_261, %add3A_262 : i32
      %gt3A = arith.constant 0 : i32
      %gt3A_264 = arith.cmpi sgt, %scan3A_258, %gt3A : i32
      %convert_element_type3A = arith.extui %gt3A_264 : i1 to i32
      %cond3A = arith.constant 0 : i32
      %cond3A_265 = arith.cmpi ne, %convert_element_type3A, %cond3A : i32
      scf.if %cond3A_265 {
        %dma_wait3A_606 = arith.constant 0 : i32
        %dma_wait3A_607 = arith.constant 0 : i32
        %dma_wait3A_608 = tpu.memref_slice %arg8[%dma_wait3A_606, %dma_wait3A_607] : memref<50176x128xf32, #tpu.memory_space<hbm>> -> memref<16x128xf32, #tpu.memory_space<hbm>>
        %dma_wait3A_609 = arith.constant 0 : i32
        %dma_wait3A_610 = arith.constant 0 : i32
        %dma_wait3A_611 = tpu.memref_slice %arg8[%dma_wait3A_609, %dma_wait3A_610] : memref<50176x128xf32, #tpu.memory_space<hbm>> -> memref<16x128xf32, #tpu.memory_space<hbm>>
        tpu.wait_dma2 semaphore(%arg31 : memref<!tpu.dma_semaphore, #tpu.memory_space<semaphore_mem>>) src(%arg25 : memref<16x128xf32, #tpu.memory_space<vmem>>) dst(%dma_wait3A_611 : memref<16x128xf32, #tpu.memory_space<hbm>>)
        %dma_wait3A_612 = arith.constant 0 : i32
        %dma_wait3A_613 = arith.constant 0 : i32
        %dma_wait3A_614 = tpu.memref_slice %arg9[%dma_wait3A_612, %dma_wait3A_613] : memref<50176x128xf32, #tpu.memory_space<hbm>> -> memref<16x128xf32, #tpu.memory_space<hbm>>
        %dma_wait3A_615 = arith.constant 0 : i32
        %dma_wait3A_616 = arith.constant 0 : i32
        %dma_wait3A_617 = tpu.memref_slice %arg9[%dma_wait3A_615, %dma_wait3A_616] : memref<50176x128xf32, #tpu.memory_space<hbm>> -> memref<16x128xf32, #tpu.memory_space<hbm>>
        tpu.wait_dma2 semaphore(%arg31 : memref<!tpu.dma_semaphore, #tpu.memory_space<semaphore_mem>>) src(%arg23 : memref<16x128xf32, #tpu.memory_space<vmem>>) dst(%dma_wait3A_617 : memref<16x128xf32, #tpu.memory_space<hbm>>)
      } else {
      }
      %dma_wait3A_266 = arith.constant 0 : i32
      %dma_wait3A_267 = tpu.memref_slice %arg6[%dma_wait3A_266] : memref<501760xi32, #tpu.memory_space<hbm>> -> memref<160xi32, #tpu.memory_space<hbm>>
      %dma_wait3A_268 = arith.constant 0 : i32
      %dma_wait3A_269 = tpu.memref_slice %arg6[%dma_wait3A_268] : memref<501760xi32, #tpu.memory_space<hbm>> -> memref<160xi32, #tpu.memory_space<hbm>>
      tpu.wait_dma2 semaphore(%arg27 : memref<!tpu.dma_semaphore, #tpu.memory_space<semaphore_mem>>) src(%dma_wait3A_269 : memref<160xi32, #tpu.memory_space<hbm>>) dst(%arg13 : memref<160xi32, #tpu.memory_space<vmem>>)
      %dma_wait3A_270 = arith.constant 0 : i32
      %dma_wait3A_271 = arith.constant 0 : i32
      %dma_wait3A_272 = tpu.memref_slice %arg7[%dma_wait3A_270, %dma_wait3A_271] : memref<3136x16xi32, #tpu.memory_space<hbm>> -> memref<1x16xi32, #tpu.memory_space<hbm>>
      %dma_wait3A_273 = tpu.memref_squeeze %dma_wait3A_272 : memref<1x16xi32, #tpu.memory_space<hbm>> -> memref<16xi32, #tpu.memory_space<hbm>>
      %dma_wait3A_274 = arith.constant 0 : i32
      %dma_wait3A_275 = tpu.memref_slice %arg7[%dma_wait3A_270, %dma_wait3A_274] : memref<3136x16xi32, #tpu.memory_space<hbm>> -> memref<1x16xi32, #tpu.memory_space<hbm>>
      %dma_wait3A_276 = tpu.memref_squeeze %dma_wait3A_275 : memref<1x16xi32, #tpu.memory_space<hbm>> -> memref<16xi32, #tpu.memory_space<hbm>>
      tpu.wait_dma2 semaphore(%arg27 : memref<!tpu.dma_semaphore, #tpu.memory_space<semaphore_mem>>) src(%dma_wait3A_276 : memref<16xi32, #tpu.memory_space<hbm>>) dst(%arg15 : memref<16xi32, #tpu.memory_space<vmem>>)
      %add3A_277 = arith.constant 0 : i32
      %add3A_278 = vector.broadcast %add3A_277 : i32 to vector<16xi32>
      %add3A_279 = arith.addi %add3A_10, %add3A_278 : vector<16xi32>
      %gather3A_280 = tpu.vector_load_idx %arg13[%add3A_279] : memref<160xi32, #tpu.memory_space<vmem>>[vector<16xi32>], vector<16xi32>,
      %swap3A_281 = arith.constant 0 : i32
      %swap3A_282 = arith.index_cast %swap3A_281 : i32 to index
      %swap3A_283 = arith.constant 0 : index
      %swap3A_284 = tpu.vector_load %arg11[%swap3A_282, %swap3A_283] {strides = array<i32>} : memref<3x128xi32, #tpu.memory_space<vmem>>, vector<16xi32>,
      tpu.vector_store %arg11[%swap3A_282, %swap3A_283], %gather3A_280 {strides = array<i32>} : memref<3x128xi32, #tpu.memory_space<vmem>>, vector<16xi32>,
      %add3A_285 = arith.constant 20 : i32
      %add3A_286 = vector.broadcast %add3A_285 : i32 to vector<16xi32>
      %add3A_287 = arith.addi %add3A_10, %add3A_286 : vector<16xi32>
      %gather3A_288 = tpu.vector_load_idx %arg13[%add3A_287] : memref<160xi32, #tpu.memory_space<vmem>>[vector<16xi32>], vector<16xi32>,
      %swap3A_289 = arith.constant 0 : i32
      %swap3A_290 = arith.index_cast %swap3A_289 : i32 to index
      %swap3A_291 = arith.constant 16 : index
      %swap3A_292 = tpu.vector_load %arg11[%swap3A_290, %swap3A_291] {strides = array<i32>} : memref<3x128xi32, #tpu.memory_space<vmem>>, vector<16xi32>,
      tpu.vector_store %arg11[%swap3A_290, %swap3A_291], %gather3A_288 {strides = array<i32>} : memref<3x128xi32, #tpu.memory_space<vmem>>, vector<16xi32>,
      %add3A_293 = arith.constant 40 : i32
      %add3A_294 = vector.broadcast %add3A_293 : i32 to vector<16xi32>
      %add3A_295 = arith.addi %add3A_10, %add3A_294 : vector<16xi32>
      %gather3A_296 = tpu.vector_load_idx %arg13[%add3A_295] : memref<160xi32, #tpu.memory_space<vmem>>[vector<16xi32>], vector<16xi32>,
      %swap3A_297 = arith.constant 0 : i32
      %swap3A_298 = arith.index_cast %swap3A_297 : i32 to index
      %swap3A_299 = arith.constant 32 : index
      %swap3A_300 = tpu.vector_load %arg11[%swap3A_298, %swap3A_299] {strides = array<i32>} : memref<3x128xi32, #tpu.memory_space<vmem>>, vector<16xi32>,
      tpu.vector_store %arg11[%swap3A_298, %swap3A_299], %gather3A_296 {strides = array<i32>} : memref<3x128xi32, #tpu.memory_space<vmem>>, vector<16xi32>,
      %add3A_301 = arith.constant 60 : i32
      %add3A_302 = vector.broadcast %add3A_301 : i32 to vector<16xi32>
      %add3A_303 = arith.addi %add3A_10, %add3A_302 : vector<16xi32>
      %gather3A_304 = tpu.vector_load_idx %arg13[%add3A_303] : memref<160xi32, #tpu.memory_space<vmem>>[vector<16xi32>], vector<16xi32>,
      %swap3A_305 = arith.constant 0 : i32
      %swap3A_306 = arith.index_cast %swap3A_305 : i32 to index
      %swap3A_307 = arith.constant 48 : index
      %swap3A_308 = tpu.vector_load %arg11[%swap3A_306, %swap3A_307] {strides = array<i32>} : memref<3x128xi32, #tpu.memory_space<vmem>>, vector<16xi32>,
      tpu.vector_store %arg11[%swap3A_306, %swap3A_307], %gather3A_304 {strides = array<i32>} : memref<3x128xi32, #tpu.memory_space<vmem>>, vector<16xi32>,
      %add3A_309 = arith.constant 80 : i32
      %add3A_310 = vector.broadcast %add3A_309 : i32 to vector<16xi32>
      %add3A_311 = arith.addi %add3A_10, %add3A_310 : vector<16xi32>
      %gather3A_312 = tpu.vector_load_idx %arg13[%add3A_311] : memref<160xi32, #tpu.memory_space<vmem>>[vector<16xi32>], vector<16xi32>,
      %swap3A_313 = arith.constant 0 : i32
      %swap3A_314 = arith.index_cast %swap3A_313 : i32 to index
      %swap3A_315 = arith.constant 64 : index
      %swap3A_316 = tpu.vector_load %arg11[%swap3A_314, %swap3A_315] {strides = array<i32>} : memref<3x128xi32, #tpu.memory_space<vmem>>, vector<16xi32>,
      tpu.vector_store %arg11[%swap3A_314, %swap3A_315], %gather3A_312 {strides = array<i32>} : memref<3x128xi32, #tpu.memory_space<vmem>>, vector<16xi32>,
      %add3A_317 = arith.constant 100 : i32
      %add3A_318 = vector.broadcast %add3A_317 : i32 to vector<16xi32>
      %add3A_319 = arith.addi %add3A_10, %add3A_318 : vector<16xi32>
      %gather3A_320 = tpu.vector_load_idx %arg13[%add3A_319] : memref<160xi32, #tpu.memory_space<vmem>>[vector<16xi32>], vector<16xi32>,
      %swap3A_321 = arith.constant 0 : i32
      %swap3A_322 = arith.index_cast %swap3A_321 : i32 to index
      %swap3A_323 = arith.constant 80 : index
      %swap3A_324 = tpu.vector_load %arg11[%swap3A_322, %swap3A_323] {strides = array<i32>} : memref<3x128xi32, #tpu.memory_space<vmem>>, vector<16xi32>,
      tpu.vector_store %arg11[%swap3A_322, %swap3A_323], %gather3A_320 {strides = array<i32>} : memref<3x128xi32, #tpu.memory_space<vmem>>, vector<16xi32>,
      %add3A_325 = arith.constant 120 : i32
      %add3A_326 = vector.broadcast %add3A_325 : i32 to vector<16xi32>
      %add3A_327 = arith.addi %add3A_10, %add3A_326 : vector<16xi32>
      %gather3A_328 = tpu.vector_load_idx %arg13[%add3A_327] : memref<160xi32, #tpu.memory_space<vmem>>[vector<16xi32>], vector<16xi32>,
      %swap3A_329 = arith.constant 0 : i32
      %swap3A_330 = arith.index_cast %swap3A_329 : i32 to index
      %swap3A_331 = arith.constant 96 : index
      %swap3A_332 = tpu.vector_load %arg11[%swap3A_330, %swap3A_331] {strides = array<i32>} : memref<3x128xi32, #tpu.memory_space<vmem>>, vector<16xi32>,
      tpu.vector_store %arg11[%swap3A_330, %swap3A_331], %gather3A_328 {strides = array<i32>} : memref<3x128xi32, #tpu.memory_space<vmem>>, vector<16xi32>,
      %add3A_333 = arith.constant 140 : i32
      %add3A_334 = vector.broadcast %add3A_333 : i32 to vector<16xi32>
      %add3A_335 = arith.addi %add3A_10, %add3A_334 : vector<16xi32>
      %gather3A_336 = tpu.vector_load_idx %arg13[%add3A_335] : memref<160xi32, #tpu.memory_space<vmem>>[vector<16xi32>], vector<16xi32>,
      %swap3A_337 = arith.constant 0 : i32
      %swap3A_338 = arith.index_cast %swap3A_337 : i32 to index
      %swap3A_339 = arith.constant 112 : index
      %swap3A_340 = tpu.vector_load %arg11[%swap3A_338, %swap3A_339] {strides = array<i32>} : memref<3x128xi32, #tpu.memory_space<vmem>>, vector<16xi32>,
      tpu.vector_store %arg11[%swap3A_338, %swap3A_339], %gather3A_336 {strides = array<i32>} : memref<3x128xi32, #tpu.memory_space<vmem>>, vector<16xi32>,
      %add3A_341 = arith.constant 1 : i32
      %add3A_342 = vector.broadcast %add3A_341 : i32 to vector<16xi32>
      %add3A_343 = arith.addi %add3A_10, %add3A_342 : vector<16xi32>
      %gather3A_344 = tpu.vector_load_idx %arg13[%add3A_343] : memref<160xi32, #tpu.memory_space<vmem>>[vector<16xi32>], vector<16xi32>,
      %swap3A_345 = arith.constant 1 : i32
      %swap3A_346 = arith.index_cast %swap3A_345 : i32 to index
      %swap3A_347 = arith.constant 0 : index
      %swap3A_348 = tpu.vector_load %arg11[%swap3A_346, %swap3A_347] {strides = array<i32>} : memref<3x128xi32, #tpu.memory_space<vmem>>, vector<16xi32>,
      tpu.vector_store %arg11[%swap3A_346, %swap3A_347], %gather3A_344 {strides = array<i32>} : memref<3x128xi32, #tpu.memory_space<vmem>>, vector<16xi32>,
      %add3A_349 = arith.constant 21 : i32
      %add3A_350 = vector.broadcast %add3A_349 : i32 to vector<16xi32>
      %add3A_351 = arith.addi %add3A_10, %add3A_350 : vector<16xi32>
      %gather3A_352 = tpu.vector_load_idx %arg13[%add3A_351] : memref<160xi32, #tpu.memory_space<vmem>>[vector<16xi32>], vector<16xi32>,
      %swap3A_353 = arith.constant 1 : i32
      %swap3A_354 = arith.index_cast %swap3A_353 : i32 to index
      %swap3A_355 = arith.constant 16 : index
      %swap3A_356 = tpu.vector_load %arg11[%swap3A_354, %swap3A_355] {strides = array<i32>} : memref<3x128xi32, #tpu.memory_space<vmem>>, vector<16xi32>,
      tpu.vector_store %arg11[%swap3A_354, %swap3A_355], %gather3A_352 {strides = array<i32>} : memref<3x128xi32, #tpu.memory_space<vmem>>, vector<16xi32>,
      %add3A_357 = arith.constant 41 : i32
      %add3A_358 = vector.broadcast %add3A_357 : i32 to vector<16xi32>
      %add3A_359 = arith.addi %add3A_10, %add3A_358 : vector<16xi32>
      %gather3A_360 = tpu.vector_load_idx %arg13[%add3A_359] : memref<160xi32, #tpu.memory_space<vmem>>[vector<16xi32>], vector<16xi32>,
      %swap3A_361 = arith.constant 1 : i32
      %swap3A_362 = arith.index_cast %swap3A_361 : i32 to index
      %swap3A_363 = arith.constant 32 : index
      %swap3A_364 = tpu.vector_load %arg11[%swap3A_362, %swap3A_363] {strides = array<i32>} : memref<3x128xi32, #tpu.memory_space<vmem>>, vector<16xi32>,
      tpu.vector_store %arg11[%swap3A_362, %swap3A_363], %gather3A_360 {strides = array<i32>} : memref<3x128xi32, #tpu.memory_space<vmem>>, vector<16xi32>,
      %add3A_365 = arith.constant 61 : i32
      %add3A_366 = vector.broadcast %add3A_365 : i32 to vector<16xi32>
      %add3A_367 = arith.addi %add3A_10, %add3A_366 : vector<16xi32>
      %gather3A_368 = tpu.vector_load_idx %arg13[%add3A_367] : memref<160xi32, #tpu.memory_space<vmem>>[vector<16xi32>], vector<16xi32>,
      %swap3A_369 = arith.constant 1 : i32
      %swap3A_370 = arith.index_cast %swap3A_369 : i32 to index
      %swap3A_371 = arith.constant 48 : index
      %swap3A_372 = tpu.vector_load %arg11[%swap3A_370, %swap3A_371] {strides = array<i32>} : memref<3x128xi32, #tpu.memory_space<vmem>>, vector<16xi32>,
      tpu.vector_store %arg11[%swap3A_370, %swap3A_371], %gather3A_368 {strides = array<i32>} : memref<3x128xi32, #tpu.memory_space<vmem>>, vector<16xi32>,
      %add3A_373 = arith.constant 81 : i32
      %add3A_374 = vector.broadcast %add3A_373 : i32 to vector<16xi32>
      %add3A_375 = arith.addi %add3A_10, %add3A_374 : vector<16xi32>
      %gather3A_376 = tpu.vector_load_idx %arg13[%add3A_375] : memref<160xi32, #tpu.memory_space<vmem>>[vector<16xi32>], vector<16xi32>,
      %swap3A_377 = arith.constant 1 : i32
      %swap3A_378 = arith.index_cast %swap3A_377 : i32 to index
      %swap3A_379 = arith.constant 64 : index
      %swap3A_380 = tpu.vector_load %arg11[%swap3A_378, %swap3A_379] {strides = array<i32>} : memref<3x128xi32, #tpu.memory_space<vmem>>, vector<16xi32>,
      tpu.vector_store %arg11[%swap3A_378, %swap3A_379], %gather3A_376 {strides = array<i32>} : memref<3x128xi32, #tpu.memory_space<vmem>>, vector<16xi32>,
      %add3A_381 = arith.constant 101 : i32
      %add3A_382 = vector.broadcast %add3A_381 : i32 to vector<16xi32>
      %add3A_383 = arith.addi %add3A_10, %add3A_382 : vector<16xi32>
      %gather3A_384 = tpu.vector_load_idx %arg13[%add3A_383] : memref<160xi32, #tpu.memory_space<vmem>>[vector<16xi32>], vector<16xi32>,
      %swap3A_385 = arith.constant 1 : i32
      %swap3A_386 = arith.index_cast %swap3A_385 : i32 to index
      %swap3A_387 = arith.constant 80 : index
      %swap3A_388 = tpu.vector_load %arg11[%swap3A_386, %swap3A_387] {strides = array<i32>} : memref<3x128xi32, #tpu.memory_space<vmem>>, vector<16xi32>,
      tpu.vector_store %arg11[%swap3A_386, %swap3A_387], %gather3A_384 {strides = array<i32>} : memref<3x128xi32, #tpu.memory_space<vmem>>, vector<16xi32>,
      %add3A_389 = arith.constant 121 : i32
      %add3A_390 = vector.broadcast %add3A_389 : i32 to vector<16xi32>
      %add3A_391 = arith.addi %add3A_10, %add3A_390 : vector<16xi32>
      %gather3A_392 = tpu.vector_load_idx %arg13[%add3A_391] : memref<160xi32, #tpu.memory_space<vmem>>[vector<16xi32>], vector<16xi32>,
      %swap3A_393 = arith.constant 1 : i32
      %swap3A_394 = arith.index_cast %swap3A_393 : i32 to index
      %swap3A_395 = arith.constant 96 : index
      %swap3A_396 = tpu.vector_load %arg11[%swap3A_394, %swap3A_395] {strides = array<i32>} : memref<3x128xi32, #tpu.memory_space<vmem>>, vector<16xi32>,
      tpu.vector_store %arg11[%swap3A_394, %swap3A_395], %gather3A_392 {strides = array<i32>} : memref<3x128xi32, #tpu.memory_space<vmem>>, vector<16xi32>,
      %add3A_397 = arith.constant 141 : i32
      %add3A_398 = vector.broadcast %add3A_397 : i32 to vector<16xi32>
      %add3A_399 = arith.addi %add3A_10, %add3A_398 : vector<16xi32>
      %gather3A_400 = tpu.vector_load_idx %arg13[%add3A_399] : memref<160xi32, #tpu.memory_space<vmem>>[vector<16xi32>], vector<16xi32>,
      %swap3A_401 = arith.constant 1 : i32
      %swap3A_402 = arith.index_cast %swap3A_401 : i32 to index
      %swap3A_403 = arith.constant 112 : index
      %swap3A_404 = tpu.vector_load %arg11[%swap3A_402, %swap3A_403] {strides = array<i32>} : memref<3x128xi32, #tpu.memory_space<vmem>>, vector<16xi32>,
      tpu.vector_store %arg11[%swap3A_402, %swap3A_403], %gather3A_400 {strides = array<i32>} : memref<3x128xi32, #tpu.memory_space<vmem>>, vector<16xi32>,
      %add3A_405 = arith.constant 2 : i32
      %add3A_406 = vector.broadcast %add3A_405 : i32 to vector<16xi32>
      %add3A_407 = arith.addi %add3A_10, %add3A_406 : vector<16xi32>
      %gather3A_408 = tpu.vector_load_idx %arg13[%add3A_407] : memref<160xi32, #tpu.memory_space<vmem>>[vector<16xi32>], vector<16xi32>,
      %swap3A_409 = arith.constant 2 : i32
      %swap3A_410 = arith.index_cast %swap3A_409 : i32 to index
      %swap3A_411 = arith.constant 0 : index
      %swap3A_412 = tpu.vector_load %arg11[%swap3A_410, %swap3A_411] {strides = array<i32>} : memref<3x128xi32, #tpu.memory_space<vmem>>, vector<16xi32>,
      tpu.vector_store %arg11[%swap3A_410, %swap3A_411], %gather3A_408 {strides = array<i32>} : memref<3x128xi32, #tpu.memory_space<vmem>>, vector<16xi32>,
      %add3A_413 = arith.constant 22 : i32
      %add3A_414 = vector.broadcast %add3A_413 : i32 to vector<16xi32>
      %add3A_415 = arith.addi %add3A_10, %add3A_414 : vector<16xi32>
      %gather3A_416 = tpu.vector_load_idx %arg13[%add3A_415] : memref<160xi32, #tpu.memory_space<vmem>>[vector<16xi32>], vector<16xi32>,
      %swap3A_417 = arith.constant 2 : i32
      %swap3A_418 = arith.index_cast %swap3A_417 : i32 to index
      %swap3A_419 = arith.constant 16 : index
      %swap3A_420 = tpu.vector_load %arg11[%swap3A_418, %swap3A_419] {strides = array<i32>} : memref<3x128xi32, #tpu.memory_space<vmem>>, vector<16xi32>,
      tpu.vector_store %arg11[%swap3A_418, %swap3A_419], %gather3A_416 {strides = array<i32>} : memref<3x128xi32, #tpu.memory_space<vmem>>, vector<16xi32>,
      %add3A_421 = arith.constant 42 : i32
      %add3A_422 = vector.broadcast %add3A_421 : i32 to vector<16xi32>
      %add3A_423 = arith.addi %add3A_10, %add3A_422 : vector<16xi32>
      %gather3A_424 = tpu.vector_load_idx %arg13[%add3A_423] : memref<160xi32, #tpu.memory_space<vmem>>[vector<16xi32>], vector<16xi32>,
      %swap3A_425 = arith.constant 2 : i32
      %swap3A_426 = arith.index_cast %swap3A_425 : i32 to index
      %swap3A_427 = arith.constant 32 : index
      %swap3A_428 = tpu.vector_load %arg11[%swap3A_426, %swap3A_427] {strides = array<i32>} : memref<3x128xi32, #tpu.memory_space<vmem>>, vector<16xi32>,
      tpu.vector_store %arg11[%swap3A_426, %swap3A_427], %gather3A_424 {strides = array<i32>} : memref<3x128xi32, #tpu.memory_space<vmem>>, vector<16xi32>,
      %add3A_429 = arith.constant 62 : i32
      %add3A_430 = vector.broadcast %add3A_429 : i32 to vector<16xi32>
      %add3A_431 = arith.addi %add3A_10, %add3A_430 : vector<16xi32>
      %gather3A_432 = tpu.vector_load_idx %arg13[%add3A_431] : memref<160xi32, #tpu.memory_space<vmem>>[vector<16xi32>], vector<16xi32>,
      %swap3A_433 = arith.constant 2 : i32
      %swap3A_434 = arith.index_cast %swap3A_433 : i32 to index
      %swap3A_435 = arith.constant 48 : index
      %swap3A_436 = tpu.vector_load %arg11[%swap3A_434, %swap3A_435] {strides = array<i32>} : memref<3x128xi32, #tpu.memory_space<vmem>>, vector<16xi32>,
      tpu.vector_store %arg11[%swap3A_434, %swap3A_435], %gather3A_432 {strides = array<i32>} : memref<3x128xi32, #tpu.memory_space<vmem>>, vector<16xi32>,
      %add3A_437 = arith.constant 82 : i32
      %add3A_438 = vector.broadcast %add3A_437 : i32 to vector<16xi32>
      %add3A_439 = arith.addi %add3A_10, %add3A_438 : vector<16xi32>
      %gather3A_440 = tpu.vector_load_idx %arg13[%add3A_439] : memref<160xi32, #tpu.memory_space<vmem>>[vector<16xi32>], vector<16xi32>,
      %swap3A_441 = arith.constant 2 : i32
      %swap3A_442 = arith.index_cast %swap3A_441 : i32 to index
      %swap3A_443 = arith.constant 64 : index
      %swap3A_444 = tpu.vector_load %arg11[%swap3A_442, %swap3A_443] {strides = array<i32>} : memref<3x128xi32, #tpu.memory_space<vmem>>, vector<16xi32>,
      tpu.vector_store %arg11[%swap3A_442, %swap3A_443], %gather3A_440 {strides = array<i32>} : memref<3x128xi32, #tpu.memory_space<vmem>>, vector<16xi32>,
      %add3A_445 = arith.constant 102 : i32
      %add3A_446 = vector.broadcast %add3A_445 : i32 to vector<16xi32>
      %add3A_447 = arith.addi %add3A_10, %add3A_446 : vector<16xi32>
      %gather3A_448 = tpu.vector_load_idx %arg13[%add3A_447] : memref<160xi32, #tpu.memory_space<vmem>>[vector<16xi32>], vector<16xi32>,
      %swap3A_449 = arith.constant 2 : i32
      %swap3A_450 = arith.index_cast %swap3A_449 : i32 to index
      %swap3A_451 = arith.constant 80 : index
      %swap3A_452 = tpu.vector_load %arg11[%swap3A_450, %swap3A_451] {strides = array<i32>} : memref<3x128xi32, #tpu.memory_space<vmem>>, vector<16xi32>,
      tpu.vector_store %arg11[%swap3A_450, %swap3A_451], %gather3A_448 {strides = array<i32>} : memref<3x128xi32, #tpu.memory_space<vmem>>, vector<16xi32>,
      %add3A_453 = arith.constant 122 : i32
      %add3A_454 = vector.broadcast %add3A_453 : i32 to vector<16xi32>
      %add3A_455 = arith.addi %add3A_10, %add3A_454 : vector<16xi32>
      %gather3A_456 = tpu.vector_load_idx %arg13[%add3A_455] : memref<160xi32, #tpu.memory_space<vmem>>[vector<16xi32>], vector<16xi32>,
      %swap3A_457 = arith.constant 2 : i32
      %swap3A_458 = arith.index_cast %swap3A_457 : i32 to index
      %swap3A_459 = arith.constant 96 : index
      %swap3A_460 = tpu.vector_load %arg11[%swap3A_458, %swap3A_459] {strides = array<i32>} : memref<3x128xi32, #tpu.memory_space<vmem>>, vector<16xi32>,
      tpu.vector_store %arg11[%swap3A_458, %swap3A_459], %gather3A_456 {strides = array<i32>} : memref<3x128xi32, #tpu.memory_space<vmem>>, vector<16xi32>,
      %add3A_461 = arith.constant 142 : i32
      %add3A_462 = vector.broadcast %add3A_461 : i32 to vector<16xi32>
      %add3A_463 = arith.addi %add3A_10, %add3A_462 : vector<16xi32>
      %gather3A_464 = tpu.vector_load_idx %arg13[%add3A_463] : memref<160xi32, #tpu.memory_space<vmem>>[vector<16xi32>], vector<16xi32>,
      %swap3A_465 = arith.constant 2 : i32
      %swap3A_466 = arith.index_cast %swap3A_465 : i32 to index
      %swap3A_467 = arith.constant 112 : index
      %swap3A_468 = tpu.vector_load %arg11[%swap3A_466, %swap3A_467] {strides = array<i32>} : memref<3x128xi32, #tpu.memory_space<vmem>>, vector<16xi32>,
      tpu.vector_store %arg11[%swap3A_466, %swap3A_467], %gather3A_464 {strides = array<i32>} : memref<3x128xi32, #tpu.memory_space<vmem>>, vector<16xi32>,
      %dma_start3A_469 = arith.constant 0 : i32
      %dma_start3A_470 = arith.constant 0 : i32
      %dma_start3A_471 = tpu.memref_slice %arg11[%dma_start3A_469, %dma_start3A_470] : memref<3x128xi32, #tpu.memory_space<vmem>> -> memref<1x128xi32, #tpu.memory_space<vmem>>
      %dma_start3A_472 = tpu.memref_squeeze %dma_start3A_471 : memref<1x128xi32, #tpu.memory_space<vmem>> -> memref<128xi32, #tpu.memory_space<vmem>>
      %dma_start3A_473 = arith.constant 0 : i32
      %dma_start3A_474 = arith.constant 0 : i32
      %dma_start3A_475 = tpu.memref_slice %arg2[%dma_start3A_473, %dma_start3A_474] : memref<50000x64xi32, #tpu.memory_space<hbm>> -> memref<50000x64xi32, #tpu.memory_space<hbm>>
      tpu.enqueue_indirect_dma source(%dma_start3A_475 : memref<50000x64xi32, #tpu.memory_space<hbm>>) target(%arg17 : memref<128x64xi32, #tpu.memory_space<vmem>>) offsets(%dma_start3A_472 : memref<128xi32, #tpu.memory_space<vmem>>) semaphore(%arg29 : memref<!tpu.dma_semaphore, #tpu.memory_space<semaphore_mem>>)
      %dma_start3A_476 = arith.constant 1 : i32
      %dma_start3A_477 = arith.constant 0 : i32
      %dma_start3A_478 = tpu.memref_slice %arg11[%dma_start3A_476, %dma_start3A_477] : memref<3x128xi32, #tpu.memory_space<vmem>> -> memref<1x128xi32, #tpu.memory_space<vmem>>
      %dma_start3A_479 = tpu.memref_squeeze %dma_start3A_478 : memref<1x128xi32, #tpu.memory_space<vmem>> -> memref<128xi32, #tpu.memory_space<vmem>>
      %dma_start3A_480 = arith.constant 0 : i32
      %dma_start3A_481 = arith.constant 0 : i32
      %dma_start3A_482 = tpu.memref_slice %arg3[%dma_start3A_480, %dma_start3A_481] : memref<50000x64xi32, #tpu.memory_space<hbm>> -> memref<50000x64xi32, #tpu.memory_space<hbm>>
      tpu.enqueue_indirect_dma source(%dma_start3A_482 : memref<50000x64xi32, #tpu.memory_space<hbm>>) target(%arg19 : memref<128x64xi32, #tpu.memory_space<vmem>>) offsets(%dma_start3A_479 : memref<128xi32, #tpu.memory_space<vmem>>) semaphore(%arg29 : memref<!tpu.dma_semaphore, #tpu.memory_space<semaphore_mem>>)
      %dma_start3A_483 = arith.constant 2 : i32
      %dma_start3A_484 = arith.constant 0 : i32
      %dma_start3A_485 = tpu.memref_slice %arg11[%dma_start3A_483, %dma_start3A_484] : memref<3x128xi32, #tpu.memory_space<vmem>> -> memref<1x128xi32, #tpu.memory_space<vmem>>
      %dma_start3A_486 = tpu.memref_squeeze %dma_start3A_485 : memref<1x128xi32, #tpu.memory_space<vmem>> -> memref<128xi32, #tpu.memory_space<vmem>>
      %dma_start3A_487 = arith.constant 0 : i32
      %dma_start3A_488 = arith.constant 0 : i32
      %dma_start3A_489 = tpu.memref_slice %arg4[%dma_start3A_487, %dma_start3A_488] : memref<50000x64xi32, #tpu.memory_space<hbm>> -> memref<50000x64xi32, #tpu.memory_space<hbm>>
      tpu.enqueue_indirect_dma source(%dma_start3A_489 : memref<50000x64xi32, #tpu.memory_space<hbm>>) target(%arg21 : memref<128x64xi32, #tpu.memory_space<vmem>>) offsets(%dma_start3A_486 : memref<128xi32, #tpu.memory_space<vmem>>) semaphore(%arg29 : memref<!tpu.dma_semaphore, #tpu.memory_space<semaphore_mem>>)
      %dma_start3A_490 = arith.constant 0 : i32
      %dma_start3A_491 = arith.constant 0 : i32
      %dma_start3A_492 = tpu.memref_slice %arg5[%dma_start3A_490, %dma_start3A_491] : memref<50000x128xf32, #tpu.memory_space<hbm>> -> memref<50000x128xf32, #tpu.memory_space<hbm>>
      tpu.enqueue_indirect_dma source(%dma_start3A_492 : memref<50000x128xf32, #tpu.memory_space<hbm>>) target(%arg23 : memref<16x128xf32, #tpu.memory_space<vmem>>) offsets(%arg15 : memref<16xi32, #tpu.memory_space<vmem>>) semaphore(%arg29 : memref<!tpu.dma_semaphore, #tpu.memory_space<semaphore_mem>>)
      %dma_wait3A_493 = arith.constant 0 : i32
      %dma_wait3A_494 = arith.constant 0 : i32
      %dma_wait3A_495 = tpu.memref_slice %arg2[%dma_wait3A_493, %dma_wait3A_494] : memref<50000x64xi32, #tpu.memory_space<hbm>> -> memref<128x64xi32, #tpu.memory_space<hbm>>
      %dma_wait3A_496 = arith.constant 0 : i32
      %dma_wait3A_497 = arith.constant 0 : i32
      %dma_wait3A_498 = tpu.memref_slice %arg2[%dma_wait3A_496, %dma_wait3A_497] : memref<50000x64xi32, #tpu.memory_space<hbm>> -> memref<128x64xi32, #tpu.memory_space<hbm>>
      tpu.wait_dma2 semaphore(%arg28 : memref<!tpu.dma_semaphore, #tpu.memory_space<semaphore_mem>>) src(%dma_wait3A_498 : memref<128x64xi32, #tpu.memory_space<hbm>>) dst(%arg16 : memref<128x64xi32, #tpu.memory_space<vmem>>)
      %dma_wait3A_499 = arith.constant 0 : i32
      %dma_wait3A_500 = arith.constant 0 : i32
      %dma_wait3A_501 = tpu.memref_slice %arg2[%dma_wait3A_499, %dma_wait3A_500] : memref<50000x64xi32, #tpu.memory_space<hbm>> -> memref<128x64xi32, #tpu.memory_space<hbm>>
      %dma_wait3A_502 = arith.constant 0 : i32
      %dma_wait3A_503 = arith.constant 0 : i32
      %dma_wait3A_504 = tpu.memref_slice %arg2[%dma_wait3A_502, %dma_wait3A_503] : memref<50000x64xi32, #tpu.memory_space<hbm>> -> memref<128x64xi32, #tpu.memory_space<hbm>>
      tpu.wait_dma2 semaphore(%arg28 : memref<!tpu.dma_semaphore, #tpu.memory_space<semaphore_mem>>) src(%dma_wait3A_504 : memref<128x64xi32, #tpu.memory_space<hbm>>) dst(%arg18 : memref<128x64xi32, #tpu.memory_space<vmem>>)
      %dma_wait3A_505 = arith.constant 0 : i32
      %dma_wait3A_506 = arith.constant 0 : i32
      %dma_wait3A_507 = tpu.memref_slice %arg2[%dma_wait3A_505, %dma_wait3A_506] : memref<50000x64xi32, #tpu.memory_space<hbm>> -> memref<128x64xi32, #tpu.memory_space<hbm>>
      %dma_wait3A_508 = arith.constant 0 : i32
      %dma_wait3A_509 = arith.constant 0 : i32
      %dma_wait3A_510 = tpu.memref_slice %arg2[%dma_wait3A_508, %dma_wait3A_509] : memref<50000x64xi32, #tpu.memory_space<hbm>> -> memref<128x64xi32, #tpu.memory_space<hbm>>
      tpu.wait_dma2 semaphore(%arg28 : memref<!tpu.dma_semaphore, #tpu.memory_space<semaphore_mem>>) src(%dma_wait3A_510 : memref<128x64xi32, #tpu.memory_space<hbm>>) dst(%arg20 : memref<128x64xi32, #tpu.memory_space<vmem>>)
      %dma_wait3A_511 = arith.constant 0 : i32
      %dma_wait3A_512 = arith.constant 0 : i32
      %dma_wait3A_513 = tpu.memref_slice %arg5[%dma_wait3A_511, %dma_wait3A_512] : memref<50000x128xf32, #tpu.memory_space<hbm>> -> memref<16x128xf32, #tpu.memory_space<hbm>>
      %dma_wait3A_514 = arith.constant 0 : i32
      %dma_wait3A_515 = arith.constant 0 : i32
      %dma_wait3A_516 = tpu.memref_slice %arg5[%dma_wait3A_514, %dma_wait3A_515] : memref<50000x128xf32, #tpu.memory_space<hbm>> -> memref<16x128xf32, #tpu.memory_space<hbm>>
      tpu.wait_dma2 semaphore(%arg28 : memref<!tpu.dma_semaphore, #tpu.memory_space<semaphore_mem>>) src(%dma_wait3A_516 : memref<16x128xf32, #tpu.memory_space<hbm>>) dst(%arg22 : memref<16x128xf32, #tpu.memory_space<vmem>>)
      %lt3A = arith.constant 48 : i32
      %lt3A_517 = arith.cmpi slt, %scan3A_258, %lt3A : i32
      %convert_element_type3A_518 = arith.extui %lt3A_517 : i1 to i32
      %cond3A_519 = arith.constant 0 : i32
      %cond3A_520 = arith.cmpi ne, %convert_element_type3A_518, %cond3A_519 : i32
      scf.if %cond3A_520 {
        %add3A_606 = arith.constant 2 : i32
        %add3A_607 = arith.addi %add3A_263, %add3A_606 : i32
        %mul3A_608 = arith.constant 16 : i32
        %mul3A_609 = arith.muli %add3A_607, %mul3A_608 : i32
        %mul3A_610 = arith.constant 10 : i32
        %mul3A_611 = arith.muli %mul3A_609, %mul3A_610 : i32
        %dma_start3A_612 = tpu.memref_slice %arg6[%mul3A_611] : memref<501760xi32, #tpu.memory_space<hbm>> -> memref<160xi32, #tpu.memory_space<hbm>>
        %dma_start3A_613 = tpu.memref_slice %arg6[%mul3A_611] : memref<501760xi32, #tpu.memory_space<hbm>> -> memref<160xi32, #tpu.memory_space<hbm>>
        tpu.enqueue_dma source(%dma_start3A_613 : memref<160xi32, #tpu.memory_space<hbm>>) target(%arg12 : memref<160xi32, #tpu.memory_space<vmem>>) target_semaphore(%arg26 : memref<!tpu.dma_semaphore, #tpu.memory_space<semaphore_mem>>)
        %dma_start3A_614 = arith.constant 0 : i32
        %dma_start3A_615 = tpu.memref_slice %arg7[%add3A_607, %dma_start3A_614] : memref<3136x16xi32, #tpu.memory_space<hbm>> -> memref<1x16xi32, #tpu.memory_space<hbm>>
        %dma_start3A_616 = tpu.memref_squeeze %dma_start3A_615 : memref<1x16xi32, #tpu.memory_space<hbm>> -> memref<16xi32, #tpu.memory_space<hbm>>
        %dma_start3A_617 = arith.constant 0 : i32
        %dma_start3A_618 = tpu.memref_slice %arg7[%add3A_607, %dma_start3A_617] : memref<3136x16xi32, #tpu.memory_space<hbm>> -> memref<1x16xi32, #tpu.memory_space<hbm>>
        %dma_start3A_619 = tpu.memref_squeeze %dma_start3A_618 : memref<1x16xi32, #tpu.memory_space<hbm>> -> memref<16xi32, #tpu.memory_space<hbm>>
        tpu.enqueue_dma source(%dma_start3A_619 : memref<16xi32, #tpu.memory_space<hbm>>) target(%arg14 : memref<16xi32, #tpu.memory_space<vmem>>) target_semaphore(%arg26 : memref<!tpu.dma_semaphore, #tpu.memory_space<semaphore_mem>>)
      } else {
      }
      %scan3A_521 = arith.constant 0 : i32
      %scan3A_522 = arith.constant -65536 : i32
      %scan3A_523 = arith.constant 0 : i32
      %scan3A_524 = arith.constant 16 : i32
      %scan3A_525 = arith.addi %scan3A_523, %scan3A_524 : i32
      %scan3A_526 = arith.constant 1 : i32
      scf.for %scan3A_606 = %scan3A_523 to %scan3A_525 step %scan3A_526  : i32 {
        %mul3A_607 = arith.constant 8 : i32
        %mul3A_608 = arith.muli %scan3A_606, %mul3A_607 : i32
        %broadcast_in_dim3A = arith.constant 0.000000e+00 : f32
        %broadcast_in_dim3A_609 = vector.broadcast %broadcast_in_dim3A : f32 to vector<16xf32>
        %broadcast_in_dim3A_610 = arith.constant 0.000000e+00 : f32
        %broadcast_in_dim3A_611 = vector.broadcast %broadcast_in_dim3A_610 : f32 to vector<16xf32>
        %broadcast_in_dim3A_612 = arith.constant 0.000000e+00 : f32
        %broadcast_in_dim3A_613 = vector.broadcast %broadcast_in_dim3A_612 : f32 to vector<16xf32>
        %broadcast_in_dim3A_614 = arith.constant 0.000000e+00 : f32
        %broadcast_in_dim3A_615 = vector.broadcast %broadcast_in_dim3A_614 : f32 to vector<16xf32>
        %broadcast_in_dim3A_616 = arith.constant 0.000000e+00 : f32
        %broadcast_in_dim3A_617 = vector.broadcast %broadcast_in_dim3A_616 : f32 to vector<16xf32>
        %broadcast_in_dim3A_618 = arith.constant 0.000000e+00 : f32
        %broadcast_in_dim3A_619 = vector.broadcast %broadcast_in_dim3A_618 : f32 to vector<16xf32>
        %broadcast_in_dim3A_620 = arith.constant 0.000000e+00 : f32
        %broadcast_in_dim3A_621 = vector.broadcast %broadcast_in_dim3A_620 : f32 to vector<16xf32>
        %broadcast_in_dim3A_622 = arith.constant 0.000000e+00 : f32
        %broadcast_in_dim3A_623 = vector.broadcast %broadcast_in_dim3A_622 : f32 to vector<16xf32>
        %add3A_624 = arith.constant 0 : i32
        %add3A_625 = arith.addi %mul3A_608, %add3A_624 : i32
        %get3A = arith.index_cast %add3A_625 : i32 to index
        %get3A_626 = arith.constant 0 : index
        %get3A_627 = tpu.vector_load %arg16[%get3A, %get3A_626] {strides = array<i32>} : memref<128x64xi32, #tpu.memory_space<vmem>>, vector<16xi32>,
        %shift_left3A = arith.constant 16 : i32
        %shift_left3A_628 = vector.broadcast %shift_left3A : i32 to vector<16xi32>
        %shift_left3A_629 = arith.shli %get3A_627, %shift_left3A_628 : vector<16xi32>
        %bitcast3A = vector.bitcast %shift_left3A_629 : vector<16xi32> to vector<16xf32>
        %and3A_630 = vector.broadcast %scan3A_522 : i32 to vector<16xi32>
        %and3A_631 = arith.andi %get3A_627, %and3A_630 : vector<16xi32>
        %bitcast3A_632 = vector.bitcast %and3A_631 : vector<16xi32> to vector<16xf32>
        %get3A_633 = arith.index_cast %add3A_625 : i32 to index
        %get3A_634 = arith.constant 0 : index
        %get3A_635 = tpu.vector_load %arg18[%get3A_633, %get3A_634] {strides = array<i32>} : memref<128x64xi32, #tpu.memory_space<vmem>>, vector<16xi32>,
        %shift_left3A_636 = arith.constant 16 : i32
        %shift_left3A_637 = vector.broadcast %shift_left3A_636 : i32 to vector<16xi32>
        %shift_left3A_638 = arith.shli %get3A_635, %shift_left3A_637 : vector<16xi32>
        %bitcast3A_639 = vector.bitcast %shift_left3A_638 : vector<16xi32> to vector<16xf32>
        %and3A_640 = vector.broadcast %scan3A_522 : i32 to vector<16xi32>
        %and3A_641 = arith.andi %get3A_635, %and3A_640 : vector<16xi32>
        %bitcast3A_642 = vector.bitcast %and3A_641 : vector<16xi32> to vector<16xf32>
        %get3A_643 = arith.index_cast %add3A_625 : i32 to index
        %get3A_644 = arith.constant 0 : index
        %get3A_645 = tpu.vector_load %arg20[%get3A_643, %get3A_644] {strides = array<i32>} : memref<128x64xi32, #tpu.memory_space<vmem>>, vector<16xi32>,
        %shift_left3A_646 = arith.constant 16 : i32
        %shift_left3A_647 = vector.broadcast %shift_left3A_646 : i32 to vector<16xi32>
        %shift_left3A_648 = arith.shli %get3A_645, %shift_left3A_647 : vector<16xi32>
        %bitcast3A_649 = vector.bitcast %shift_left3A_648 : vector<16xi32> to vector<16xf32>
        %and3A_650 = vector.broadcast %scan3A_522 : i32 to vector<16xi32>
        %and3A_651 = arith.andi %get3A_645, %and3A_650 : vector<16xi32>
        %bitcast3A_652 = vector.bitcast %and3A_651 : vector<16xi32> to vector<16xf32>
        %add3A_653 = arith.addf %bitcast3A, %bitcast3A_639 : vector<16xf32>
        %add3A_654 = arith.addf %add3A_653, %bitcast3A_649 : vector<16xf32>
        %gt3A_655 = arith.constant 0.000000e+00 : f32
        %gt3A_656 = vector.broadcast %gt3A_655 : f32 to vector<16xf32>
        %gt3A_657 = arith.cmpf ogt, %add3A_654, %gt3A_656 : vector<16xf32>
        %exp3A = math.exp %add3A_654 : vector<16xf32>
        %sub3A = arith.constant 1.000000e+00 : f32
        %sub3A_658 = vector.broadcast %sub3A : f32 to vector<16xf32>
        %sub3A_659 = arith.subf %exp3A, %sub3A_658 : vector<16xf32>
        %select_n3A = arith.select %gt3A_657, %add3A_654, %sub3A_659 : vector<16xi1>, vector<16xf32>
        %add3A_660 = arith.addf %broadcast_in_dim3A_609, %select_n3A : vector<16xf32>
        %add3A_661 = arith.addf %bitcast3A_632, %bitcast3A_642 : vector<16xf32>
        %add3A_662 = arith.addf %add3A_661, %bitcast3A_652 : vector<16xf32>
        %gt3A_663 = arith.constant 0.000000e+00 : f32
        %gt3A_664 = vector.broadcast %gt3A_663 : f32 to vector<16xf32>
        %gt3A_665 = arith.cmpf ogt, %add3A_662, %gt3A_664 : vector<16xf32>
        %exp3A_666 = math.exp %add3A_662 : vector<16xf32>
        %sub3A_667 = arith.constant 1.000000e+00 : f32
        %sub3A_668 = vector.broadcast %sub3A_667 : f32 to vector<16xf32>
        %sub3A_669 = arith.subf %exp3A_666, %sub3A_668 : vector<16xf32>
        %select_n3A_670 = arith.select %gt3A_665, %add3A_662, %sub3A_669 : vector<16xi1>, vector<16xf32>
        %add3A_671 = arith.addf %broadcast_in_dim3A_611, %select_n3A_670 : vector<16xf32>
        %get3A_672 = arith.index_cast %add3A_625 : i32 to index
        %get3A_673 = arith.constant 16 : index
        %get3A_674 = tpu.vector_load %arg16[%get3A_672, %get3A_673] {strides = array<i32>} : memref<128x64xi32, #tpu.memory_space<vmem>>, vector<16xi32>,
        %shift_left3A_675 = arith.constant 16 : i32
        %shift_left3A_676 = vector.broadcast %shift_left3A_675 : i32 to vector<16xi32>
        %shift_left3A_677 = arith.shli %get3A_674, %shift_left3A_676 : vector<16xi32>
        %bitcast3A_678 = vector.bitcast %shift_left3A_677 : vector<16xi32> to vector<16xf32>
        %and3A_679 = vector.broadcast %scan3A_522 : i32 to vector<16xi32>
        %and3A_680 = arith.andi %get3A_674, %and3A_679 : vector<16xi32>
        %bitcast3A_681 = vector.bitcast %and3A_680 : vector<16xi32> to vector<16xf32>
        %get3A_682 = arith.index_cast %add3A_625 : i32 to index
        %get3A_683 = arith.constant 16 : index
        %get3A_684 = tpu.vector_load %arg18[%get3A_682, %get3A_683] {strides = array<i32>} : memref<128x64xi32, #tpu.memory_space<vmem>>, vector<16xi32>,
        %shift_left3A_685 = arith.constant 16 : i32
        %shift_left3A_686 = vector.broadcast %shift_left3A_685 : i32 to vector<16xi32>
        %shift_left3A_687 = arith.shli %get3A_684, %shift_left3A_686 : vector<16xi32>
        %bitcast3A_688 = vector.bitcast %shift_left3A_687 : vector<16xi32> to vector<16xf32>
        %and3A_689 = vector.broadcast %scan3A_522 : i32 to vector<16xi32>
        %and3A_690 = arith.andi %get3A_684, %and3A_689 : vector<16xi32>
        %bitcast3A_691 = vector.bitcast %and3A_690 : vector<16xi32> to vector<16xf32>
        %get3A_692 = arith.index_cast %add3A_625 : i32 to index
        %get3A_693 = arith.constant 16 : index
        %get3A_694 = tpu.vector_load %arg20[%get3A_692, %get3A_693] {strides = array<i32>} : memref<128x64xi32, #tpu.memory_space<vmem>>, vector<16xi32>,
        %shift_left3A_695 = arith.constant 16 : i32
        %shift_left3A_696 = vector.broadcast %shift_left3A_695 : i32 to vector<16xi32>
        %shift_left3A_697 = arith.shli %get3A_694, %shift_left3A_696 : vector<16xi32>
        %bitcast3A_698 = vector.bitcast %shift_left3A_697 : vector<16xi32> to vector<16xf32>
        %and3A_699 = vector.broadcast %scan3A_522 : i32 to vector<16xi32>
        %and3A_700 = arith.andi %get3A_694, %and3A_699 : vector<16xi32>
        %bitcast3A_701 = vector.bitcast %and3A_700 : vector<16xi32> to vector<16xf32>
        %add3A_702 = arith.addf %bitcast3A_678, %bitcast3A_688 : vector<16xf32>
        %add3A_703 = arith.addf %add3A_702, %bitcast3A_698 : vector<16xf32>
        %gt3A_704 = arith.constant 0.000000e+00 : f32
        %gt3A_705 = vector.broadcast %gt3A_704 : f32 to vector<16xf32>
        %gt3A_706 = arith.cmpf ogt, %add3A_703, %gt3A_705 : vector<16xf32>
        %exp3A_707 = math.exp %add3A_703 : vector<16xf32>
        %sub3A_708 = arith.constant 1.000000e+00 : f32
        %sub3A_709 = vector.broadcast %sub3A_708 : f32 to vector<16xf32>
        %sub3A_710 = arith.subf %exp3A_707, %sub3A_709 : vector<16xf32>
        %select_n3A_711 = arith.select %gt3A_706, %add3A_703, %sub3A_710 : vector<16xi1>, vector<16xf32>
        %add3A_712 = arith.addf %broadcast_in_dim3A_613, %select_n3A_711 : vector<16xf32>
        %add3A_713 = arith.addf %bitcast3A_681, %bitcast3A_691 : vector<16xf32>
        %add3A_714 = arith.addf %add3A_713, %bitcast3A_701 : vector<16xf32>
        %gt3A_715 = arith.constant 0.000000e+00 : f32
        %gt3A_716 = vector.broadcast %gt3A_715 : f32 to vector<16xf32>
        %gt3A_717 = arith.cmpf ogt, %add3A_714, %gt3A_716 : vector<16xf32>
        %exp3A_718 = math.exp %add3A_714 : vector<16xf32>
        %sub3A_719 = arith.constant 1.000000e+00 : f32
        %sub3A_720 = vector.broadcast %sub3A_719 : f32 to vector<16xf32>
        %sub3A_721 = arith.subf %exp3A_718, %sub3A_720 : vector<16xf32>
        %select_n3A_722 = arith.select %gt3A_717, %add3A_714, %sub3A_721 : vector<16xi1>, vector<16xf32>
        %add3A_723 = arith.addf %broadcast_in_dim3A_615, %select_n3A_722 : vector<16xf32>
        %get3A_724 = arith.index_cast %add3A_625 : i32 to index
        %get3A_725 = arith.constant 32 : index
        %get3A_726 = tpu.vector_load %arg16[%get3A_724, %get3A_725] {strides = array<i32>} : memref<128x64xi32, #tpu.memory_space<vmem>>, vector<16xi32>,
        %shift_left3A_727 = arith.constant 16 : i32
        %shift_left3A_728 = vector.broadcast %shift_left3A_727 : i32 to vector<16xi32>
        %shift_left3A_729 = arith.shli %get3A_726, %shift_left3A_728 : vector<16xi32>
        %bitcast3A_730 = vector.bitcast %shift_left3A_729 : vector<16xi32> to vector<16xf32>
        %and3A_731 = vector.broadcast %scan3A_522 : i32 to vector<16xi32>
        %and3A_732 = arith.andi %get3A_726, %and3A_731 : vector<16xi32>
        %bitcast3A_733 = vector.bitcast %and3A_732 : vector<16xi32> to vector<16xf32>
        %get3A_734 = arith.index_cast %add3A_625 : i32 to index
        %get3A_735 = arith.constant 32 : index
        %get3A_736 = tpu.vector_load %arg18[%get3A_734, %get3A_735] {strides = array<i32>} : memref<128x64xi32, #tpu.memory_space<vmem>>, vector<16xi32>,
        %shift_left3A_737 = arith.constant 16 : i32
        %shift_left3A_738 = vector.broadcast %shift_left3A_737 : i32 to vector<16xi32>
        %shift_left3A_739 = arith.shli %get3A_736, %shift_left3A_738 : vector<16xi32>
        %bitcast3A_740 = vector.bitcast %shift_left3A_739 : vector<16xi32> to vector<16xf32>
        %and3A_741 = vector.broadcast %scan3A_522 : i32 to vector<16xi32>
        %and3A_742 = arith.andi %get3A_736, %and3A_741 : vector<16xi32>
        %bitcast3A_743 = vector.bitcast %and3A_742 : vector<16xi32> to vector<16xf32>
        %get3A_744 = arith.index_cast %add3A_625 : i32 to index
        %get3A_745 = arith.constant 32 : index
        %get3A_746 = tpu.vector_load %arg20[%get3A_744, %get3A_745] {strides = array<i32>} : memref<128x64xi32, #tpu.memory_space<vmem>>, vector<16xi32>,
        %shift_left3A_747 = arith.constant 16 : i32
        %shift_left3A_748 = vector.broadcast %shift_left3A_747 : i32 to vector<16xi32>
        %shift_left3A_749 = arith.shli %get3A_746, %shift_left3A_748 : vector<16xi32>
        %bitcast3A_750 = vector.bitcast %shift_left3A_749 : vector<16xi32> to vector<16xf32>
        %and3A_751 = vector.broadcast %scan3A_522 : i32 to vector<16xi32>
        %and3A_752 = arith.andi %get3A_746, %and3A_751 : vector<16xi32>
        %bitcast3A_753 = vector.bitcast %and3A_752 : vector<16xi32> to vector<16xf32>
        %add3A_754 = arith.addf %bitcast3A_730, %bitcast3A_740 : vector<16xf32>
        %add3A_755 = arith.addf %add3A_754, %bitcast3A_750 : vector<16xf32>
        %gt3A_756 = arith.constant 0.000000e+00 : f32
        %gt3A_757 = vector.broadcast %gt3A_756 : f32 to vector<16xf32>
        %gt3A_758 = arith.cmpf ogt, %add3A_755, %gt3A_757 : vector<16xf32>
        %exp3A_759 = math.exp %add3A_755 : vector<16xf32>
        %sub3A_760 = arith.constant 1.000000e+00 : f32
        %sub3A_761 = vector.broadcast %sub3A_760 : f32 to vector<16xf32>
        %sub3A_762 = arith.subf %exp3A_759, %sub3A_761 : vector<16xf32>
        %select_n3A_763 = arith.select %gt3A_758, %add3A_755, %sub3A_762 : vector<16xi1>, vector<16xf32>
        %add3A_764 = arith.addf %broadcast_in_dim3A_617, %select_n3A_763 : vector<16xf32>
        %add3A_765 = arith.addf %bitcast3A_733, %bitcast3A_743 : vector<16xf32>
        %add3A_766 = arith.addf %add3A_765, %bitcast3A_753 : vector<16xf32>
        %gt3A_767 = arith.constant 0.000000e+00 : f32
        %gt3A_768 = vector.broadcast %gt3A_767 : f32 to vector<16xf32>
        %gt3A_769 = arith.cmpf ogt, %add3A_766, %gt3A_768 : vector<16xf32>
        %exp3A_770 = math.exp %add3A_766 : vector<16xf32>
        %sub3A_771 = arith.constant 1.000000e+00 : f32
        %sub3A_772 = vector.broadcast %sub3A_771 : f32 to vector<16xf32>
        %sub3A_773 = arith.subf %exp3A_770, %sub3A_772 : vector<16xf32>
        %select_n3A_774 = arith.select %gt3A_769, %add3A_766, %sub3A_773 : vector<16xi1>, vector<16xf32>
        %add3A_775 = arith.addf %broadcast_in_dim3A_619, %select_n3A_774 : vector<16xf32>
        %get3A_776 = arith.index_cast %add3A_625 : i32 to index
        %get3A_777 = arith.constant 48 : index
        %get3A_778 = tpu.vector_load %arg16[%get3A_776, %get3A_777] {strides = array<i32>} : memref<128x64xi32, #tpu.memory_space<vmem>>, vector<16xi32>,
        %shift_left3A_779 = arith.constant 16 : i32
        %shift_left3A_780 = vector.broadcast %shift_left3A_779 : i32 to vector<16xi32>
        %shift_left3A_781 = arith.shli %get3A_778, %shift_left3A_780 : vector<16xi32>
        %bitcast3A_782 = vector.bitcast %shift_left3A_781 : vector<16xi32> to vector<16xf32>
        %and3A_783 = vector.broadcast %scan3A_522 : i32 to vector<16xi32>
        %and3A_784 = arith.andi %get3A_778, %and3A_783 : vector<16xi32>
        %bitcast3A_785 = vector.bitcast %and3A_784 : vector<16xi32> to vector<16xf32>
        %get3A_786 = arith.index_cast %add3A_625 : i32 to index
        %get3A_787 = arith.constant 48 : index
        %get3A_788 = tpu.vector_load %arg18[%get3A_786, %get3A_787] {strides = array<i32>} : memref<128x64xi32, #tpu.memory_space<vmem>>, vector<16xi32>,
        %shift_left3A_789 = arith.constant 16 : i32
        %shift_left3A_790 = vector.broadcast %shift_left3A_789 : i32 to vector<16xi32>
        %shift_left3A_791 = arith.shli %get3A_788, %shift_left3A_790 : vector<16xi32>
        %bitcast3A_792 = vector.bitcast %shift_left3A_791 : vector<16xi32> to vector<16xf32>
        %and3A_793 = vector.broadcast %scan3A_522 : i32 to vector<16xi32>
        %and3A_794 = arith.andi %get3A_788, %and3A_793 : vector<16xi32>
        %bitcast3A_795 = vector.bitcast %and3A_794 : vector<16xi32> to vector<16xf32>
        %get3A_796 = arith.index_cast %add3A_625 : i32 to index
        %get3A_797 = arith.constant 48 : index
        %get3A_798 = tpu.vector_load %arg20[%get3A_796, %get3A_797] {strides = array<i32>} : memref<128x64xi32, #tpu.memory_space<vmem>>, vector<16xi32>,
        %shift_left3A_799 = arith.constant 16 : i32
        %shift_left3A_800 = vector.broadcast %shift_left3A_799 : i32 to vector<16xi32>
        %shift_left3A_801 = arith.shli %get3A_798, %shift_left3A_800 : vector<16xi32>
        %bitcast3A_802 = vector.bitcast %shift_left3A_801 : vector<16xi32> to vector<16xf32>
        %and3A_803 = vector.broadcast %scan3A_522 : i32 to vector<16xi32>
        %and3A_804 = arith.andi %get3A_798, %and3A_803 : vector<16xi32>
        %bitcast3A_805 = vector.bitcast %and3A_804 : vector<16xi32> to vector<16xf32>
        %add3A_806 = arith.addf %bitcast3A_782, %bitcast3A_792 : vector<16xf32>
        %add3A_807 = arith.addf %add3A_806, %bitcast3A_802 : vector<16xf32>
        %gt3A_808 = arith.constant 0.000000e+00 : f32
        %gt3A_809 = vector.broadcast %gt3A_808 : f32 to vector<16xf32>
        %gt3A_810 = arith.cmpf ogt, %add3A_807, %gt3A_809 : vector<16xf32>
        %exp3A_811 = math.exp %add3A_807 : vector<16xf32>
        %sub3A_812 = arith.constant 1.000000e+00 : f32
        %sub3A_813 = vector.broadcast %sub3A_812 : f32 to vector<16xf32>
        %sub3A_814 = arith.subf %exp3A_811, %sub3A_813 : vector<16xf32>
        %select_n3A_815 = arith.select %gt3A_810, %add3A_807, %sub3A_814 : vector<16xi1>, vector<16xf32>
        %add3A_816 = arith.addf %broadcast_in_dim3A_621, %select_n3A_815 : vector<16xf32>
        %add3A_817 = arith.addf %bitcast3A_785, %bitcast3A_795 : vector<16xf32>
        %add3A_818 = arith.addf %add3A_817, %bitcast3A_805 : vector<16xf32>
        %gt3A_819 = arith.constant 0.000000e+00 : f32
        %gt3A_820 = vector.broadcast %gt3A_819 : f32 to vector<16xf32>
        %gt3A_821 = arith.cmpf ogt, %add3A_818, %gt3A_820 : vector<16xf32>
        %exp3A_822 = math.exp %add3A_818 : vector<16xf32>
        %sub3A_823 = arith.constant 1.000000e+00 : f32
        %sub3A_824 = vector.broadcast %sub3A_823 : f32 to vector<16xf32>
        %sub3A_825 = arith.subf %exp3A_822, %sub3A_824 : vector<16xf32>
        %select_n3A_826 = arith.select %gt3A_821, %add3A_818, %sub3A_825 : vector<16xi1>, vector<16xf32>
        %add3A_827 = arith.addf %broadcast_in_dim3A_623, %select_n3A_826 : vector<16xf32>
        %add3A_828 = arith.constant 1 : i32
        %add3A_829 = arith.addi %mul3A_608, %add3A_828 : i32
        %get3A_830 = arith.index_cast %add3A_829 : i32 to index
        %get3A_831 = arith.constant 0 : index
        %get3A_832 = tpu.vector_load %arg16[%get3A_830, %get3A_831] {strides = array<i32>} : memref<128x64xi32, #tpu.memory_space<vmem>>, vector<16xi32>,
        %shift_left3A_833 = arith.constant 16 : i32
        %shift_left3A_834 = vector.broadcast %shift_left3A_833 : i32 to vector<16xi32>
        %shift_left3A_835 = arith.shli %get3A_832, %shift_left3A_834 : vector<16xi32>
        %bitcast3A_836 = vector.bitcast %shift_left3A_835 : vector<16xi32> to vector<16xf32>
        %and3A_837 = vector.broadcast %scan3A_522 : i32 to vector<16xi32>
        %and3A_838 = arith.andi %get3A_832, %and3A_837 : vector<16xi32>
        %bitcast3A_839 = vector.bitcast %and3A_838 : vector<16xi32> to vector<16xf32>
        %get3A_840 = arith.index_cast %add3A_829 : i32 to index
        %get3A_841 = arith.constant 0 : index
        %get3A_842 = tpu.vector_load %arg18[%get3A_840, %get3A_841] {strides = array<i32>} : memref<128x64xi32, #tpu.memory_space<vmem>>, vector<16xi32>,
        %shift_left3A_843 = arith.constant 16 : i32
        %shift_left3A_844 = vector.broadcast %shift_left3A_843 : i32 to vector<16xi32>
        %shift_left3A_845 = arith.shli %get3A_842, %shift_left3A_844 : vector<16xi32>
        %bitcast3A_846 = vector.bitcast %shift_left3A_845 : vector<16xi32> to vector<16xf32>
        %and3A_847 = vector.broadcast %scan3A_522 : i32 to vector<16xi32>
        %and3A_848 = arith.andi %get3A_842, %and3A_847 : vector<16xi32>
        %bitcast3A_849 = vector.bitcast %and3A_848 : vector<16xi32> to vector<16xf32>
        %get3A_850 = arith.index_cast %add3A_829 : i32 to index
        %get3A_851 = arith.constant 0 : index
        %get3A_852 = tpu.vector_load %arg20[%get3A_850, %get3A_851] {strides = array<i32>} : memref<128x64xi32, #tpu.memory_space<vmem>>, vector<16xi32>,
        %shift_left3A_853 = arith.constant 16 : i32
        %shift_left3A_854 = vector.broadcast %shift_left3A_853 : i32 to vector<16xi32>
        %shift_left3A_855 = arith.shli %get3A_852, %shift_left3A_854 : vector<16xi32>
        %bitcast3A_856 = vector.bitcast %shift_left3A_855 : vector<16xi32> to vector<16xf32>
        %and3A_857 = vector.broadcast %scan3A_522 : i32 to vector<16xi32>
        %and3A_858 = arith.andi %get3A_852, %and3A_857 : vector<16xi32>
        %bitcast3A_859 = vector.bitcast %and3A_858 : vector<16xi32> to vector<16xf32>
        %add3A_860 = arith.addf %bitcast3A_836, %bitcast3A_846 : vector<16xf32>
        %add3A_861 = arith.addf %add3A_860, %bitcast3A_856 : vector<16xf32>
        %gt3A_862 = arith.constant 0.000000e+00 : f32
        %gt3A_863 = vector.broadcast %gt3A_862 : f32 to vector<16xf32>
        %gt3A_864 = arith.cmpf ogt, %add3A_861, %gt3A_863 : vector<16xf32>
        %exp3A_865 = math.exp %add3A_861 : vector<16xf32>
        %sub3A_866 = arith.constant 1.000000e+00 : f32
        %sub3A_867 = vector.broadcast %sub3A_866 : f32 to vector<16xf32>
        %sub3A_868 = arith.subf %exp3A_865, %sub3A_867 : vector<16xf32>
        %select_n3A_869 = arith.select %gt3A_864, %add3A_861, %sub3A_868 : vector<16xi1>, vector<16xf32>
        %add3A_870 = arith.addf %add3A_660, %select_n3A_869 : vector<16xf32>
        %add3A_871 = arith.addf %bitcast3A_839, %bitcast3A_849 : vector<16xf32>
        %add3A_872 = arith.addf %add3A_871, %bitcast3A_859 : vector<16xf32>
        %gt3A_873 = arith.constant 0.000000e+00 : f32
        %gt3A_874 = vector.broadcast %gt3A_873 : f32 to vector<16xf32>
        %gt3A_875 = arith.cmpf ogt, %add3A_872, %gt3A_874 : vector<16xf32>
        %exp3A_876 = math.exp %add3A_872 : vector<16xf32>
        %sub3A_877 = arith.constant 1.000000e+00 : f32
        %sub3A_878 = vector.broadcast %sub3A_877 : f32 to vector<16xf32>
        %sub3A_879 = arith.subf %exp3A_876, %sub3A_878 : vector<16xf32>
        %select_n3A_880 = arith.select %gt3A_875, %add3A_872, %sub3A_879 : vector<16xi1>, vector<16xf32>
        %add3A_881 = arith.addf %add3A_671, %select_n3A_880 : vector<16xf32>
        %get3A_882 = arith.index_cast %add3A_829 : i32 to index
        %get3A_883 = arith.constant 16 : index
        %get3A_884 = tpu.vector_load %arg16[%get3A_882, %get3A_883] {strides = array<i32>} : memref<128x64xi32, #tpu.memory_space<vmem>>, vector<16xi32>,
        %shift_left3A_885 = arith.constant 16 : i32
        %shift_left3A_886 = vector.broadcast %shift_left3A_885 : i32 to vector<16xi32>
        %shift_left3A_887 = arith.shli %get3A_884, %shift_left3A_886 : vector<16xi32>
        %bitcast3A_888 = vector.bitcast %shift_left3A_887 : vector<16xi32> to vector<16xf32>
        %and3A_889 = vector.broadcast %scan3A_522 : i32 to vector<16xi32>
        %and3A_890 = arith.andi %get3A_884, %and3A_889 : vector<16xi32>
        %bitcast3A_891 = vector.bitcast %and3A_890 : vector<16xi32> to vector<16xf32>
        %get3A_892 = arith.index_cast %add3A_829 : i32 to index
        %get3A_893 = arith.constant 16 : index
        %get3A_894 = tpu.vector_load %arg18[%get3A_892, %get3A_893] {strides = array<i32>} : memref<128x64xi32, #tpu.memory_space<vmem>>, vector<16xi32>,
        %shift_left3A_895 = arith.constant 16 : i32
        %shift_left3A_896 = vector.broadcast %shift_left3A_895 : i32 to vector<16xi32>
        %shift_left3A_897 = arith.shli %get3A_894, %shift_left3A_896 : vector<16xi32>
        %bitcast3A_898 = vector.bitcast %shift_left3A_897 : vector<16xi32> to vector<16xf32>
        %and3A_899 = vector.broadcast %scan3A_522 : i32 to vector<16xi32>
        %and3A_900 = arith.andi %get3A_894, %and3A_899 : vector<16xi32>
        %bitcast3A_901 = vector.bitcast %and3A_900 : vector<16xi32> to vector<16xf32>
        %get3A_902 = arith.index_cast %add3A_829 : i32 to index
        %get3A_903 = arith.constant 16 : index
        %get3A_904 = tpu.vector_load %arg20[%get3A_902, %get3A_903] {strides = array<i32>} : memref<128x64xi32, #tpu.memory_space<vmem>>, vector<16xi32>,
        %shift_left3A_905 = arith.constant 16 : i32
        %shift_left3A_906 = vector.broadcast %shift_left3A_905 : i32 to vector<16xi32>
        %shift_left3A_907 = arith.shli %get3A_904, %shift_left3A_906 : vector<16xi32>
        %bitcast3A_908 = vector.bitcast %shift_left3A_907 : vector<16xi32> to vector<16xf32>
        %and3A_909 = vector.broadcast %scan3A_522 : i32 to vector<16xi32>
        %and3A_910 = arith.andi %get3A_904, %and3A_909 : vector<16xi32>
        %bitcast3A_911 = vector.bitcast %and3A_910 : vector<16xi32> to vector<16xf32>
        %add3A_912 = arith.addf %bitcast3A_888, %bitcast3A_898 : vector<16xf32>
        %add3A_913 = arith.addf %add3A_912, %bitcast3A_908 : vector<16xf32>
        %gt3A_914 = arith.constant 0.000000e+00 : f32
        %gt3A_915 = vector.broadcast %gt3A_914 : f32 to vector<16xf32>
        %gt3A_916 = arith.cmpf ogt, %add3A_913, %gt3A_915 : vector<16xf32>
        %exp3A_917 = math.exp %add3A_913 : vector<16xf32>
        %sub3A_918 = arith.constant 1.000000e+00 : f32
        %sub3A_919 = vector.broadcast %sub3A_918 : f32 to vector<16xf32>
        %sub3A_920 = arith.subf %exp3A_917, %sub3A_919 : vector<16xf32>
        %select_n3A_921 = arith.select %gt3A_916, %add3A_913, %sub3A_920 : vector<16xi1>, vector<16xf32>
        %add3A_922 = arith.addf %add3A_712, %select_n3A_921 : vector<16xf32>
        %add3A_923 = arith.addf %bitcast3A_891, %bitcast3A_901 : vector<16xf32>
        %add3A_924 = arith.addf %add3A_923, %bitcast3A_911 : vector<16xf32>
        %gt3A_925 = arith.constant 0.000000e+00 : f32
        %gt3A_926 = vector.broadcast %gt3A_925 : f32 to vector<16xf32>
        %gt3A_927 = arith.cmpf ogt, %add3A_924, %gt3A_926 : vector<16xf32>
        %exp3A_928 = math.exp %add3A_924 : vector<16xf32>
        %sub3A_929 = arith.constant 1.000000e+00 : f32
        %sub3A_930 = vector.broadcast %sub3A_929 : f32 to vector<16xf32>
        %sub3A_931 = arith.subf %exp3A_928, %sub3A_930 : vector<16xf32>
        %select_n3A_932 = arith.select %gt3A_927, %add3A_924, %sub3A_931 : vector<16xi1>, vector<16xf32>
        %add3A_933 = arith.addf %add3A_723, %select_n3A_932 : vector<16xf32>
        %get3A_934 = arith.index_cast %add3A_829 : i32 to index
        %get3A_935 = arith.constant 32 : index
        %get3A_936 = tpu.vector_load %arg16[%get3A_934, %get3A_935] {strides = array<i32>} : memref<128x64xi32, #tpu.memory_space<vmem>>, vector<16xi32>,
        %shift_left3A_937 = arith.constant 16 : i32
        %shift_left3A_938 = vector.broadcast %shift_left3A_937 : i32 to vector<16xi32>
        %shift_left3A_939 = arith.shli %get3A_936, %shift_left3A_938 : vector<16xi32>
        %bitcast3A_940 = vector.bitcast %shift_left3A_939 : vector<16xi32> to vector<16xf32>
        %and3A_941 = vector.broadcast %scan3A_522 : i32 to vector<16xi32>
        %and3A_942 = arith.andi %get3A_936, %and3A_941 : vector<16xi32>
        %bitcast3A_943 = vector.bitcast %and3A_942 : vector<16xi32> to vector<16xf32>
        %get3A_944 = arith.index_cast %add3A_829 : i32 to index
        %get3A_945 = arith.constant 32 : index
        %get3A_946 = tpu.vector_load %arg18[%get3A_944, %get3A_945] {strides = array<i32>} : memref<128x64xi32, #tpu.memory_space<vmem>>, vector<16xi32>,
        %shift_left3A_947 = arith.constant 16 : i32
        %shift_left3A_948 = vector.broadcast %shift_left3A_947 : i32 to vector<16xi32>
        %shift_left3A_949 = arith.shli %get3A_946, %shift_left3A_948 : vector<16xi32>
        %bitcast3A_950 = vector.bitcast %shift_left3A_949 : vector<16xi32> to vector<16xf32>
        %and3A_951 = vector.broadcast %scan3A_522 : i32 to vector<16xi32>
        %and3A_952 = arith.andi %get3A_946, %and3A_951 : vector<16xi32>
        %bitcast3A_953 = vector.bitcast %and3A_952 : vector<16xi32> to vector<16xf32>
        %get3A_954 = arith.index_cast %add3A_829 : i32 to index
        %get3A_955 = arith.constant 32 : index
        %get3A_956 = tpu.vector_load %arg20[%get3A_954, %get3A_955] {strides = array<i32>} : memref<128x64xi32, #tpu.memory_space<vmem>>, vector<16xi32>,
        %shift_left3A_957 = arith.constant 16 : i32
        %shift_left3A_958 = vector.broadcast %shift_left3A_957 : i32 to vector<16xi32>
        %shift_left3A_959 = arith.shli %get3A_956, %shift_left3A_958 : vector<16xi32>
        %bitcast3A_960 = vector.bitcast %shift_left3A_959 : vector<16xi32> to vector<16xf32>
        %and3A_961 = vector.broadcast %scan3A_522 : i32 to vector<16xi32>
        %and3A_962 = arith.andi %get3A_956, %and3A_961 : vector<16xi32>
        %bitcast3A_963 = vector.bitcast %and3A_962 : vector<16xi32> to vector<16xf32>
        %add3A_964 = arith.addf %bitcast3A_940, %bitcast3A_950 : vector<16xf32>
        %add3A_965 = arith.addf %add3A_964, %bitcast3A_960 : vector<16xf32>
        %gt3A_966 = arith.constant 0.000000e+00 : f32
        %gt3A_967 = vector.broadcast %gt3A_966 : f32 to vector<16xf32>
        %gt3A_968 = arith.cmpf ogt, %add3A_965, %gt3A_967 : vector<16xf32>
        %exp3A_969 = math.exp %add3A_965 : vector<16xf32>
        %sub3A_970 = arith.constant 1.000000e+00 : f32
        %sub3A_971 = vector.broadcast %sub3A_970 : f32 to vector<16xf32>
        %sub3A_972 = arith.subf %exp3A_969, %sub3A_971 : vector<16xf32>
        %select_n3A_973 = arith.select %gt3A_968, %add3A_965, %sub3A_972 : vector<16xi1>, vector<16xf32>
        %add3A_974 = arith.addf %add3A_764, %select_n3A_973 : vector<16xf32>
        %add3A_975 = arith.addf %bitcast3A_943, %bitcast3A_953 : vector<16xf32>
        %add3A_976 = arith.addf %add3A_975, %bitcast3A_963 : vector<16xf32>
        %gt3A_977 = arith.constant 0.000000e+00 : f32
        %gt3A_978 = vector.broadcast %gt3A_977 : f32 to vector<16xf32>
        %gt3A_979 = arith.cmpf ogt, %add3A_976, %gt3A_978 : vector<16xf32>
        %exp3A_980 = math.exp %add3A_976 : vector<16xf32>
        %sub3A_981 = arith.constant 1.000000e+00 : f32
        %sub3A_982 = vector.broadcast %sub3A_981 : f32 to vector<16xf32>
        %sub3A_983 = arith.subf %exp3A_980, %sub3A_982 : vector<16xf32>
        %select_n3A_984 = arith.select %gt3A_979, %add3A_976, %sub3A_983 : vector<16xi1>, vector<16xf32>
        %add3A_985 = arith.addf %add3A_775, %select_n3A_984 : vector<16xf32>
        %get3A_986 = arith.index_cast %add3A_829 : i32 to index
        %get3A_987 = arith.constant 48 : index
        %get3A_988 = tpu.vector_load %arg16[%get3A_986, %get3A_987] {strides = array<i32>} : memref<128x64xi32, #tpu.memory_space<vmem>>, vector<16xi32>,
        %shift_left3A_989 = arith.constant 16 : i32
        %shift_left3A_990 = vector.broadcast %shift_left3A_989 : i32 to vector<16xi32>
        %shift_left3A_991 = arith.shli %get3A_988, %shift_left3A_990 : vector<16xi32>
        %bitcast3A_992 = vector.bitcast %shift_left3A_991 : vector<16xi32> to vector<16xf32>
        %and3A_993 = vector.broadcast %scan3A_522 : i32 to vector<16xi32>
        %and3A_994 = arith.andi %get3A_988, %and3A_993 : vector<16xi32>
        %bitcast3A_995 = vector.bitcast %and3A_994 : vector<16xi32> to vector<16xf32>
        %get3A_996 = arith.index_cast %add3A_829 : i32 to index
        %get3A_997 = arith.constant 48 : index
        %get3A_998 = tpu.vector_load %arg18[%get3A_996, %get3A_997] {strides = array<i32>} : memref<128x64xi32, #tpu.memory_space<vmem>>, vector<16xi32>,
        %shift_left3A_999 = arith.constant 16 : i32
        %shift_left3A_1000 = vector.broadcast %shift_left3A_999 : i32 to vector<16xi32>
        %shift_left3A_1001 = arith.shli %get3A_998, %shift_left3A_1000 : vector<16xi32>
        %bitcast3A_1002 = vector.bitcast %shift_left3A_1001 : vector<16xi32> to vector<16xf32>
        %and3A_1003 = vector.broadcast %scan3A_522 : i32 to vector<16xi32>
        %and3A_1004 = arith.andi %get3A_998, %and3A_1003 : vector<16xi32>
        %bitcast3A_1005 = vector.bitcast %and3A_1004 : vector<16xi32> to vector<16xf32>
        %get3A_1006 = arith.index_cast %add3A_829 : i32 to index
        %get3A_1007 = arith.constant 48 : index
        %get3A_1008 = tpu.vector_load %arg20[%get3A_1006, %get3A_1007] {strides = array<i32>} : memref<128x64xi32, #tpu.memory_space<vmem>>, vector<16xi32>,
        %shift_left3A_1009 = arith.constant 16 : i32
        %shift_left3A_1010 = vector.broadcast %shift_left3A_1009 : i32 to vector<16xi32>
        %shift_left3A_1011 = arith.shli %get3A_1008, %shift_left3A_1010 : vector<16xi32>
        %bitcast3A_1012 = vector.bitcast %shift_left3A_1011 : vector<16xi32> to vector<16xf32>
        %and3A_1013 = vector.broadcast %scan3A_522 : i32 to vector<16xi32>
        %and3A_1014 = arith.andi %get3A_1008, %and3A_1013 : vector<16xi32>
        %bitcast3A_1015 = vector.bitcast %and3A_1014 : vector<16xi32> to vector<16xf32>
        %add3A_1016 = arith.addf %bitcast3A_992, %bitcast3A_1002 : vector<16xf32>
        %add3A_1017 = arith.addf %add3A_1016, %bitcast3A_1012 : vector<16xf32>
        %gt3A_1018 = arith.constant 0.000000e+00 : f32
        %gt3A_1019 = vector.broadcast %gt3A_1018 : f32 to vector<16xf32>
        %gt3A_1020 = arith.cmpf ogt, %add3A_1017, %gt3A_1019 : vector<16xf32>
        %exp3A_1021 = math.exp %add3A_1017 : vector<16xf32>
        %sub3A_1022 = arith.constant 1.000000e+00 : f32
        %sub3A_1023 = vector.broadcast %sub3A_1022 : f32 to vector<16xf32>
        %sub3A_1024 = arith.subf %exp3A_1021, %sub3A_1023 : vector<16xf32>
        %select_n3A_1025 = arith.select %gt3A_1020, %add3A_1017, %sub3A_1024 : vector<16xi1>, vector<16xf32>
        %add3A_1026 = arith.addf %add3A_816, %select_n3A_1025 : vector<16xf32>
        %add3A_1027 = arith.addf %bitcast3A_995, %bitcast3A_1005 : vector<16xf32>
        %add3A_1028 = arith.addf %add3A_1027, %bitcast3A_1015 : vector<16xf32>
        %gt3A_1029 = arith.constant 0.000000e+00 : f32
        %gt3A_1030 = vector.broadcast %gt3A_1029 : f32 to vector<16xf32>
        %gt3A_1031 = arith.cmpf ogt, %add3A_1028, %gt3A_1030 : vector<16xf32>
        %exp3A_1032 = math.exp %add3A_1028 : vector<16xf32>
        %sub3A_1033 = arith.constant 1.000000e+00 : f32
        %sub3A_1034 = vector.broadcast %sub3A_1033 : f32 to vector<16xf32>
        %sub3A_1035 = arith.subf %exp3A_1032, %sub3A_1034 : vector<16xf32>
        %select_n3A_1036 = arith.select %gt3A_1031, %add3A_1028, %sub3A_1035 : vector<16xi1>, vector<16xf32>
        %add3A_1037 = arith.addf %add3A_827, %select_n3A_1036 : vector<16xf32>
        %add3A_1038 = arith.constant 2 : i32
        %add3A_1039 = arith.addi %mul3A_608, %add3A_1038 : i32
        %get3A_1040 = arith.index_cast %add3A_1039 : i32 to index
        %get3A_1041 = arith.constant 0 : index
        %get3A_1042 = tpu.vector_load %arg16[%get3A_1040, %get3A_1041] {strides = array<i32>} : memref<128x64xi32, #tpu.memory_space<vmem>>, vector<16xi32>,
        %shift_left3A_1043 = arith.constant 16 : i32
        %shift_left3A_1044 = vector.broadcast %shift_left3A_1043 : i32 to vector<16xi32>
        %shift_left3A_1045 = arith.shli %get3A_1042, %shift_left3A_1044 : vector<16xi32>
        %bitcast3A_1046 = vector.bitcast %shift_left3A_1045 : vector<16xi32> to vector<16xf32>
        %and3A_1047 = vector.broadcast %scan3A_522 : i32 to vector<16xi32>
        %and3A_1048 = arith.andi %get3A_1042, %and3A_1047 : vector<16xi32>
        %bitcast3A_1049 = vector.bitcast %and3A_1048 : vector<16xi32> to vector<16xf32>
        %get3A_1050 = arith.index_cast %add3A_1039 : i32 to index
        %get3A_1051 = arith.constant 0 : index
        %get3A_1052 = tpu.vector_load %arg18[%get3A_1050, %get3A_1051] {strides = array<i32>} : memref<128x64xi32, #tpu.memory_space<vmem>>, vector<16xi32>,
        %shift_left3A_1053 = arith.constant 16 : i32
        %shift_left3A_1054 = vector.broadcast %shift_left3A_1053 : i32 to vector<16xi32>
        %shift_left3A_1055 = arith.shli %get3A_1052, %shift_left3A_1054 : vector<16xi32>
        %bitcast3A_1056 = vector.bitcast %shift_left3A_1055 : vector<16xi32> to vector<16xf32>
        %and3A_1057 = vector.broadcast %scan3A_522 : i32 to vector<16xi32>
        %and3A_1058 = arith.andi %get3A_1052, %and3A_1057 : vector<16xi32>
        %bitcast3A_1059 = vector.bitcast %and3A_1058 : vector<16xi32> to vector<16xf32>
        %get3A_1060 = arith.index_cast %add3A_1039 : i32 to index
        %get3A_1061 = arith.constant 0 : index
        %get3A_1062 = tpu.vector_load %arg20[%get3A_1060, %get3A_1061] {strides = array<i32>} : memref<128x64xi32, #tpu.memory_space<vmem>>, vector<16xi32>,
        %shift_left3A_1063 = arith.constant 16 : i32
        %shift_left3A_1064 = vector.broadcast %shift_left3A_1063 : i32 to vector<16xi32>
        %shift_left3A_1065 = arith.shli %get3A_1062, %shift_left3A_1064 : vector<16xi32>
        %bitcast3A_1066 = vector.bitcast %shift_left3A_1065 : vector<16xi32> to vector<16xf32>
        %and3A_1067 = vector.broadcast %scan3A_522 : i32 to vector<16xi32>
        %and3A_1068 = arith.andi %get3A_1062, %and3A_1067 : vector<16xi32>
        %bitcast3A_1069 = vector.bitcast %and3A_1068 : vector<16xi32> to vector<16xf32>
        %add3A_1070 = arith.addf %bitcast3A_1046, %bitcast3A_1056 : vector<16xf32>
        %add3A_1071 = arith.addf %add3A_1070, %bitcast3A_1066 : vector<16xf32>
        %gt3A_1072 = arith.constant 0.000000e+00 : f32
        %gt3A_1073 = vector.broadcast %gt3A_1072 : f32 to vector<16xf32>
        %gt3A_1074 = arith.cmpf ogt, %add3A_1071, %gt3A_1073 : vector<16xf32>
        %exp3A_1075 = math.exp %add3A_1071 : vector<16xf32>
        %sub3A_1076 = arith.constant 1.000000e+00 : f32
        %sub3A_1077 = vector.broadcast %sub3A_1076 : f32 to vector<16xf32>
        %sub3A_1078 = arith.subf %exp3A_1075, %sub3A_1077 : vector<16xf32>
        %select_n3A_1079 = arith.select %gt3A_1074, %add3A_1071, %sub3A_1078 : vector<16xi1>, vector<16xf32>
        %add3A_1080 = arith.addf %add3A_870, %select_n3A_1079 : vector<16xf32>
        %add3A_1081 = arith.addf %bitcast3A_1049, %bitcast3A_1059 : vector<16xf32>
        %add3A_1082 = arith.addf %add3A_1081, %bitcast3A_1069 : vector<16xf32>
        %gt3A_1083 = arith.constant 0.000000e+00 : f32
        %gt3A_1084 = vector.broadcast %gt3A_1083 : f32 to vector<16xf32>
        %gt3A_1085 = arith.cmpf ogt, %add3A_1082, %gt3A_1084 : vector<16xf32>
        %exp3A_1086 = math.exp %add3A_1082 : vector<16xf32>
        %sub3A_1087 = arith.constant 1.000000e+00 : f32
        %sub3A_1088 = vector.broadcast %sub3A_1087 : f32 to vector<16xf32>
        %sub3A_1089 = arith.subf %exp3A_1086, %sub3A_1088 : vector<16xf32>
        %select_n3A_1090 = arith.select %gt3A_1085, %add3A_1082, %sub3A_1089 : vector<16xi1>, vector<16xf32>
        %add3A_1091 = arith.addf %add3A_881, %select_n3A_1090 : vector<16xf32>
        %get3A_1092 = arith.index_cast %add3A_1039 : i32 to index
        %get3A_1093 = arith.constant 16 : index
        %get3A_1094 = tpu.vector_load %arg16[%get3A_1092, %get3A_1093] {strides = array<i32>} : memref<128x64xi32, #tpu.memory_space<vmem>>, vector<16xi32>,
        %shift_left3A_1095 = arith.constant 16 : i32
        %shift_left3A_1096 = vector.broadcast %shift_left3A_1095 : i32 to vector<16xi32>
        %shift_left3A_1097 = arith.shli %get3A_1094, %shift_left3A_1096 : vector<16xi32>
        %bitcast3A_1098 = vector.bitcast %shift_left3A_1097 : vector<16xi32> to vector<16xf32>
        %and3A_1099 = vector.broadcast %scan3A_522 : i32 to vector<16xi32>
        %and3A_1100 = arith.andi %get3A_1094, %and3A_1099 : vector<16xi32>
        %bitcast3A_1101 = vector.bitcast %and3A_1100 : vector<16xi32> to vector<16xf32>
        %get3A_1102 = arith.index_cast %add3A_1039 : i32 to index
        %get3A_1103 = arith.constant 16 : index
        %get3A_1104 = tpu.vector_load %arg18[%get3A_1102, %get3A_1103] {strides = array<i32>} : memref<128x64xi32, #tpu.memory_space<vmem>>, vector<16xi32>,
        %shift_left3A_1105 = arith.constant 16 : i32
        %shift_left3A_1106 = vector.broadcast %shift_left3A_1105 : i32 to vector<16xi32>
        %shift_left3A_1107 = arith.shli %get3A_1104, %shift_left3A_1106 : vector<16xi32>
        %bitcast3A_1108 = vector.bitcast %shift_left3A_1107 : vector<16xi32> to vector<16xf32>
        %and3A_1109 = vector.broadcast %scan3A_522 : i32 to vector<16xi32>
        %and3A_1110 = arith.andi %get3A_1104, %and3A_1109 : vector<16xi32>
        %bitcast3A_1111 = vector.bitcast %and3A_1110 : vector<16xi32> to vector<16xf32>
        %get3A_1112 = arith.index_cast %add3A_1039 : i32 to index
        %get3A_1113 = arith.constant 16 : index
        %get3A_1114 = tpu.vector_load %arg20[%get3A_1112, %get3A_1113] {strides = array<i32>} : memref<128x64xi32, #tpu.memory_space<vmem>>, vector<16xi32>,
        %shift_left3A_1115 = arith.constant 16 : i32
        %shift_left3A_1116 = vector.broadcast %shift_left3A_1115 : i32 to vector<16xi32>
        %shift_left3A_1117 = arith.shli %get3A_1114, %shift_left3A_1116 : vector<16xi32>
        %bitcast3A_1118 = vector.bitcast %shift_left3A_1117 : vector<16xi32> to vector<16xf32>
        %and3A_1119 = vector.broadcast %scan3A_522 : i32 to vector<16xi32>
        %and3A_1120 = arith.andi %get3A_1114, %and3A_1119 : vector<16xi32>
        %bitcast3A_1121 = vector.bitcast %and3A_1120 : vector<16xi32> to vector<16xf32>
        %add3A_1122 = arith.addf %bitcast3A_1098, %bitcast3A_1108 : vector<16xf32>
        %add3A_1123 = arith.addf %add3A_1122, %bitcast3A_1118 : vector<16xf32>
        %gt3A_1124 = arith.constant 0.000000e+00 : f32
        %gt3A_1125 = vector.broadcast %gt3A_1124 : f32 to vector<16xf32>
        %gt3A_1126 = arith.cmpf ogt, %add3A_1123, %gt3A_1125 : vector<16xf32>
        %exp3A_1127 = math.exp %add3A_1123 : vector<16xf32>
        %sub3A_1128 = arith.constant 1.000000e+00 : f32
        %sub3A_1129 = vector.broadcast %sub3A_1128 : f32 to vector<16xf32>
        %sub3A_1130 = arith.subf %exp3A_1127, %sub3A_1129 : vector<16xf32>
        %select_n3A_1131 = arith.select %gt3A_1126, %add3A_1123, %sub3A_1130 : vector<16xi1>, vector<16xf32>
        %add3A_1132 = arith.addf %add3A_922, %select_n3A_1131 : vector<16xf32>
        %add3A_1133 = arith.addf %bitcast3A_1101, %bitcast3A_1111 : vector<16xf32>
        %add3A_1134 = arith.addf %add3A_1133, %bitcast3A_1121 : vector<16xf32>
        %gt3A_1135 = arith.constant 0.000000e+00 : f32
        %gt3A_1136 = vector.broadcast %gt3A_1135 : f32 to vector<16xf32>
        %gt3A_1137 = arith.cmpf ogt, %add3A_1134, %gt3A_1136 : vector<16xf32>
        %exp3A_1138 = math.exp %add3A_1134 : vector<16xf32>
        %sub3A_1139 = arith.constant 1.000000e+00 : f32
        %sub3A_1140 = vector.broadcast %sub3A_1139 : f32 to vector<16xf32>
        %sub3A_1141 = arith.subf %exp3A_1138, %sub3A_1140 : vector<16xf32>
        %select_n3A_1142 = arith.select %gt3A_1137, %add3A_1134, %sub3A_1141 : vector<16xi1>, vector<16xf32>
        %add3A_1143 = arith.addf %add3A_933, %select_n3A_1142 : vector<16xf32>
        %get3A_1144 = arith.index_cast %add3A_1039 : i32 to index
        %get3A_1145 = arith.constant 32 : index
        %get3A_1146 = tpu.vector_load %arg16[%get3A_1144, %get3A_1145] {strides = array<i32>} : memref<128x64xi32, #tpu.memory_space<vmem>>, vector<16xi32>,
        %shift_left3A_1147 = arith.constant 16 : i32
        %shift_left3A_1148 = vector.broadcast %shift_left3A_1147 : i32 to vector<16xi32>
        %shift_left3A_1149 = arith.shli %get3A_1146, %shift_left3A_1148 : vector<16xi32>
        %bitcast3A_1150 = vector.bitcast %shift_left3A_1149 : vector<16xi32> to vector<16xf32>
        %and3A_1151 = vector.broadcast %scan3A_522 : i32 to vector<16xi32>
        %and3A_1152 = arith.andi %get3A_1146, %and3A_1151 : vector<16xi32>
        %bitcast3A_1153 = vector.bitcast %and3A_1152 : vector<16xi32> to vector<16xf32>
        %get3A_1154 = arith.index_cast %add3A_1039 : i32 to index
        %get3A_1155 = arith.constant 32 : index
        %get3A_1156 = tpu.vector_load %arg18[%get3A_1154, %get3A_1155] {strides = array<i32>} : memref<128x64xi32, #tpu.memory_space<vmem>>, vector<16xi32>,
        %shift_left3A_1157 = arith.constant 16 : i32
        %shift_left3A_1158 = vector.broadcast %shift_left3A_1157 : i32 to vector<16xi32>
        %shift_left3A_1159 = arith.shli %get3A_1156, %shift_left3A_1158 : vector<16xi32>
        %bitcast3A_1160 = vector.bitcast %shift_left3A_1159 : vector<16xi32> to vector<16xf32>
        %and3A_1161 = vector.broadcast %scan3A_522 : i32 to vector<16xi32>
        %and3A_1162 = arith.andi %get3A_1156, %and3A_1161 : vector<16xi32>
        %bitcast3A_1163 = vector.bitcast %and3A_1162 : vector<16xi32> to vector<16xf32>
        %get3A_1164 = arith.index_cast %add3A_1039 : i32 to index
        %get3A_1165 = arith.constant 32 : index
        %get3A_1166 = tpu.vector_load %arg20[%get3A_1164, %get3A_1165] {strides = array<i32>} : memref<128x64xi32, #tpu.memory_space<vmem>>, vector<16xi32>,
        %shift_left3A_1167 = arith.constant 16 : i32
        %shift_left3A_1168 = vector.broadcast %shift_left3A_1167 : i32 to vector<16xi32>
        %shift_left3A_1169 = arith.shli %get3A_1166, %shift_left3A_1168 : vector<16xi32>
        %bitcast3A_1170 = vector.bitcast %shift_left3A_1169 : vector<16xi32> to vector<16xf32>
        %and3A_1171 = vector.broadcast %scan3A_522 : i32 to vector<16xi32>
        %and3A_1172 = arith.andi %get3A_1166, %and3A_1171 : vector<16xi32>
        %bitcast3A_1173 = vector.bitcast %and3A_1172 : vector<16xi32> to vector<16xf32>
        %add3A_1174 = arith.addf %bitcast3A_1150, %bitcast3A_1160 : vector<16xf32>
        %add3A_1175 = arith.addf %add3A_1174, %bitcast3A_1170 : vector<16xf32>
        %gt3A_1176 = arith.constant 0.000000e+00 : f32
        %gt3A_1177 = vector.broadcast %gt3A_1176 : f32 to vector<16xf32>
        %gt3A_1178 = arith.cmpf ogt, %add3A_1175, %gt3A_1177 : vector<16xf32>
        %exp3A_1179 = math.exp %add3A_1175 : vector<16xf32>
        %sub3A_1180 = arith.constant 1.000000e+00 : f32
        %sub3A_1181 = vector.broadcast %sub3A_1180 : f32 to vector<16xf32>
        %sub3A_1182 = arith.subf %exp3A_1179, %sub3A_1181 : vector<16xf32>
        %select_n3A_1183 = arith.select %gt3A_1178, %add3A_1175, %sub3A_1182 : vector<16xi1>, vector<16xf32>
        %add3A_1184 = arith.addf %add3A_974, %select_n3A_1183 : vector<16xf32>
        %add3A_1185 = arith.addf %bitcast3A_1153, %bitcast3A_1163 : vector<16xf32>
        %add3A_1186 = arith.addf %add3A_1185, %bitcast3A_1173 : vector<16xf32>
        %gt3A_1187 = arith.constant 0.000000e+00 : f32
        %gt3A_1188 = vector.broadcast %gt3A_1187 : f32 to vector<16xf32>
        %gt3A_1189 = arith.cmpf ogt, %add3A_1186, %gt3A_1188 : vector<16xf32>
        %exp3A_1190 = math.exp %add3A_1186 : vector<16xf32>
        %sub3A_1191 = arith.constant 1.000000e+00 : f32
        %sub3A_1192 = vector.broadcast %sub3A_1191 : f32 to vector<16xf32>
        %sub3A_1193 = arith.subf %exp3A_1190, %sub3A_1192 : vector<16xf32>
        %select_n3A_1194 = arith.select %gt3A_1189, %add3A_1186, %sub3A_1193 : vector<16xi1>, vector<16xf32>
        %add3A_1195 = arith.addf %add3A_985, %select_n3A_1194 : vector<16xf32>
        %get3A_1196 = arith.index_cast %add3A_1039 : i32 to index
        %get3A_1197 = arith.constant 48 : index
        %get3A_1198 = tpu.vector_load %arg16[%get3A_1196, %get3A_1197] {strides = array<i32>} : memref<128x64xi32, #tpu.memory_space<vmem>>, vector<16xi32>,
        %shift_left3A_1199 = arith.constant 16 : i32
        %shift_left3A_1200 = vector.broadcast %shift_left3A_1199 : i32 to vector<16xi32>
        %shift_left3A_1201 = arith.shli %get3A_1198, %shift_left3A_1200 : vector<16xi32>
        %bitcast3A_1202 = vector.bitcast %shift_left3A_1201 : vector<16xi32> to vector<16xf32>
        %and3A_1203 = vector.broadcast %scan3A_522 : i32 to vector<16xi32>
        %and3A_1204 = arith.andi %get3A_1198, %and3A_1203 : vector<16xi32>
        %bitcast3A_1205 = vector.bitcast %and3A_1204 : vector<16xi32> to vector<16xf32>
        %get3A_1206 = arith.index_cast %add3A_1039 : i32 to index
        %get3A_1207 = arith.constant 48 : index
        %get3A_1208 = tpu.vector_load %arg18[%get3A_1206, %get3A_1207] {strides = array<i32>} : memref<128x64xi32, #tpu.memory_space<vmem>>, vector<16xi32>,
        %shift_left3A_1209 = arith.constant 16 : i32
        %shift_left3A_1210 = vector.broadcast %shift_left3A_1209 : i32 to vector<16xi32>
        %shift_left3A_1211 = arith.shli %get3A_1208, %shift_left3A_1210 : vector<16xi32>
        %bitcast3A_1212 = vector.bitcast %shift_left3A_1211 : vector<16xi32> to vector<16xf32>
        %and3A_1213 = vector.broadcast %scan3A_522 : i32 to vector<16xi32>
        %and3A_1214 = arith.andi %get3A_1208, %and3A_1213 : vector<16xi32>
        %bitcast3A_1215 = vector.bitcast %and3A_1214 : vector<16xi32> to vector<16xf32>
        %get3A_1216 = arith.index_cast %add3A_1039 : i32 to index
        %get3A_1217 = arith.constant 48 : index
        %get3A_1218 = tpu.vector_load %arg20[%get3A_1216, %get3A_1217] {strides = array<i32>} : memref<128x64xi32, #tpu.memory_space<vmem>>, vector<16xi32>,
        %shift_left3A_1219 = arith.constant 16 : i32
        %shift_left3A_1220 = vector.broadcast %shift_left3A_1219 : i32 to vector<16xi32>
        %shift_left3A_1221 = arith.shli %get3A_1218, %shift_left3A_1220 : vector<16xi32>
        %bitcast3A_1222 = vector.bitcast %shift_left3A_1221 : vector<16xi32> to vector<16xf32>
        %and3A_1223 = vector.broadcast %scan3A_522 : i32 to vector<16xi32>
        %and3A_1224 = arith.andi %get3A_1218, %and3A_1223 : vector<16xi32>
        %bitcast3A_1225 = vector.bitcast %and3A_1224 : vector<16xi32> to vector<16xf32>
        %add3A_1226 = arith.addf %bitcast3A_1202, %bitcast3A_1212 : vector<16xf32>
        %add3A_1227 = arith.addf %add3A_1226, %bitcast3A_1222 : vector<16xf32>
        %gt3A_1228 = arith.constant 0.000000e+00 : f32
        %gt3A_1229 = vector.broadcast %gt3A_1228 : f32 to vector<16xf32>
        %gt3A_1230 = arith.cmpf ogt, %add3A_1227, %gt3A_1229 : vector<16xf32>
        %exp3A_1231 = math.exp %add3A_1227 : vector<16xf32>
        %sub3A_1232 = arith.constant 1.000000e+00 : f32
        %sub3A_1233 = vector.broadcast %sub3A_1232 : f32 to vector<16xf32>
        %sub3A_1234 = arith.subf %exp3A_1231, %sub3A_1233 : vector<16xf32>
        %select_n3A_1235 = arith.select %gt3A_1230, %add3A_1227, %sub3A_1234 : vector<16xi1>, vector<16xf32>
        %add3A_1236 = arith.addf %add3A_1026, %select_n3A_1235 : vector<16xf32>
        %add3A_1237 = arith.addf %bitcast3A_1205, %bitcast3A_1215 : vector<16xf32>
        %add3A_1238 = arith.addf %add3A_1237, %bitcast3A_1225 : vector<16xf32>
        %gt3A_1239 = arith.constant 0.000000e+00 : f32
        %gt3A_1240 = vector.broadcast %gt3A_1239 : f32 to vector<16xf32>
        %gt3A_1241 = arith.cmpf ogt, %add3A_1238, %gt3A_1240 : vector<16xf32>
        %exp3A_1242 = math.exp %add3A_1238 : vector<16xf32>
        %sub3A_1243 = arith.constant 1.000000e+00 : f32
        %sub3A_1244 = vector.broadcast %sub3A_1243 : f32 to vector<16xf32>
        %sub3A_1245 = arith.subf %exp3A_1242, %sub3A_1244 : vector<16xf32>
        %select_n3A_1246 = arith.select %gt3A_1241, %add3A_1238, %sub3A_1245 : vector<16xi1>, vector<16xf32>
        %add3A_1247 = arith.addf %add3A_1037, %select_n3A_1246 : vector<16xf32>
        %add3A_1248 = arith.constant 3 : i32
        %add3A_1249 = arith.addi %mul3A_608, %add3A_1248 : i32
        %get3A_1250 = arith.index_cast %add3A_1249 : i32 to index
        %get3A_1251 = arith.constant 0 : index
        %get3A_1252 = tpu.vector_load %arg16[%get3A_1250, %get3A_1251] {strides = array<i32>} : memref<128x64xi32, #tpu.memory_space<vmem>>, vector<16xi32>,
        %shift_left3A_1253 = arith.constant 16 : i32
        %shift_left3A_1254 = vector.broadcast %shift_left3A_1253 : i32 to vector<16xi32>
        %shift_left3A_1255 = arith.shli %get3A_1252, %shift_left3A_1254 : vector<16xi32>
        %bitcast3A_1256 = vector.bitcast %shift_left3A_1255 : vector<16xi32> to vector<16xf32>
        %and3A_1257 = vector.broadcast %scan3A_522 : i32 to vector<16xi32>
        %and3A_1258 = arith.andi %get3A_1252, %and3A_1257 : vector<16xi32>
        %bitcast3A_1259 = vector.bitcast %and3A_1258 : vector<16xi32> to vector<16xf32>
        %get3A_1260 = arith.index_cast %add3A_1249 : i32 to index
        %get3A_1261 = arith.constant 0 : index
        %get3A_1262 = tpu.vector_load %arg18[%get3A_1260, %get3A_1261] {strides = array<i32>} : memref<128x64xi32, #tpu.memory_space<vmem>>, vector<16xi32>,
        %shift_left3A_1263 = arith.constant 16 : i32
        %shift_left3A_1264 = vector.broadcast %shift_left3A_1263 : i32 to vector<16xi32>
        %shift_left3A_1265 = arith.shli %get3A_1262, %shift_left3A_1264 : vector<16xi32>
        %bitcast3A_1266 = vector.bitcast %shift_left3A_1265 : vector<16xi32> to vector<16xf32>
        %and3A_1267 = vector.broadcast %scan3A_522 : i32 to vector<16xi32>
        %and3A_1268 = arith.andi %get3A_1262, %and3A_1267 : vector<16xi32>
        %bitcast3A_1269 = vector.bitcast %and3A_1268 : vector<16xi32> to vector<16xf32>
        %get3A_1270 = arith.index_cast %add3A_1249 : i32 to index
        %get3A_1271 = arith.constant 0 : index
        %get3A_1272 = tpu.vector_load %arg20[%get3A_1270, %get3A_1271] {strides = array<i32>} : memref<128x64xi32, #tpu.memory_space<vmem>>, vector<16xi32>,
        %shift_left3A_1273 = arith.constant 16 : i32
        %shift_left3A_1274 = vector.broadcast %shift_left3A_1273 : i32 to vector<16xi32>
        %shift_left3A_1275 = arith.shli %get3A_1272, %shift_left3A_1274 : vector<16xi32>
        %bitcast3A_1276 = vector.bitcast %shift_left3A_1275 : vector<16xi32> to vector<16xf32>
        %and3A_1277 = vector.broadcast %scan3A_522 : i32 to vector<16xi32>
        %and3A_1278 = arith.andi %get3A_1272, %and3A_1277 : vector<16xi32>
        %bitcast3A_1279 = vector.bitcast %and3A_1278 : vector<16xi32> to vector<16xf32>
        %add3A_1280 = arith.addf %bitcast3A_1256, %bitcast3A_1266 : vector<16xf32>
        %add3A_1281 = arith.addf %add3A_1280, %bitcast3A_1276 : vector<16xf32>
        %gt3A_1282 = arith.constant 0.000000e+00 : f32
        %gt3A_1283 = vector.broadcast %gt3A_1282 : f32 to vector<16xf32>
        %gt3A_1284 = arith.cmpf ogt, %add3A_1281, %gt3A_1283 : vector<16xf32>
        %exp3A_1285 = math.exp %add3A_1281 : vector<16xf32>
        %sub3A_1286 = arith.constant 1.000000e+00 : f32
        %sub3A_1287 = vector.broadcast %sub3A_1286 : f32 to vector<16xf32>
        %sub3A_1288 = arith.subf %exp3A_1285, %sub3A_1287 : vector<16xf32>
        %select_n3A_1289 = arith.select %gt3A_1284, %add3A_1281, %sub3A_1288 : vector<16xi1>, vector<16xf32>
        %add3A_1290 = arith.addf %add3A_1080, %select_n3A_1289 : vector<16xf32>
        %add3A_1291 = arith.addf %bitcast3A_1259, %bitcast3A_1269 : vector<16xf32>
        %add3A_1292 = arith.addf %add3A_1291, %bitcast3A_1279 : vector<16xf32>
        %gt3A_1293 = arith.constant 0.000000e+00 : f32
        %gt3A_1294 = vector.broadcast %gt3A_1293 : f32 to vector<16xf32>
        %gt3A_1295 = arith.cmpf ogt, %add3A_1292, %gt3A_1294 : vector<16xf32>
        %exp3A_1296 = math.exp %add3A_1292 : vector<16xf32>
        %sub3A_1297 = arith.constant 1.000000e+00 : f32
        %sub3A_1298 = vector.broadcast %sub3A_1297 : f32 to vector<16xf32>
        %sub3A_1299 = arith.subf %exp3A_1296, %sub3A_1298 : vector<16xf32>
        %select_n3A_1300 = arith.select %gt3A_1295, %add3A_1292, %sub3A_1299 : vector<16xi1>, vector<16xf32>
        %add3A_1301 = arith.addf %add3A_1091, %select_n3A_1300 : vector<16xf32>
        %get3A_1302 = arith.index_cast %add3A_1249 : i32 to index
        %get3A_1303 = arith.constant 16 : index
        %get3A_1304 = tpu.vector_load %arg16[%get3A_1302, %get3A_1303] {strides = array<i32>} : memref<128x64xi32, #tpu.memory_space<vmem>>, vector<16xi32>,
        %shift_left3A_1305 = arith.constant 16 : i32
        %shift_left3A_1306 = vector.broadcast %shift_left3A_1305 : i32 to vector<16xi32>
        %shift_left3A_1307 = arith.shli %get3A_1304, %shift_left3A_1306 : vector<16xi32>
        %bitcast3A_1308 = vector.bitcast %shift_left3A_1307 : vector<16xi32> to vector<16xf32>
        %and3A_1309 = vector.broadcast %scan3A_522 : i32 to vector<16xi32>
        %and3A_1310 = arith.andi %get3A_1304, %and3A_1309 : vector<16xi32>
        %bitcast3A_1311 = vector.bitcast %and3A_1310 : vector<16xi32> to vector<16xf32>
        %get3A_1312 = arith.index_cast %add3A_1249 : i32 to index
        %get3A_1313 = arith.constant 16 : index
        %get3A_1314 = tpu.vector_load %arg18[%get3A_1312, %get3A_1313] {strides = array<i32>} : memref<128x64xi32, #tpu.memory_space<vmem>>, vector<16xi32>,
        %shift_left3A_1315 = arith.constant 16 : i32
        %shift_left3A_1316 = vector.broadcast %shift_left3A_1315 : i32 to vector<16xi32>
        %shift_left3A_1317 = arith.shli %get3A_1314, %shift_left3A_1316 : vector<16xi32>
        %bitcast3A_1318 = vector.bitcast %shift_left3A_1317 : vector<16xi32> to vector<16xf32>
        %and3A_1319 = vector.broadcast %scan3A_522 : i32 to vector<16xi32>
        %and3A_1320 = arith.andi %get3A_1314, %and3A_1319 : vector<16xi32>
        %bitcast3A_1321 = vector.bitcast %and3A_1320 : vector<16xi32> to vector<16xf32>
        %get3A_1322 = arith.index_cast %add3A_1249 : i32 to index
        %get3A_1323 = arith.constant 16 : index
        %get3A_1324 = tpu.vector_load %arg20[%get3A_1322, %get3A_1323] {strides = array<i32>} : memref<128x64xi32, #tpu.memory_space<vmem>>, vector<16xi32>,
        %shift_left3A_1325 = arith.constant 16 : i32
        %shift_left3A_1326 = vector.broadcast %shift_left3A_1325 : i32 to vector<16xi32>
        %shift_left3A_1327 = arith.shli %get3A_1324, %shift_left3A_1326 : vector<16xi32>
        %bitcast3A_1328 = vector.bitcast %shift_left3A_1327 : vector<16xi32> to vector<16xf32>
        %and3A_1329 = vector.broadcast %scan3A_522 : i32 to vector<16xi32>
        %and3A_1330 = arith.andi %get3A_1324, %and3A_1329 : vector<16xi32>
        %bitcast3A_1331 = vector.bitcast %and3A_1330 : vector<16xi32> to vector<16xf32>
        %add3A_1332 = arith.addf %bitcast3A_1308, %bitcast3A_1318 : vector<16xf32>
        %add3A_1333 = arith.addf %add3A_1332, %bitcast3A_1328 : vector<16xf32>
        %gt3A_1334 = arith.constant 0.000000e+00 : f32
        %gt3A_1335 = vector.broadcast %gt3A_1334 : f32 to vector<16xf32>
        %gt3A_1336 = arith.cmpf ogt, %add3A_1333, %gt3A_1335 : vector<16xf32>
        %exp3A_1337 = math.exp %add3A_1333 : vector<16xf32>
        %sub3A_1338 = arith.constant 1.000000e+00 : f32
        %sub3A_1339 = vector.broadcast %sub3A_1338 : f32 to vector<16xf32>
        %sub3A_1340 = arith.subf %exp3A_1337, %sub3A_1339 : vector<16xf32>
        %select_n3A_1341 = arith.select %gt3A_1336, %add3A_1333, %sub3A_1340 : vector<16xi1>, vector<16xf32>
        %add3A_1342 = arith.addf %add3A_1132, %select_n3A_1341 : vector<16xf32>
        %add3A_1343 = arith.addf %bitcast3A_1311, %bitcast3A_1321 : vector<16xf32>
        %add3A_1344 = arith.addf %add3A_1343, %bitcast3A_1331 : vector<16xf32>
        %gt3A_1345 = arith.constant 0.000000e+00 : f32
        %gt3A_1346 = vector.broadcast %gt3A_1345 : f32 to vector<16xf32>
        %gt3A_1347 = arith.cmpf ogt, %add3A_1344, %gt3A_1346 : vector<16xf32>
        %exp3A_1348 = math.exp %add3A_1344 : vector<16xf32>
        %sub3A_1349 = arith.constant 1.000000e+00 : f32
        %sub3A_1350 = vector.broadcast %sub3A_1349 : f32 to vector<16xf32>
        %sub3A_1351 = arith.subf %exp3A_1348, %sub3A_1350 : vector<16xf32>
        %select_n3A_1352 = arith.select %gt3A_1347, %add3A_1344, %sub3A_1351 : vector<16xi1>, vector<16xf32>
        %add3A_1353 = arith.addf %add3A_1143, %select_n3A_1352 : vector<16xf32>
        %get3A_1354 = arith.index_cast %add3A_1249 : i32 to index
        %get3A_1355 = arith.constant 32 : index
        %get3A_1356 = tpu.vector_load %arg16[%get3A_1354, %get3A_1355] {strides = array<i32>} : memref<128x64xi32, #tpu.memory_space<vmem>>, vector<16xi32>,
        %shift_left3A_1357 = arith.constant 16 : i32
        %shift_left3A_1358 = vector.broadcast %shift_left3A_1357 : i32 to vector<16xi32>
        %shift_left3A_1359 = arith.shli %get3A_1356, %shift_left3A_1358 : vector<16xi32>
        %bitcast3A_1360 = vector.bitcast %shift_left3A_1359 : vector<16xi32> to vector<16xf32>
        %and3A_1361 = vector.broadcast %scan3A_522 : i32 to vector<16xi32>
        %and3A_1362 = arith.andi %get3A_1356, %and3A_1361 : vector<16xi32>
        %bitcast3A_1363 = vector.bitcast %and3A_1362 : vector<16xi32> to vector<16xf32>
        %get3A_1364 = arith.index_cast %add3A_1249 : i32 to index
        %get3A_1365 = arith.constant 32 : index
        %get3A_1366 = tpu.vector_load %arg18[%get3A_1364, %get3A_1365] {strides = array<i32>} : memref<128x64xi32, #tpu.memory_space<vmem>>, vector<16xi32>,
        %shift_left3A_1367 = arith.constant 16 : i32
        %shift_left3A_1368 = vector.broadcast %shift_left3A_1367 : i32 to vector<16xi32>
        %shift_left3A_1369 = arith.shli %get3A_1366, %shift_left3A_1368 : vector<16xi32>
        %bitcast3A_1370 = vector.bitcast %shift_left3A_1369 : vector<16xi32> to vector<16xf32>
        %and3A_1371 = vector.broadcast %scan3A_522 : i32 to vector<16xi32>
        %and3A_1372 = arith.andi %get3A_1366, %and3A_1371 : vector<16xi32>
        %bitcast3A_1373 = vector.bitcast %and3A_1372 : vector<16xi32> to vector<16xf32>
        %get3A_1374 = arith.index_cast %add3A_1249 : i32 to index
        %get3A_1375 = arith.constant 32 : index
        %get3A_1376 = tpu.vector_load %arg20[%get3A_1374, %get3A_1375] {strides = array<i32>} : memref<128x64xi32, #tpu.memory_space<vmem>>, vector<16xi32>,
        %shift_left3A_1377 = arith.constant 16 : i32
        %shift_left3A_1378 = vector.broadcast %shift_left3A_1377 : i32 to vector<16xi32>
        %shift_left3A_1379 = arith.shli %get3A_1376, %shift_left3A_1378 : vector<16xi32>
        %bitcast3A_1380 = vector.bitcast %shift_left3A_1379 : vector<16xi32> to vector<16xf32>
        %and3A_1381 = vector.broadcast %scan3A_522 : i32 to vector<16xi32>
        %and3A_1382 = arith.andi %get3A_1376, %and3A_1381 : vector<16xi32>
        %bitcast3A_1383 = vector.bitcast %and3A_1382 : vector<16xi32> to vector<16xf32>
        %add3A_1384 = arith.addf %bitcast3A_1360, %bitcast3A_1370 : vector<16xf32>
        %add3A_1385 = arith.addf %add3A_1384, %bitcast3A_1380 : vector<16xf32>
        %gt3A_1386 = arith.constant 0.000000e+00 : f32
        %gt3A_1387 = vector.broadcast %gt3A_1386 : f32 to vector<16xf32>
        %gt3A_1388 = arith.cmpf ogt, %add3A_1385, %gt3A_1387 : vector<16xf32>
        %exp3A_1389 = math.exp %add3A_1385 : vector<16xf32>
        %sub3A_1390 = arith.constant 1.000000e+00 : f32
        %sub3A_1391 = vector.broadcast %sub3A_1390 : f32 to vector<16xf32>
        %sub3A_1392 = arith.subf %exp3A_1389, %sub3A_1391 : vector<16xf32>
        %select_n3A_1393 = arith.select %gt3A_1388, %add3A_1385, %sub3A_1392 : vector<16xi1>, vector<16xf32>
        %add3A_1394 = arith.addf %add3A_1184, %select_n3A_1393 : vector<16xf32>
        %add3A_1395 = arith.addf %bitcast3A_1363, %bitcast3A_1373 : vector<16xf32>
        %add3A_1396 = arith.addf %add3A_1395, %bitcast3A_1383 : vector<16xf32>
        %gt3A_1397 = arith.constant 0.000000e+00 : f32
        %gt3A_1398 = vector.broadcast %gt3A_1397 : f32 to vector<16xf32>
        %gt3A_1399 = arith.cmpf ogt, %add3A_1396, %gt3A_1398 : vector<16xf32>
        %exp3A_1400 = math.exp %add3A_1396 : vector<16xf32>
        %sub3A_1401 = arith.constant 1.000000e+00 : f32
        %sub3A_1402 = vector.broadcast %sub3A_1401 : f32 to vector<16xf32>
        %sub3A_1403 = arith.subf %exp3A_1400, %sub3A_1402 : vector<16xf32>
        %select_n3A_1404 = arith.select %gt3A_1399, %add3A_1396, %sub3A_1403 : vector<16xi1>, vector<16xf32>
        %add3A_1405 = arith.addf %add3A_1195, %select_n3A_1404 : vector<16xf32>
        %get3A_1406 = arith.index_cast %add3A_1249 : i32 to index
        %get3A_1407 = arith.constant 48 : index
        %get3A_1408 = tpu.vector_load %arg16[%get3A_1406, %get3A_1407] {strides = array<i32>} : memref<128x64xi32, #tpu.memory_space<vmem>>, vector<16xi32>,
        %shift_left3A_1409 = arith.constant 16 : i32
        %shift_left3A_1410 = vector.broadcast %shift_left3A_1409 : i32 to vector<16xi32>
        %shift_left3A_1411 = arith.shli %get3A_1408, %shift_left3A_1410 : vector<16xi32>
        %bitcast3A_1412 = vector.bitcast %shift_left3A_1411 : vector<16xi32> to vector<16xf32>
        %and3A_1413 = vector.broadcast %scan3A_522 : i32 to vector<16xi32>
        %and3A_1414 = arith.andi %get3A_1408, %and3A_1413 : vector<16xi32>
        %bitcast3A_1415 = vector.bitcast %and3A_1414 : vector<16xi32> to vector<16xf32>
        %get3A_1416 = arith.index_cast %add3A_1249 : i32 to index
        %get3A_1417 = arith.constant 48 : index
        %get3A_1418 = tpu.vector_load %arg18[%get3A_1416, %get3A_1417] {strides = array<i32>} : memref<128x64xi32, #tpu.memory_space<vmem>>, vector<16xi32>,
        %shift_left3A_1419 = arith.constant 16 : i32
        %shift_left3A_1420 = vector.broadcast %shift_left3A_1419 : i32 to vector<16xi32>
        %shift_left3A_1421 = arith.shli %get3A_1418, %shift_left3A_1420 : vector<16xi32>
        %bitcast3A_1422 = vector.bitcast %shift_left3A_1421 : vector<16xi32> to vector<16xf32>
        %and3A_1423 = vector.broadcast %scan3A_522 : i32 to vector<16xi32>
        %and3A_1424 = arith.andi %get3A_1418, %and3A_1423 : vector<16xi32>
        %bitcast3A_1425 = vector.bitcast %and3A_1424 : vector<16xi32> to vector<16xf32>
        %get3A_1426 = arith.index_cast %add3A_1249 : i32 to index
        %get3A_1427 = arith.constant 48 : index
        %get3A_1428 = tpu.vector_load %arg20[%get3A_1426, %get3A_1427] {strides = array<i32>} : memref<128x64xi32, #tpu.memory_space<vmem>>, vector<16xi32>,
        %shift_left3A_1429 = arith.constant 16 : i32
        %shift_left3A_1430 = vector.broadcast %shift_left3A_1429 : i32 to vector<16xi32>
        %shift_left3A_1431 = arith.shli %get3A_1428, %shift_left3A_1430 : vector<16xi32>
        %bitcast3A_1432 = vector.bitcast %shift_left3A_1431 : vector<16xi32> to vector<16xf32>
        %and3A_1433 = vector.broadcast %scan3A_522 : i32 to vector<16xi32>
        %and3A_1434 = arith.andi %get3A_1428, %and3A_1433 : vector<16xi32>
        %bitcast3A_1435 = vector.bitcast %and3A_1434 : vector<16xi32> to vector<16xf32>
        %add3A_1436 = arith.addf %bitcast3A_1412, %bitcast3A_1422 : vector<16xf32>
        %add3A_1437 = arith.addf %add3A_1436, %bitcast3A_1432 : vector<16xf32>
        %gt3A_1438 = arith.constant 0.000000e+00 : f32
        %gt3A_1439 = vector.broadcast %gt3A_1438 : f32 to vector<16xf32>
        %gt3A_1440 = arith.cmpf ogt, %add3A_1437, %gt3A_1439 : vector<16xf32>
        %exp3A_1441 = math.exp %add3A_1437 : vector<16xf32>
        %sub3A_1442 = arith.constant 1.000000e+00 : f32
        %sub3A_1443 = vector.broadcast %sub3A_1442 : f32 to vector<16xf32>
        %sub3A_1444 = arith.subf %exp3A_1441, %sub3A_1443 : vector<16xf32>
        %select_n3A_1445 = arith.select %gt3A_1440, %add3A_1437, %sub3A_1444 : vector<16xi1>, vector<16xf32>
        %add3A_1446 = arith.addf %add3A_1236, %select_n3A_1445 : vector<16xf32>
        %add3A_1447 = arith.addf %bitcast3A_1415, %bitcast3A_1425 : vector<16xf32>
        %add3A_1448 = arith.addf %add3A_1447, %bitcast3A_1435 : vector<16xf32>
        %gt3A_1449 = arith.constant 0.000000e+00 : f32
        %gt3A_1450 = vector.broadcast %gt3A_1449 : f32 to vector<16xf32>
        %gt3A_1451 = arith.cmpf ogt, %add3A_1448, %gt3A_1450 : vector<16xf32>
        %exp3A_1452 = math.exp %add3A_1448 : vector<16xf32>
        %sub3A_1453 = arith.constant 1.000000e+00 : f32
        %sub3A_1454 = vector.broadcast %sub3A_1453 : f32 to vector<16xf32>
        %sub3A_1455 = arith.subf %exp3A_1452, %sub3A_1454 : vector<16xf32>
        %select_n3A_1456 = arith.select %gt3A_1451, %add3A_1448, %sub3A_1455 : vector<16xi1>, vector<16xf32>
        %add3A_1457 = arith.addf %add3A_1247, %select_n3A_1456 : vector<16xf32>
        %add3A_1458 = arith.constant 4 : i32
        %add3A_1459 = arith.addi %mul3A_608, %add3A_1458 : i32
        %get3A_1460 = arith.index_cast %add3A_1459 : i32 to index
        %get3A_1461 = arith.constant 0 : index
        %get3A_1462 = tpu.vector_load %arg16[%get3A_1460, %get3A_1461] {strides = array<i32>} : memref<128x64xi32, #tpu.memory_space<vmem>>, vector<16xi32>,
        %shift_left3A_1463 = arith.constant 16 : i32
        %shift_left3A_1464 = vector.broadcast %shift_left3A_1463 : i32 to vector<16xi32>
        %shift_left3A_1465 = arith.shli %get3A_1462, %shift_left3A_1464 : vector<16xi32>
        %bitcast3A_1466 = vector.bitcast %shift_left3A_1465 : vector<16xi32> to vector<16xf32>
        %and3A_1467 = vector.broadcast %scan3A_522 : i32 to vector<16xi32>
        %and3A_1468 = arith.andi %get3A_1462, %and3A_1467 : vector<16xi32>
        %bitcast3A_1469 = vector.bitcast %and3A_1468 : vector<16xi32> to vector<16xf32>
        %get3A_1470 = arith.index_cast %add3A_1459 : i32 to index
        %get3A_1471 = arith.constant 0 : index
        %get3A_1472 = tpu.vector_load %arg18[%get3A_1470, %get3A_1471] {strides = array<i32>} : memref<128x64xi32, #tpu.memory_space<vmem>>, vector<16xi32>,
        %shift_left3A_1473 = arith.constant 16 : i32
        %shift_left3A_1474 = vector.broadcast %shift_left3A_1473 : i32 to vector<16xi32>
        %shift_left3A_1475 = arith.shli %get3A_1472, %shift_left3A_1474 : vector<16xi32>
        %bitcast3A_1476 = vector.bitcast %shift_left3A_1475 : vector<16xi32> to vector<16xf32>
        %and3A_1477 = vector.broadcast %scan3A_522 : i32 to vector<16xi32>
        %and3A_1478 = arith.andi %get3A_1472, %and3A_1477 : vector<16xi32>
        %bitcast3A_1479 = vector.bitcast %and3A_1478 : vector<16xi32> to vector<16xf32>
        %get3A_1480 = arith.index_cast %add3A_1459 : i32 to index
        %get3A_1481 = arith.constant 0 : index
        %get3A_1482 = tpu.vector_load %arg20[%get3A_1480, %get3A_1481] {strides = array<i32>} : memref<128x64xi32, #tpu.memory_space<vmem>>, vector<16xi32>,
        %shift_left3A_1483 = arith.constant 16 : i32
        %shift_left3A_1484 = vector.broadcast %shift_left3A_1483 : i32 to vector<16xi32>
        %shift_left3A_1485 = arith.shli %get3A_1482, %shift_left3A_1484 : vector<16xi32>
        %bitcast3A_1486 = vector.bitcast %shift_left3A_1485 : vector<16xi32> to vector<16xf32>
        %and3A_1487 = vector.broadcast %scan3A_522 : i32 to vector<16xi32>
        %and3A_1488 = arith.andi %get3A_1482, %and3A_1487 : vector<16xi32>
        %bitcast3A_1489 = vector.bitcast %and3A_1488 : vector<16xi32> to vector<16xf32>
        %add3A_1490 = arith.addf %bitcast3A_1466, %bitcast3A_1476 : vector<16xf32>
        %add3A_1491 = arith.addf %add3A_1490, %bitcast3A_1486 : vector<16xf32>
        %gt3A_1492 = arith.constant 0.000000e+00 : f32
        %gt3A_1493 = vector.broadcast %gt3A_1492 : f32 to vector<16xf32>
        %gt3A_1494 = arith.cmpf ogt, %add3A_1491, %gt3A_1493 : vector<16xf32>
        %exp3A_1495 = math.exp %add3A_1491 : vector<16xf32>
        %sub3A_1496 = arith.constant 1.000000e+00 : f32
        %sub3A_1497 = vector.broadcast %sub3A_1496 : f32 to vector<16xf32>
        %sub3A_1498 = arith.subf %exp3A_1495, %sub3A_1497 : vector<16xf32>
        %select_n3A_1499 = arith.select %gt3A_1494, %add3A_1491, %sub3A_1498 : vector<16xi1>, vector<16xf32>
        %add3A_1500 = arith.addf %add3A_1290, %select_n3A_1499 : vector<16xf32>
        %add3A_1501 = arith.addf %bitcast3A_1469, %bitcast3A_1479 : vector<16xf32>
        %add3A_1502 = arith.addf %add3A_1501, %bitcast3A_1489 : vector<16xf32>
        %gt3A_1503 = arith.constant 0.000000e+00 : f32
        %gt3A_1504 = vector.broadcast %gt3A_1503 : f32 to vector<16xf32>
        %gt3A_1505 = arith.cmpf ogt, %add3A_1502, %gt3A_1504 : vector<16xf32>
        %exp3A_1506 = math.exp %add3A_1502 : vector<16xf32>
        %sub3A_1507 = arith.constant 1.000000e+00 : f32
        %sub3A_1508 = vector.broadcast %sub3A_1507 : f32 to vector<16xf32>
        %sub3A_1509 = arith.subf %exp3A_1506, %sub3A_1508 : vector<16xf32>
        %select_n3A_1510 = arith.select %gt3A_1505, %add3A_1502, %sub3A_1509 : vector<16xi1>, vector<16xf32>
        %add3A_1511 = arith.addf %add3A_1301, %select_n3A_1510 : vector<16xf32>
        %get3A_1512 = arith.index_cast %add3A_1459 : i32 to index
        %get3A_1513 = arith.constant 16 : index
        %get3A_1514 = tpu.vector_load %arg16[%get3A_1512, %get3A_1513] {strides = array<i32>} : memref<128x64xi32, #tpu.memory_space<vmem>>, vector<16xi32>,
        %shift_left3A_1515 = arith.constant 16 : i32
        %shift_left3A_1516 = vector.broadcast %shift_left3A_1515 : i32 to vector<16xi32>
        %shift_left3A_1517 = arith.shli %get3A_1514, %shift_left3A_1516 : vector<16xi32>
        %bitcast3A_1518 = vector.bitcast %shift_left3A_1517 : vector<16xi32> to vector<16xf32>
        %and3A_1519 = vector.broadcast %scan3A_522 : i32 to vector<16xi32>
        %and3A_1520 = arith.andi %get3A_1514, %and3A_1519 : vector<16xi32>
        %bitcast3A_1521 = vector.bitcast %and3A_1520 : vector<16xi32> to vector<16xf32>
        %get3A_1522 = arith.index_cast %add3A_1459 : i32 to index
        %get3A_1523 = arith.constant 16 : index
        %get3A_1524 = tpu.vector_load %arg18[%get3A_1522, %get3A_1523] {strides = array<i32>} : memref<128x64xi32, #tpu.memory_space<vmem>>, vector<16xi32>,
        %shift_left3A_1525 = arith.constant 16 : i32
        %shift_left3A_1526 = vector.broadcast %shift_left3A_1525 : i32 to vector<16xi32>
        %shift_left3A_1527 = arith.shli %get3A_1524, %shift_left3A_1526 : vector<16xi32>
        %bitcast3A_1528 = vector.bitcast %shift_left3A_1527 : vector<16xi32> to vector<16xf32>
        %and3A_1529 = vector.broadcast %scan3A_522 : i32 to vector<16xi32>
        %and3A_1530 = arith.andi %get3A_1524, %and3A_1529 : vector<16xi32>
        %bitcast3A_1531 = vector.bitcast %and3A_1530 : vector<16xi32> to vector<16xf32>
        %get3A_1532 = arith.index_cast %add3A_1459 : i32 to index
        %get3A_1533 = arith.constant 16 : index
        %get3A_1534 = tpu.vector_load %arg20[%get3A_1532, %get3A_1533] {strides = array<i32>} : memref<128x64xi32, #tpu.memory_space<vmem>>, vector<16xi32>,
        %shift_left3A_1535 = arith.constant 16 : i32
        %shift_left3A_1536 = vector.broadcast %shift_left3A_1535 : i32 to vector<16xi32>
        %shift_left3A_1537 = arith.shli %get3A_1534, %shift_left3A_1536 : vector<16xi32>
        %bitcast3A_1538 = vector.bitcast %shift_left3A_1537 : vector<16xi32> to vector<16xf32>
        %and3A_1539 = vector.broadcast %scan3A_522 : i32 to vector<16xi32>
        %and3A_1540 = arith.andi %get3A_1534, %and3A_1539 : vector<16xi32>
        %bitcast3A_1541 = vector.bitcast %and3A_1540 : vector<16xi32> to vector<16xf32>
        %add3A_1542 = arith.addf %bitcast3A_1518, %bitcast3A_1528 : vector<16xf32>
        %add3A_1543 = arith.addf %add3A_1542, %bitcast3A_1538 : vector<16xf32>
        %gt3A_1544 = arith.constant 0.000000e+00 : f32
        %gt3A_1545 = vector.broadcast %gt3A_1544 : f32 to vector<16xf32>
        %gt3A_1546 = arith.cmpf ogt, %add3A_1543, %gt3A_1545 : vector<16xf32>
        %exp3A_1547 = math.exp %add3A_1543 : vector<16xf32>
        %sub3A_1548 = arith.constant 1.000000e+00 : f32
        %sub3A_1549 = vector.broadcast %sub3A_1548 : f32 to vector<16xf32>
        %sub3A_1550 = arith.subf %exp3A_1547, %sub3A_1549 : vector<16xf32>
        %select_n3A_1551 = arith.select %gt3A_1546, %add3A_1543, %sub3A_1550 : vector<16xi1>, vector<16xf32>
        %add3A_1552 = arith.addf %add3A_1342, %select_n3A_1551 : vector<16xf32>
        %add3A_1553 = arith.addf %bitcast3A_1521, %bitcast3A_1531 : vector<16xf32>
        %add3A_1554 = arith.addf %add3A_1553, %bitcast3A_1541 : vector<16xf32>
        %gt3A_1555 = arith.constant 0.000000e+00 : f32
        %gt3A_1556 = vector.broadcast %gt3A_1555 : f32 to vector<16xf32>
        %gt3A_1557 = arith.cmpf ogt, %add3A_1554, %gt3A_1556 : vector<16xf32>
        %exp3A_1558 = math.exp %add3A_1554 : vector<16xf32>
        %sub3A_1559 = arith.constant 1.000000e+00 : f32
        %sub3A_1560 = vector.broadcast %sub3A_1559 : f32 to vector<16xf32>
        %sub3A_1561 = arith.subf %exp3A_1558, %sub3A_1560 : vector<16xf32>
        %select_n3A_1562 = arith.select %gt3A_1557, %add3A_1554, %sub3A_1561 : vector<16xi1>, vector<16xf32>
        %add3A_1563 = arith.addf %add3A_1353, %select_n3A_1562 : vector<16xf32>
        %get3A_1564 = arith.index_cast %add3A_1459 : i32 to index
        %get3A_1565 = arith.constant 32 : index
        %get3A_1566 = tpu.vector_load %arg16[%get3A_1564, %get3A_1565] {strides = array<i32>} : memref<128x64xi32, #tpu.memory_space<vmem>>, vector<16xi32>,
        %shift_left3A_1567 = arith.constant 16 : i32
        %shift_left3A_1568 = vector.broadcast %shift_left3A_1567 : i32 to vector<16xi32>
        %shift_left3A_1569 = arith.shli %get3A_1566, %shift_left3A_1568 : vector<16xi32>
        %bitcast3A_1570 = vector.bitcast %shift_left3A_1569 : vector<16xi32> to vector<16xf32>
        %and3A_1571 = vector.broadcast %scan3A_522 : i32 to vector<16xi32>
        %and3A_1572 = arith.andi %get3A_1566, %and3A_1571 : vector<16xi32>
        %bitcast3A_1573 = vector.bitcast %and3A_1572 : vector<16xi32> to vector<16xf32>
        %get3A_1574 = arith.index_cast %add3A_1459 : i32 to index
        %get3A_1575 = arith.constant 32 : index
        %get3A_1576 = tpu.vector_load %arg18[%get3A_1574, %get3A_1575] {strides = array<i32>} : memref<128x64xi32, #tpu.memory_space<vmem>>, vector<16xi32>,
        %shift_left3A_1577 = arith.constant 16 : i32
        %shift_left3A_1578 = vector.broadcast %shift_left3A_1577 : i32 to vector<16xi32>
        %shift_left3A_1579 = arith.shli %get3A_1576, %shift_left3A_1578 : vector<16xi32>
        %bitcast3A_1580 = vector.bitcast %shift_left3A_1579 : vector<16xi32> to vector<16xf32>
        %and3A_1581 = vector.broadcast %scan3A_522 : i32 to vector<16xi32>
        %and3A_1582 = arith.andi %get3A_1576, %and3A_1581 : vector<16xi32>
        %bitcast3A_1583 = vector.bitcast %and3A_1582 : vector<16xi32> to vector<16xf32>
        %get3A_1584 = arith.index_cast %add3A_1459 : i32 to index
        %get3A_1585 = arith.constant 32 : index
        %get3A_1586 = tpu.vector_load %arg20[%get3A_1584, %get3A_1585] {strides = array<i32>} : memref<128x64xi32, #tpu.memory_space<vmem>>, vector<16xi32>,
        %shift_left3A_1587 = arith.constant 16 : i32
        %shift_left3A_1588 = vector.broadcast %shift_left3A_1587 : i32 to vector<16xi32>
        %shift_left3A_1589 = arith.shli %get3A_1586, %shift_left3A_1588 : vector<16xi32>
        %bitcast3A_1590 = vector.bitcast %shift_left3A_1589 : vector<16xi32> to vector<16xf32>
        %and3A_1591 = vector.broadcast %scan3A_522 : i32 to vector<16xi32>
        %and3A_1592 = arith.andi %get3A_1586, %and3A_1591 : vector<16xi32>
        %bitcast3A_1593 = vector.bitcast %and3A_1592 : vector<16xi32> to vector<16xf32>
        %add3A_1594 = arith.addf %bitcast3A_1570, %bitcast3A_1580 : vector<16xf32>
        %add3A_1595 = arith.addf %add3A_1594, %bitcast3A_1590 : vector<16xf32>
        %gt3A_1596 = arith.constant 0.000000e+00 : f32
        %gt3A_1597 = vector.broadcast %gt3A_1596 : f32 to vector<16xf32>
        %gt3A_1598 = arith.cmpf ogt, %add3A_1595, %gt3A_1597 : vector<16xf32>
        %exp3A_1599 = math.exp %add3A_1595 : vector<16xf32>
        %sub3A_1600 = arith.constant 1.000000e+00 : f32
        %sub3A_1601 = vector.broadcast %sub3A_1600 : f32 to vector<16xf32>
        %sub3A_1602 = arith.subf %exp3A_1599, %sub3A_1601 : vector<16xf32>
        %select_n3A_1603 = arith.select %gt3A_1598, %add3A_1595, %sub3A_1602 : vector<16xi1>, vector<16xf32>
        %add3A_1604 = arith.addf %add3A_1394, %select_n3A_1603 : vector<16xf32>
        %add3A_1605 = arith.addf %bitcast3A_1573, %bitcast3A_1583 : vector<16xf32>
        %add3A_1606 = arith.addf %add3A_1605, %bitcast3A_1593 : vector<16xf32>
        %gt3A_1607 = arith.constant 0.000000e+00 : f32
        %gt3A_1608 = vector.broadcast %gt3A_1607 : f32 to vector<16xf32>
        %gt3A_1609 = arith.cmpf ogt, %add3A_1606, %gt3A_1608 : vector<16xf32>
        %exp3A_1610 = math.exp %add3A_1606 : vector<16xf32>
        %sub3A_1611 = arith.constant 1.000000e+00 : f32
        %sub3A_1612 = vector.broadcast %sub3A_1611 : f32 to vector<16xf32>
        %sub3A_1613 = arith.subf %exp3A_1610, %sub3A_1612 : vector<16xf32>
        %select_n3A_1614 = arith.select %gt3A_1609, %add3A_1606, %sub3A_1613 : vector<16xi1>, vector<16xf32>
        %add3A_1615 = arith.addf %add3A_1405, %select_n3A_1614 : vector<16xf32>
        %get3A_1616 = arith.index_cast %add3A_1459 : i32 to index
        %get3A_1617 = arith.constant 48 : index
        %get3A_1618 = tpu.vector_load %arg16[%get3A_1616, %get3A_1617] {strides = array<i32>} : memref<128x64xi32, #tpu.memory_space<vmem>>, vector<16xi32>,
        %shift_left3A_1619 = arith.constant 16 : i32
        %shift_left3A_1620 = vector.broadcast %shift_left3A_1619 : i32 to vector<16xi32>
        %shift_left3A_1621 = arith.shli %get3A_1618, %shift_left3A_1620 : vector<16xi32>
        %bitcast3A_1622 = vector.bitcast %shift_left3A_1621 : vector<16xi32> to vector<16xf32>
        %and3A_1623 = vector.broadcast %scan3A_522 : i32 to vector<16xi32>
        %and3A_1624 = arith.andi %get3A_1618, %and3A_1623 : vector<16xi32>
        %bitcast3A_1625 = vector.bitcast %and3A_1624 : vector<16xi32> to vector<16xf32>
        %get3A_1626 = arith.index_cast %add3A_1459 : i32 to index
        %get3A_1627 = arith.constant 48 : index
        %get3A_1628 = tpu.vector_load %arg18[%get3A_1626, %get3A_1627] {strides = array<i32>} : memref<128x64xi32, #tpu.memory_space<vmem>>, vector<16xi32>,
        %shift_left3A_1629 = arith.constant 16 : i32
        %shift_left3A_1630 = vector.broadcast %shift_left3A_1629 : i32 to vector<16xi32>
        %shift_left3A_1631 = arith.shli %get3A_1628, %shift_left3A_1630 : vector<16xi32>
        %bitcast3A_1632 = vector.bitcast %shift_left3A_1631 : vector<16xi32> to vector<16xf32>
        %and3A_1633 = vector.broadcast %scan3A_522 : i32 to vector<16xi32>
        %and3A_1634 = arith.andi %get3A_1628, %and3A_1633 : vector<16xi32>
        %bitcast3A_1635 = vector.bitcast %and3A_1634 : vector<16xi32> to vector<16xf32>
        %get3A_1636 = arith.index_cast %add3A_1459 : i32 to index
        %get3A_1637 = arith.constant 48 : index
        %get3A_1638 = tpu.vector_load %arg20[%get3A_1636, %get3A_1637] {strides = array<i32>} : memref<128x64xi32, #tpu.memory_space<vmem>>, vector<16xi32>,
        %shift_left3A_1639 = arith.constant 16 : i32
        %shift_left3A_1640 = vector.broadcast %shift_left3A_1639 : i32 to vector<16xi32>
        %shift_left3A_1641 = arith.shli %get3A_1638, %shift_left3A_1640 : vector<16xi32>
        %bitcast3A_1642 = vector.bitcast %shift_left3A_1641 : vector<16xi32> to vector<16xf32>
        %and3A_1643 = vector.broadcast %scan3A_522 : i32 to vector<16xi32>
        %and3A_1644 = arith.andi %get3A_1638, %and3A_1643 : vector<16xi32>
        %bitcast3A_1645 = vector.bitcast %and3A_1644 : vector<16xi32> to vector<16xf32>
        %add3A_1646 = arith.addf %bitcast3A_1622, %bitcast3A_1632 : vector<16xf32>
        %add3A_1647 = arith.addf %add3A_1646, %bitcast3A_1642 : vector<16xf32>
        %gt3A_1648 = arith.constant 0.000000e+00 : f32
        %gt3A_1649 = vector.broadcast %gt3A_1648 : f32 to vector<16xf32>
        %gt3A_1650 = arith.cmpf ogt, %add3A_1647, %gt3A_1649 : vector<16xf32>
        %exp3A_1651 = math.exp %add3A_1647 : vector<16xf32>
        %sub3A_1652 = arith.constant 1.000000e+00 : f32
        %sub3A_1653 = vector.broadcast %sub3A_1652 : f32 to vector<16xf32>
        %sub3A_1654 = arith.subf %exp3A_1651, %sub3A_1653 : vector<16xf32>
        %select_n3A_1655 = arith.select %gt3A_1650, %add3A_1647, %sub3A_1654 : vector<16xi1>, vector<16xf32>
        %add3A_1656 = arith.addf %add3A_1446, %select_n3A_1655 : vector<16xf32>
        %add3A_1657 = arith.addf %bitcast3A_1625, %bitcast3A_1635 : vector<16xf32>
        %add3A_1658 = arith.addf %add3A_1657, %bitcast3A_1645 : vector<16xf32>
        %gt3A_1659 = arith.constant 0.000000e+00 : f32
        %gt3A_1660 = vector.broadcast %gt3A_1659 : f32 to vector<16xf32>
        %gt3A_1661 = arith.cmpf ogt, %add3A_1658, %gt3A_1660 : vector<16xf32>
        %exp3A_1662 = math.exp %add3A_1658 : vector<16xf32>
        %sub3A_1663 = arith.constant 1.000000e+00 : f32
        %sub3A_1664 = vector.broadcast %sub3A_1663 : f32 to vector<16xf32>
        %sub3A_1665 = arith.subf %exp3A_1662, %sub3A_1664 : vector<16xf32>
        %select_n3A_1666 = arith.select %gt3A_1661, %add3A_1658, %sub3A_1665 : vector<16xi1>, vector<16xf32>
        %add3A_1667 = arith.addf %add3A_1457, %select_n3A_1666 : vector<16xf32>
        %add3A_1668 = arith.constant 5 : i32
        %add3A_1669 = arith.addi %mul3A_608, %add3A_1668 : i32
        %get3A_1670 = arith.index_cast %add3A_1669 : i32 to index
        %get3A_1671 = arith.constant 0 : index
        %get3A_1672 = tpu.vector_load %arg16[%get3A_1670, %get3A_1671] {strides = array<i32>} : memref<128x64xi32, #tpu.memory_space<vmem>>, vector<16xi32>,
        %shift_left3A_1673 = arith.constant 16 : i32
        %shift_left3A_1674 = vector.broadcast %shift_left3A_1673 : i32 to vector<16xi32>
        %shift_left3A_1675 = arith.shli %get3A_1672, %shift_left3A_1674 : vector<16xi32>
        %bitcast3A_1676 = vector.bitcast %shift_left3A_1675 : vector<16xi32> to vector<16xf32>
        %and3A_1677 = vector.broadcast %scan3A_522 : i32 to vector<16xi32>
        %and3A_1678 = arith.andi %get3A_1672, %and3A_1677 : vector<16xi32>
        %bitcast3A_1679 = vector.bitcast %and3A_1678 : vector<16xi32> to vector<16xf32>
        %get3A_1680 = arith.index_cast %add3A_1669 : i32 to index
        %get3A_1681 = arith.constant 0 : index
        %get3A_1682 = tpu.vector_load %arg18[%get3A_1680, %get3A_1681] {strides = array<i32>} : memref<128x64xi32, #tpu.memory_space<vmem>>, vector<16xi32>,
        %shift_left3A_1683 = arith.constant 16 : i32
        %shift_left3A_1684 = vector.broadcast %shift_left3A_1683 : i32 to vector<16xi32>
        %shift_left3A_1685 = arith.shli %get3A_1682, %shift_left3A_1684 : vector<16xi32>
        %bitcast3A_1686 = vector.bitcast %shift_left3A_1685 : vector<16xi32> to vector<16xf32>
        %and3A_1687 = vector.broadcast %scan3A_522 : i32 to vector<16xi32>
        %and3A_1688 = arith.andi %get3A_1682, %and3A_1687 : vector<16xi32>
        %bitcast3A_1689 = vector.bitcast %and3A_1688 : vector<16xi32> to vector<16xf32>
        %get3A_1690 = arith.index_cast %add3A_1669 : i32 to index
        %get3A_1691 = arith.constant 0 : index
        %get3A_1692 = tpu.vector_load %arg20[%get3A_1690, %get3A_1691] {strides = array<i32>} : memref<128x64xi32, #tpu.memory_space<vmem>>, vector<16xi32>,
        %shift_left3A_1693 = arith.constant 16 : i32
        %shift_left3A_1694 = vector.broadcast %shift_left3A_1693 : i32 to vector<16xi32>
        %shift_left3A_1695 = arith.shli %get3A_1692, %shift_left3A_1694 : vector<16xi32>
        %bitcast3A_1696 = vector.bitcast %shift_left3A_1695 : vector<16xi32> to vector<16xf32>
        %and3A_1697 = vector.broadcast %scan3A_522 : i32 to vector<16xi32>
        %and3A_1698 = arith.andi %get3A_1692, %and3A_1697 : vector<16xi32>
        %bitcast3A_1699 = vector.bitcast %and3A_1698 : vector<16xi32> to vector<16xf32>
        %add3A_1700 = arith.addf %bitcast3A_1676, %bitcast3A_1686 : vector<16xf32>
        %add3A_1701 = arith.addf %add3A_1700, %bitcast3A_1696 : vector<16xf32>
        %gt3A_1702 = arith.constant 0.000000e+00 : f32
        %gt3A_1703 = vector.broadcast %gt3A_1702 : f32 to vector<16xf32>
        %gt3A_1704 = arith.cmpf ogt, %add3A_1701, %gt3A_1703 : vector<16xf32>
        %exp3A_1705 = math.exp %add3A_1701 : vector<16xf32>
        %sub3A_1706 = arith.constant 1.000000e+00 : f32
        %sub3A_1707 = vector.broadcast %sub3A_1706 : f32 to vector<16xf32>
        %sub3A_1708 = arith.subf %exp3A_1705, %sub3A_1707 : vector<16xf32>
        %select_n3A_1709 = arith.select %gt3A_1704, %add3A_1701, %sub3A_1708 : vector<16xi1>, vector<16xf32>
        %add3A_1710 = arith.addf %add3A_1500, %select_n3A_1709 : vector<16xf32>
        %add3A_1711 = arith.addf %bitcast3A_1679, %bitcast3A_1689 : vector<16xf32>
        %add3A_1712 = arith.addf %add3A_1711, %bitcast3A_1699 : vector<16xf32>
        %gt3A_1713 = arith.constant 0.000000e+00 : f32
        %gt3A_1714 = vector.broadcast %gt3A_1713 : f32 to vector<16xf32>
        %gt3A_1715 = arith.cmpf ogt, %add3A_1712, %gt3A_1714 : vector<16xf32>
        %exp3A_1716 = math.exp %add3A_1712 : vector<16xf32>
        %sub3A_1717 = arith.constant 1.000000e+00 : f32
        %sub3A_1718 = vector.broadcast %sub3A_1717 : f32 to vector<16xf32>
        %sub3A_1719 = arith.subf %exp3A_1716, %sub3A_1718 : vector<16xf32>
        %select_n3A_1720 = arith.select %gt3A_1715, %add3A_1712, %sub3A_1719 : vector<16xi1>, vector<16xf32>
        %add3A_1721 = arith.addf %add3A_1511, %select_n3A_1720 : vector<16xf32>
        %get3A_1722 = arith.index_cast %add3A_1669 : i32 to index
        %get3A_1723 = arith.constant 16 : index
        %get3A_1724 = tpu.vector_load %arg16[%get3A_1722, %get3A_1723] {strides = array<i32>} : memref<128x64xi32, #tpu.memory_space<vmem>>, vector<16xi32>,
        %shift_left3A_1725 = arith.constant 16 : i32
        %shift_left3A_1726 = vector.broadcast %shift_left3A_1725 : i32 to vector<16xi32>
        %shift_left3A_1727 = arith.shli %get3A_1724, %shift_left3A_1726 : vector<16xi32>
        %bitcast3A_1728 = vector.bitcast %shift_left3A_1727 : vector<16xi32> to vector<16xf32>
        %and3A_1729 = vector.broadcast %scan3A_522 : i32 to vector<16xi32>
        %and3A_1730 = arith.andi %get3A_1724, %and3A_1729 : vector<16xi32>
        %bitcast3A_1731 = vector.bitcast %and3A_1730 : vector<16xi32> to vector<16xf32>
        %get3A_1732 = arith.index_cast %add3A_1669 : i32 to index
        %get3A_1733 = arith.constant 16 : index
        %get3A_1734 = tpu.vector_load %arg18[%get3A_1732, %get3A_1733] {strides = array<i32>} : memref<128x64xi32, #tpu.memory_space<vmem>>, vector<16xi32>,
        %shift_left3A_1735 = arith.constant 16 : i32
        %shift_left3A_1736 = vector.broadcast %shift_left3A_1735 : i32 to vector<16xi32>
        %shift_left3A_1737 = arith.shli %get3A_1734, %shift_left3A_1736 : vector<16xi32>
        %bitcast3A_1738 = vector.bitcast %shift_left3A_1737 : vector<16xi32> to vector<16xf32>
        %and3A_1739 = vector.broadcast %scan3A_522 : i32 to vector<16xi32>
        %and3A_1740 = arith.andi %get3A_1734, %and3A_1739 : vector<16xi32>
        %bitcast3A_1741 = vector.bitcast %and3A_1740 : vector<16xi32> to vector<16xf32>
        %get3A_1742 = arith.index_cast %add3A_1669 : i32 to index
        %get3A_1743 = arith.constant 16 : index
        %get3A_1744 = tpu.vector_load %arg20[%get3A_1742, %get3A_1743] {strides = array<i32>} : memref<128x64xi32, #tpu.memory_space<vmem>>, vector<16xi32>,
        %shift_left3A_1745 = arith.constant 16 : i32
        %shift_left3A_1746 = vector.broadcast %shift_left3A_1745 : i32 to vector<16xi32>
        %shift_left3A_1747 = arith.shli %get3A_1744, %shift_left3A_1746 : vector<16xi32>
        %bitcast3A_1748 = vector.bitcast %shift_left3A_1747 : vector<16xi32> to vector<16xf32>
        %and3A_1749 = vector.broadcast %scan3A_522 : i32 to vector<16xi32>
        %and3A_1750 = arith.andi %get3A_1744, %and3A_1749 : vector<16xi32>
        %bitcast3A_1751 = vector.bitcast %and3A_1750 : vector<16xi32> to vector<16xf32>
        %add3A_1752 = arith.addf %bitcast3A_1728, %bitcast3A_1738 : vector<16xf32>
        %add3A_1753 = arith.addf %add3A_1752, %bitcast3A_1748 : vector<16xf32>
        %gt3A_1754 = arith.constant 0.000000e+00 : f32
        %gt3A_1755 = vector.broadcast %gt3A_1754 : f32 to vector<16xf32>
        %gt3A_1756 = arith.cmpf ogt, %add3A_1753, %gt3A_1755 : vector<16xf32>
        %exp3A_1757 = math.exp %add3A_1753 : vector<16xf32>
        %sub3A_1758 = arith.constant 1.000000e+00 : f32
        %sub3A_1759 = vector.broadcast %sub3A_1758 : f32 to vector<16xf32>
        %sub3A_1760 = arith.subf %exp3A_1757, %sub3A_1759 : vector<16xf32>
        %select_n3A_1761 = arith.select %gt3A_1756, %add3A_1753, %sub3A_1760 : vector<16xi1>, vector<16xf32>
        %add3A_1762 = arith.addf %add3A_1552, %select_n3A_1761 : vector<16xf32>
        %add3A_1763 = arith.addf %bitcast3A_1731, %bitcast3A_1741 : vector<16xf32>
        %add3A_1764 = arith.addf %add3A_1763, %bitcast3A_1751 : vector<16xf32>
        %gt3A_1765 = arith.constant 0.000000e+00 : f32
        %gt3A_1766 = vector.broadcast %gt3A_1765 : f32 to vector<16xf32>
        %gt3A_1767 = arith.cmpf ogt, %add3A_1764, %gt3A_1766 : vector<16xf32>
        %exp3A_1768 = math.exp %add3A_1764 : vector<16xf32>
        %sub3A_1769 = arith.constant 1.000000e+00 : f32
        %sub3A_1770 = vector.broadcast %sub3A_1769 : f32 to vector<16xf32>
        %sub3A_1771 = arith.subf %exp3A_1768, %sub3A_1770 : vector<16xf32>
        %select_n3A_1772 = arith.select %gt3A_1767, %add3A_1764, %sub3A_1771 : vector<16xi1>, vector<16xf32>
        %add3A_1773 = arith.addf %add3A_1563, %select_n3A_1772 : vector<16xf32>
        %get3A_1774 = arith.index_cast %add3A_1669 : i32 to index
        %get3A_1775 = arith.constant 32 : index
        %get3A_1776 = tpu.vector_load %arg16[%get3A_1774, %get3A_1775] {strides = array<i32>} : memref<128x64xi32, #tpu.memory_space<vmem>>, vector<16xi32>,
        %shift_left3A_1777 = arith.constant 16 : i32
        %shift_left3A_1778 = vector.broadcast %shift_left3A_1777 : i32 to vector<16xi32>
        %shift_left3A_1779 = arith.shli %get3A_1776, %shift_left3A_1778 : vector<16xi32>
        %bitcast3A_1780 = vector.bitcast %shift_left3A_1779 : vector<16xi32> to vector<16xf32>
        %and3A_1781 = vector.broadcast %scan3A_522 : i32 to vector<16xi32>
        %and3A_1782 = arith.andi %get3A_1776, %and3A_1781 : vector<16xi32>
        %bitcast3A_1783 = vector.bitcast %and3A_1782 : vector<16xi32> to vector<16xf32>
        %get3A_1784 = arith.index_cast %add3A_1669 : i32 to index
        %get3A_1785 = arith.constant 32 : index
        %get3A_1786 = tpu.vector_load %arg18[%get3A_1784, %get3A_1785] {strides = array<i32>} : memref<128x64xi32, #tpu.memory_space<vmem>>, vector<16xi32>,
        %shift_left3A_1787 = arith.constant 16 : i32
        %shift_left3A_1788 = vector.broadcast %shift_left3A_1787 : i32 to vector<16xi32>
        %shift_left3A_1789 = arith.shli %get3A_1786, %shift_left3A_1788 : vector<16xi32>
        %bitcast3A_1790 = vector.bitcast %shift_left3A_1789 : vector<16xi32> to vector<16xf32>
        %and3A_1791 = vector.broadcast %scan3A_522 : i32 to vector<16xi32>
        %and3A_1792 = arith.andi %get3A_1786, %and3A_1791 : vector<16xi32>
        %bitcast3A_1793 = vector.bitcast %and3A_1792 : vector<16xi32> to vector<16xf32>
        %get3A_1794 = arith.index_cast %add3A_1669 : i32 to index
        %get3A_1795 = arith.constant 32 : index
        %get3A_1796 = tpu.vector_load %arg20[%get3A_1794, %get3A_1795] {strides = array<i32>} : memref<128x64xi32, #tpu.memory_space<vmem>>, vector<16xi32>,
        %shift_left3A_1797 = arith.constant 16 : i32
        %shift_left3A_1798 = vector.broadcast %shift_left3A_1797 : i32 to vector<16xi32>
        %shift_left3A_1799 = arith.shli %get3A_1796, %shift_left3A_1798 : vector<16xi32>
        %bitcast3A_1800 = vector.bitcast %shift_left3A_1799 : vector<16xi32> to vector<16xf32>
        %and3A_1801 = vector.broadcast %scan3A_522 : i32 to vector<16xi32>
        %and3A_1802 = arith.andi %get3A_1796, %and3A_1801 : vector<16xi32>
        %bitcast3A_1803 = vector.bitcast %and3A_1802 : vector<16xi32> to vector<16xf32>
        %add3A_1804 = arith.addf %bitcast3A_1780, %bitcast3A_1790 : vector<16xf32>
        %add3A_1805 = arith.addf %add3A_1804, %bitcast3A_1800 : vector<16xf32>
        %gt3A_1806 = arith.constant 0.000000e+00 : f32
        %gt3A_1807 = vector.broadcast %gt3A_1806 : f32 to vector<16xf32>
        %gt3A_1808 = arith.cmpf ogt, %add3A_1805, %gt3A_1807 : vector<16xf32>
        %exp3A_1809 = math.exp %add3A_1805 : vector<16xf32>
        %sub3A_1810 = arith.constant 1.000000e+00 : f32
        %sub3A_1811 = vector.broadcast %sub3A_1810 : f32 to vector<16xf32>
        %sub3A_1812 = arith.subf %exp3A_1809, %sub3A_1811 : vector<16xf32>
        %select_n3A_1813 = arith.select %gt3A_1808, %add3A_1805, %sub3A_1812 : vector<16xi1>, vector<16xf32>
        %add3A_1814 = arith.addf %add3A_1604, %select_n3A_1813 : vector<16xf32>
        %add3A_1815 = arith.addf %bitcast3A_1783, %bitcast3A_1793 : vector<16xf32>
        %add3A_1816 = arith.addf %add3A_1815, %bitcast3A_1803 : vector<16xf32>
        %gt3A_1817 = arith.constant 0.000000e+00 : f32
        %gt3A_1818 = vector.broadcast %gt3A_1817 : f32 to vector<16xf32>
        %gt3A_1819 = arith.cmpf ogt, %add3A_1816, %gt3A_1818 : vector<16xf32>
        %exp3A_1820 = math.exp %add3A_1816 : vector<16xf32>
        %sub3A_1821 = arith.constant 1.000000e+00 : f32
        %sub3A_1822 = vector.broadcast %sub3A_1821 : f32 to vector<16xf32>
        %sub3A_1823 = arith.subf %exp3A_1820, %sub3A_1822 : vector<16xf32>
        %select_n3A_1824 = arith.select %gt3A_1819, %add3A_1816, %sub3A_1823 : vector<16xi1>, vector<16xf32>
        %add3A_1825 = arith.addf %add3A_1615, %select_n3A_1824 : vector<16xf32>
        %get3A_1826 = arith.index_cast %add3A_1669 : i32 to index
        %get3A_1827 = arith.constant 48 : index
        %get3A_1828 = tpu.vector_load %arg16[%get3A_1826, %get3A_1827] {strides = array<i32>} : memref<128x64xi32, #tpu.memory_space<vmem>>, vector<16xi32>,
        %shift_left3A_1829 = arith.constant 16 : i32
        %shift_left3A_1830 = vector.broadcast %shift_left3A_1829 : i32 to vector<16xi32>
        %shift_left3A_1831 = arith.shli %get3A_1828, %shift_left3A_1830 : vector<16xi32>
        %bitcast3A_1832 = vector.bitcast %shift_left3A_1831 : vector<16xi32> to vector<16xf32>
        %and3A_1833 = vector.broadcast %scan3A_522 : i32 to vector<16xi32>
        %and3A_1834 = arith.andi %get3A_1828, %and3A_1833 : vector<16xi32>
        %bitcast3A_1835 = vector.bitcast %and3A_1834 : vector<16xi32> to vector<16xf32>
        %get3A_1836 = arith.index_cast %add3A_1669 : i32 to index
        %get3A_1837 = arith.constant 48 : index
        %get3A_1838 = tpu.vector_load %arg18[%get3A_1836, %get3A_1837] {strides = array<i32>} : memref<128x64xi32, #tpu.memory_space<vmem>>, vector<16xi32>,
        %shift_left3A_1839 = arith.constant 16 : i32
        %shift_left3A_1840 = vector.broadcast %shift_left3A_1839 : i32 to vector<16xi32>
        %shift_left3A_1841 = arith.shli %get3A_1838, %shift_left3A_1840 : vector<16xi32>
        %bitcast3A_1842 = vector.bitcast %shift_left3A_1841 : vector<16xi32> to vector<16xf32>
        %and3A_1843 = vector.broadcast %scan3A_522 : i32 to vector<16xi32>
        %and3A_1844 = arith.andi %get3A_1838, %and3A_1843 : vector<16xi32>
        %bitcast3A_1845 = vector.bitcast %and3A_1844 : vector<16xi32> to vector<16xf32>
        %get3A_1846 = arith.index_cast %add3A_1669 : i32 to index
        %get3A_1847 = arith.constant 48 : index
        %get3A_1848 = tpu.vector_load %arg20[%get3A_1846, %get3A_1847] {strides = array<i32>} : memref<128x64xi32, #tpu.memory_space<vmem>>, vector<16xi32>,
        %shift_left3A_1849 = arith.constant 16 : i32
        %shift_left3A_1850 = vector.broadcast %shift_left3A_1849 : i32 to vector<16xi32>
        %shift_left3A_1851 = arith.shli %get3A_1848, %shift_left3A_1850 : vector<16xi32>
        %bitcast3A_1852 = vector.bitcast %shift_left3A_1851 : vector<16xi32> to vector<16xf32>
        %and3A_1853 = vector.broadcast %scan3A_522 : i32 to vector<16xi32>
        %and3A_1854 = arith.andi %get3A_1848, %and3A_1853 : vector<16xi32>
        %bitcast3A_1855 = vector.bitcast %and3A_1854 : vector<16xi32> to vector<16xf32>
        %add3A_1856 = arith.addf %bitcast3A_1832, %bitcast3A_1842 : vector<16xf32>
        %add3A_1857 = arith.addf %add3A_1856, %bitcast3A_1852 : vector<16xf32>
        %gt3A_1858 = arith.constant 0.000000e+00 : f32
        %gt3A_1859 = vector.broadcast %gt3A_1858 : f32 to vector<16xf32>
        %gt3A_1860 = arith.cmpf ogt, %add3A_1857, %gt3A_1859 : vector<16xf32>
        %exp3A_1861 = math.exp %add3A_1857 : vector<16xf32>
        %sub3A_1862 = arith.constant 1.000000e+00 : f32
        %sub3A_1863 = vector.broadcast %sub3A_1862 : f32 to vector<16xf32>
        %sub3A_1864 = arith.subf %exp3A_1861, %sub3A_1863 : vector<16xf32>
        %select_n3A_1865 = arith.select %gt3A_1860, %add3A_1857, %sub3A_1864 : vector<16xi1>, vector<16xf32>
        %add3A_1866 = arith.addf %add3A_1656, %select_n3A_1865 : vector<16xf32>
        %add3A_1867 = arith.addf %bitcast3A_1835, %bitcast3A_1845 : vector<16xf32>
        %add3A_1868 = arith.addf %add3A_1867, %bitcast3A_1855 : vector<16xf32>
        %gt3A_1869 = arith.constant 0.000000e+00 : f32
        %gt3A_1870 = vector.broadcast %gt3A_1869 : f32 to vector<16xf32>
        %gt3A_1871 = arith.cmpf ogt, %add3A_1868, %gt3A_1870 : vector<16xf32>
        %exp3A_1872 = math.exp %add3A_1868 : vector<16xf32>
        %sub3A_1873 = arith.constant 1.000000e+00 : f32
        %sub3A_1874 = vector.broadcast %sub3A_1873 : f32 to vector<16xf32>
        %sub3A_1875 = arith.subf %exp3A_1872, %sub3A_1874 : vector<16xf32>
        %select_n3A_1876 = arith.select %gt3A_1871, %add3A_1868, %sub3A_1875 : vector<16xi1>, vector<16xf32>
        %add3A_1877 = arith.addf %add3A_1667, %select_n3A_1876 : vector<16xf32>
        %add3A_1878 = arith.constant 6 : i32
        %add3A_1879 = arith.addi %mul3A_608, %add3A_1878 : i32
        %get3A_1880 = arith.index_cast %add3A_1879 : i32 to index
        %get3A_1881 = arith.constant 0 : index
        %get3A_1882 = tpu.vector_load %arg16[%get3A_1880, %get3A_1881] {strides = array<i32>} : memref<128x64xi32, #tpu.memory_space<vmem>>, vector<16xi32>,
        %shift_left3A_1883 = arith.constant 16 : i32
        %shift_left3A_1884 = vector.broadcast %shift_left3A_1883 : i32 to vector<16xi32>
        %shift_left3A_1885 = arith.shli %get3A_1882, %shift_left3A_1884 : vector<16xi32>
        %bitcast3A_1886 = vector.bitcast %shift_left3A_1885 : vector<16xi32> to vector<16xf32>
        %and3A_1887 = vector.broadcast %scan3A_522 : i32 to vector<16xi32>
        %and3A_1888 = arith.andi %get3A_1882, %and3A_1887 : vector<16xi32>
        %bitcast3A_1889 = vector.bitcast %and3A_1888 : vector<16xi32> to vector<16xf32>
        %get3A_1890 = arith.index_cast %add3A_1879 : i32 to index
        %get3A_1891 = arith.constant 0 : index
        %get3A_1892 = tpu.vector_load %arg18[%get3A_1890, %get3A_1891] {strides = array<i32>} : memref<128x64xi32, #tpu.memory_space<vmem>>, vector<16xi32>,
        %shift_left3A_1893 = arith.constant 16 : i32
        %shift_left3A_1894 = vector.broadcast %shift_left3A_1893 : i32 to vector<16xi32>
        %shift_left3A_1895 = arith.shli %get3A_1892, %shift_left3A_1894 : vector<16xi32>
        %bitcast3A_1896 = vector.bitcast %shift_left3A_1895 : vector<16xi32> to vector<16xf32>
        %and3A_1897 = vector.broadcast %scan3A_522 : i32 to vector<16xi32>
        %and3A_1898 = arith.andi %get3A_1892, %and3A_1897 : vector<16xi32>
        %bitcast3A_1899 = vector.bitcast %and3A_1898 : vector<16xi32> to vector<16xf32>
        %get3A_1900 = arith.index_cast %add3A_1879 : i32 to index
        %get3A_1901 = arith.constant 0 : index
        %get3A_1902 = tpu.vector_load %arg20[%get3A_1900, %get3A_1901] {strides = array<i32>} : memref<128x64xi32, #tpu.memory_space<vmem>>, vector<16xi32>,
        %shift_left3A_1903 = arith.constant 16 : i32
        %shift_left3A_1904 = vector.broadcast %shift_left3A_1903 : i32 to vector<16xi32>
        %shift_left3A_1905 = arith.shli %get3A_1902, %shift_left3A_1904 : vector<16xi32>
        %bitcast3A_1906 = vector.bitcast %shift_left3A_1905 : vector<16xi32> to vector<16xf32>
        %and3A_1907 = vector.broadcast %scan3A_522 : i32 to vector<16xi32>
        %and3A_1908 = arith.andi %get3A_1902, %and3A_1907 : vector<16xi32>
        %bitcast3A_1909 = vector.bitcast %and3A_1908 : vector<16xi32> to vector<16xf32>
        %add3A_1910 = arith.addf %bitcast3A_1886, %bitcast3A_1896 : vector<16xf32>
        %add3A_1911 = arith.addf %add3A_1910, %bitcast3A_1906 : vector<16xf32>
        %gt3A_1912 = arith.constant 0.000000e+00 : f32
        %gt3A_1913 = vector.broadcast %gt3A_1912 : f32 to vector<16xf32>
        %gt3A_1914 = arith.cmpf ogt, %add3A_1911, %gt3A_1913 : vector<16xf32>
        %exp3A_1915 = math.exp %add3A_1911 : vector<16xf32>
        %sub3A_1916 = arith.constant 1.000000e+00 : f32
        %sub3A_1917 = vector.broadcast %sub3A_1916 : f32 to vector<16xf32>
        %sub3A_1918 = arith.subf %exp3A_1915, %sub3A_1917 : vector<16xf32>
        %select_n3A_1919 = arith.select %gt3A_1914, %add3A_1911, %sub3A_1918 : vector<16xi1>, vector<16xf32>
        %add3A_1920 = arith.addf %add3A_1710, %select_n3A_1919 : vector<16xf32>
        %add3A_1921 = arith.addf %bitcast3A_1889, %bitcast3A_1899 : vector<16xf32>
        %add3A_1922 = arith.addf %add3A_1921, %bitcast3A_1909 : vector<16xf32>
        %gt3A_1923 = arith.constant 0.000000e+00 : f32
        %gt3A_1924 = vector.broadcast %gt3A_1923 : f32 to vector<16xf32>
        %gt3A_1925 = arith.cmpf ogt, %add3A_1922, %gt3A_1924 : vector<16xf32>
        %exp3A_1926 = math.exp %add3A_1922 : vector<16xf32>
        %sub3A_1927 = arith.constant 1.000000e+00 : f32
        %sub3A_1928 = vector.broadcast %sub3A_1927 : f32 to vector<16xf32>
        %sub3A_1929 = arith.subf %exp3A_1926, %sub3A_1928 : vector<16xf32>
        %select_n3A_1930 = arith.select %gt3A_1925, %add3A_1922, %sub3A_1929 : vector<16xi1>, vector<16xf32>
        %add3A_1931 = arith.addf %add3A_1721, %select_n3A_1930 : vector<16xf32>
        %get3A_1932 = arith.index_cast %add3A_1879 : i32 to index
        %get3A_1933 = arith.constant 16 : index
        %get3A_1934 = tpu.vector_load %arg16[%get3A_1932, %get3A_1933] {strides = array<i32>} : memref<128x64xi32, #tpu.memory_space<vmem>>, vector<16xi32>,
        %shift_left3A_1935 = arith.constant 16 : i32
        %shift_left3A_1936 = vector.broadcast %shift_left3A_1935 : i32 to vector<16xi32>
        %shift_left3A_1937 = arith.shli %get3A_1934, %shift_left3A_1936 : vector<16xi32>
        %bitcast3A_1938 = vector.bitcast %shift_left3A_1937 : vector<16xi32> to vector<16xf32>
        %and3A_1939 = vector.broadcast %scan3A_522 : i32 to vector<16xi32>
        %and3A_1940 = arith.andi %get3A_1934, %and3A_1939 : vector<16xi32>
        %bitcast3A_1941 = vector.bitcast %and3A_1940 : vector<16xi32> to vector<16xf32>
        %get3A_1942 = arith.index_cast %add3A_1879 : i32 to index
        %get3A_1943 = arith.constant 16 : index
        %get3A_1944 = tpu.vector_load %arg18[%get3A_1942, %get3A_1943] {strides = array<i32>} : memref<128x64xi32, #tpu.memory_space<vmem>>, vector<16xi32>,
        %shift_left3A_1945 = arith.constant 16 : i32
        %shift_left3A_1946 = vector.broadcast %shift_left3A_1945 : i32 to vector<16xi32>
        %shift_left3A_1947 = arith.shli %get3A_1944, %shift_left3A_1946 : vector<16xi32>
        %bitcast3A_1948 = vector.bitcast %shift_left3A_1947 : vector<16xi32> to vector<16xf32>
        %and3A_1949 = vector.broadcast %scan3A_522 : i32 to vector<16xi32>
        %and3A_1950 = arith.andi %get3A_1944, %and3A_1949 : vector<16xi32>
        %bitcast3A_1951 = vector.bitcast %and3A_1950 : vector<16xi32> to vector<16xf32>
        %get3A_1952 = arith.index_cast %add3A_1879 : i32 to index
        %get3A_1953 = arith.constant 16 : index
        %get3A_1954 = tpu.vector_load %arg20[%get3A_1952, %get3A_1953] {strides = array<i32>} : memref<128x64xi32, #tpu.memory_space<vmem>>, vector<16xi32>,
        %shift_left3A_1955 = arith.constant 16 : i32
        %shift_left3A_1956 = vector.broadcast %shift_left3A_1955 : i32 to vector<16xi32>
        %shift_left3A_1957 = arith.shli %get3A_1954, %shift_left3A_1956 : vector<16xi32>
        %bitcast3A_1958 = vector.bitcast %shift_left3A_1957 : vector<16xi32> to vector<16xf32>
        %and3A_1959 = vector.broadcast %scan3A_522 : i32 to vector<16xi32>
        %and3A_1960 = arith.andi %get3A_1954, %and3A_1959 : vector<16xi32>
        %bitcast3A_1961 = vector.bitcast %and3A_1960 : vector<16xi32> to vector<16xf32>
        %add3A_1962 = arith.addf %bitcast3A_1938, %bitcast3A_1948 : vector<16xf32>
        %add3A_1963 = arith.addf %add3A_1962, %bitcast3A_1958 : vector<16xf32>
        %gt3A_1964 = arith.constant 0.000000e+00 : f32
        %gt3A_1965 = vector.broadcast %gt3A_1964 : f32 to vector<16xf32>
        %gt3A_1966 = arith.cmpf ogt, %add3A_1963, %gt3A_1965 : vector<16xf32>
        %exp3A_1967 = math.exp %add3A_1963 : vector<16xf32>
        %sub3A_1968 = arith.constant 1.000000e+00 : f32
        %sub3A_1969 = vector.broadcast %sub3A_1968 : f32 to vector<16xf32>
        %sub3A_1970 = arith.subf %exp3A_1967, %sub3A_1969 : vector<16xf32>
        %select_n3A_1971 = arith.select %gt3A_1966, %add3A_1963, %sub3A_1970 : vector<16xi1>, vector<16xf32>
        %add3A_1972 = arith.addf %add3A_1762, %select_n3A_1971 : vector<16xf32>
        %add3A_1973 = arith.addf %bitcast3A_1941, %bitcast3A_1951 : vector<16xf32>
        %add3A_1974 = arith.addf %add3A_1973, %bitcast3A_1961 : vector<16xf32>
        %gt3A_1975 = arith.constant 0.000000e+00 : f32
        %gt3A_1976 = vector.broadcast %gt3A_1975 : f32 to vector<16xf32>
        %gt3A_1977 = arith.cmpf ogt, %add3A_1974, %gt3A_1976 : vector<16xf32>
        %exp3A_1978 = math.exp %add3A_1974 : vector<16xf32>
        %sub3A_1979 = arith.constant 1.000000e+00 : f32
        %sub3A_1980 = vector.broadcast %sub3A_1979 : f32 to vector<16xf32>
        %sub3A_1981 = arith.subf %exp3A_1978, %sub3A_1980 : vector<16xf32>
        %select_n3A_1982 = arith.select %gt3A_1977, %add3A_1974, %sub3A_1981 : vector<16xi1>, vector<16xf32>
        %add3A_1983 = arith.addf %add3A_1773, %select_n3A_1982 : vector<16xf32>
        %get3A_1984 = arith.index_cast %add3A_1879 : i32 to index
        %get3A_1985 = arith.constant 32 : index
        %get3A_1986 = tpu.vector_load %arg16[%get3A_1984, %get3A_1985] {strides = array<i32>} : memref<128x64xi32, #tpu.memory_space<vmem>>, vector<16xi32>,
        %shift_left3A_1987 = arith.constant 16 : i32
        %shift_left3A_1988 = vector.broadcast %shift_left3A_1987 : i32 to vector<16xi32>
        %shift_left3A_1989 = arith.shli %get3A_1986, %shift_left3A_1988 : vector<16xi32>
        %bitcast3A_1990 = vector.bitcast %shift_left3A_1989 : vector<16xi32> to vector<16xf32>
        %and3A_1991 = vector.broadcast %scan3A_522 : i32 to vector<16xi32>
        %and3A_1992 = arith.andi %get3A_1986, %and3A_1991 : vector<16xi32>
        %bitcast3A_1993 = vector.bitcast %and3A_1992 : vector<16xi32> to vector<16xf32>
        %get3A_1994 = arith.index_cast %add3A_1879 : i32 to index
        %get3A_1995 = arith.constant 32 : index
        %get3A_1996 = tpu.vector_load %arg18[%get3A_1994, %get3A_1995] {strides = array<i32>} : memref<128x64xi32, #tpu.memory_space<vmem>>, vector<16xi32>,
        %shift_left3A_1997 = arith.constant 16 : i32
        %shift_left3A_1998 = vector.broadcast %shift_left3A_1997 : i32 to vector<16xi32>
        %shift_left3A_1999 = arith.shli %get3A_1996, %shift_left3A_1998 : vector<16xi32>
        %bitcast3A_2000 = vector.bitcast %shift_left3A_1999 : vector<16xi32> to vector<16xf32>
        %and3A_2001 = vector.broadcast %scan3A_522 : i32 to vector<16xi32>
        %and3A_2002 = arith.andi %get3A_1996, %and3A_2001 : vector<16xi32>
        %bitcast3A_2003 = vector.bitcast %and3A_2002 : vector<16xi32> to vector<16xf32>
        %get3A_2004 = arith.index_cast %add3A_1879 : i32 to index
        %get3A_2005 = arith.constant 32 : index
        %get3A_2006 = tpu.vector_load %arg20[%get3A_2004, %get3A_2005] {strides = array<i32>} : memref<128x64xi32, #tpu.memory_space<vmem>>, vector<16xi32>,
        %shift_left3A_2007 = arith.constant 16 : i32
        %shift_left3A_2008 = vector.broadcast %shift_left3A_2007 : i32 to vector<16xi32>
        %shift_left3A_2009 = arith.shli %get3A_2006, %shift_left3A_2008 : vector<16xi32>
        %bitcast3A_2010 = vector.bitcast %shift_left3A_2009 : vector<16xi32> to vector<16xf32>
        %and3A_2011 = vector.broadcast %scan3A_522 : i32 to vector<16xi32>
        %and3A_2012 = arith.andi %get3A_2006, %and3A_2011 : vector<16xi32>
        %bitcast3A_2013 = vector.bitcast %and3A_2012 : vector<16xi32> to vector<16xf32>
        %add3A_2014 = arith.addf %bitcast3A_1990, %bitcast3A_2000 : vector<16xf32>
        %add3A_2015 = arith.addf %add3A_2014, %bitcast3A_2010 : vector<16xf32>
        %gt3A_2016 = arith.constant 0.000000e+00 : f32
        %gt3A_2017 = vector.broadcast %gt3A_2016 : f32 to vector<16xf32>
        %gt3A_2018 = arith.cmpf ogt, %add3A_2015, %gt3A_2017 : vector<16xf32>
        %exp3A_2019 = math.exp %add3A_2015 : vector<16xf32>
        %sub3A_2020 = arith.constant 1.000000e+00 : f32
        %sub3A_2021 = vector.broadcast %sub3A_2020 : f32 to vector<16xf32>
        %sub3A_2022 = arith.subf %exp3A_2019, %sub3A_2021 : vector<16xf32>
        %select_n3A_2023 = arith.select %gt3A_2018, %add3A_2015, %sub3A_2022 : vector<16xi1>, vector<16xf32>
        %add3A_2024 = arith.addf %add3A_1814, %select_n3A_2023 : vector<16xf32>
        %add3A_2025 = arith.addf %bitcast3A_1993, %bitcast3A_2003 : vector<16xf32>
        %add3A_2026 = arith.addf %add3A_2025, %bitcast3A_2013 : vector<16xf32>
        %gt3A_2027 = arith.constant 0.000000e+00 : f32
        %gt3A_2028 = vector.broadcast %gt3A_2027 : f32 to vector<16xf32>
        %gt3A_2029 = arith.cmpf ogt, %add3A_2026, %gt3A_2028 : vector<16xf32>
        %exp3A_2030 = math.exp %add3A_2026 : vector<16xf32>
        %sub3A_2031 = arith.constant 1.000000e+00 : f32
        %sub3A_2032 = vector.broadcast %sub3A_2031 : f32 to vector<16xf32>
        %sub3A_2033 = arith.subf %exp3A_2030, %sub3A_2032 : vector<16xf32>
        %select_n3A_2034 = arith.select %gt3A_2029, %add3A_2026, %sub3A_2033 : vector<16xi1>, vector<16xf32>
        %add3A_2035 = arith.addf %add3A_1825, %select_n3A_2034 : vector<16xf32>
        %get3A_2036 = arith.index_cast %add3A_1879 : i32 to index
        %get3A_2037 = arith.constant 48 : index
        %get3A_2038 = tpu.vector_load %arg16[%get3A_2036, %get3A_2037] {strides = array<i32>} : memref<128x64xi32, #tpu.memory_space<vmem>>, vector<16xi32>,
        %shift_left3A_2039 = arith.constant 16 : i32
        %shift_left3A_2040 = vector.broadcast %shift_left3A_2039 : i32 to vector<16xi32>
        %shift_left3A_2041 = arith.shli %get3A_2038, %shift_left3A_2040 : vector<16xi32>
        %bitcast3A_2042 = vector.bitcast %shift_left3A_2041 : vector<16xi32> to vector<16xf32>
        %and3A_2043 = vector.broadcast %scan3A_522 : i32 to vector<16xi32>
        %and3A_2044 = arith.andi %get3A_2038, %and3A_2043 : vector<16xi32>
        %bitcast3A_2045 = vector.bitcast %and3A_2044 : vector<16xi32> to vector<16xf32>
        %get3A_2046 = arith.index_cast %add3A_1879 : i32 to index
        %get3A_2047 = arith.constant 48 : index
        %get3A_2048 = tpu.vector_load %arg18[%get3A_2046, %get3A_2047] {strides = array<i32>} : memref<128x64xi32, #tpu.memory_space<vmem>>, vector<16xi32>,
        %shift_left3A_2049 = arith.constant 16 : i32
        %shift_left3A_2050 = vector.broadcast %shift_left3A_2049 : i32 to vector<16xi32>
        %shift_left3A_2051 = arith.shli %get3A_2048, %shift_left3A_2050 : vector<16xi32>
        %bitcast3A_2052 = vector.bitcast %shift_left3A_2051 : vector<16xi32> to vector<16xf32>
        %and3A_2053 = vector.broadcast %scan3A_522 : i32 to vector<16xi32>
        %and3A_2054 = arith.andi %get3A_2048, %and3A_2053 : vector<16xi32>
        %bitcast3A_2055 = vector.bitcast %and3A_2054 : vector<16xi32> to vector<16xf32>
        %get3A_2056 = arith.index_cast %add3A_1879 : i32 to index
        %get3A_2057 = arith.constant 48 : index
        %get3A_2058 = tpu.vector_load %arg20[%get3A_2056, %get3A_2057] {strides = array<i32>} : memref<128x64xi32, #tpu.memory_space<vmem>>, vector<16xi32>,
        %shift_left3A_2059 = arith.constant 16 : i32
        %shift_left3A_2060 = vector.broadcast %shift_left3A_2059 : i32 to vector<16xi32>
        %shift_left3A_2061 = arith.shli %get3A_2058, %shift_left3A_2060 : vector<16xi32>
        %bitcast3A_2062 = vector.bitcast %shift_left3A_2061 : vector<16xi32> to vector<16xf32>
        %and3A_2063 = vector.broadcast %scan3A_522 : i32 to vector<16xi32>
        %and3A_2064 = arith.andi %get3A_2058, %and3A_2063 : vector<16xi32>
        %bitcast3A_2065 = vector.bitcast %and3A_2064 : vector<16xi32> to vector<16xf32>
        %add3A_2066 = arith.addf %bitcast3A_2042, %bitcast3A_2052 : vector<16xf32>
        %add3A_2067 = arith.addf %add3A_2066, %bitcast3A_2062 : vector<16xf32>
        %gt3A_2068 = arith.constant 0.000000e+00 : f32
        %gt3A_2069 = vector.broadcast %gt3A_2068 : f32 to vector<16xf32>
        %gt3A_2070 = arith.cmpf ogt, %add3A_2067, %gt3A_2069 : vector<16xf32>
        %exp3A_2071 = math.exp %add3A_2067 : vector<16xf32>
        %sub3A_2072 = arith.constant 1.000000e+00 : f32
        %sub3A_2073 = vector.broadcast %sub3A_2072 : f32 to vector<16xf32>
        %sub3A_2074 = arith.subf %exp3A_2071, %sub3A_2073 : vector<16xf32>
        %select_n3A_2075 = arith.select %gt3A_2070, %add3A_2067, %sub3A_2074 : vector<16xi1>, vector<16xf32>
        %add3A_2076 = arith.addf %add3A_1866, %select_n3A_2075 : vector<16xf32>
        %add3A_2077 = arith.addf %bitcast3A_2045, %bitcast3A_2055 : vector<16xf32>
        %add3A_2078 = arith.addf %add3A_2077, %bitcast3A_2065 : vector<16xf32>
        %gt3A_2079 = arith.constant 0.000000e+00 : f32
        %gt3A_2080 = vector.broadcast %gt3A_2079 : f32 to vector<16xf32>
        %gt3A_2081 = arith.cmpf ogt, %add3A_2078, %gt3A_2080 : vector<16xf32>
        %exp3A_2082 = math.exp %add3A_2078 : vector<16xf32>
        %sub3A_2083 = arith.constant 1.000000e+00 : f32
        %sub3A_2084 = vector.broadcast %sub3A_2083 : f32 to vector<16xf32>
        %sub3A_2085 = arith.subf %exp3A_2082, %sub3A_2084 : vector<16xf32>
        %select_n3A_2086 = arith.select %gt3A_2081, %add3A_2078, %sub3A_2085 : vector<16xi1>, vector<16xf32>
        %add3A_2087 = arith.addf %add3A_1877, %select_n3A_2086 : vector<16xf32>
        %add3A_2088 = arith.constant 7 : i32
        %add3A_2089 = arith.addi %mul3A_608, %add3A_2088 : i32
        %get3A_2090 = arith.index_cast %add3A_2089 : i32 to index
        %get3A_2091 = arith.constant 0 : index
        %get3A_2092 = tpu.vector_load %arg16[%get3A_2090, %get3A_2091] {strides = array<i32>} : memref<128x64xi32, #tpu.memory_space<vmem>>, vector<16xi32>,
        %shift_left3A_2093 = arith.constant 16 : i32
        %shift_left3A_2094 = vector.broadcast %shift_left3A_2093 : i32 to vector<16xi32>
        %shift_left3A_2095 = arith.shli %get3A_2092, %shift_left3A_2094 : vector<16xi32>
        %bitcast3A_2096 = vector.bitcast %shift_left3A_2095 : vector<16xi32> to vector<16xf32>
        %and3A_2097 = vector.broadcast %scan3A_522 : i32 to vector<16xi32>
        %and3A_2098 = arith.andi %get3A_2092, %and3A_2097 : vector<16xi32>
        %bitcast3A_2099 = vector.bitcast %and3A_2098 : vector<16xi32> to vector<16xf32>
        %get3A_2100 = arith.index_cast %add3A_2089 : i32 to index
        %get3A_2101 = arith.constant 0 : index
        %get3A_2102 = tpu.vector_load %arg18[%get3A_2100, %get3A_2101] {strides = array<i32>} : memref<128x64xi32, #tpu.memory_space<vmem>>, vector<16xi32>,
        %shift_left3A_2103 = arith.constant 16 : i32
        %shift_left3A_2104 = vector.broadcast %shift_left3A_2103 : i32 to vector<16xi32>
        %shift_left3A_2105 = arith.shli %get3A_2102, %shift_left3A_2104 : vector<16xi32>
        %bitcast3A_2106 = vector.bitcast %shift_left3A_2105 : vector<16xi32> to vector<16xf32>
        %and3A_2107 = vector.broadcast %scan3A_522 : i32 to vector<16xi32>
        %and3A_2108 = arith.andi %get3A_2102, %and3A_2107 : vector<16xi32>
        %bitcast3A_2109 = vector.bitcast %and3A_2108 : vector<16xi32> to vector<16xf32>
        %get3A_2110 = arith.index_cast %add3A_2089 : i32 to index
        %get3A_2111 = arith.constant 0 : index
        %get3A_2112 = tpu.vector_load %arg20[%get3A_2110, %get3A_2111] {strides = array<i32>} : memref<128x64xi32, #tpu.memory_space<vmem>>, vector<16xi32>,
        %shift_left3A_2113 = arith.constant 16 : i32
        %shift_left3A_2114 = vector.broadcast %shift_left3A_2113 : i32 to vector<16xi32>
        %shift_left3A_2115 = arith.shli %get3A_2112, %shift_left3A_2114 : vector<16xi32>
        %bitcast3A_2116 = vector.bitcast %shift_left3A_2115 : vector<16xi32> to vector<16xf32>
        %and3A_2117 = vector.broadcast %scan3A_522 : i32 to vector<16xi32>
        %and3A_2118 = arith.andi %get3A_2112, %and3A_2117 : vector<16xi32>
        %bitcast3A_2119 = vector.bitcast %and3A_2118 : vector<16xi32> to vector<16xf32>
        %add3A_2120 = arith.addf %bitcast3A_2096, %bitcast3A_2106 : vector<16xf32>
        %add3A_2121 = arith.addf %add3A_2120, %bitcast3A_2116 : vector<16xf32>
        %gt3A_2122 = arith.constant 0.000000e+00 : f32
        %gt3A_2123 = vector.broadcast %gt3A_2122 : f32 to vector<16xf32>
        %gt3A_2124 = arith.cmpf ogt, %add3A_2121, %gt3A_2123 : vector<16xf32>
        %exp3A_2125 = math.exp %add3A_2121 : vector<16xf32>
        %sub3A_2126 = arith.constant 1.000000e+00 : f32
        %sub3A_2127 = vector.broadcast %sub3A_2126 : f32 to vector<16xf32>
        %sub3A_2128 = arith.subf %exp3A_2125, %sub3A_2127 : vector<16xf32>
        %select_n3A_2129 = arith.select %gt3A_2124, %add3A_2121, %sub3A_2128 : vector<16xi1>, vector<16xf32>
        %add3A_2130 = arith.addf %add3A_1920, %select_n3A_2129 : vector<16xf32>
        %add3A_2131 = arith.addf %bitcast3A_2099, %bitcast3A_2109 : vector<16xf32>
        %add3A_2132 = arith.addf %add3A_2131, %bitcast3A_2119 : vector<16xf32>
        %gt3A_2133 = arith.constant 0.000000e+00 : f32
        %gt3A_2134 = vector.broadcast %gt3A_2133 : f32 to vector<16xf32>
        %gt3A_2135 = arith.cmpf ogt, %add3A_2132, %gt3A_2134 : vector<16xf32>
        %exp3A_2136 = math.exp %add3A_2132 : vector<16xf32>
        %sub3A_2137 = arith.constant 1.000000e+00 : f32
        %sub3A_2138 = vector.broadcast %sub3A_2137 : f32 to vector<16xf32>
        %sub3A_2139 = arith.subf %exp3A_2136, %sub3A_2138 : vector<16xf32>
        %select_n3A_2140 = arith.select %gt3A_2135, %add3A_2132, %sub3A_2139 : vector<16xi1>, vector<16xf32>
        %add3A_2141 = arith.addf %add3A_1931, %select_n3A_2140 : vector<16xf32>
        %get3A_2142 = arith.index_cast %add3A_2089 : i32 to index
        %get3A_2143 = arith.constant 16 : index
        %get3A_2144 = tpu.vector_load %arg16[%get3A_2142, %get3A_2143] {strides = array<i32>} : memref<128x64xi32, #tpu.memory_space<vmem>>, vector<16xi32>,
        %shift_left3A_2145 = arith.constant 16 : i32
        %shift_left3A_2146 = vector.broadcast %shift_left3A_2145 : i32 to vector<16xi32>
        %shift_left3A_2147 = arith.shli %get3A_2144, %shift_left3A_2146 : vector<16xi32>
        %bitcast3A_2148 = vector.bitcast %shift_left3A_2147 : vector<16xi32> to vector<16xf32>
        %and3A_2149 = vector.broadcast %scan3A_522 : i32 to vector<16xi32>
        %and3A_2150 = arith.andi %get3A_2144, %and3A_2149 : vector<16xi32>
        %bitcast3A_2151 = vector.bitcast %and3A_2150 : vector<16xi32> to vector<16xf32>
        %get3A_2152 = arith.index_cast %add3A_2089 : i32 to index
        %get3A_2153 = arith.constant 16 : index
        %get3A_2154 = tpu.vector_load %arg18[%get3A_2152, %get3A_2153] {strides = array<i32>} : memref<128x64xi32, #tpu.memory_space<vmem>>, vector<16xi32>,
        %shift_left3A_2155 = arith.constant 16 : i32
        %shift_left3A_2156 = vector.broadcast %shift_left3A_2155 : i32 to vector<16xi32>
        %shift_left3A_2157 = arith.shli %get3A_2154, %shift_left3A_2156 : vector<16xi32>
        %bitcast3A_2158 = vector.bitcast %shift_left3A_2157 : vector<16xi32> to vector<16xf32>
        %and3A_2159 = vector.broadcast %scan3A_522 : i32 to vector<16xi32>
        %and3A_2160 = arith.andi %get3A_2154, %and3A_2159 : vector<16xi32>
        %bitcast3A_2161 = vector.bitcast %and3A_2160 : vector<16xi32> to vector<16xf32>
        %get3A_2162 = arith.index_cast %add3A_2089 : i32 to index
        %get3A_2163 = arith.constant 16 : index
        %get3A_2164 = tpu.vector_load %arg20[%get3A_2162, %get3A_2163] {strides = array<i32>} : memref<128x64xi32, #tpu.memory_space<vmem>>, vector<16xi32>,
        %shift_left3A_2165 = arith.constant 16 : i32
        %shift_left3A_2166 = vector.broadcast %shift_left3A_2165 : i32 to vector<16xi32>
        %shift_left3A_2167 = arith.shli %get3A_2164, %shift_left3A_2166 : vector<16xi32>
        %bitcast3A_2168 = vector.bitcast %shift_left3A_2167 : vector<16xi32> to vector<16xf32>
        %and3A_2169 = vector.broadcast %scan3A_522 : i32 to vector<16xi32>
        %and3A_2170 = arith.andi %get3A_2164, %and3A_2169 : vector<16xi32>
        %bitcast3A_2171 = vector.bitcast %and3A_2170 : vector<16xi32> to vector<16xf32>
        %add3A_2172 = arith.addf %bitcast3A_2148, %bitcast3A_2158 : vector<16xf32>
        %add3A_2173 = arith.addf %add3A_2172, %bitcast3A_2168 : vector<16xf32>
        %gt3A_2174 = arith.constant 0.000000e+00 : f32
        %gt3A_2175 = vector.broadcast %gt3A_2174 : f32 to vector<16xf32>
        %gt3A_2176 = arith.cmpf ogt, %add3A_2173, %gt3A_2175 : vector<16xf32>
        %exp3A_2177 = math.exp %add3A_2173 : vector<16xf32>
        %sub3A_2178 = arith.constant 1.000000e+00 : f32
        %sub3A_2179 = vector.broadcast %sub3A_2178 : f32 to vector<16xf32>
        %sub3A_2180 = arith.subf %exp3A_2177, %sub3A_2179 : vector<16xf32>
        %select_n3A_2181 = arith.select %gt3A_2176, %add3A_2173, %sub3A_2180 : vector<16xi1>, vector<16xf32>
        %add3A_2182 = arith.addf %add3A_1972, %select_n3A_2181 : vector<16xf32>
        %add3A_2183 = arith.addf %bitcast3A_2151, %bitcast3A_2161 : vector<16xf32>
        %add3A_2184 = arith.addf %add3A_2183, %bitcast3A_2171 : vector<16xf32>
        %gt3A_2185 = arith.constant 0.000000e+00 : f32
        %gt3A_2186 = vector.broadcast %gt3A_2185 : f32 to vector<16xf32>
        %gt3A_2187 = arith.cmpf ogt, %add3A_2184, %gt3A_2186 : vector<16xf32>
        %exp3A_2188 = math.exp %add3A_2184 : vector<16xf32>
        %sub3A_2189 = arith.constant 1.000000e+00 : f32
        %sub3A_2190 = vector.broadcast %sub3A_2189 : f32 to vector<16xf32>
        %sub3A_2191 = arith.subf %exp3A_2188, %sub3A_2190 : vector<16xf32>
        %select_n3A_2192 = arith.select %gt3A_2187, %add3A_2184, %sub3A_2191 : vector<16xi1>, vector<16xf32>
        %add3A_2193 = arith.addf %add3A_1983, %select_n3A_2192 : vector<16xf32>
        %get3A_2194 = arith.index_cast %add3A_2089 : i32 to index
        %get3A_2195 = arith.constant 32 : index
        %get3A_2196 = tpu.vector_load %arg16[%get3A_2194, %get3A_2195] {strides = array<i32>} : memref<128x64xi32, #tpu.memory_space<vmem>>, vector<16xi32>,
        %shift_left3A_2197 = arith.constant 16 : i32
        %shift_left3A_2198 = vector.broadcast %shift_left3A_2197 : i32 to vector<16xi32>
        %shift_left3A_2199 = arith.shli %get3A_2196, %shift_left3A_2198 : vector<16xi32>
        %bitcast3A_2200 = vector.bitcast %shift_left3A_2199 : vector<16xi32> to vector<16xf32>
        %and3A_2201 = vector.broadcast %scan3A_522 : i32 to vector<16xi32>
        %and3A_2202 = arith.andi %get3A_2196, %and3A_2201 : vector<16xi32>
        %bitcast3A_2203 = vector.bitcast %and3A_2202 : vector<16xi32> to vector<16xf32>
        %get3A_2204 = arith.index_cast %add3A_2089 : i32 to index
        %get3A_2205 = arith.constant 32 : index
        %get3A_2206 = tpu.vector_load %arg18[%get3A_2204, %get3A_2205] {strides = array<i32>} : memref<128x64xi32, #tpu.memory_space<vmem>>, vector<16xi32>,
        %shift_left3A_2207 = arith.constant 16 : i32
        %shift_left3A_2208 = vector.broadcast %shift_left3A_2207 : i32 to vector<16xi32>
        %shift_left3A_2209 = arith.shli %get3A_2206, %shift_left3A_2208 : vector<16xi32>
        %bitcast3A_2210 = vector.bitcast %shift_left3A_2209 : vector<16xi32> to vector<16xf32>
        %and3A_2211 = vector.broadcast %scan3A_522 : i32 to vector<16xi32>
        %and3A_2212 = arith.andi %get3A_2206, %and3A_2211 : vector<16xi32>
        %bitcast3A_2213 = vector.bitcast %and3A_2212 : vector<16xi32> to vector<16xf32>
        %get3A_2214 = arith.index_cast %add3A_2089 : i32 to index
        %get3A_2215 = arith.constant 32 : index
        %get3A_2216 = tpu.vector_load %arg20[%get3A_2214, %get3A_2215] {strides = array<i32>} : memref<128x64xi32, #tpu.memory_space<vmem>>, vector<16xi32>,
        %shift_left3A_2217 = arith.constant 16 : i32
        %shift_left3A_2218 = vector.broadcast %shift_left3A_2217 : i32 to vector<16xi32>
        %shift_left3A_2219 = arith.shli %get3A_2216, %shift_left3A_2218 : vector<16xi32>
        %bitcast3A_2220 = vector.bitcast %shift_left3A_2219 : vector<16xi32> to vector<16xf32>
        %and3A_2221 = vector.broadcast %scan3A_522 : i32 to vector<16xi32>
        %and3A_2222 = arith.andi %get3A_2216, %and3A_2221 : vector<16xi32>
        %bitcast3A_2223 = vector.bitcast %and3A_2222 : vector<16xi32> to vector<16xf32>
        %add3A_2224 = arith.addf %bitcast3A_2200, %bitcast3A_2210 : vector<16xf32>
        %add3A_2225 = arith.addf %add3A_2224, %bitcast3A_2220 : vector<16xf32>
        %gt3A_2226 = arith.constant 0.000000e+00 : f32
        %gt3A_2227 = vector.broadcast %gt3A_2226 : f32 to vector<16xf32>
        %gt3A_2228 = arith.cmpf ogt, %add3A_2225, %gt3A_2227 : vector<16xf32>
        %exp3A_2229 = math.exp %add3A_2225 : vector<16xf32>
        %sub3A_2230 = arith.constant 1.000000e+00 : f32
        %sub3A_2231 = vector.broadcast %sub3A_2230 : f32 to vector<16xf32>
        %sub3A_2232 = arith.subf %exp3A_2229, %sub3A_2231 : vector<16xf32>
        %select_n3A_2233 = arith.select %gt3A_2228, %add3A_2225, %sub3A_2232 : vector<16xi1>, vector<16xf32>
        %add3A_2234 = arith.addf %add3A_2024, %select_n3A_2233 : vector<16xf32>
        %add3A_2235 = arith.addf %bitcast3A_2203, %bitcast3A_2213 : vector<16xf32>
        %add3A_2236 = arith.addf %add3A_2235, %bitcast3A_2223 : vector<16xf32>
        %gt3A_2237 = arith.constant 0.000000e+00 : f32
        %gt3A_2238 = vector.broadcast %gt3A_2237 : f32 to vector<16xf32>
        %gt3A_2239 = arith.cmpf ogt, %add3A_2236, %gt3A_2238 : vector<16xf32>
        %exp3A_2240 = math.exp %add3A_2236 : vector<16xf32>
        %sub3A_2241 = arith.constant 1.000000e+00 : f32
        %sub3A_2242 = vector.broadcast %sub3A_2241 : f32 to vector<16xf32>
        %sub3A_2243 = arith.subf %exp3A_2240, %sub3A_2242 : vector<16xf32>
        %select_n3A_2244 = arith.select %gt3A_2239, %add3A_2236, %sub3A_2243 : vector<16xi1>, vector<16xf32>
        %add3A_2245 = arith.addf %add3A_2035, %select_n3A_2244 : vector<16xf32>
        %get3A_2246 = arith.index_cast %add3A_2089 : i32 to index
        %get3A_2247 = arith.constant 48 : index
        %get3A_2248 = tpu.vector_load %arg16[%get3A_2246, %get3A_2247] {strides = array<i32>} : memref<128x64xi32, #tpu.memory_space<vmem>>, vector<16xi32>,
        %shift_left3A_2249 = arith.constant 16 : i32
        %shift_left3A_2250 = vector.broadcast %shift_left3A_2249 : i32 to vector<16xi32>
        %shift_left3A_2251 = arith.shli %get3A_2248, %shift_left3A_2250 : vector<16xi32>
        %bitcast3A_2252 = vector.bitcast %shift_left3A_2251 : vector<16xi32> to vector<16xf32>
        %and3A_2253 = vector.broadcast %scan3A_522 : i32 to vector<16xi32>
        %and3A_2254 = arith.andi %get3A_2248, %and3A_2253 : vector<16xi32>
        %bitcast3A_2255 = vector.bitcast %and3A_2254 : vector<16xi32> to vector<16xf32>
        %get3A_2256 = arith.index_cast %add3A_2089 : i32 to index
        %get3A_2257 = arith.constant 48 : index
        %get3A_2258 = tpu.vector_load %arg18[%get3A_2256, %get3A_2257] {strides = array<i32>} : memref<128x64xi32, #tpu.memory_space<vmem>>, vector<16xi32>,
        %shift_left3A_2259 = arith.constant 16 : i32
        %shift_left3A_2260 = vector.broadcast %shift_left3A_2259 : i32 to vector<16xi32>
        %shift_left3A_2261 = arith.shli %get3A_2258, %shift_left3A_2260 : vector<16xi32>
        %bitcast3A_2262 = vector.bitcast %shift_left3A_2261 : vector<16xi32> to vector<16xf32>
        %and3A_2263 = vector.broadcast %scan3A_522 : i32 to vector<16xi32>
        %and3A_2264 = arith.andi %get3A_2258, %and3A_2263 : vector<16xi32>
        %bitcast3A_2265 = vector.bitcast %and3A_2264 : vector<16xi32> to vector<16xf32>
        %get3A_2266 = arith.index_cast %add3A_2089 : i32 to index
        %get3A_2267 = arith.constant 48 : index
        %get3A_2268 = tpu.vector_load %arg20[%get3A_2266, %get3A_2267] {strides = array<i32>} : memref<128x64xi32, #tpu.memory_space<vmem>>, vector<16xi32>,
        %shift_left3A_2269 = arith.constant 16 : i32
        %shift_left3A_2270 = vector.broadcast %shift_left3A_2269 : i32 to vector<16xi32>
        %shift_left3A_2271 = arith.shli %get3A_2268, %shift_left3A_2270 : vector<16xi32>
        %bitcast3A_2272 = vector.bitcast %shift_left3A_2271 : vector<16xi32> to vector<16xf32>
        %and3A_2273 = vector.broadcast %scan3A_522 : i32 to vector<16xi32>
        %and3A_2274 = arith.andi %get3A_2268, %and3A_2273 : vector<16xi32>
        %bitcast3A_2275 = vector.bitcast %and3A_2274 : vector<16xi32> to vector<16xf32>
        %add3A_2276 = arith.addf %bitcast3A_2252, %bitcast3A_2262 : vector<16xf32>
        %add3A_2277 = arith.addf %add3A_2276, %bitcast3A_2272 : vector<16xf32>
        %gt3A_2278 = arith.constant 0.000000e+00 : f32
        %gt3A_2279 = vector.broadcast %gt3A_2278 : f32 to vector<16xf32>
        %gt3A_2280 = arith.cmpf ogt, %add3A_2277, %gt3A_2279 : vector<16xf32>
        %exp3A_2281 = math.exp %add3A_2277 : vector<16xf32>
        %sub3A_2282 = arith.constant 1.000000e+00 : f32
        %sub3A_2283 = vector.broadcast %sub3A_2282 : f32 to vector<16xf32>
        %sub3A_2284 = arith.subf %exp3A_2281, %sub3A_2283 : vector<16xf32>
        %select_n3A_2285 = arith.select %gt3A_2280, %add3A_2277, %sub3A_2284 : vector<16xi1>, vector<16xf32>
        %add3A_2286 = arith.addf %add3A_2076, %select_n3A_2285 : vector<16xf32>
        %add3A_2287 = arith.addf %bitcast3A_2255, %bitcast3A_2265 : vector<16xf32>
        %add3A_2288 = arith.addf %add3A_2287, %bitcast3A_2275 : vector<16xf32>
        %gt3A_2289 = arith.constant 0.000000e+00 : f32
        %gt3A_2290 = vector.broadcast %gt3A_2289 : f32 to vector<16xf32>
        %gt3A_2291 = arith.cmpf ogt, %add3A_2288, %gt3A_2290 : vector<16xf32>
        %exp3A_2292 = math.exp %add3A_2288 : vector<16xf32>
        %sub3A_2293 = arith.constant 1.000000e+00 : f32
        %sub3A_2294 = vector.broadcast %sub3A_2293 : f32 to vector<16xf32>
        %sub3A_2295 = arith.subf %exp3A_2292, %sub3A_2294 : vector<16xf32>
        %select_n3A_2296 = arith.select %gt3A_2291, %add3A_2288, %sub3A_2295 : vector<16xi1>, vector<16xf32>
        %add3A_2297 = arith.addf %add3A_2087, %select_n3A_2296 : vector<16xf32>
        %swap3A_2298 = arith.index_cast %scan3A_606 : i32 to index
        %swap3A_2299 = arith.constant 0 : index
        %swap3A_2300 = tpu.vector_load %arg24[%swap3A_2298, %swap3A_2299] {strides = array<i32>} : memref<16x128xf32, #tpu.memory_space<vmem>>, vector<16xf32>,
        tpu.vector_store %arg24[%swap3A_2298, %swap3A_2299], %add3A_2130 {strides = array<i32>} : memref<16x128xf32, #tpu.memory_space<vmem>>, vector<16xf32>,
        %swap3A_2301 = arith.index_cast %scan3A_606 : i32 to index
        %swap3A_2302 = arith.constant 16 : index
        %swap3A_2303 = tpu.vector_load %arg24[%swap3A_2301, %swap3A_2302] {strides = array<i32>} : memref<16x128xf32, #tpu.memory_space<vmem>>, vector<16xf32>,
        tpu.vector_store %arg24[%swap3A_2301, %swap3A_2302], %add3A_2141 {strides = array<i32>} : memref<16x128xf32, #tpu.memory_space<vmem>>, vector<16xf32>,
        %swap3A_2304 = arith.index_cast %scan3A_606 : i32 to index
        %swap3A_2305 = arith.constant 32 : index
        %swap3A_2306 = tpu.vector_load %arg24[%swap3A_2304, %swap3A_2305] {strides = array<i32>} : memref<16x128xf32, #tpu.memory_space<vmem>>, vector<16xf32>,
        tpu.vector_store %arg24[%swap3A_2304, %swap3A_2305], %add3A_2182 {strides = array<i32>} : memref<16x128xf32, #tpu.memory_space<vmem>>, vector<16xf32>,
        %swap3A_2307 = arith.index_cast %scan3A_606 : i32 to index
        %swap3A_2308 = arith.constant 48 : index
        %swap3A_2309 = tpu.vector_load %arg24[%swap3A_2307, %swap3A_2308] {strides = array<i32>} : memref<16x128xf32, #tpu.memory_space<vmem>>, vector<16xf32>,
        tpu.vector_store %arg24[%swap3A_2307, %swap3A_2308], %add3A_2193 {strides = array<i32>} : memref<16x128xf32, #tpu.memory_space<vmem>>, vector<16xf32>,
        %swap3A_2310 = arith.index_cast %scan3A_606 : i32 to index
        %swap3A_2311 = arith.constant 64 : index
        %swap3A_2312 = tpu.vector_load %arg24[%swap3A_2310, %swap3A_2311] {strides = array<i32>} : memref<16x128xf32, #tpu.memory_space<vmem>>, vector<16xf32>,
        tpu.vector_store %arg24[%swap3A_2310, %swap3A_2311], %add3A_2234 {strides = array<i32>} : memref<16x128xf32, #tpu.memory_space<vmem>>, vector<16xf32>,
        %swap3A_2313 = arith.index_cast %scan3A_606 : i32 to index
        %swap3A_2314 = arith.constant 80 : index
        %swap3A_2315 = tpu.vector_load %arg24[%swap3A_2313, %swap3A_2314] {strides = array<i32>} : memref<16x128xf32, #tpu.memory_space<vmem>>, vector<16xf32>,
        tpu.vector_store %arg24[%swap3A_2313, %swap3A_2314], %add3A_2245 {strides = array<i32>} : memref<16x128xf32, #tpu.memory_space<vmem>>, vector<16xf32>,
        %swap3A_2316 = arith.index_cast %scan3A_606 : i32 to index
        %swap3A_2317 = arith.constant 96 : index
        %swap3A_2318 = tpu.vector_load %arg24[%swap3A_2316, %swap3A_2317] {strides = array<i32>} : memref<16x128xf32, #tpu.memory_space<vmem>>, vector<16xf32>,
        tpu.vector_store %arg24[%swap3A_2316, %swap3A_2317], %add3A_2286 {strides = array<i32>} : memref<16x128xf32, #tpu.memory_space<vmem>>, vector<16xf32>,
        %swap3A_2319 = arith.index_cast %scan3A_606 : i32 to index
        %swap3A_2320 = arith.constant 112 : index
        %swap3A_2321 = tpu.vector_load %arg24[%swap3A_2319, %swap3A_2320] {strides = array<i32>} : memref<16x128xf32, #tpu.memory_space<vmem>>, vector<16xf32>,
        tpu.vector_store %arg24[%swap3A_2319, %swap3A_2320], %add3A_2297 {strides = array<i32>} : memref<16x128xf32, #tpu.memory_space<vmem>>, vector<16xf32>,
      }
      %scan3A_527 = arith.constant 16 : i32
      %mul3A_528 = arith.constant 16 : i32
      %mul3A_529 = arith.muli %add3A_263, %mul3A_528 : i32
      %dma_start3A_530 = arith.constant 0 : i32
      %dma_start3A_531 = tpu.memref_slice %arg8[%mul3A_529, %dma_start3A_530] : memref<50176x128xf32, #tpu.memory_space<hbm>> -> memref<16x128xf32, #tpu.memory_space<hbm>>
      %dma_start3A_532 = arith.constant 0 : i32
      %dma_start3A_533 = tpu.memref_slice %arg8[%mul3A_529, %dma_start3A_532] : memref<50176x128xf32, #tpu.memory_space<hbm>> -> memref<16x128xf32, #tpu.memory_space<hbm>>
      tpu.enqueue_dma source(%arg24 : memref<16x128xf32, #tpu.memory_space<vmem>>) target(%dma_start3A_533 : memref<16x128xf32, #tpu.memory_space<hbm>>) target_semaphore(%arg30 : memref<!tpu.dma_semaphore, #tpu.memory_space<semaphore_mem>>)
      %dma_start3A_534 = arith.constant 0 : i32
      %dma_start3A_535 = tpu.memref_slice %arg9[%mul3A_529, %dma_start3A_534] : memref<50176x128xf32, #tpu.memory_space<hbm>> -> memref<16x128xf32, #tpu.memory_space<hbm>>
      %dma_start3A_536 = arith.constant 0 : i32
      %dma_start3A_537 = tpu.memref_slice %arg9[%mul3A_529, %dma_start3A_536] : memref<50176x128xf32, #tpu.memory_space<hbm>> -> memref<16x128xf32, #tpu.memory_space<hbm>>
      tpu.enqueue_dma source(%arg22 : memref<16x128xf32, #tpu.memory_space<vmem>>) target(%dma_start3A_537 : memref<16x128xf32, #tpu.memory_space<hbm>>) target_semaphore(%arg30 : memref<!tpu.dma_semaphore, #tpu.memory_space<semaphore_mem>>)
      %mul3A_538 = arith.constant 2 : i32
      %mul3A_539 = arith.muli %mul3A_538, %scan3A_258 : i32
      %add3A_540 = arith.addi %mul3A_2, %mul3A_539 : i32
      %add3A_541 = arith.constant 1 : i32
      %add3A_542 = arith.addi %add3A_540, %add3A_541 : i32
      %dma_wait3A_543 = arith.constant 0 : i32
      %dma_wait3A_544 = arith.constant 0 : i32
      %dma_wait3A_545 = tpu.memref_slice %arg8[%dma_wait3A_543, %dma_wait3A_544] : memref<50176x128xf32, #tpu.memory_space<hbm>> -> memref<16x128xf32, #tpu.memory_space<hbm>>
      %dma_wait3A_546 = arith.constant 0 : i32
      %dma_wait3A_547 = arith.constant 0 : i32
      %dma_wait3A_548 = tpu.memref_slice %arg8[%dma_wait3A_546, %dma_wait3A_547] : memref<50176x128xf32, #tpu.memory_space<hbm>> -> memref<16x128xf32, #tpu.memory_space<hbm>>
      tpu.wait_dma2 semaphore(%arg30 : memref<!tpu.dma_semaphore, #tpu.memory_space<semaphore_mem>>) src(%arg24 : memref<16x128xf32, #tpu.memory_space<vmem>>) dst(%dma_wait3A_548 : memref<16x128xf32, #tpu.memory_space<hbm>>)
      %dma_wait3A_549 = arith.constant 0 : i32
      %dma_wait3A_550 = arith.constant 0 : i32
      %dma_wait3A_551 = tpu.memref_slice %arg9[%dma_wait3A_549, %dma_wait3A_550] : memref<50176x128xf32, #tpu.memory_space<hbm>> -> memref<16x128xf32, #tpu.memory_space<hbm>>
      %dma_wait3A_552 = arith.constant 0 : i32
      %dma_wait3A_553 = arith.constant 0 : i32
      %dma_wait3A_554 = tpu.memref_slice %arg9[%dma_wait3A_552, %dma_wait3A_553] : memref<50176x128xf32, #tpu.memory_space<hbm>> -> memref<16x128xf32, #tpu.memory_space<hbm>>
      tpu.wait_dma2 semaphore(%arg30 : memref<!tpu.dma_semaphore, #tpu.memory_space<semaphore_mem>>) src(%arg22 : memref<16x128xf32, #tpu.memory_space<vmem>>) dst(%dma_wait3A_554 : memref<16x128xf32, #tpu.memory_space<hbm>>)
      %lt3A_555 = arith.constant 48 : i32
      %lt3A_556 = arith.cmpi slt, %scan3A_258, %lt3A_555 : i32
      %convert_element_type3A_557 = arith.extui %lt3A_556 : i1 to i32
      %cond3A_558 = arith.constant 0 : i32
      %cond3A_559 = arith.cmpi ne, %convert_element_type3A_557, %cond3A_558 : i32
      scf.if %cond3A_559 {
        %dma_wait3A_606 = arith.constant 0 : i32
        %dma_wait3A_607 = tpu.memref_slice %arg6[%dma_wait3A_606] : memref<501760xi32, #tpu.memory_space<hbm>> -> memref<160xi32, #tpu.memory_space<hbm>>
        %dma_wait3A_608 = arith.constant 0 : i32
        %dma_wait3A_609 = tpu.memref_slice %arg6[%dma_wait3A_608] : memref<501760xi32, #tpu.memory_space<hbm>> -> memref<160xi32, #tpu.memory_space<hbm>>
        tpu.wait_dma2 semaphore(%arg26 : memref<!tpu.dma_semaphore, #tpu.memory_space<semaphore_mem>>) src(%dma_wait3A_609 : memref<160xi32, #tpu.memory_space<hbm>>) dst(%arg12 : memref<160xi32, #tpu.memory_space<vmem>>)
        %dma_wait3A_610 = arith.constant 0 : i32
        %dma_wait3A_611 = arith.constant 0 : i32
        %dma_wait3A_612 = tpu.memref_slice %arg7[%dma_wait3A_610, %dma_wait3A_611] : memref<3136x16xi32, #tpu.memory_space<hbm>> -> memref<1x16xi32, #tpu.memory_space<hbm>>
        %dma_wait3A_613 = tpu.memref_squeeze %dma_wait3A_612 : memref<1x16xi32, #tpu.memory_space<hbm>> -> memref<16xi32, #tpu.memory_space<hbm>>
        %dma_wait3A_614 = arith.constant 0 : i32
        %dma_wait3A_615 = tpu.memref_slice %arg7[%dma_wait3A_610, %dma_wait3A_614] : memref<3136x16xi32, #tpu.memory_space<hbm>> -> memref<1x16xi32, #tpu.memory_space<hbm>>
        %dma_wait3A_616 = tpu.memref_squeeze %dma_wait3A_615 : memref<1x16xi32, #tpu.memory_space<hbm>> -> memref<16xi32, #tpu.memory_space<hbm>>
        tpu.wait_dma2 semaphore(%arg26 : memref<!tpu.dma_semaphore, #tpu.memory_space<semaphore_mem>>) src(%dma_wait3A_616 : memref<16xi32, #tpu.memory_space<hbm>>) dst(%arg14 : memref<16xi32, #tpu.memory_space<vmem>>)
        %add3A_617 = arith.constant 0 : i32
        %add3A_618 = vector.broadcast %add3A_617 : i32 to vector<16xi32>
        %add3A_619 = arith.addi %add3A_10, %add3A_618 : vector<16xi32>
        %gather3A_620 = tpu.vector_load_idx %arg12[%add3A_619] : memref<160xi32, #tpu.memory_space<vmem>>[vector<16xi32>], vector<16xi32>,
        %swap3A_621 = arith.constant 0 : i32
        %swap3A_622 = arith.index_cast %swap3A_621 : i32 to index
        %swap3A_623 = arith.constant 0 : index
        %swap3A_624 = tpu.vector_load %arg10[%swap3A_622, %swap3A_623] {strides = array<i32>} : memref<3x128xi32, #tpu.memory_space<vmem>>, vector<16xi32>,
        tpu.vector_store %arg10[%swap3A_622, %swap3A_623], %gather3A_620 {strides = array<i32>} : memref<3x128xi32, #tpu.memory_space<vmem>>, vector<16xi32>,
        %add3A_625 = arith.constant 20 : i32
        %add3A_626 = vector.broadcast %add3A_625 : i32 to vector<16xi32>
        %add3A_627 = arith.addi %add3A_10, %add3A_626 : vector<16xi32>
        %gather3A_628 = tpu.vector_load_idx %arg12[%add3A_627] : memref<160xi32, #tpu.memory_space<vmem>>[vector<16xi32>], vector<16xi32>,
        %swap3A_629 = arith.constant 0 : i32
        %swap3A_630 = arith.index_cast %swap3A_629 : i32 to index
        %swap3A_631 = arith.constant 16 : index
        %swap3A_632 = tpu.vector_load %arg10[%swap3A_630, %swap3A_631] {strides = array<i32>} : memref<3x128xi32, #tpu.memory_space<vmem>>, vector<16xi32>,
        tpu.vector_store %arg10[%swap3A_630, %swap3A_631], %gather3A_628 {strides = array<i32>} : memref<3x128xi32, #tpu.memory_space<vmem>>, vector<16xi32>,
        %add3A_633 = arith.constant 40 : i32
        %add3A_634 = vector.broadcast %add3A_633 : i32 to vector<16xi32>
        %add3A_635 = arith.addi %add3A_10, %add3A_634 : vector<16xi32>
        %gather3A_636 = tpu.vector_load_idx %arg12[%add3A_635] : memref<160xi32, #tpu.memory_space<vmem>>[vector<16xi32>], vector<16xi32>,
        %swap3A_637 = arith.constant 0 : i32
        %swap3A_638 = arith.index_cast %swap3A_637 : i32 to index
        %swap3A_639 = arith.constant 32 : index
        %swap3A_640 = tpu.vector_load %arg10[%swap3A_638, %swap3A_639] {strides = array<i32>} : memref<3x128xi32, #tpu.memory_space<vmem>>, vector<16xi32>,
        tpu.vector_store %arg10[%swap3A_638, %swap3A_639], %gather3A_636 {strides = array<i32>} : memref<3x128xi32, #tpu.memory_space<vmem>>, vector<16xi32>,
        %add3A_641 = arith.constant 60 : i32
        %add3A_642 = vector.broadcast %add3A_641 : i32 to vector<16xi32>
        %add3A_643 = arith.addi %add3A_10, %add3A_642 : vector<16xi32>
        %gather3A_644 = tpu.vector_load_idx %arg12[%add3A_643] : memref<160xi32, #tpu.memory_space<vmem>>[vector<16xi32>], vector<16xi32>,
        %swap3A_645 = arith.constant 0 : i32
        %swap3A_646 = arith.index_cast %swap3A_645 : i32 to index
        %swap3A_647 = arith.constant 48 : index
        %swap3A_648 = tpu.vector_load %arg10[%swap3A_646, %swap3A_647] {strides = array<i32>} : memref<3x128xi32, #tpu.memory_space<vmem>>, vector<16xi32>,
        tpu.vector_store %arg10[%swap3A_646, %swap3A_647], %gather3A_644 {strides = array<i32>} : memref<3x128xi32, #tpu.memory_space<vmem>>, vector<16xi32>,
        %add3A_649 = arith.constant 80 : i32
        %add3A_650 = vector.broadcast %add3A_649 : i32 to vector<16xi32>
        %add3A_651 = arith.addi %add3A_10, %add3A_650 : vector<16xi32>
        %gather3A_652 = tpu.vector_load_idx %arg12[%add3A_651] : memref<160xi32, #tpu.memory_space<vmem>>[vector<16xi32>], vector<16xi32>,
        %swap3A_653 = arith.constant 0 : i32
        %swap3A_654 = arith.index_cast %swap3A_653 : i32 to index
        %swap3A_655 = arith.constant 64 : index
        %swap3A_656 = tpu.vector_load %arg10[%swap3A_654, %swap3A_655] {strides = array<i32>} : memref<3x128xi32, #tpu.memory_space<vmem>>, vector<16xi32>,
        tpu.vector_store %arg10[%swap3A_654, %swap3A_655], %gather3A_652 {strides = array<i32>} : memref<3x128xi32, #tpu.memory_space<vmem>>, vector<16xi32>,
        %add3A_657 = arith.constant 100 : i32
        %add3A_658 = vector.broadcast %add3A_657 : i32 to vector<16xi32>
        %add3A_659 = arith.addi %add3A_10, %add3A_658 : vector<16xi32>
        %gather3A_660 = tpu.vector_load_idx %arg12[%add3A_659] : memref<160xi32, #tpu.memory_space<vmem>>[vector<16xi32>], vector<16xi32>,
        %swap3A_661 = arith.constant 0 : i32
        %swap3A_662 = arith.index_cast %swap3A_661 : i32 to index
        %swap3A_663 = arith.constant 80 : index
        %swap3A_664 = tpu.vector_load %arg10[%swap3A_662, %swap3A_663] {strides = array<i32>} : memref<3x128xi32, #tpu.memory_space<vmem>>, vector<16xi32>,
        tpu.vector_store %arg10[%swap3A_662, %swap3A_663], %gather3A_660 {strides = array<i32>} : memref<3x128xi32, #tpu.memory_space<vmem>>, vector<16xi32>,
        %add3A_665 = arith.constant 120 : i32
        %add3A_666 = vector.broadcast %add3A_665 : i32 to vector<16xi32>
        %add3A_667 = arith.addi %add3A_10, %add3A_666 : vector<16xi32>
        %gather3A_668 = tpu.vector_load_idx %arg12[%add3A_667] : memref<160xi32, #tpu.memory_space<vmem>>[vector<16xi32>], vector<16xi32>,
        %swap3A_669 = arith.constant 0 : i32
        %swap3A_670 = arith.index_cast %swap3A_669 : i32 to index
        %swap3A_671 = arith.constant 96 : index
        %swap3A_672 = tpu.vector_load %arg10[%swap3A_670, %swap3A_671] {strides = array<i32>} : memref<3x128xi32, #tpu.memory_space<vmem>>, vector<16xi32>,
        tpu.vector_store %arg10[%swap3A_670, %swap3A_671], %gather3A_668 {strides = array<i32>} : memref<3x128xi32, #tpu.memory_space<vmem>>, vector<16xi32>,
        %add3A_673 = arith.constant 140 : i32
        %add3A_674 = vector.broadcast %add3A_673 : i32 to vector<16xi32>
        %add3A_675 = arith.addi %add3A_10, %add3A_674 : vector<16xi32>
        %gather3A_676 = tpu.vector_load_idx %arg12[%add3A_675] : memref<160xi32, #tpu.memory_space<vmem>>[vector<16xi32>], vector<16xi32>,
        %swap3A_677 = arith.constant 0 : i32
        %swap3A_678 = arith.index_cast %swap3A_677 : i32 to index
        %swap3A_679 = arith.constant 112 : index
        %swap3A_680 = tpu.vector_load %arg10[%swap3A_678, %swap3A_679] {strides = array<i32>} : memref<3x128xi32, #tpu.memory_space<vmem>>, vector<16xi32>,
        tpu.vector_store %arg10[%swap3A_678, %swap3A_679], %gather3A_676 {strides = array<i32>} : memref<3x128xi32, #tpu.memory_space<vmem>>, vector<16xi32>,
        %add3A_681 = arith.constant 1 : i32
        %add3A_682 = vector.broadcast %add3A_681 : i32 to vector<16xi32>
        %add3A_683 = arith.addi %add3A_10, %add3A_682 : vector<16xi32>
        %gather3A_684 = tpu.vector_load_idx %arg12[%add3A_683] : memref<160xi32, #tpu.memory_space<vmem>>[vector<16xi32>], vector<16xi32>,
        %swap3A_685 = arith.constant 1 : i32
        %swap3A_686 = arith.index_cast %swap3A_685 : i32 to index
        %swap3A_687 = arith.constant 0 : index
        %swap3A_688 = tpu.vector_load %arg10[%swap3A_686, %swap3A_687] {strides = array<i32>} : memref<3x128xi32, #tpu.memory_space<vmem>>, vector<16xi32>,
        tpu.vector_store %arg10[%swap3A_686, %swap3A_687], %gather3A_684 {strides = array<i32>} : memref<3x128xi32, #tpu.memory_space<vmem>>, vector<16xi32>,
        %add3A_689 = arith.constant 21 : i32
        %add3A_690 = vector.broadcast %add3A_689 : i32 to vector<16xi32>
        %add3A_691 = arith.addi %add3A_10, %add3A_690 : vector<16xi32>
        %gather3A_692 = tpu.vector_load_idx %arg12[%add3A_691] : memref<160xi32, #tpu.memory_space<vmem>>[vector<16xi32>], vector<16xi32>,
        %swap3A_693 = arith.constant 1 : i32
        %swap3A_694 = arith.index_cast %swap3A_693 : i32 to index
        %swap3A_695 = arith.constant 16 : index
        %swap3A_696 = tpu.vector_load %arg10[%swap3A_694, %swap3A_695] {strides = array<i32>} : memref<3x128xi32, #tpu.memory_space<vmem>>, vector<16xi32>,
        tpu.vector_store %arg10[%swap3A_694, %swap3A_695], %gather3A_692 {strides = array<i32>} : memref<3x128xi32, #tpu.memory_space<vmem>>, vector<16xi32>,
        %add3A_697 = arith.constant 41 : i32
        %add3A_698 = vector.broadcast %add3A_697 : i32 to vector<16xi32>
        %add3A_699 = arith.addi %add3A_10, %add3A_698 : vector<16xi32>
        %gather3A_700 = tpu.vector_load_idx %arg12[%add3A_699] : memref<160xi32, #tpu.memory_space<vmem>>[vector<16xi32>], vector<16xi32>,
        %swap3A_701 = arith.constant 1 : i32
        %swap3A_702 = arith.index_cast %swap3A_701 : i32 to index
        %swap3A_703 = arith.constant 32 : index
        %swap3A_704 = tpu.vector_load %arg10[%swap3A_702, %swap3A_703] {strides = array<i32>} : memref<3x128xi32, #tpu.memory_space<vmem>>, vector<16xi32>,
        tpu.vector_store %arg10[%swap3A_702, %swap3A_703], %gather3A_700 {strides = array<i32>} : memref<3x128xi32, #tpu.memory_space<vmem>>, vector<16xi32>,
        %add3A_705 = arith.constant 61 : i32
        %add3A_706 = vector.broadcast %add3A_705 : i32 to vector<16xi32>
        %add3A_707 = arith.addi %add3A_10, %add3A_706 : vector<16xi32>
        %gather3A_708 = tpu.vector_load_idx %arg12[%add3A_707] : memref<160xi32, #tpu.memory_space<vmem>>[vector<16xi32>], vector<16xi32>,
        %swap3A_709 = arith.constant 1 : i32
        %swap3A_710 = arith.index_cast %swap3A_709 : i32 to index
        %swap3A_711 = arith.constant 48 : index
        %swap3A_712 = tpu.vector_load %arg10[%swap3A_710, %swap3A_711] {strides = array<i32>} : memref<3x128xi32, #tpu.memory_space<vmem>>, vector<16xi32>,
        tpu.vector_store %arg10[%swap3A_710, %swap3A_711], %gather3A_708 {strides = array<i32>} : memref<3x128xi32, #tpu.memory_space<vmem>>, vector<16xi32>,
        %add3A_713 = arith.constant 81 : i32
        %add3A_714 = vector.broadcast %add3A_713 : i32 to vector<16xi32>
        %add3A_715 = arith.addi %add3A_10, %add3A_714 : vector<16xi32>
        %gather3A_716 = tpu.vector_load_idx %arg12[%add3A_715] : memref<160xi32, #tpu.memory_space<vmem>>[vector<16xi32>], vector<16xi32>,
        %swap3A_717 = arith.constant 1 : i32
        %swap3A_718 = arith.index_cast %swap3A_717 : i32 to index
        %swap3A_719 = arith.constant 64 : index
        %swap3A_720 = tpu.vector_load %arg10[%swap3A_718, %swap3A_719] {strides = array<i32>} : memref<3x128xi32, #tpu.memory_space<vmem>>, vector<16xi32>,
        tpu.vector_store %arg10[%swap3A_718, %swap3A_719], %gather3A_716 {strides = array<i32>} : memref<3x128xi32, #tpu.memory_space<vmem>>, vector<16xi32>,
        %add3A_721 = arith.constant 101 : i32
        %add3A_722 = vector.broadcast %add3A_721 : i32 to vector<16xi32>
        %add3A_723 = arith.addi %add3A_10, %add3A_722 : vector<16xi32>
        %gather3A_724 = tpu.vector_load_idx %arg12[%add3A_723] : memref<160xi32, #tpu.memory_space<vmem>>[vector<16xi32>], vector<16xi32>,
        %swap3A_725 = arith.constant 1 : i32
        %swap3A_726 = arith.index_cast %swap3A_725 : i32 to index
        %swap3A_727 = arith.constant 80 : index
        %swap3A_728 = tpu.vector_load %arg10[%swap3A_726, %swap3A_727] {strides = array<i32>} : memref<3x128xi32, #tpu.memory_space<vmem>>, vector<16xi32>,
        tpu.vector_store %arg10[%swap3A_726, %swap3A_727], %gather3A_724 {strides = array<i32>} : memref<3x128xi32, #tpu.memory_space<vmem>>, vector<16xi32>,
        %add3A_729 = arith.constant 121 : i32
        %add3A_730 = vector.broadcast %add3A_729 : i32 to vector<16xi32>
        %add3A_731 = arith.addi %add3A_10, %add3A_730 : vector<16xi32>
        %gather3A_732 = tpu.vector_load_idx %arg12[%add3A_731] : memref<160xi32, #tpu.memory_space<vmem>>[vector<16xi32>], vector<16xi32>,
        %swap3A_733 = arith.constant 1 : i32
        %swap3A_734 = arith.index_cast %swap3A_733 : i32 to index
        %swap3A_735 = arith.constant 96 : index
        %swap3A_736 = tpu.vector_load %arg10[%swap3A_734, %swap3A_735] {strides = array<i32>} : memref<3x128xi32, #tpu.memory_space<vmem>>, vector<16xi32>,
        tpu.vector_store %arg10[%swap3A_734, %swap3A_735], %gather3A_732 {strides = array<i32>} : memref<3x128xi32, #tpu.memory_space<vmem>>, vector<16xi32>,
        %add3A_737 = arith.constant 141 : i32
        %add3A_738 = vector.broadcast %add3A_737 : i32 to vector<16xi32>
        %add3A_739 = arith.addi %add3A_10, %add3A_738 : vector<16xi32>
        %gather3A_740 = tpu.vector_load_idx %arg12[%add3A_739] : memref<160xi32, #tpu.memory_space<vmem>>[vector<16xi32>], vector<16xi32>,
        %swap3A_741 = arith.constant 1 : i32
        %swap3A_742 = arith.index_cast %swap3A_741 : i32 to index
        %swap3A_743 = arith.constant 112 : index
        %swap3A_744 = tpu.vector_load %arg10[%swap3A_742, %swap3A_743] {strides = array<i32>} : memref<3x128xi32, #tpu.memory_space<vmem>>, vector<16xi32>,
        tpu.vector_store %arg10[%swap3A_742, %swap3A_743], %gather3A_740 {strides = array<i32>} : memref<3x128xi32, #tpu.memory_space<vmem>>, vector<16xi32>,
        %add3A_745 = arith.constant 2 : i32
        %add3A_746 = vector.broadcast %add3A_745 : i32 to vector<16xi32>
        %add3A_747 = arith.addi %add3A_10, %add3A_746 : vector<16xi32>
        %gather3A_748 = tpu.vector_load_idx %arg12[%add3A_747] : memref<160xi32, #tpu.memory_space<vmem>>[vector<16xi32>], vector<16xi32>,
        %swap3A_749 = arith.constant 2 : i32
        %swap3A_750 = arith.index_cast %swap3A_749 : i32 to index
        %swap3A_751 = arith.constant 0 : index
        %swap3A_752 = tpu.vector_load %arg10[%swap3A_750, %swap3A_751] {strides = array<i32>} : memref<3x128xi32, #tpu.memory_space<vmem>>, vector<16xi32>,
        tpu.vector_store %arg10[%swap3A_750, %swap3A_751], %gather3A_748 {strides = array<i32>} : memref<3x128xi32, #tpu.memory_space<vmem>>, vector<16xi32>,
        %add3A_753 = arith.constant 22 : i32
        %add3A_754 = vector.broadcast %add3A_753 : i32 to vector<16xi32>
        %add3A_755 = arith.addi %add3A_10, %add3A_754 : vector<16xi32>
        %gather3A_756 = tpu.vector_load_idx %arg12[%add3A_755] : memref<160xi32, #tpu.memory_space<vmem>>[vector<16xi32>], vector<16xi32>,
        %swap3A_757 = arith.constant 2 : i32
        %swap3A_758 = arith.index_cast %swap3A_757 : i32 to index
        %swap3A_759 = arith.constant 16 : index
        %swap3A_760 = tpu.vector_load %arg10[%swap3A_758, %swap3A_759] {strides = array<i32>} : memref<3x128xi32, #tpu.memory_space<vmem>>, vector<16xi32>,
        tpu.vector_store %arg10[%swap3A_758, %swap3A_759], %gather3A_756 {strides = array<i32>} : memref<3x128xi32, #tpu.memory_space<vmem>>, vector<16xi32>,
        %add3A_761 = arith.constant 42 : i32
        %add3A_762 = vector.broadcast %add3A_761 : i32 to vector<16xi32>
        %add3A_763 = arith.addi %add3A_10, %add3A_762 : vector<16xi32>
        %gather3A_764 = tpu.vector_load_idx %arg12[%add3A_763] : memref<160xi32, #tpu.memory_space<vmem>>[vector<16xi32>], vector<16xi32>,
        %swap3A_765 = arith.constant 2 : i32
        %swap3A_766 = arith.index_cast %swap3A_765 : i32 to index
        %swap3A_767 = arith.constant 32 : index
        %swap3A_768 = tpu.vector_load %arg10[%swap3A_766, %swap3A_767] {strides = array<i32>} : memref<3x128xi32, #tpu.memory_space<vmem>>, vector<16xi32>,
        tpu.vector_store %arg10[%swap3A_766, %swap3A_767], %gather3A_764 {strides = array<i32>} : memref<3x128xi32, #tpu.memory_space<vmem>>, vector<16xi32>,
        %add3A_769 = arith.constant 62 : i32
        %add3A_770 = vector.broadcast %add3A_769 : i32 to vector<16xi32>
        %add3A_771 = arith.addi %add3A_10, %add3A_770 : vector<16xi32>
        %gather3A_772 = tpu.vector_load_idx %arg12[%add3A_771] : memref<160xi32, #tpu.memory_space<vmem>>[vector<16xi32>], vector<16xi32>,
        %swap3A_773 = arith.constant 2 : i32
        %swap3A_774 = arith.index_cast %swap3A_773 : i32 to index
        %swap3A_775 = arith.constant 48 : index
        %swap3A_776 = tpu.vector_load %arg10[%swap3A_774, %swap3A_775] {strides = array<i32>} : memref<3x128xi32, #tpu.memory_space<vmem>>, vector<16xi32>,
        tpu.vector_store %arg10[%swap3A_774, %swap3A_775], %gather3A_772 {strides = array<i32>} : memref<3x128xi32, #tpu.memory_space<vmem>>, vector<16xi32>,
        %add3A_777 = arith.constant 82 : i32
        %add3A_778 = vector.broadcast %add3A_777 : i32 to vector<16xi32>
        %add3A_779 = arith.addi %add3A_10, %add3A_778 : vector<16xi32>
        %gather3A_780 = tpu.vector_load_idx %arg12[%add3A_779] : memref<160xi32, #tpu.memory_space<vmem>>[vector<16xi32>], vector<16xi32>,
        %swap3A_781 = arith.constant 2 : i32
        %swap3A_782 = arith.index_cast %swap3A_781 : i32 to index
        %swap3A_783 = arith.constant 64 : index
        %swap3A_784 = tpu.vector_load %arg10[%swap3A_782, %swap3A_783] {strides = array<i32>} : memref<3x128xi32, #tpu.memory_space<vmem>>, vector<16xi32>,
        tpu.vector_store %arg10[%swap3A_782, %swap3A_783], %gather3A_780 {strides = array<i32>} : memref<3x128xi32, #tpu.memory_space<vmem>>, vector<16xi32>,
        %add3A_785 = arith.constant 102 : i32
        %add3A_786 = vector.broadcast %add3A_785 : i32 to vector<16xi32>
        %add3A_787 = arith.addi %add3A_10, %add3A_786 : vector<16xi32>
        %gather3A_788 = tpu.vector_load_idx %arg12[%add3A_787] : memref<160xi32, #tpu.memory_space<vmem>>[vector<16xi32>], vector<16xi32>,
        %swap3A_789 = arith.constant 2 : i32
        %swap3A_790 = arith.index_cast %swap3A_789 : i32 to index
        %swap3A_791 = arith.constant 80 : index
        %swap3A_792 = tpu.vector_load %arg10[%swap3A_790, %swap3A_791] {strides = array<i32>} : memref<3x128xi32, #tpu.memory_space<vmem>>, vector<16xi32>,
        tpu.vector_store %arg10[%swap3A_790, %swap3A_791], %gather3A_788 {strides = array<i32>} : memref<3x128xi32, #tpu.memory_space<vmem>>, vector<16xi32>,
        %add3A_793 = arith.constant 122 : i32
        %add3A_794 = vector.broadcast %add3A_793 : i32 to vector<16xi32>
        %add3A_795 = arith.addi %add3A_10, %add3A_794 : vector<16xi32>
        %gather3A_796 = tpu.vector_load_idx %arg12[%add3A_795] : memref<160xi32, #tpu.memory_space<vmem>>[vector<16xi32>], vector<16xi32>,
        %swap3A_797 = arith.constant 2 : i32
        %swap3A_798 = arith.index_cast %swap3A_797 : i32 to index
        %swap3A_799 = arith.constant 96 : index
        %swap3A_800 = tpu.vector_load %arg10[%swap3A_798, %swap3A_799] {strides = array<i32>} : memref<3x128xi32, #tpu.memory_space<vmem>>, vector<16xi32>,
        tpu.vector_store %arg10[%swap3A_798, %swap3A_799], %gather3A_796 {strides = array<i32>} : memref<3x128xi32, #tpu.memory_space<vmem>>, vector<16xi32>,
        %add3A_801 = arith.constant 142 : i32
        %add3A_802 = vector.broadcast %add3A_801 : i32 to vector<16xi32>
        %add3A_803 = arith.addi %add3A_10, %add3A_802 : vector<16xi32>
        %gather3A_804 = tpu.vector_load_idx %arg12[%add3A_803] : memref<160xi32, #tpu.memory_space<vmem>>[vector<16xi32>], vector<16xi32>,
        %swap3A_805 = arith.constant 2 : i32
        %swap3A_806 = arith.index_cast %swap3A_805 : i32 to index
        %swap3A_807 = arith.constant 112 : index
        %swap3A_808 = tpu.vector_load %arg10[%swap3A_806, %swap3A_807] {strides = array<i32>} : memref<3x128xi32, #tpu.memory_space<vmem>>, vector<16xi32>,
        tpu.vector_store %arg10[%swap3A_806, %swap3A_807], %gather3A_804 {strides = array<i32>} : memref<3x128xi32, #tpu.memory_space<vmem>>, vector<16xi32>,
        %dma_start3A_809 = arith.constant 0 : i32
        %dma_start3A_810 = arith.constant 0 : i32
        %dma_start3A_811 = tpu.memref_slice %arg10[%dma_start3A_809, %dma_start3A_810] : memref<3x128xi32, #tpu.memory_space<vmem>> -> memref<1x128xi32, #tpu.memory_space<vmem>>
        %dma_start3A_812 = tpu.memref_squeeze %dma_start3A_811 : memref<1x128xi32, #tpu.memory_space<vmem>> -> memref<128xi32, #tpu.memory_space<vmem>>
        %dma_start3A_813 = arith.constant 0 : i32
        %dma_start3A_814 = arith.constant 0 : i32
        %dma_start3A_815 = tpu.memref_slice %arg2[%dma_start3A_813, %dma_start3A_814] : memref<50000x64xi32, #tpu.memory_space<hbm>> -> memref<50000x64xi32, #tpu.memory_space<hbm>>
        tpu.enqueue_indirect_dma source(%dma_start3A_815 : memref<50000x64xi32, #tpu.memory_space<hbm>>) target(%arg16 : memref<128x64xi32, #tpu.memory_space<vmem>>) offsets(%dma_start3A_812 : memref<128xi32, #tpu.memory_space<vmem>>) semaphore(%arg28 : memref<!tpu.dma_semaphore, #tpu.memory_space<semaphore_mem>>)
        %dma_start3A_816 = arith.constant 1 : i32
        %dma_start3A_817 = arith.constant 0 : i32
        %dma_start3A_818 = tpu.memref_slice %arg10[%dma_start3A_816, %dma_start3A_817] : memref<3x128xi32, #tpu.memory_space<vmem>> -> memref<1x128xi32, #tpu.memory_space<vmem>>
        %dma_start3A_819 = tpu.memref_squeeze %dma_start3A_818 : memref<1x128xi32, #tpu.memory_space<vmem>> -> memref<128xi32, #tpu.memory_space<vmem>>
        %dma_start3A_820 = arith.constant 0 : i32
        %dma_start3A_821 = arith.constant 0 : i32
        %dma_start3A_822 = tpu.memref_slice %arg3[%dma_start3A_820, %dma_start3A_821] : memref<50000x64xi32, #tpu.memory_space<hbm>> -> memref<50000x64xi32, #tpu.memory_space<hbm>>
        tpu.enqueue_indirect_dma source(%dma_start3A_822 : memref<50000x64xi32, #tpu.memory_space<hbm>>) target(%arg18 : memref<128x64xi32, #tpu.memory_space<vmem>>) offsets(%dma_start3A_819 : memref<128xi32, #tpu.memory_space<vmem>>) semaphore(%arg28 : memref<!tpu.dma_semaphore, #tpu.memory_space<semaphore_mem>>)
        %dma_start3A_823 = arith.constant 2 : i32
        %dma_start3A_824 = arith.constant 0 : i32
        %dma_start3A_825 = tpu.memref_slice %arg10[%dma_start3A_823, %dma_start3A_824] : memref<3x128xi32, #tpu.memory_space<vmem>> -> memref<1x128xi32, #tpu.memory_space<vmem>>
        %dma_start3A_826 = tpu.memref_squeeze %dma_start3A_825 : memref<1x128xi32, #tpu.memory_space<vmem>> -> memref<128xi32, #tpu.memory_space<vmem>>
        %dma_start3A_827 = arith.constant 0 : i32
        %dma_start3A_828 = arith.constant 0 : i32
        %dma_start3A_829 = tpu.memref_slice %arg4[%dma_start3A_827, %dma_start3A_828] : memref<50000x64xi32, #tpu.memory_space<hbm>> -> memref<50000x64xi32, #tpu.memory_space<hbm>>
        tpu.enqueue_indirect_dma source(%dma_start3A_829 : memref<50000x64xi32, #tpu.memory_space<hbm>>) target(%arg20 : memref<128x64xi32, #tpu.memory_space<vmem>>) offsets(%dma_start3A_826 : memref<128xi32, #tpu.memory_space<vmem>>) semaphore(%arg28 : memref<!tpu.dma_semaphore, #tpu.memory_space<semaphore_mem>>)
        %dma_start3A_830 = arith.constant 0 : i32
        %dma_start3A_831 = arith.constant 0 : i32
        %dma_start3A_832 = tpu.memref_slice %arg5[%dma_start3A_830, %dma_start3A_831] : memref<50000x128xf32, #tpu.memory_space<hbm>> -> memref<50000x128xf32, #tpu.memory_space<hbm>>
        tpu.enqueue_indirect_dma source(%dma_start3A_832 : memref<50000x128xf32, #tpu.memory_space<hbm>>) target(%arg22 : memref<16x128xf32, #tpu.memory_space<vmem>>) offsets(%arg14 : memref<16xi32, #tpu.memory_space<vmem>>) semaphore(%arg28 : memref<!tpu.dma_semaphore, #tpu.memory_space<semaphore_mem>>)
      } else {
      }
      %dma_wait3A_560 = arith.constant 0 : i32
      %dma_wait3A_561 = arith.constant 0 : i32
      %dma_wait3A_562 = tpu.memref_slice %arg2[%dma_wait3A_560, %dma_wait3A_561] : memref<50000x64xi32, #tpu.memory_space<hbm>> -> memref<128x64xi32, #tpu.memory_space<hbm>>
      %dma_wait3A_563 = arith.constant 0 : i32
      %dma_wait3A_564 = arith.constant 0 : i32
      %dma_wait3A_565 = tpu.memref_slice %arg2[%dma_wait3A_563, %dma_wait3A_564] : memref<50000x64xi32, #tpu.memory_space<hbm>> -> memref<128x64xi32, #tpu.memory_space<hbm>>
      tpu.wait_dma2 semaphore(%arg29 : memref<!tpu.dma_semaphore, #tpu.memory_space<semaphore_mem>>) src(%dma_wait3A_565 : memref<128x64xi32, #tpu.memory_space<hbm>>) dst(%arg17 : memref<128x64xi32, #tpu.memory_space<vmem>>)
      %dma_wait3A_566 = arith.constant 0 : i32
      %dma_wait3A_567 = arith.constant 0 : i32
      %dma_wait3A_568 = tpu.memref_slice %arg2[%dma_wait3A_566, %dma_wait3A_567] : memref<50000x64xi32, #tpu.memory_space<hbm>> -> memref<128x64xi32, #tpu.memory_space<hbm>>
      %dma_wait3A_569 = arith.constant 0 : i32
      %dma_wait3A_570 = arith.constant 0 : i32
      %dma_wait3A_571 = tpu.memref_slice %arg2[%dma_wait3A_569, %dma_wait3A_570] : memref<50000x64xi32, #tpu.memory_space<hbm>> -> memref<128x64xi32, #tpu.memory_space<hbm>>
      tpu.wait_dma2 semaphore(%arg29 : memref<!tpu.dma_semaphore, #tpu.memory_space<semaphore_mem>>) src(%dma_wait3A_571 : memref<128x64xi32, #tpu.memory_space<hbm>>) dst(%arg19 : memref<128x64xi32, #tpu.memory_space<vmem>>)
      %dma_wait3A_572 = arith.constant 0 : i32
      %dma_wait3A_573 = arith.constant 0 : i32
      %dma_wait3A_574 = tpu.memref_slice %arg2[%dma_wait3A_572, %dma_wait3A_573] : memref<50000x64xi32, #tpu.memory_space<hbm>> -> memref<128x64xi32, #tpu.memory_space<hbm>>
      %dma_wait3A_575 = arith.constant 0 : i32
      %dma_wait3A_576 = arith.constant 0 : i32
      %dma_wait3A_577 = tpu.memref_slice %arg2[%dma_wait3A_575, %dma_wait3A_576] : memref<50000x64xi32, #tpu.memory_space<hbm>> -> memref<128x64xi32, #tpu.memory_space<hbm>>
      tpu.wait_dma2 semaphore(%arg29 : memref<!tpu.dma_semaphore, #tpu.memory_space<semaphore_mem>>) src(%dma_wait3A_577 : memref<128x64xi32, #tpu.memory_space<hbm>>) dst(%arg21 : memref<128x64xi32, #tpu.memory_space<vmem>>)
      %dma_wait3A_578 = arith.constant 0 : i32
      %dma_wait3A_579 = arith.constant 0 : i32
      %dma_wait3A_580 = tpu.memref_slice %arg5[%dma_wait3A_578, %dma_wait3A_579] : memref<50000x128xf32, #tpu.memory_space<hbm>> -> memref<16x128xf32, #tpu.memory_space<hbm>>
      %dma_wait3A_581 = arith.constant 0 : i32
      %dma_wait3A_582 = arith.constant 0 : i32
      %dma_wait3A_583 = tpu.memref_slice %arg5[%dma_wait3A_581, %dma_wait3A_582] : memref<50000x128xf32, #tpu.memory_space<hbm>> -> memref<16x128xf32, #tpu.memory_space<hbm>>
      tpu.wait_dma2 semaphore(%arg29 : memref<!tpu.dma_semaphore, #tpu.memory_space<semaphore_mem>>) src(%dma_wait3A_583 : memref<16x128xf32, #tpu.memory_space<hbm>>) dst(%arg23 : memref<16x128xf32, #tpu.memory_space<vmem>>)
      %lt3A_584 = arith.constant 48 : i32
      %lt3A_585 = arith.cmpi slt, %scan3A_258, %lt3A_584 : i32
      %convert_element_type3A_586 = arith.extui %lt3A_585 : i1 to i32
      %cond3A_587 = arith.constant 0 : i32
      %cond3A_588 = arith.cmpi ne, %convert_element_type3A_586, %cond3A_587 : i32
      scf.if %cond3A_588 {
        %add3A_606 = arith.constant 2 : i32
        %add3A_607 = arith.addi %add3A_542, %add3A_606 : i32
        %mul3A_608 = arith.constant 16 : i32
        %mul3A_609 = arith.muli %add3A_607, %mul3A_608 : i32
        %mul3A_610 = arith.constant 10 : i32
        %mul3A_611 = arith.muli %mul3A_609, %mul3A_610 : i32
        %dma_start3A_612 = tpu.memref_slice %arg6[%mul3A_611] : memref<501760xi32, #tpu.memory_space<hbm>> -> memref<160xi32, #tpu.memory_space<hbm>>
        %dma_start3A_613 = tpu.memref_slice %arg6[%mul3A_611] : memref<501760xi32, #tpu.memory_space<hbm>> -> memref<160xi32, #tpu.memory_space<hbm>>
        tpu.enqueue_dma source(%dma_start3A_613 : memref<160xi32, #tpu.memory_space<hbm>>) target(%arg13 : memref<160xi32, #tpu.memory_space<vmem>>) target_semaphore(%arg27 : memref<!tpu.dma_semaphore, #tpu.memory_space<semaphore_mem>>)
        %dma_start3A_614 = arith.constant 0 : i32
        %dma_start3A_615 = tpu.memref_slice %arg7[%add3A_607, %dma_start3A_614] : memref<3136x16xi32, #tpu.memory_space<hbm>> -> memref<1x16xi32, #tpu.memory_space<hbm>>
        %dma_start3A_616 = tpu.memref_squeeze %dma_start3A_615 : memref<1x16xi32, #tpu.memory_space<hbm>> -> memref<16xi32, #tpu.memory_space<hbm>>
        %dma_start3A_617 = arith.constant 0 : i32
        %dma_start3A_618 = tpu.memref_slice %arg7[%add3A_607, %dma_start3A_617] : memref<3136x16xi32, #tpu.memory_space<hbm>> -> memref<1x16xi32, #tpu.memory_space<hbm>>
        %dma_start3A_619 = tpu.memref_squeeze %dma_start3A_618 : memref<1x16xi32, #tpu.memory_space<hbm>> -> memref<16xi32, #tpu.memory_space<hbm>>
        tpu.enqueue_dma source(%dma_start3A_619 : memref<16xi32, #tpu.memory_space<hbm>>) target(%arg15 : memref<16xi32, #tpu.memory_space<vmem>>) target_semaphore(%arg27 : memref<!tpu.dma_semaphore, #tpu.memory_space<semaphore_mem>>)
      } else {
      }
      %scan3A_589 = arith.constant 0 : i32
      %scan3A_590 = arith.constant -65536 : i32
      %scan3A_591 = arith.constant 0 : i32
      %scan3A_592 = arith.constant 16 : i32
      %scan3A_593 = arith.addi %scan3A_591, %scan3A_592 : i32
      %scan3A_594 = arith.constant 1 : i32
      scf.for %scan3A_606 = %scan3A_591 to %scan3A_593 step %scan3A_594  : i32 {
        %mul3A_607 = arith.constant 8 : i32
        %mul3A_608 = arith.muli %scan3A_606, %mul3A_607 : i32
        %broadcast_in_dim3A = arith.constant 0.000000e+00 : f32
        %broadcast_in_dim3A_609 = vector.broadcast %broadcast_in_dim3A : f32 to vector<16xf32>
        %broadcast_in_dim3A_610 = arith.constant 0.000000e+00 : f32
        %broadcast_in_dim3A_611 = vector.broadcast %broadcast_in_dim3A_610 : f32 to vector<16xf32>
        %broadcast_in_dim3A_612 = arith.constant 0.000000e+00 : f32
        %broadcast_in_dim3A_613 = vector.broadcast %broadcast_in_dim3A_612 : f32 to vector<16xf32>
        %broadcast_in_dim3A_614 = arith.constant 0.000000e+00 : f32
        %broadcast_in_dim3A_615 = vector.broadcast %broadcast_in_dim3A_614 : f32 to vector<16xf32>
        %broadcast_in_dim3A_616 = arith.constant 0.000000e+00 : f32
        %broadcast_in_dim3A_617 = vector.broadcast %broadcast_in_dim3A_616 : f32 to vector<16xf32>
        %broadcast_in_dim3A_618 = arith.constant 0.000000e+00 : f32
        %broadcast_in_dim3A_619 = vector.broadcast %broadcast_in_dim3A_618 : f32 to vector<16xf32>
        %broadcast_in_dim3A_620 = arith.constant 0.000000e+00 : f32
        %broadcast_in_dim3A_621 = vector.broadcast %broadcast_in_dim3A_620 : f32 to vector<16xf32>
        %broadcast_in_dim3A_622 = arith.constant 0.000000e+00 : f32
        %broadcast_in_dim3A_623 = vector.broadcast %broadcast_in_dim3A_622 : f32 to vector<16xf32>
        %add3A_624 = arith.constant 0 : i32
        %add3A_625 = arith.addi %mul3A_608, %add3A_624 : i32
        %get3A = arith.index_cast %add3A_625 : i32 to index
        %get3A_626 = arith.constant 0 : index
        %get3A_627 = tpu.vector_load %arg17[%get3A, %get3A_626] {strides = array<i32>} : memref<128x64xi32, #tpu.memory_space<vmem>>, vector<16xi32>,
        %shift_left3A = arith.constant 16 : i32
        %shift_left3A_628 = vector.broadcast %shift_left3A : i32 to vector<16xi32>
        %shift_left3A_629 = arith.shli %get3A_627, %shift_left3A_628 : vector<16xi32>
        %bitcast3A = vector.bitcast %shift_left3A_629 : vector<16xi32> to vector<16xf32>
        %and3A_630 = vector.broadcast %scan3A_590 : i32 to vector<16xi32>
        %and3A_631 = arith.andi %get3A_627, %and3A_630 : vector<16xi32>
        %bitcast3A_632 = vector.bitcast %and3A_631 : vector<16xi32> to vector<16xf32>
        %get3A_633 = arith.index_cast %add3A_625 : i32 to index
        %get3A_634 = arith.constant 0 : index
        %get3A_635 = tpu.vector_load %arg19[%get3A_633, %get3A_634] {strides = array<i32>} : memref<128x64xi32, #tpu.memory_space<vmem>>, vector<16xi32>,
        %shift_left3A_636 = arith.constant 16 : i32
        %shift_left3A_637 = vector.broadcast %shift_left3A_636 : i32 to vector<16xi32>
        %shift_left3A_638 = arith.shli %get3A_635, %shift_left3A_637 : vector<16xi32>
        %bitcast3A_639 = vector.bitcast %shift_left3A_638 : vector<16xi32> to vector<16xf32>
        %and3A_640 = vector.broadcast %scan3A_590 : i32 to vector<16xi32>
        %and3A_641 = arith.andi %get3A_635, %and3A_640 : vector<16xi32>
        %bitcast3A_642 = vector.bitcast %and3A_641 : vector<16xi32> to vector<16xf32>
        %get3A_643 = arith.index_cast %add3A_625 : i32 to index
        %get3A_644 = arith.constant 0 : index
        %get3A_645 = tpu.vector_load %arg21[%get3A_643, %get3A_644] {strides = array<i32>} : memref<128x64xi32, #tpu.memory_space<vmem>>, vector<16xi32>,
        %shift_left3A_646 = arith.constant 16 : i32
        %shift_left3A_647 = vector.broadcast %shift_left3A_646 : i32 to vector<16xi32>
        %shift_left3A_648 = arith.shli %get3A_645, %shift_left3A_647 : vector<16xi32>
        %bitcast3A_649 = vector.bitcast %shift_left3A_648 : vector<16xi32> to vector<16xf32>
        %and3A_650 = vector.broadcast %scan3A_590 : i32 to vector<16xi32>
        %and3A_651 = arith.andi %get3A_645, %and3A_650 : vector<16xi32>
        %bitcast3A_652 = vector.bitcast %and3A_651 : vector<16xi32> to vector<16xf32>
        %add3A_653 = arith.addf %bitcast3A, %bitcast3A_639 : vector<16xf32>
        %add3A_654 = arith.addf %add3A_653, %bitcast3A_649 : vector<16xf32>
        %gt3A_655 = arith.constant 0.000000e+00 : f32
        %gt3A_656 = vector.broadcast %gt3A_655 : f32 to vector<16xf32>
        %gt3A_657 = arith.cmpf ogt, %add3A_654, %gt3A_656 : vector<16xf32>
        %exp3A = math.exp %add3A_654 : vector<16xf32>
        %sub3A = arith.constant 1.000000e+00 : f32
        %sub3A_658 = vector.broadcast %sub3A : f32 to vector<16xf32>
        %sub3A_659 = arith.subf %exp3A, %sub3A_658 : vector<16xf32>
        %select_n3A = arith.select %gt3A_657, %add3A_654, %sub3A_659 : vector<16xi1>, vector<16xf32>
        %add3A_660 = arith.addf %broadcast_in_dim3A_609, %select_n3A : vector<16xf32>
        %add3A_661 = arith.addf %bitcast3A_632, %bitcast3A_642 : vector<16xf32>
        %add3A_662 = arith.addf %add3A_661, %bitcast3A_652 : vector<16xf32>
        %gt3A_663 = arith.constant 0.000000e+00 : f32
        %gt3A_664 = vector.broadcast %gt3A_663 : f32 to vector<16xf32>
        %gt3A_665 = arith.cmpf ogt, %add3A_662, %gt3A_664 : vector<16xf32>
        %exp3A_666 = math.exp %add3A_662 : vector<16xf32>
        %sub3A_667 = arith.constant 1.000000e+00 : f32
        %sub3A_668 = vector.broadcast %sub3A_667 : f32 to vector<16xf32>
        %sub3A_669 = arith.subf %exp3A_666, %sub3A_668 : vector<16xf32>
        %select_n3A_670 = arith.select %gt3A_665, %add3A_662, %sub3A_669 : vector<16xi1>, vector<16xf32>
        %add3A_671 = arith.addf %broadcast_in_dim3A_611, %select_n3A_670 : vector<16xf32>
        %get3A_672 = arith.index_cast %add3A_625 : i32 to index
        %get3A_673 = arith.constant 16 : index
        %get3A_674 = tpu.vector_load %arg17[%get3A_672, %get3A_673] {strides = array<i32>} : memref<128x64xi32, #tpu.memory_space<vmem>>, vector<16xi32>,
        %shift_left3A_675 = arith.constant 16 : i32
        %shift_left3A_676 = vector.broadcast %shift_left3A_675 : i32 to vector<16xi32>
        %shift_left3A_677 = arith.shli %get3A_674, %shift_left3A_676 : vector<16xi32>
        %bitcast3A_678 = vector.bitcast %shift_left3A_677 : vector<16xi32> to vector<16xf32>
        %and3A_679 = vector.broadcast %scan3A_590 : i32 to vector<16xi32>
        %and3A_680 = arith.andi %get3A_674, %and3A_679 : vector<16xi32>
        %bitcast3A_681 = vector.bitcast %and3A_680 : vector<16xi32> to vector<16xf32>
        %get3A_682 = arith.index_cast %add3A_625 : i32 to index
        %get3A_683 = arith.constant 16 : index
        %get3A_684 = tpu.vector_load %arg19[%get3A_682, %get3A_683] {strides = array<i32>} : memref<128x64xi32, #tpu.memory_space<vmem>>, vector<16xi32>,
        %shift_left3A_685 = arith.constant 16 : i32
        %shift_left3A_686 = vector.broadcast %shift_left3A_685 : i32 to vector<16xi32>
        %shift_left3A_687 = arith.shli %get3A_684, %shift_left3A_686 : vector<16xi32>
        %bitcast3A_688 = vector.bitcast %shift_left3A_687 : vector<16xi32> to vector<16xf32>
        %and3A_689 = vector.broadcast %scan3A_590 : i32 to vector<16xi32>
        %and3A_690 = arith.andi %get3A_684, %and3A_689 : vector<16xi32>
        %bitcast3A_691 = vector.bitcast %and3A_690 : vector<16xi32> to vector<16xf32>
        %get3A_692 = arith.index_cast %add3A_625 : i32 to index
        %get3A_693 = arith.constant 16 : index
        %get3A_694 = tpu.vector_load %arg21[%get3A_692, %get3A_693] {strides = array<i32>} : memref<128x64xi32, #tpu.memory_space<vmem>>, vector<16xi32>,
        %shift_left3A_695 = arith.constant 16 : i32
        %shift_left3A_696 = vector.broadcast %shift_left3A_695 : i32 to vector<16xi32>
        %shift_left3A_697 = arith.shli %get3A_694, %shift_left3A_696 : vector<16xi32>
        %bitcast3A_698 = vector.bitcast %shift_left3A_697 : vector<16xi32> to vector<16xf32>
        %and3A_699 = vector.broadcast %scan3A_590 : i32 to vector<16xi32>
        %and3A_700 = arith.andi %get3A_694, %and3A_699 : vector<16xi32>
        %bitcast3A_701 = vector.bitcast %and3A_700 : vector<16xi32> to vector<16xf32>
        %add3A_702 = arith.addf %bitcast3A_678, %bitcast3A_688 : vector<16xf32>
        %add3A_703 = arith.addf %add3A_702, %bitcast3A_698 : vector<16xf32>
        %gt3A_704 = arith.constant 0.000000e+00 : f32
        %gt3A_705 = vector.broadcast %gt3A_704 : f32 to vector<16xf32>
        %gt3A_706 = arith.cmpf ogt, %add3A_703, %gt3A_705 : vector<16xf32>
        %exp3A_707 = math.exp %add3A_703 : vector<16xf32>
        %sub3A_708 = arith.constant 1.000000e+00 : f32
        %sub3A_709 = vector.broadcast %sub3A_708 : f32 to vector<16xf32>
        %sub3A_710 = arith.subf %exp3A_707, %sub3A_709 : vector<16xf32>
        %select_n3A_711 = arith.select %gt3A_706, %add3A_703, %sub3A_710 : vector<16xi1>, vector<16xf32>
        %add3A_712 = arith.addf %broadcast_in_dim3A_613, %select_n3A_711 : vector<16xf32>
        %add3A_713 = arith.addf %bitcast3A_681, %bitcast3A_691 : vector<16xf32>
        %add3A_714 = arith.addf %add3A_713, %bitcast3A_701 : vector<16xf32>
        %gt3A_715 = arith.constant 0.000000e+00 : f32
        %gt3A_716 = vector.broadcast %gt3A_715 : f32 to vector<16xf32>
        %gt3A_717 = arith.cmpf ogt, %add3A_714, %gt3A_716 : vector<16xf32>
        %exp3A_718 = math.exp %add3A_714 : vector<16xf32>
        %sub3A_719 = arith.constant 1.000000e+00 : f32
        %sub3A_720 = vector.broadcast %sub3A_719 : f32 to vector<16xf32>
        %sub3A_721 = arith.subf %exp3A_718, %sub3A_720 : vector<16xf32>
        %select_n3A_722 = arith.select %gt3A_717, %add3A_714, %sub3A_721 : vector<16xi1>, vector<16xf32>
        %add3A_723 = arith.addf %broadcast_in_dim3A_615, %select_n3A_722 : vector<16xf32>
        %get3A_724 = arith.index_cast %add3A_625 : i32 to index
        %get3A_725 = arith.constant 32 : index
        %get3A_726 = tpu.vector_load %arg17[%get3A_724, %get3A_725] {strides = array<i32>} : memref<128x64xi32, #tpu.memory_space<vmem>>, vector<16xi32>,
        %shift_left3A_727 = arith.constant 16 : i32
        %shift_left3A_728 = vector.broadcast %shift_left3A_727 : i32 to vector<16xi32>
        %shift_left3A_729 = arith.shli %get3A_726, %shift_left3A_728 : vector<16xi32>
        %bitcast3A_730 = vector.bitcast %shift_left3A_729 : vector<16xi32> to vector<16xf32>
        %and3A_731 = vector.broadcast %scan3A_590 : i32 to vector<16xi32>
        %and3A_732 = arith.andi %get3A_726, %and3A_731 : vector<16xi32>
        %bitcast3A_733 = vector.bitcast %and3A_732 : vector<16xi32> to vector<16xf32>
        %get3A_734 = arith.index_cast %add3A_625 : i32 to index
        %get3A_735 = arith.constant 32 : index
        %get3A_736 = tpu.vector_load %arg19[%get3A_734, %get3A_735] {strides = array<i32>} : memref<128x64xi32, #tpu.memory_space<vmem>>, vector<16xi32>,
        %shift_left3A_737 = arith.constant 16 : i32
        %shift_left3A_738 = vector.broadcast %shift_left3A_737 : i32 to vector<16xi32>
        %shift_left3A_739 = arith.shli %get3A_736, %shift_left3A_738 : vector<16xi32>
        %bitcast3A_740 = vector.bitcast %shift_left3A_739 : vector<16xi32> to vector<16xf32>
        %and3A_741 = vector.broadcast %scan3A_590 : i32 to vector<16xi32>
        %and3A_742 = arith.andi %get3A_736, %and3A_741 : vector<16xi32>
        %bitcast3A_743 = vector.bitcast %and3A_742 : vector<16xi32> to vector<16xf32>
        %get3A_744 = arith.index_cast %add3A_625 : i32 to index
        %get3A_745 = arith.constant 32 : index
        %get3A_746 = tpu.vector_load %arg21[%get3A_744, %get3A_745] {strides = array<i32>} : memref<128x64xi32, #tpu.memory_space<vmem>>, vector<16xi32>,
        %shift_left3A_747 = arith.constant 16 : i32
        %shift_left3A_748 = vector.broadcast %shift_left3A_747 : i32 to vector<16xi32>
        %shift_left3A_749 = arith.shli %get3A_746, %shift_left3A_748 : vector<16xi32>
        %bitcast3A_750 = vector.bitcast %shift_left3A_749 : vector<16xi32> to vector<16xf32>
        %and3A_751 = vector.broadcast %scan3A_590 : i32 to vector<16xi32>
        %and3A_752 = arith.andi %get3A_746, %and3A_751 : vector<16xi32>
        %bitcast3A_753 = vector.bitcast %and3A_752 : vector<16xi32> to vector<16xf32>
        %add3A_754 = arith.addf %bitcast3A_730, %bitcast3A_740 : vector<16xf32>
        %add3A_755 = arith.addf %add3A_754, %bitcast3A_750 : vector<16xf32>
        %gt3A_756 = arith.constant 0.000000e+00 : f32
        %gt3A_757 = vector.broadcast %gt3A_756 : f32 to vector<16xf32>
        %gt3A_758 = arith.cmpf ogt, %add3A_755, %gt3A_757 : vector<16xf32>
        %exp3A_759 = math.exp %add3A_755 : vector<16xf32>
        %sub3A_760 = arith.constant 1.000000e+00 : f32
        %sub3A_761 = vector.broadcast %sub3A_760 : f32 to vector<16xf32>
        %sub3A_762 = arith.subf %exp3A_759, %sub3A_761 : vector<16xf32>
        %select_n3A_763 = arith.select %gt3A_758, %add3A_755, %sub3A_762 : vector<16xi1>, vector<16xf32>
        %add3A_764 = arith.addf %broadcast_in_dim3A_617, %select_n3A_763 : vector<16xf32>
        %add3A_765 = arith.addf %bitcast3A_733, %bitcast3A_743 : vector<16xf32>
        %add3A_766 = arith.addf %add3A_765, %bitcast3A_753 : vector<16xf32>
        %gt3A_767 = arith.constant 0.000000e+00 : f32
        %gt3A_768 = vector.broadcast %gt3A_767 : f32 to vector<16xf32>
        %gt3A_769 = arith.cmpf ogt, %add3A_766, %gt3A_768 : vector<16xf32>
        %exp3A_770 = math.exp %add3A_766 : vector<16xf32>
        %sub3A_771 = arith.constant 1.000000e+00 : f32
        %sub3A_772 = vector.broadcast %sub3A_771 : f32 to vector<16xf32>
        %sub3A_773 = arith.subf %exp3A_770, %sub3A_772 : vector<16xf32>
        %select_n3A_774 = arith.select %gt3A_769, %add3A_766, %sub3A_773 : vector<16xi1>, vector<16xf32>
        %add3A_775 = arith.addf %broadcast_in_dim3A_619, %select_n3A_774 : vector<16xf32>
        %get3A_776 = arith.index_cast %add3A_625 : i32 to index
        %get3A_777 = arith.constant 48 : index
        %get3A_778 = tpu.vector_load %arg17[%get3A_776, %get3A_777] {strides = array<i32>} : memref<128x64xi32, #tpu.memory_space<vmem>>, vector<16xi32>,
        %shift_left3A_779 = arith.constant 16 : i32
        %shift_left3A_780 = vector.broadcast %shift_left3A_779 : i32 to vector<16xi32>
        %shift_left3A_781 = arith.shli %get3A_778, %shift_left3A_780 : vector<16xi32>
        %bitcast3A_782 = vector.bitcast %shift_left3A_781 : vector<16xi32> to vector<16xf32>
        %and3A_783 = vector.broadcast %scan3A_590 : i32 to vector<16xi32>
        %and3A_784 = arith.andi %get3A_778, %and3A_783 : vector<16xi32>
        %bitcast3A_785 = vector.bitcast %and3A_784 : vector<16xi32> to vector<16xf32>
        %get3A_786 = arith.index_cast %add3A_625 : i32 to index
        %get3A_787 = arith.constant 48 : index
        %get3A_788 = tpu.vector_load %arg19[%get3A_786, %get3A_787] {strides = array<i32>} : memref<128x64xi32, #tpu.memory_space<vmem>>, vector<16xi32>,
        %shift_left3A_789 = arith.constant 16 : i32
        %shift_left3A_790 = vector.broadcast %shift_left3A_789 : i32 to vector<16xi32>
        %shift_left3A_791 = arith.shli %get3A_788, %shift_left3A_790 : vector<16xi32>
        %bitcast3A_792 = vector.bitcast %shift_left3A_791 : vector<16xi32> to vector<16xf32>
        %and3A_793 = vector.broadcast %scan3A_590 : i32 to vector<16xi32>
        %and3A_794 = arith.andi %get3A_788, %and3A_793 : vector<16xi32>
        %bitcast3A_795 = vector.bitcast %and3A_794 : vector<16xi32> to vector<16xf32>
        %get3A_796 = arith.index_cast %add3A_625 : i32 to index
        %get3A_797 = arith.constant 48 : index
        %get3A_798 = tpu.vector_load %arg21[%get3A_796, %get3A_797] {strides = array<i32>} : memref<128x64xi32, #tpu.memory_space<vmem>>, vector<16xi32>,
        %shift_left3A_799 = arith.constant 16 : i32
        %shift_left3A_800 = vector.broadcast %shift_left3A_799 : i32 to vector<16xi32>
        %shift_left3A_801 = arith.shli %get3A_798, %shift_left3A_800 : vector<16xi32>
        %bitcast3A_802 = vector.bitcast %shift_left3A_801 : vector<16xi32> to vector<16xf32>
        %and3A_803 = vector.broadcast %scan3A_590 : i32 to vector<16xi32>
        %and3A_804 = arith.andi %get3A_798, %and3A_803 : vector<16xi32>
        %bitcast3A_805 = vector.bitcast %and3A_804 : vector<16xi32> to vector<16xf32>
        %add3A_806 = arith.addf %bitcast3A_782, %bitcast3A_792 : vector<16xf32>
        %add3A_807 = arith.addf %add3A_806, %bitcast3A_802 : vector<16xf32>
        %gt3A_808 = arith.constant 0.000000e+00 : f32
        %gt3A_809 = vector.broadcast %gt3A_808 : f32 to vector<16xf32>
        %gt3A_810 = arith.cmpf ogt, %add3A_807, %gt3A_809 : vector<16xf32>
        %exp3A_811 = math.exp %add3A_807 : vector<16xf32>
        %sub3A_812 = arith.constant 1.000000e+00 : f32
        %sub3A_813 = vector.broadcast %sub3A_812 : f32 to vector<16xf32>
        %sub3A_814 = arith.subf %exp3A_811, %sub3A_813 : vector<16xf32>
        %select_n3A_815 = arith.select %gt3A_810, %add3A_807, %sub3A_814 : vector<16xi1>, vector<16xf32>
        %add3A_816 = arith.addf %broadcast_in_dim3A_621, %select_n3A_815 : vector<16xf32>
        %add3A_817 = arith.addf %bitcast3A_785, %bitcast3A_795 : vector<16xf32>
        %add3A_818 = arith.addf %add3A_817, %bitcast3A_805 : vector<16xf32>
        %gt3A_819 = arith.constant 0.000000e+00 : f32
        %gt3A_820 = vector.broadcast %gt3A_819 : f32 to vector<16xf32>
        %gt3A_821 = arith.cmpf ogt, %add3A_818, %gt3A_820 : vector<16xf32>
        %exp3A_822 = math.exp %add3A_818 : vector<16xf32>
        %sub3A_823 = arith.constant 1.000000e+00 : f32
        %sub3A_824 = vector.broadcast %sub3A_823 : f32 to vector<16xf32>
        %sub3A_825 = arith.subf %exp3A_822, %sub3A_824 : vector<16xf32>
        %select_n3A_826 = arith.select %gt3A_821, %add3A_818, %sub3A_825 : vector<16xi1>, vector<16xf32>
        %add3A_827 = arith.addf %broadcast_in_dim3A_623, %select_n3A_826 : vector<16xf32>
        %add3A_828 = arith.constant 1 : i32
        %add3A_829 = arith.addi %mul3A_608, %add3A_828 : i32
        %get3A_830 = arith.index_cast %add3A_829 : i32 to index
        %get3A_831 = arith.constant 0 : index
        %get3A_832 = tpu.vector_load %arg17[%get3A_830, %get3A_831] {strides = array<i32>} : memref<128x64xi32, #tpu.memory_space<vmem>>, vector<16xi32>,
        %shift_left3A_833 = arith.constant 16 : i32
        %shift_left3A_834 = vector.broadcast %shift_left3A_833 : i32 to vector<16xi32>
        %shift_left3A_835 = arith.shli %get3A_832, %shift_left3A_834 : vector<16xi32>
        %bitcast3A_836 = vector.bitcast %shift_left3A_835 : vector<16xi32> to vector<16xf32>
        %and3A_837 = vector.broadcast %scan3A_590 : i32 to vector<16xi32>
        %and3A_838 = arith.andi %get3A_832, %and3A_837 : vector<16xi32>
        %bitcast3A_839 = vector.bitcast %and3A_838 : vector<16xi32> to vector<16xf32>
        %get3A_840 = arith.index_cast %add3A_829 : i32 to index
        %get3A_841 = arith.constant 0 : index
        %get3A_842 = tpu.vector_load %arg19[%get3A_840, %get3A_841] {strides = array<i32>} : memref<128x64xi32, #tpu.memory_space<vmem>>, vector<16xi32>,
        %shift_left3A_843 = arith.constant 16 : i32
        %shift_left3A_844 = vector.broadcast %shift_left3A_843 : i32 to vector<16xi32>
        %shift_left3A_845 = arith.shli %get3A_842, %shift_left3A_844 : vector<16xi32>
        %bitcast3A_846 = vector.bitcast %shift_left3A_845 : vector<16xi32> to vector<16xf32>
        %and3A_847 = vector.broadcast %scan3A_590 : i32 to vector<16xi32>
        %and3A_848 = arith.andi %get3A_842, %and3A_847 : vector<16xi32>
        %bitcast3A_849 = vector.bitcast %and3A_848 : vector<16xi32> to vector<16xf32>
        %get3A_850 = arith.index_cast %add3A_829 : i32 to index
        %get3A_851 = arith.constant 0 : index
        %get3A_852 = tpu.vector_load %arg21[%get3A_850, %get3A_851] {strides = array<i32>} : memref<128x64xi32, #tpu.memory_space<vmem>>, vector<16xi32>,
        %shift_left3A_853 = arith.constant 16 : i32
        %shift_left3A_854 = vector.broadcast %shift_left3A_853 : i32 to vector<16xi32>
        %shift_left3A_855 = arith.shli %get3A_852, %shift_left3A_854 : vector<16xi32>
        %bitcast3A_856 = vector.bitcast %shift_left3A_855 : vector<16xi32> to vector<16xf32>
        %and3A_857 = vector.broadcast %scan3A_590 : i32 to vector<16xi32>
        %and3A_858 = arith.andi %get3A_852, %and3A_857 : vector<16xi32>
        %bitcast3A_859 = vector.bitcast %and3A_858 : vector<16xi32> to vector<16xf32>
        %add3A_860 = arith.addf %bitcast3A_836, %bitcast3A_846 : vector<16xf32>
        %add3A_861 = arith.addf %add3A_860, %bitcast3A_856 : vector<16xf32>
        %gt3A_862 = arith.constant 0.000000e+00 : f32
        %gt3A_863 = vector.broadcast %gt3A_862 : f32 to vector<16xf32>
        %gt3A_864 = arith.cmpf ogt, %add3A_861, %gt3A_863 : vector<16xf32>
        %exp3A_865 = math.exp %add3A_861 : vector<16xf32>
        %sub3A_866 = arith.constant 1.000000e+00 : f32
        %sub3A_867 = vector.broadcast %sub3A_866 : f32 to vector<16xf32>
        %sub3A_868 = arith.subf %exp3A_865, %sub3A_867 : vector<16xf32>
        %select_n3A_869 = arith.select %gt3A_864, %add3A_861, %sub3A_868 : vector<16xi1>, vector<16xf32>
        %add3A_870 = arith.addf %add3A_660, %select_n3A_869 : vector<16xf32>
        %add3A_871 = arith.addf %bitcast3A_839, %bitcast3A_849 : vector<16xf32>
        %add3A_872 = arith.addf %add3A_871, %bitcast3A_859 : vector<16xf32>
        %gt3A_873 = arith.constant 0.000000e+00 : f32
        %gt3A_874 = vector.broadcast %gt3A_873 : f32 to vector<16xf32>
        %gt3A_875 = arith.cmpf ogt, %add3A_872, %gt3A_874 : vector<16xf32>
        %exp3A_876 = math.exp %add3A_872 : vector<16xf32>
        %sub3A_877 = arith.constant 1.000000e+00 : f32
        %sub3A_878 = vector.broadcast %sub3A_877 : f32 to vector<16xf32>
        %sub3A_879 = arith.subf %exp3A_876, %sub3A_878 : vector<16xf32>
        %select_n3A_880 = arith.select %gt3A_875, %add3A_872, %sub3A_879 : vector<16xi1>, vector<16xf32>
        %add3A_881 = arith.addf %add3A_671, %select_n3A_880 : vector<16xf32>
        %get3A_882 = arith.index_cast %add3A_829 : i32 to index
        %get3A_883 = arith.constant 16 : index
        %get3A_884 = tpu.vector_load %arg17[%get3A_882, %get3A_883] {strides = array<i32>} : memref<128x64xi32, #tpu.memory_space<vmem>>, vector<16xi32>,
        %shift_left3A_885 = arith.constant 16 : i32
        %shift_left3A_886 = vector.broadcast %shift_left3A_885 : i32 to vector<16xi32>
        %shift_left3A_887 = arith.shli %get3A_884, %shift_left3A_886 : vector<16xi32>
        %bitcast3A_888 = vector.bitcast %shift_left3A_887 : vector<16xi32> to vector<16xf32>
        %and3A_889 = vector.broadcast %scan3A_590 : i32 to vector<16xi32>
        %and3A_890 = arith.andi %get3A_884, %and3A_889 : vector<16xi32>
        %bitcast3A_891 = vector.bitcast %and3A_890 : vector<16xi32> to vector<16xf32>
        %get3A_892 = arith.index_cast %add3A_829 : i32 to index
        %get3A_893 = arith.constant 16 : index
        %get3A_894 = tpu.vector_load %arg19[%get3A_892, %get3A_893] {strides = array<i32>} : memref<128x64xi32, #tpu.memory_space<vmem>>, vector<16xi32>,
        %shift_left3A_895 = arith.constant 16 : i32
        %shift_left3A_896 = vector.broadcast %shift_left3A_895 : i32 to vector<16xi32>
        %shift_left3A_897 = arith.shli %get3A_894, %shift_left3A_896 : vector<16xi32>
        %bitcast3A_898 = vector.bitcast %shift_left3A_897 : vector<16xi32> to vector<16xf32>
        %and3A_899 = vector.broadcast %scan3A_590 : i32 to vector<16xi32>
        %and3A_900 = arith.andi %get3A_894, %and3A_899 : vector<16xi32>
        %bitcast3A_901 = vector.bitcast %and3A_900 : vector<16xi32> to vector<16xf32>
        %get3A_902 = arith.index_cast %add3A_829 : i32 to index
        %get3A_903 = arith.constant 16 : index
        %get3A_904 = tpu.vector_load %arg21[%get3A_902, %get3A_903] {strides = array<i32>} : memref<128x64xi32, #tpu.memory_space<vmem>>, vector<16xi32>,
        %shift_left3A_905 = arith.constant 16 : i32
        %shift_left3A_906 = vector.broadcast %shift_left3A_905 : i32 to vector<16xi32>
        %shift_left3A_907 = arith.shli %get3A_904, %shift_left3A_906 : vector<16xi32>
        %bitcast3A_908 = vector.bitcast %shift_left3A_907 : vector<16xi32> to vector<16xf32>
        %and3A_909 = vector.broadcast %scan3A_590 : i32 to vector<16xi32>
        %and3A_910 = arith.andi %get3A_904, %and3A_909 : vector<16xi32>
        %bitcast3A_911 = vector.bitcast %and3A_910 : vector<16xi32> to vector<16xf32>
        %add3A_912 = arith.addf %bitcast3A_888, %bitcast3A_898 : vector<16xf32>
        %add3A_913 = arith.addf %add3A_912, %bitcast3A_908 : vector<16xf32>
        %gt3A_914 = arith.constant 0.000000e+00 : f32
        %gt3A_915 = vector.broadcast %gt3A_914 : f32 to vector<16xf32>
        %gt3A_916 = arith.cmpf ogt, %add3A_913, %gt3A_915 : vector<16xf32>
        %exp3A_917 = math.exp %add3A_913 : vector<16xf32>
        %sub3A_918 = arith.constant 1.000000e+00 : f32
        %sub3A_919 = vector.broadcast %sub3A_918 : f32 to vector<16xf32>
        %sub3A_920 = arith.subf %exp3A_917, %sub3A_919 : vector<16xf32>
        %select_n3A_921 = arith.select %gt3A_916, %add3A_913, %sub3A_920 : vector<16xi1>, vector<16xf32>
        %add3A_922 = arith.addf %add3A_712, %select_n3A_921 : vector<16xf32>
        %add3A_923 = arith.addf %bitcast3A_891, %bitcast3A_901 : vector<16xf32>
        %add3A_924 = arith.addf %add3A_923, %bitcast3A_911 : vector<16xf32>
        %gt3A_925 = arith.constant 0.000000e+00 : f32
        %gt3A_926 = vector.broadcast %gt3A_925 : f32 to vector<16xf32>
        %gt3A_927 = arith.cmpf ogt, %add3A_924, %gt3A_926 : vector<16xf32>
        %exp3A_928 = math.exp %add3A_924 : vector<16xf32>
        %sub3A_929 = arith.constant 1.000000e+00 : f32
        %sub3A_930 = vector.broadcast %sub3A_929 : f32 to vector<16xf32>
        %sub3A_931 = arith.subf %exp3A_928, %sub3A_930 : vector<16xf32>
        %select_n3A_932 = arith.select %gt3A_927, %add3A_924, %sub3A_931 : vector<16xi1>, vector<16xf32>
        %add3A_933 = arith.addf %add3A_723, %select_n3A_932 : vector<16xf32>
        %get3A_934 = arith.index_cast %add3A_829 : i32 to index
        %get3A_935 = arith.constant 32 : index
        %get3A_936 = tpu.vector_load %arg17[%get3A_934, %get3A_935] {strides = array<i32>} : memref<128x64xi32, #tpu.memory_space<vmem>>, vector<16xi32>,
        %shift_left3A_937 = arith.constant 16 : i32
        %shift_left3A_938 = vector.broadcast %shift_left3A_937 : i32 to vector<16xi32>
        %shift_left3A_939 = arith.shli %get3A_936, %shift_left3A_938 : vector<16xi32>
        %bitcast3A_940 = vector.bitcast %shift_left3A_939 : vector<16xi32> to vector<16xf32>
        %and3A_941 = vector.broadcast %scan3A_590 : i32 to vector<16xi32>
        %and3A_942 = arith.andi %get3A_936, %and3A_941 : vector<16xi32>
        %bitcast3A_943 = vector.bitcast %and3A_942 : vector<16xi32> to vector<16xf32>
        %get3A_944 = arith.index_cast %add3A_829 : i32 to index
        %get3A_945 = arith.constant 32 : index
        %get3A_946 = tpu.vector_load %arg19[%get3A_944, %get3A_945] {strides = array<i32>} : memref<128x64xi32, #tpu.memory_space<vmem>>, vector<16xi32>,
        %shift_left3A_947 = arith.constant 16 : i32
        %shift_left3A_948 = vector.broadcast %shift_left3A_947 : i32 to vector<16xi32>
        %shift_left3A_949 = arith.shli %get3A_946, %shift_left3A_948 : vector<16xi32>
        %bitcast3A_950 = vector.bitcast %shift_left3A_949 : vector<16xi32> to vector<16xf32>
        %and3A_951 = vector.broadcast %scan3A_590 : i32 to vector<16xi32>
        %and3A_952 = arith.andi %get3A_946, %and3A_951 : vector<16xi32>
        %bitcast3A_953 = vector.bitcast %and3A_952 : vector<16xi32> to vector<16xf32>
        %get3A_954 = arith.index_cast %add3A_829 : i32 to index
        %get3A_955 = arith.constant 32 : index
        %get3A_956 = tpu.vector_load %arg21[%get3A_954, %get3A_955] {strides = array<i32>} : memref<128x64xi32, #tpu.memory_space<vmem>>, vector<16xi32>,
        %shift_left3A_957 = arith.constant 16 : i32
        %shift_left3A_958 = vector.broadcast %shift_left3A_957 : i32 to vector<16xi32>
        %shift_left3A_959 = arith.shli %get3A_956, %shift_left3A_958 : vector<16xi32>
        %bitcast3A_960 = vector.bitcast %shift_left3A_959 : vector<16xi32> to vector<16xf32>
        %and3A_961 = vector.broadcast %scan3A_590 : i32 to vector<16xi32>
        %and3A_962 = arith.andi %get3A_956, %and3A_961 : vector<16xi32>
        %bitcast3A_963 = vector.bitcast %and3A_962 : vector<16xi32> to vector<16xf32>
        %add3A_964 = arith.addf %bitcast3A_940, %bitcast3A_950 : vector<16xf32>
        %add3A_965 = arith.addf %add3A_964, %bitcast3A_960 : vector<16xf32>
        %gt3A_966 = arith.constant 0.000000e+00 : f32
        %gt3A_967 = vector.broadcast %gt3A_966 : f32 to vector<16xf32>
        %gt3A_968 = arith.cmpf ogt, %add3A_965, %gt3A_967 : vector<16xf32>
        %exp3A_969 = math.exp %add3A_965 : vector<16xf32>
        %sub3A_970 = arith.constant 1.000000e+00 : f32
        %sub3A_971 = vector.broadcast %sub3A_970 : f32 to vector<16xf32>
        %sub3A_972 = arith.subf %exp3A_969, %sub3A_971 : vector<16xf32>
        %select_n3A_973 = arith.select %gt3A_968, %add3A_965, %sub3A_972 : vector<16xi1>, vector<16xf32>
        %add3A_974 = arith.addf %add3A_764, %select_n3A_973 : vector<16xf32>
        %add3A_975 = arith.addf %bitcast3A_943, %bitcast3A_953 : vector<16xf32>
        %add3A_976 = arith.addf %add3A_975, %bitcast3A_963 : vector<16xf32>
        %gt3A_977 = arith.constant 0.000000e+00 : f32
        %gt3A_978 = vector.broadcast %gt3A_977 : f32 to vector<16xf32>
        %gt3A_979 = arith.cmpf ogt, %add3A_976, %gt3A_978 : vector<16xf32>
        %exp3A_980 = math.exp %add3A_976 : vector<16xf32>
        %sub3A_981 = arith.constant 1.000000e+00 : f32
        %sub3A_982 = vector.broadcast %sub3A_981 : f32 to vector<16xf32>
        %sub3A_983 = arith.subf %exp3A_980, %sub3A_982 : vector<16xf32>
        %select_n3A_984 = arith.select %gt3A_979, %add3A_976, %sub3A_983 : vector<16xi1>, vector<16xf32>
        %add3A_985 = arith.addf %add3A_775, %select_n3A_984 : vector<16xf32>
        %get3A_986 = arith.index_cast %add3A_829 : i32 to index
        %get3A_987 = arith.constant 48 : index
        %get3A_988 = tpu.vector_load %arg17[%get3A_986, %get3A_987] {strides = array<i32>} : memref<128x64xi32, #tpu.memory_space<vmem>>, vector<16xi32>,
        %shift_left3A_989 = arith.constant 16 : i32
        %shift_left3A_990 = vector.broadcast %shift_left3A_989 : i32 to vector<16xi32>
        %shift_left3A_991 = arith.shli %get3A_988, %shift_left3A_990 : vector<16xi32>
        %bitcast3A_992 = vector.bitcast %shift_left3A_991 : vector<16xi32> to vector<16xf32>
        %and3A_993 = vector.broadcast %scan3A_590 : i32 to vector<16xi32>
        %and3A_994 = arith.andi %get3A_988, %and3A_993 : vector<16xi32>
        %bitcast3A_995 = vector.bitcast %and3A_994 : vector<16xi32> to vector<16xf32>
        %get3A_996 = arith.index_cast %add3A_829 : i32 to index
        %get3A_997 = arith.constant 48 : index
        %get3A_998 = tpu.vector_load %arg19[%get3A_996, %get3A_997] {strides = array<i32>} : memref<128x64xi32, #tpu.memory_space<vmem>>, vector<16xi32>,
        %shift_left3A_999 = arith.constant 16 : i32
        %shift_left3A_1000 = vector.broadcast %shift_left3A_999 : i32 to vector<16xi32>
        %shift_left3A_1001 = arith.shli %get3A_998, %shift_left3A_1000 : vector<16xi32>
        %bitcast3A_1002 = vector.bitcast %shift_left3A_1001 : vector<16xi32> to vector<16xf32>
        %and3A_1003 = vector.broadcast %scan3A_590 : i32 to vector<16xi32>
        %and3A_1004 = arith.andi %get3A_998, %and3A_1003 : vector<16xi32>
        %bitcast3A_1005 = vector.bitcast %and3A_1004 : vector<16xi32> to vector<16xf32>
        %get3A_1006 = arith.index_cast %add3A_829 : i32 to index
        %get3A_1007 = arith.constant 48 : index
        %get3A_1008 = tpu.vector_load %arg21[%get3A_1006, %get3A_1007] {strides = array<i32>} : memref<128x64xi32, #tpu.memory_space<vmem>>, vector<16xi32>,
        %shift_left3A_1009 = arith.constant 16 : i32
        %shift_left3A_1010 = vector.broadcast %shift_left3A_1009 : i32 to vector<16xi32>
        %shift_left3A_1011 = arith.shli %get3A_1008, %shift_left3A_1010 : vector<16xi32>
        %bitcast3A_1012 = vector.bitcast %shift_left3A_1011 : vector<16xi32> to vector<16xf32>
        %and3A_1013 = vector.broadcast %scan3A_590 : i32 to vector<16xi32>
        %and3A_1014 = arith.andi %get3A_1008, %and3A_1013 : vector<16xi32>
        %bitcast3A_1015 = vector.bitcast %and3A_1014 : vector<16xi32> to vector<16xf32>
        %add3A_1016 = arith.addf %bitcast3A_992, %bitcast3A_1002 : vector<16xf32>
        %add3A_1017 = arith.addf %add3A_1016, %bitcast3A_1012 : vector<16xf32>
        %gt3A_1018 = arith.constant 0.000000e+00 : f32
        %gt3A_1019 = vector.broadcast %gt3A_1018 : f32 to vector<16xf32>
        %gt3A_1020 = arith.cmpf ogt, %add3A_1017, %gt3A_1019 : vector<16xf32>
        %exp3A_1021 = math.exp %add3A_1017 : vector<16xf32>
        %sub3A_1022 = arith.constant 1.000000e+00 : f32
        %sub3A_1023 = vector.broadcast %sub3A_1022 : f32 to vector<16xf32>
        %sub3A_1024 = arith.subf %exp3A_1021, %sub3A_1023 : vector<16xf32>
        %select_n3A_1025 = arith.select %gt3A_1020, %add3A_1017, %sub3A_1024 : vector<16xi1>, vector<16xf32>
        %add3A_1026 = arith.addf %add3A_816, %select_n3A_1025 : vector<16xf32>
        %add3A_1027 = arith.addf %bitcast3A_995, %bitcast3A_1005 : vector<16xf32>
        %add3A_1028 = arith.addf %add3A_1027, %bitcast3A_1015 : vector<16xf32>
        %gt3A_1029 = arith.constant 0.000000e+00 : f32
        %gt3A_1030 = vector.broadcast %gt3A_1029 : f32 to vector<16xf32>
        %gt3A_1031 = arith.cmpf ogt, %add3A_1028, %gt3A_1030 : vector<16xf32>
        %exp3A_1032 = math.exp %add3A_1028 : vector<16xf32>
        %sub3A_1033 = arith.constant 1.000000e+00 : f32
        %sub3A_1034 = vector.broadcast %sub3A_1033 : f32 to vector<16xf32>
        %sub3A_1035 = arith.subf %exp3A_1032, %sub3A_1034 : vector<16xf32>
        %select_n3A_1036 = arith.select %gt3A_1031, %add3A_1028, %sub3A_1035 : vector<16xi1>, vector<16xf32>
        %add3A_1037 = arith.addf %add3A_827, %select_n3A_1036 : vector<16xf32>
        %add3A_1038 = arith.constant 2 : i32
        %add3A_1039 = arith.addi %mul3A_608, %add3A_1038 : i32
        %get3A_1040 = arith.index_cast %add3A_1039 : i32 to index
        %get3A_1041 = arith.constant 0 : index
        %get3A_1042 = tpu.vector_load %arg17[%get3A_1040, %get3A_1041] {strides = array<i32>} : memref<128x64xi32, #tpu.memory_space<vmem>>, vector<16xi32>,
        %shift_left3A_1043 = arith.constant 16 : i32
        %shift_left3A_1044 = vector.broadcast %shift_left3A_1043 : i32 to vector<16xi32>
        %shift_left3A_1045 = arith.shli %get3A_1042, %shift_left3A_1044 : vector<16xi32>
        %bitcast3A_1046 = vector.bitcast %shift_left3A_1045 : vector<16xi32> to vector<16xf32>
        %and3A_1047 = vector.broadcast %scan3A_590 : i32 to vector<16xi32>
        %and3A_1048 = arith.andi %get3A_1042, %and3A_1047 : vector<16xi32>
        %bitcast3A_1049 = vector.bitcast %and3A_1048 : vector<16xi32> to vector<16xf32>
        %get3A_1050 = arith.index_cast %add3A_1039 : i32 to index
        %get3A_1051 = arith.constant 0 : index
        %get3A_1052 = tpu.vector_load %arg19[%get3A_1050, %get3A_1051] {strides = array<i32>} : memref<128x64xi32, #tpu.memory_space<vmem>>, vector<16xi32>,
        %shift_left3A_1053 = arith.constant 16 : i32
        %shift_left3A_1054 = vector.broadcast %shift_left3A_1053 : i32 to vector<16xi32>
        %shift_left3A_1055 = arith.shli %get3A_1052, %shift_left3A_1054 : vector<16xi32>
        %bitcast3A_1056 = vector.bitcast %shift_left3A_1055 : vector<16xi32> to vector<16xf32>
        %and3A_1057 = vector.broadcast %scan3A_590 : i32 to vector<16xi32>
        %and3A_1058 = arith.andi %get3A_1052, %and3A_1057 : vector<16xi32>
        %bitcast3A_1059 = vector.bitcast %and3A_1058 : vector<16xi32> to vector<16xf32>
        %get3A_1060 = arith.index_cast %add3A_1039 : i32 to index
        %get3A_1061 = arith.constant 0 : index
        %get3A_1062 = tpu.vector_load %arg21[%get3A_1060, %get3A_1061] {strides = array<i32>} : memref<128x64xi32, #tpu.memory_space<vmem>>, vector<16xi32>,
        %shift_left3A_1063 = arith.constant 16 : i32
        %shift_left3A_1064 = vector.broadcast %shift_left3A_1063 : i32 to vector<16xi32>
        %shift_left3A_1065 = arith.shli %get3A_1062, %shift_left3A_1064 : vector<16xi32>
        %bitcast3A_1066 = vector.bitcast %shift_left3A_1065 : vector<16xi32> to vector<16xf32>
        %and3A_1067 = vector.broadcast %scan3A_590 : i32 to vector<16xi32>
        %and3A_1068 = arith.andi %get3A_1062, %and3A_1067 : vector<16xi32>
        %bitcast3A_1069 = vector.bitcast %and3A_1068 : vector<16xi32> to vector<16xf32>
        %add3A_1070 = arith.addf %bitcast3A_1046, %bitcast3A_1056 : vector<16xf32>
        %add3A_1071 = arith.addf %add3A_1070, %bitcast3A_1066 : vector<16xf32>
        %gt3A_1072 = arith.constant 0.000000e+00 : f32
        %gt3A_1073 = vector.broadcast %gt3A_1072 : f32 to vector<16xf32>
        %gt3A_1074 = arith.cmpf ogt, %add3A_1071, %gt3A_1073 : vector<16xf32>
        %exp3A_1075 = math.exp %add3A_1071 : vector<16xf32>
        %sub3A_1076 = arith.constant 1.000000e+00 : f32
        %sub3A_1077 = vector.broadcast %sub3A_1076 : f32 to vector<16xf32>
        %sub3A_1078 = arith.subf %exp3A_1075, %sub3A_1077 : vector<16xf32>
        %select_n3A_1079 = arith.select %gt3A_1074, %add3A_1071, %sub3A_1078 : vector<16xi1>, vector<16xf32>
        %add3A_1080 = arith.addf %add3A_870, %select_n3A_1079 : vector<16xf32>
        %add3A_1081 = arith.addf %bitcast3A_1049, %bitcast3A_1059 : vector<16xf32>
        %add3A_1082 = arith.addf %add3A_1081, %bitcast3A_1069 : vector<16xf32>
        %gt3A_1083 = arith.constant 0.000000e+00 : f32
        %gt3A_1084 = vector.broadcast %gt3A_1083 : f32 to vector<16xf32>
        %gt3A_1085 = arith.cmpf ogt, %add3A_1082, %gt3A_1084 : vector<16xf32>
        %exp3A_1086 = math.exp %add3A_1082 : vector<16xf32>
        %sub3A_1087 = arith.constant 1.000000e+00 : f32
        %sub3A_1088 = vector.broadcast %sub3A_1087 : f32 to vector<16xf32>
        %sub3A_1089 = arith.subf %exp3A_1086, %sub3A_1088 : vector<16xf32>
        %select_n3A_1090 = arith.select %gt3A_1085, %add3A_1082, %sub3A_1089 : vector<16xi1>, vector<16xf32>
        %add3A_1091 = arith.addf %add3A_881, %select_n3A_1090 : vector<16xf32>
        %get3A_1092 = arith.index_cast %add3A_1039 : i32 to index
        %get3A_1093 = arith.constant 16 : index
        %get3A_1094 = tpu.vector_load %arg17[%get3A_1092, %get3A_1093] {strides = array<i32>} : memref<128x64xi32, #tpu.memory_space<vmem>>, vector<16xi32>,
        %shift_left3A_1095 = arith.constant 16 : i32
        %shift_left3A_1096 = vector.broadcast %shift_left3A_1095 : i32 to vector<16xi32>
        %shift_left3A_1097 = arith.shli %get3A_1094, %shift_left3A_1096 : vector<16xi32>
        %bitcast3A_1098 = vector.bitcast %shift_left3A_1097 : vector<16xi32> to vector<16xf32>
        %and3A_1099 = vector.broadcast %scan3A_590 : i32 to vector<16xi32>
        %and3A_1100 = arith.andi %get3A_1094, %and3A_1099 : vector<16xi32>
        %bitcast3A_1101 = vector.bitcast %and3A_1100 : vector<16xi32> to vector<16xf32>
        %get3A_1102 = arith.index_cast %add3A_1039 : i32 to index
        %get3A_1103 = arith.constant 16 : index
        %get3A_1104 = tpu.vector_load %arg19[%get3A_1102, %get3A_1103] {strides = array<i32>} : memref<128x64xi32, #tpu.memory_space<vmem>>, vector<16xi32>,
        %shift_left3A_1105 = arith.constant 16 : i32
        %shift_left3A_1106 = vector.broadcast %shift_left3A_1105 : i32 to vector<16xi32>
        %shift_left3A_1107 = arith.shli %get3A_1104, %shift_left3A_1106 : vector<16xi32>
        %bitcast3A_1108 = vector.bitcast %shift_left3A_1107 : vector<16xi32> to vector<16xf32>
        %and3A_1109 = vector.broadcast %scan3A_590 : i32 to vector<16xi32>
        %and3A_1110 = arith.andi %get3A_1104, %and3A_1109 : vector<16xi32>
        %bitcast3A_1111 = vector.bitcast %and3A_1110 : vector<16xi32> to vector<16xf32>
        %get3A_1112 = arith.index_cast %add3A_1039 : i32 to index
        %get3A_1113 = arith.constant 16 : index
        %get3A_1114 = tpu.vector_load %arg21[%get3A_1112, %get3A_1113] {strides = array<i32>} : memref<128x64xi32, #tpu.memory_space<vmem>>, vector<16xi32>,
        %shift_left3A_1115 = arith.constant 16 : i32
        %shift_left3A_1116 = vector.broadcast %shift_left3A_1115 : i32 to vector<16xi32>
        %shift_left3A_1117 = arith.shli %get3A_1114, %shift_left3A_1116 : vector<16xi32>
        %bitcast3A_1118 = vector.bitcast %shift_left3A_1117 : vector<16xi32> to vector<16xf32>
        %and3A_1119 = vector.broadcast %scan3A_590 : i32 to vector<16xi32>
        %and3A_1120 = arith.andi %get3A_1114, %and3A_1119 : vector<16xi32>
        %bitcast3A_1121 = vector.bitcast %and3A_1120 : vector<16xi32> to vector<16xf32>
        %add3A_1122 = arith.addf %bitcast3A_1098, %bitcast3A_1108 : vector<16xf32>
        %add3A_1123 = arith.addf %add3A_1122, %bitcast3A_1118 : vector<16xf32>
        %gt3A_1124 = arith.constant 0.000000e+00 : f32
        %gt3A_1125 = vector.broadcast %gt3A_1124 : f32 to vector<16xf32>
        %gt3A_1126 = arith.cmpf ogt, %add3A_1123, %gt3A_1125 : vector<16xf32>
        %exp3A_1127 = math.exp %add3A_1123 : vector<16xf32>
        %sub3A_1128 = arith.constant 1.000000e+00 : f32
        %sub3A_1129 = vector.broadcast %sub3A_1128 : f32 to vector<16xf32>
        %sub3A_1130 = arith.subf %exp3A_1127, %sub3A_1129 : vector<16xf32>
        %select_n3A_1131 = arith.select %gt3A_1126, %add3A_1123, %sub3A_1130 : vector<16xi1>, vector<16xf32>
        %add3A_1132 = arith.addf %add3A_922, %select_n3A_1131 : vector<16xf32>
        %add3A_1133 = arith.addf %bitcast3A_1101, %bitcast3A_1111 : vector<16xf32>
        %add3A_1134 = arith.addf %add3A_1133, %bitcast3A_1121 : vector<16xf32>
        %gt3A_1135 = arith.constant 0.000000e+00 : f32
        %gt3A_1136 = vector.broadcast %gt3A_1135 : f32 to vector<16xf32>
        %gt3A_1137 = arith.cmpf ogt, %add3A_1134, %gt3A_1136 : vector<16xf32>
        %exp3A_1138 = math.exp %add3A_1134 : vector<16xf32>
        %sub3A_1139 = arith.constant 1.000000e+00 : f32
        %sub3A_1140 = vector.broadcast %sub3A_1139 : f32 to vector<16xf32>
        %sub3A_1141 = arith.subf %exp3A_1138, %sub3A_1140 : vector<16xf32>
        %select_n3A_1142 = arith.select %gt3A_1137, %add3A_1134, %sub3A_1141 : vector<16xi1>, vector<16xf32>
        %add3A_1143 = arith.addf %add3A_933, %select_n3A_1142 : vector<16xf32>
        %get3A_1144 = arith.index_cast %add3A_1039 : i32 to index
        %get3A_1145 = arith.constant 32 : index
        %get3A_1146 = tpu.vector_load %arg17[%get3A_1144, %get3A_1145] {strides = array<i32>} : memref<128x64xi32, #tpu.memory_space<vmem>>, vector<16xi32>,
        %shift_left3A_1147 = arith.constant 16 : i32
        %shift_left3A_1148 = vector.broadcast %shift_left3A_1147 : i32 to vector<16xi32>
        %shift_left3A_1149 = arith.shli %get3A_1146, %shift_left3A_1148 : vector<16xi32>
        %bitcast3A_1150 = vector.bitcast %shift_left3A_1149 : vector<16xi32> to vector<16xf32>
        %and3A_1151 = vector.broadcast %scan3A_590 : i32 to vector<16xi32>
        %and3A_1152 = arith.andi %get3A_1146, %and3A_1151 : vector<16xi32>
        %bitcast3A_1153 = vector.bitcast %and3A_1152 : vector<16xi32> to vector<16xf32>
        %get3A_1154 = arith.index_cast %add3A_1039 : i32 to index
        %get3A_1155 = arith.constant 32 : index
        %get3A_1156 = tpu.vector_load %arg19[%get3A_1154, %get3A_1155] {strides = array<i32>} : memref<128x64xi32, #tpu.memory_space<vmem>>, vector<16xi32>,
        %shift_left3A_1157 = arith.constant 16 : i32
        %shift_left3A_1158 = vector.broadcast %shift_left3A_1157 : i32 to vector<16xi32>
        %shift_left3A_1159 = arith.shli %get3A_1156, %shift_left3A_1158 : vector<16xi32>
        %bitcast3A_1160 = vector.bitcast %shift_left3A_1159 : vector<16xi32> to vector<16xf32>
        %and3A_1161 = vector.broadcast %scan3A_590 : i32 to vector<16xi32>
        %and3A_1162 = arith.andi %get3A_1156, %and3A_1161 : vector<16xi32>
        %bitcast3A_1163 = vector.bitcast %and3A_1162 : vector<16xi32> to vector<16xf32>
        %get3A_1164 = arith.index_cast %add3A_1039 : i32 to index
        %get3A_1165 = arith.constant 32 : index
        %get3A_1166 = tpu.vector_load %arg21[%get3A_1164, %get3A_1165] {strides = array<i32>} : memref<128x64xi32, #tpu.memory_space<vmem>>, vector<16xi32>,
        %shift_left3A_1167 = arith.constant 16 : i32
        %shift_left3A_1168 = vector.broadcast %shift_left3A_1167 : i32 to vector<16xi32>
        %shift_left3A_1169 = arith.shli %get3A_1166, %shift_left3A_1168 : vector<16xi32>
        %bitcast3A_1170 = vector.bitcast %shift_left3A_1169 : vector<16xi32> to vector<16xf32>
        %and3A_1171 = vector.broadcast %scan3A_590 : i32 to vector<16xi32>
        %and3A_1172 = arith.andi %get3A_1166, %and3A_1171 : vector<16xi32>
        %bitcast3A_1173 = vector.bitcast %and3A_1172 : vector<16xi32> to vector<16xf32>
        %add3A_1174 = arith.addf %bitcast3A_1150, %bitcast3A_1160 : vector<16xf32>
        %add3A_1175 = arith.addf %add3A_1174, %bitcast3A_1170 : vector<16xf32>
        %gt3A_1176 = arith.constant 0.000000e+00 : f32
        %gt3A_1177 = vector.broadcast %gt3A_1176 : f32 to vector<16xf32>
        %gt3A_1178 = arith.cmpf ogt, %add3A_1175, %gt3A_1177 : vector<16xf32>
        %exp3A_1179 = math.exp %add3A_1175 : vector<16xf32>
        %sub3A_1180 = arith.constant 1.000000e+00 : f32
        %sub3A_1181 = vector.broadcast %sub3A_1180 : f32 to vector<16xf32>
        %sub3A_1182 = arith.subf %exp3A_1179, %sub3A_1181 : vector<16xf32>
        %select_n3A_1183 = arith.select %gt3A_1178, %add3A_1175, %sub3A_1182 : vector<16xi1>, vector<16xf32>
        %add3A_1184 = arith.addf %add3A_974, %select_n3A_1183 : vector<16xf32>
        %add3A_1185 = arith.addf %bitcast3A_1153, %bitcast3A_1163 : vector<16xf32>
        %add3A_1186 = arith.addf %add3A_1185, %bitcast3A_1173 : vector<16xf32>
        %gt3A_1187 = arith.constant 0.000000e+00 : f32
        %gt3A_1188 = vector.broadcast %gt3A_1187 : f32 to vector<16xf32>
        %gt3A_1189 = arith.cmpf ogt, %add3A_1186, %gt3A_1188 : vector<16xf32>
        %exp3A_1190 = math.exp %add3A_1186 : vector<16xf32>
        %sub3A_1191 = arith.constant 1.000000e+00 : f32
        %sub3A_1192 = vector.broadcast %sub3A_1191 : f32 to vector<16xf32>
        %sub3A_1193 = arith.subf %exp3A_1190, %sub3A_1192 : vector<16xf32>
        %select_n3A_1194 = arith.select %gt3A_1189, %add3A_1186, %sub3A_1193 : vector<16xi1>, vector<16xf32>
        %add3A_1195 = arith.addf %add3A_985, %select_n3A_1194 : vector<16xf32>
        %get3A_1196 = arith.index_cast %add3A_1039 : i32 to index
        %get3A_1197 = arith.constant 48 : index
        %get3A_1198 = tpu.vector_load %arg17[%get3A_1196, %get3A_1197] {strides = array<i32>} : memref<128x64xi32, #tpu.memory_space<vmem>>, vector<16xi32>,
        %shift_left3A_1199 = arith.constant 16 : i32
        %shift_left3A_1200 = vector.broadcast %shift_left3A_1199 : i32 to vector<16xi32>
        %shift_left3A_1201 = arith.shli %get3A_1198, %shift_left3A_1200 : vector<16xi32>
        %bitcast3A_1202 = vector.bitcast %shift_left3A_1201 : vector<16xi32> to vector<16xf32>
        %and3A_1203 = vector.broadcast %scan3A_590 : i32 to vector<16xi32>
        %and3A_1204 = arith.andi %get3A_1198, %and3A_1203 : vector<16xi32>
        %bitcast3A_1205 = vector.bitcast %and3A_1204 : vector<16xi32> to vector<16xf32>
        %get3A_1206 = arith.index_cast %add3A_1039 : i32 to index
        %get3A_1207 = arith.constant 48 : index
        %get3A_1208 = tpu.vector_load %arg19[%get3A_1206, %get3A_1207] {strides = array<i32>} : memref<128x64xi32, #tpu.memory_space<vmem>>, vector<16xi32>,
        %shift_left3A_1209 = arith.constant 16 : i32
        %shift_left3A_1210 = vector.broadcast %shift_left3A_1209 : i32 to vector<16xi32>
        %shift_left3A_1211 = arith.shli %get3A_1208, %shift_left3A_1210 : vector<16xi32>
        %bitcast3A_1212 = vector.bitcast %shift_left3A_1211 : vector<16xi32> to vector<16xf32>
        %and3A_1213 = vector.broadcast %scan3A_590 : i32 to vector<16xi32>
        %and3A_1214 = arith.andi %get3A_1208, %and3A_1213 : vector<16xi32>
        %bitcast3A_1215 = vector.bitcast %and3A_1214 : vector<16xi32> to vector<16xf32>
        %get3A_1216 = arith.index_cast %add3A_1039 : i32 to index
        %get3A_1217 = arith.constant 48 : index
        %get3A_1218 = tpu.vector_load %arg21[%get3A_1216, %get3A_1217] {strides = array<i32>} : memref<128x64xi32, #tpu.memory_space<vmem>>, vector<16xi32>,
        %shift_left3A_1219 = arith.constant 16 : i32
        %shift_left3A_1220 = vector.broadcast %shift_left3A_1219 : i32 to vector<16xi32>
        %shift_left3A_1221 = arith.shli %get3A_1218, %shift_left3A_1220 : vector<16xi32>
        %bitcast3A_1222 = vector.bitcast %shift_left3A_1221 : vector<16xi32> to vector<16xf32>
        %and3A_1223 = vector.broadcast %scan3A_590 : i32 to vector<16xi32>
        %and3A_1224 = arith.andi %get3A_1218, %and3A_1223 : vector<16xi32>
        %bitcast3A_1225 = vector.bitcast %and3A_1224 : vector<16xi32> to vector<16xf32>
        %add3A_1226 = arith.addf %bitcast3A_1202, %bitcast3A_1212 : vector<16xf32>
        %add3A_1227 = arith.addf %add3A_1226, %bitcast3A_1222 : vector<16xf32>
        %gt3A_1228 = arith.constant 0.000000e+00 : f32
        %gt3A_1229 = vector.broadcast %gt3A_1228 : f32 to vector<16xf32>
        %gt3A_1230 = arith.cmpf ogt, %add3A_1227, %gt3A_1229 : vector<16xf32>
        %exp3A_1231 = math.exp %add3A_1227 : vector<16xf32>
        %sub3A_1232 = arith.constant 1.000000e+00 : f32
        %sub3A_1233 = vector.broadcast %sub3A_1232 : f32 to vector<16xf32>
        %sub3A_1234 = arith.subf %exp3A_1231, %sub3A_1233 : vector<16xf32>
        %select_n3A_1235 = arith.select %gt3A_1230, %add3A_1227, %sub3A_1234 : vector<16xi1>, vector<16xf32>
        %add3A_1236 = arith.addf %add3A_1026, %select_n3A_1235 : vector<16xf32>
        %add3A_1237 = arith.addf %bitcast3A_1205, %bitcast3A_1215 : vector<16xf32>
        %add3A_1238 = arith.addf %add3A_1237, %bitcast3A_1225 : vector<16xf32>
        %gt3A_1239 = arith.constant 0.000000e+00 : f32
        %gt3A_1240 = vector.broadcast %gt3A_1239 : f32 to vector<16xf32>
        %gt3A_1241 = arith.cmpf ogt, %add3A_1238, %gt3A_1240 : vector<16xf32>
        %exp3A_1242 = math.exp %add3A_1238 : vector<16xf32>
        %sub3A_1243 = arith.constant 1.000000e+00 : f32
        %sub3A_1244 = vector.broadcast %sub3A_1243 : f32 to vector<16xf32>
        %sub3A_1245 = arith.subf %exp3A_1242, %sub3A_1244 : vector<16xf32>
        %select_n3A_1246 = arith.select %gt3A_1241, %add3A_1238, %sub3A_1245 : vector<16xi1>, vector<16xf32>
        %add3A_1247 = arith.addf %add3A_1037, %select_n3A_1246 : vector<16xf32>
        %add3A_1248 = arith.constant 3 : i32
        %add3A_1249 = arith.addi %mul3A_608, %add3A_1248 : i32
        %get3A_1250 = arith.index_cast %add3A_1249 : i32 to index
        %get3A_1251 = arith.constant 0 : index
        %get3A_1252 = tpu.vector_load %arg17[%get3A_1250, %get3A_1251] {strides = array<i32>} : memref<128x64xi32, #tpu.memory_space<vmem>>, vector<16xi32>,
        %shift_left3A_1253 = arith.constant 16 : i32
        %shift_left3A_1254 = vector.broadcast %shift_left3A_1253 : i32 to vector<16xi32>
        %shift_left3A_1255 = arith.shli %get3A_1252, %shift_left3A_1254 : vector<16xi32>
        %bitcast3A_1256 = vector.bitcast %shift_left3A_1255 : vector<16xi32> to vector<16xf32>
        %and3A_1257 = vector.broadcast %scan3A_590 : i32 to vector<16xi32>
        %and3A_1258 = arith.andi %get3A_1252, %and3A_1257 : vector<16xi32>
        %bitcast3A_1259 = vector.bitcast %and3A_1258 : vector<16xi32> to vector<16xf32>
        %get3A_1260 = arith.index_cast %add3A_1249 : i32 to index
        %get3A_1261 = arith.constant 0 : index
        %get3A_1262 = tpu.vector_load %arg19[%get3A_1260, %get3A_1261] {strides = array<i32>} : memref<128x64xi32, #tpu.memory_space<vmem>>, vector<16xi32>,
        %shift_left3A_1263 = arith.constant 16 : i32
        %shift_left3A_1264 = vector.broadcast %shift_left3A_1263 : i32 to vector<16xi32>
        %shift_left3A_1265 = arith.shli %get3A_1262, %shift_left3A_1264 : vector<16xi32>
        %bitcast3A_1266 = vector.bitcast %shift_left3A_1265 : vector<16xi32> to vector<16xf32>
        %and3A_1267 = vector.broadcast %scan3A_590 : i32 to vector<16xi32>
        %and3A_1268 = arith.andi %get3A_1262, %and3A_1267 : vector<16xi32>
        %bitcast3A_1269 = vector.bitcast %and3A_1268 : vector<16xi32> to vector<16xf32>
        %get3A_1270 = arith.index_cast %add3A_1249 : i32 to index
        %get3A_1271 = arith.constant 0 : index
        %get3A_1272 = tpu.vector_load %arg21[%get3A_1270, %get3A_1271] {strides = array<i32>} : memref<128x64xi32, #tpu.memory_space<vmem>>, vector<16xi32>,
        %shift_left3A_1273 = arith.constant 16 : i32
        %shift_left3A_1274 = vector.broadcast %shift_left3A_1273 : i32 to vector<16xi32>
        %shift_left3A_1275 = arith.shli %get3A_1272, %shift_left3A_1274 : vector<16xi32>
        %bitcast3A_1276 = vector.bitcast %shift_left3A_1275 : vector<16xi32> to vector<16xf32>
        %and3A_1277 = vector.broadcast %scan3A_590 : i32 to vector<16xi32>
        %and3A_1278 = arith.andi %get3A_1272, %and3A_1277 : vector<16xi32>
        %bitcast3A_1279 = vector.bitcast %and3A_1278 : vector<16xi32> to vector<16xf32>
        %add3A_1280 = arith.addf %bitcast3A_1256, %bitcast3A_1266 : vector<16xf32>
        %add3A_1281 = arith.addf %add3A_1280, %bitcast3A_1276 : vector<16xf32>
        %gt3A_1282 = arith.constant 0.000000e+00 : f32
        %gt3A_1283 = vector.broadcast %gt3A_1282 : f32 to vector<16xf32>
        %gt3A_1284 = arith.cmpf ogt, %add3A_1281, %gt3A_1283 : vector<16xf32>
        %exp3A_1285 = math.exp %add3A_1281 : vector<16xf32>
        %sub3A_1286 = arith.constant 1.000000e+00 : f32
        %sub3A_1287 = vector.broadcast %sub3A_1286 : f32 to vector<16xf32>
        %sub3A_1288 = arith.subf %exp3A_1285, %sub3A_1287 : vector<16xf32>
        %select_n3A_1289 = arith.select %gt3A_1284, %add3A_1281, %sub3A_1288 : vector<16xi1>, vector<16xf32>
        %add3A_1290 = arith.addf %add3A_1080, %select_n3A_1289 : vector<16xf32>
        %add3A_1291 = arith.addf %bitcast3A_1259, %bitcast3A_1269 : vector<16xf32>
        %add3A_1292 = arith.addf %add3A_1291, %bitcast3A_1279 : vector<16xf32>
        %gt3A_1293 = arith.constant 0.000000e+00 : f32
        %gt3A_1294 = vector.broadcast %gt3A_1293 : f32 to vector<16xf32>
        %gt3A_1295 = arith.cmpf ogt, %add3A_1292, %gt3A_1294 : vector<16xf32>
        %exp3A_1296 = math.exp %add3A_1292 : vector<16xf32>
        %sub3A_1297 = arith.constant 1.000000e+00 : f32
        %sub3A_1298 = vector.broadcast %sub3A_1297 : f32 to vector<16xf32>
        %sub3A_1299 = arith.subf %exp3A_1296, %sub3A_1298 : vector<16xf32>
        %select_n3A_1300 = arith.select %gt3A_1295, %add3A_1292, %sub3A_1299 : vector<16xi1>, vector<16xf32>
        %add3A_1301 = arith.addf %add3A_1091, %select_n3A_1300 : vector<16xf32>
        %get3A_1302 = arith.index_cast %add3A_1249 : i32 to index
        %get3A_1303 = arith.constant 16 : index
        %get3A_1304 = tpu.vector_load %arg17[%get3A_1302, %get3A_1303] {strides = array<i32>} : memref<128x64xi32, #tpu.memory_space<vmem>>, vector<16xi32>,
        %shift_left3A_1305 = arith.constant 16 : i32
        %shift_left3A_1306 = vector.broadcast %shift_left3A_1305 : i32 to vector<16xi32>
        %shift_left3A_1307 = arith.shli %get3A_1304, %shift_left3A_1306 : vector<16xi32>
        %bitcast3A_1308 = vector.bitcast %shift_left3A_1307 : vector<16xi32> to vector<16xf32>
        %and3A_1309 = vector.broadcast %scan3A_590 : i32 to vector<16xi32>
        %and3A_1310 = arith.andi %get3A_1304, %and3A_1309 : vector<16xi32>
        %bitcast3A_1311 = vector.bitcast %and3A_1310 : vector<16xi32> to vector<16xf32>
        %get3A_1312 = arith.index_cast %add3A_1249 : i32 to index
        %get3A_1313 = arith.constant 16 : index
        %get3A_1314 = tpu.vector_load %arg19[%get3A_1312, %get3A_1313] {strides = array<i32>} : memref<128x64xi32, #tpu.memory_space<vmem>>, vector<16xi32>,
        %shift_left3A_1315 = arith.constant 16 : i32
        %shift_left3A_1316 = vector.broadcast %shift_left3A_1315 : i32 to vector<16xi32>
        %shift_left3A_1317 = arith.shli %get3A_1314, %shift_left3A_1316 : vector<16xi32>
        %bitcast3A_1318 = vector.bitcast %shift_left3A_1317 : vector<16xi32> to vector<16xf32>
        %and3A_1319 = vector.broadcast %scan3A_590 : i32 to vector<16xi32>
        %and3A_1320 = arith.andi %get3A_1314, %and3A_1319 : vector<16xi32>
        %bitcast3A_1321 = vector.bitcast %and3A_1320 : vector<16xi32> to vector<16xf32>
        %get3A_1322 = arith.index_cast %add3A_1249 : i32 to index
        %get3A_1323 = arith.constant 16 : index
        %get3A_1324 = tpu.vector_load %arg21[%get3A_1322, %get3A_1323] {strides = array<i32>} : memref<128x64xi32, #tpu.memory_space<vmem>>, vector<16xi32>,
        %shift_left3A_1325 = arith.constant 16 : i32
        %shift_left3A_1326 = vector.broadcast %shift_left3A_1325 : i32 to vector<16xi32>
        %shift_left3A_1327 = arith.shli %get3A_1324, %shift_left3A_1326 : vector<16xi32>
        %bitcast3A_1328 = vector.bitcast %shift_left3A_1327 : vector<16xi32> to vector<16xf32>
        %and3A_1329 = vector.broadcast %scan3A_590 : i32 to vector<16xi32>
        %and3A_1330 = arith.andi %get3A_1324, %and3A_1329 : vector<16xi32>
        %bitcast3A_1331 = vector.bitcast %and3A_1330 : vector<16xi32> to vector<16xf32>
        %add3A_1332 = arith.addf %bitcast3A_1308, %bitcast3A_1318 : vector<16xf32>
        %add3A_1333 = arith.addf %add3A_1332, %bitcast3A_1328 : vector<16xf32>
        %gt3A_1334 = arith.constant 0.000000e+00 : f32
        %gt3A_1335 = vector.broadcast %gt3A_1334 : f32 to vector<16xf32>
        %gt3A_1336 = arith.cmpf ogt, %add3A_1333, %gt3A_1335 : vector<16xf32>
        %exp3A_1337 = math.exp %add3A_1333 : vector<16xf32>
        %sub3A_1338 = arith.constant 1.000000e+00 : f32
        %sub3A_1339 = vector.broadcast %sub3A_1338 : f32 to vector<16xf32>
        %sub3A_1340 = arith.subf %exp3A_1337, %sub3A_1339 : vector<16xf32>
        %select_n3A_1341 = arith.select %gt3A_1336, %add3A_1333, %sub3A_1340 : vector<16xi1>, vector<16xf32>
        %add3A_1342 = arith.addf %add3A_1132, %select_n3A_1341 : vector<16xf32>
        %add3A_1343 = arith.addf %bitcast3A_1311, %bitcast3A_1321 : vector<16xf32>
        %add3A_1344 = arith.addf %add3A_1343, %bitcast3A_1331 : vector<16xf32>
        %gt3A_1345 = arith.constant 0.000000e+00 : f32
        %gt3A_1346 = vector.broadcast %gt3A_1345 : f32 to vector<16xf32>
        %gt3A_1347 = arith.cmpf ogt, %add3A_1344, %gt3A_1346 : vector<16xf32>
        %exp3A_1348 = math.exp %add3A_1344 : vector<16xf32>
        %sub3A_1349 = arith.constant 1.000000e+00 : f32
        %sub3A_1350 = vector.broadcast %sub3A_1349 : f32 to vector<16xf32>
        %sub3A_1351 = arith.subf %exp3A_1348, %sub3A_1350 : vector<16xf32>
        %select_n3A_1352 = arith.select %gt3A_1347, %add3A_1344, %sub3A_1351 : vector<16xi1>, vector<16xf32>
        %add3A_1353 = arith.addf %add3A_1143, %select_n3A_1352 : vector<16xf32>
        %get3A_1354 = arith.index_cast %add3A_1249 : i32 to index
        %get3A_1355 = arith.constant 32 : index
        %get3A_1356 = tpu.vector_load %arg17[%get3A_1354, %get3A_1355] {strides = array<i32>} : memref<128x64xi32, #tpu.memory_space<vmem>>, vector<16xi32>,
        %shift_left3A_1357 = arith.constant 16 : i32
        %shift_left3A_1358 = vector.broadcast %shift_left3A_1357 : i32 to vector<16xi32>
        %shift_left3A_1359 = arith.shli %get3A_1356, %shift_left3A_1358 : vector<16xi32>
        %bitcast3A_1360 = vector.bitcast %shift_left3A_1359 : vector<16xi32> to vector<16xf32>
        %and3A_1361 = vector.broadcast %scan3A_590 : i32 to vector<16xi32>
        %and3A_1362 = arith.andi %get3A_1356, %and3A_1361 : vector<16xi32>
        %bitcast3A_1363 = vector.bitcast %and3A_1362 : vector<16xi32> to vector<16xf32>
        %get3A_1364 = arith.index_cast %add3A_1249 : i32 to index
        %get3A_1365 = arith.constant 32 : index
        %get3A_1366 = tpu.vector_load %arg19[%get3A_1364, %get3A_1365] {strides = array<i32>} : memref<128x64xi32, #tpu.memory_space<vmem>>, vector<16xi32>,
        %shift_left3A_1367 = arith.constant 16 : i32
        %shift_left3A_1368 = vector.broadcast %shift_left3A_1367 : i32 to vector<16xi32>
        %shift_left3A_1369 = arith.shli %get3A_1366, %shift_left3A_1368 : vector<16xi32>
        %bitcast3A_1370 = vector.bitcast %shift_left3A_1369 : vector<16xi32> to vector<16xf32>
        %and3A_1371 = vector.broadcast %scan3A_590 : i32 to vector<16xi32>
        %and3A_1372 = arith.andi %get3A_1366, %and3A_1371 : vector<16xi32>
        %bitcast3A_1373 = vector.bitcast %and3A_1372 : vector<16xi32> to vector<16xf32>
        %get3A_1374 = arith.index_cast %add3A_1249 : i32 to index
        %get3A_1375 = arith.constant 32 : index
        %get3A_1376 = tpu.vector_load %arg21[%get3A_1374, %get3A_1375] {strides = array<i32>} : memref<128x64xi32, #tpu.memory_space<vmem>>, vector<16xi32>,
        %shift_left3A_1377 = arith.constant 16 : i32
        %shift_left3A_1378 = vector.broadcast %shift_left3A_1377 : i32 to vector<16xi32>
        %shift_left3A_1379 = arith.shli %get3A_1376, %shift_left3A_1378 : vector<16xi32>
        %bitcast3A_1380 = vector.bitcast %shift_left3A_1379 : vector<16xi32> to vector<16xf32>
        %and3A_1381 = vector.broadcast %scan3A_590 : i32 to vector<16xi32>
        %and3A_1382 = arith.andi %get3A_1376, %and3A_1381 : vector<16xi32>
        %bitcast3A_1383 = vector.bitcast %and3A_1382 : vector<16xi32> to vector<16xf32>
        %add3A_1384 = arith.addf %bitcast3A_1360, %bitcast3A_1370 : vector<16xf32>
        %add3A_1385 = arith.addf %add3A_1384, %bitcast3A_1380 : vector<16xf32>
        %gt3A_1386 = arith.constant 0.000000e+00 : f32
        %gt3A_1387 = vector.broadcast %gt3A_1386 : f32 to vector<16xf32>
        %gt3A_1388 = arith.cmpf ogt, %add3A_1385, %gt3A_1387 : vector<16xf32>
        %exp3A_1389 = math.exp %add3A_1385 : vector<16xf32>
        %sub3A_1390 = arith.constant 1.000000e+00 : f32
        %sub3A_1391 = vector.broadcast %sub3A_1390 : f32 to vector<16xf32>
        %sub3A_1392 = arith.subf %exp3A_1389, %sub3A_1391 : vector<16xf32>
        %select_n3A_1393 = arith.select %gt3A_1388, %add3A_1385, %sub3A_1392 : vector<16xi1>, vector<16xf32>
        %add3A_1394 = arith.addf %add3A_1184, %select_n3A_1393 : vector<16xf32>
        %add3A_1395 = arith.addf %bitcast3A_1363, %bitcast3A_1373 : vector<16xf32>
        %add3A_1396 = arith.addf %add3A_1395, %bitcast3A_1383 : vector<16xf32>
        %gt3A_1397 = arith.constant 0.000000e+00 : f32
        %gt3A_1398 = vector.broadcast %gt3A_1397 : f32 to vector<16xf32>
        %gt3A_1399 = arith.cmpf ogt, %add3A_1396, %gt3A_1398 : vector<16xf32>
        %exp3A_1400 = math.exp %add3A_1396 : vector<16xf32>
        %sub3A_1401 = arith.constant 1.000000e+00 : f32
        %sub3A_1402 = vector.broadcast %sub3A_1401 : f32 to vector<16xf32>
        %sub3A_1403 = arith.subf %exp3A_1400, %sub3A_1402 : vector<16xf32>
        %select_n3A_1404 = arith.select %gt3A_1399, %add3A_1396, %sub3A_1403 : vector<16xi1>, vector<16xf32>
        %add3A_1405 = arith.addf %add3A_1195, %select_n3A_1404 : vector<16xf32>
        %get3A_1406 = arith.index_cast %add3A_1249 : i32 to index
        %get3A_1407 = arith.constant 48 : index
        %get3A_1408 = tpu.vector_load %arg17[%get3A_1406, %get3A_1407] {strides = array<i32>} : memref<128x64xi32, #tpu.memory_space<vmem>>, vector<16xi32>,
        %shift_left3A_1409 = arith.constant 16 : i32
        %shift_left3A_1410 = vector.broadcast %shift_left3A_1409 : i32 to vector<16xi32>
        %shift_left3A_1411 = arith.shli %get3A_1408, %shift_left3A_1410 : vector<16xi32>
        %bitcast3A_1412 = vector.bitcast %shift_left3A_1411 : vector<16xi32> to vector<16xf32>
        %and3A_1413 = vector.broadcast %scan3A_590 : i32 to vector<16xi32>
        %and3A_1414 = arith.andi %get3A_1408, %and3A_1413 : vector<16xi32>
        %bitcast3A_1415 = vector.bitcast %and3A_1414 : vector<16xi32> to vector<16xf32>
        %get3A_1416 = arith.index_cast %add3A_1249 : i32 to index
        %get3A_1417 = arith.constant 48 : index
        %get3A_1418 = tpu.vector_load %arg19[%get3A_1416, %get3A_1417] {strides = array<i32>} : memref<128x64xi32, #tpu.memory_space<vmem>>, vector<16xi32>,
        %shift_left3A_1419 = arith.constant 16 : i32
        %shift_left3A_1420 = vector.broadcast %shift_left3A_1419 : i32 to vector<16xi32>
        %shift_left3A_1421 = arith.shli %get3A_1418, %shift_left3A_1420 : vector<16xi32>
        %bitcast3A_1422 = vector.bitcast %shift_left3A_1421 : vector<16xi32> to vector<16xf32>
        %and3A_1423 = vector.broadcast %scan3A_590 : i32 to vector<16xi32>
        %and3A_1424 = arith.andi %get3A_1418, %and3A_1423 : vector<16xi32>
        %bitcast3A_1425 = vector.bitcast %and3A_1424 : vector<16xi32> to vector<16xf32>
        %get3A_1426 = arith.index_cast %add3A_1249 : i32 to index
        %get3A_1427 = arith.constant 48 : index
        %get3A_1428 = tpu.vector_load %arg21[%get3A_1426, %get3A_1427] {strides = array<i32>} : memref<128x64xi32, #tpu.memory_space<vmem>>, vector<16xi32>,
        %shift_left3A_1429 = arith.constant 16 : i32
        %shift_left3A_1430 = vector.broadcast %shift_left3A_1429 : i32 to vector<16xi32>
        %shift_left3A_1431 = arith.shli %get3A_1428, %shift_left3A_1430 : vector<16xi32>
        %bitcast3A_1432 = vector.bitcast %shift_left3A_1431 : vector<16xi32> to vector<16xf32>
        %and3A_1433 = vector.broadcast %scan3A_590 : i32 to vector<16xi32>
        %and3A_1434 = arith.andi %get3A_1428, %and3A_1433 : vector<16xi32>
        %bitcast3A_1435 = vector.bitcast %and3A_1434 : vector<16xi32> to vector<16xf32>
        %add3A_1436 = arith.addf %bitcast3A_1412, %bitcast3A_1422 : vector<16xf32>
        %add3A_1437 = arith.addf %add3A_1436, %bitcast3A_1432 : vector<16xf32>
        %gt3A_1438 = arith.constant 0.000000e+00 : f32
        %gt3A_1439 = vector.broadcast %gt3A_1438 : f32 to vector<16xf32>
        %gt3A_1440 = arith.cmpf ogt, %add3A_1437, %gt3A_1439 : vector<16xf32>
        %exp3A_1441 = math.exp %add3A_1437 : vector<16xf32>
        %sub3A_1442 = arith.constant 1.000000e+00 : f32
        %sub3A_1443 = vector.broadcast %sub3A_1442 : f32 to vector<16xf32>
        %sub3A_1444 = arith.subf %exp3A_1441, %sub3A_1443 : vector<16xf32>
        %select_n3A_1445 = arith.select %gt3A_1440, %add3A_1437, %sub3A_1444 : vector<16xi1>, vector<16xf32>
        %add3A_1446 = arith.addf %add3A_1236, %select_n3A_1445 : vector<16xf32>
        %add3A_1447 = arith.addf %bitcast3A_1415, %bitcast3A_1425 : vector<16xf32>
        %add3A_1448 = arith.addf %add3A_1447, %bitcast3A_1435 : vector<16xf32>
        %gt3A_1449 = arith.constant 0.000000e+00 : f32
        %gt3A_1450 = vector.broadcast %gt3A_1449 : f32 to vector<16xf32>
        %gt3A_1451 = arith.cmpf ogt, %add3A_1448, %gt3A_1450 : vector<16xf32>
        %exp3A_1452 = math.exp %add3A_1448 : vector<16xf32>
        %sub3A_1453 = arith.constant 1.000000e+00 : f32
        %sub3A_1454 = vector.broadcast %sub3A_1453 : f32 to vector<16xf32>
        %sub3A_1455 = arith.subf %exp3A_1452, %sub3A_1454 : vector<16xf32>
        %select_n3A_1456 = arith.select %gt3A_1451, %add3A_1448, %sub3A_1455 : vector<16xi1>, vector<16xf32>
        %add3A_1457 = arith.addf %add3A_1247, %select_n3A_1456 : vector<16xf32>
        %add3A_1458 = arith.constant 4 : i32
        %add3A_1459 = arith.addi %mul3A_608, %add3A_1458 : i32
        %get3A_1460 = arith.index_cast %add3A_1459 : i32 to index
        %get3A_1461 = arith.constant 0 : index
        %get3A_1462 = tpu.vector_load %arg17[%get3A_1460, %get3A_1461] {strides = array<i32>} : memref<128x64xi32, #tpu.memory_space<vmem>>, vector<16xi32>,
        %shift_left3A_1463 = arith.constant 16 : i32
        %shift_left3A_1464 = vector.broadcast %shift_left3A_1463 : i32 to vector<16xi32>
        %shift_left3A_1465 = arith.shli %get3A_1462, %shift_left3A_1464 : vector<16xi32>
        %bitcast3A_1466 = vector.bitcast %shift_left3A_1465 : vector<16xi32> to vector<16xf32>
        %and3A_1467 = vector.broadcast %scan3A_590 : i32 to vector<16xi32>
        %and3A_1468 = arith.andi %get3A_1462, %and3A_1467 : vector<16xi32>
        %bitcast3A_1469 = vector.bitcast %and3A_1468 : vector<16xi32> to vector<16xf32>
        %get3A_1470 = arith.index_cast %add3A_1459 : i32 to index
        %get3A_1471 = arith.constant 0 : index
        %get3A_1472 = tpu.vector_load %arg19[%get3A_1470, %get3A_1471] {strides = array<i32>} : memref<128x64xi32, #tpu.memory_space<vmem>>, vector<16xi32>,
        %shift_left3A_1473 = arith.constant 16 : i32
        %shift_left3A_1474 = vector.broadcast %shift_left3A_1473 : i32 to vector<16xi32>
        %shift_left3A_1475 = arith.shli %get3A_1472, %shift_left3A_1474 : vector<16xi32>
        %bitcast3A_1476 = vector.bitcast %shift_left3A_1475 : vector<16xi32> to vector<16xf32>
        %and3A_1477 = vector.broadcast %scan3A_590 : i32 to vector<16xi32>
        %and3A_1478 = arith.andi %get3A_1472, %and3A_1477 : vector<16xi32>
        %bitcast3A_1479 = vector.bitcast %and3A_1478 : vector<16xi32> to vector<16xf32>
        %get3A_1480 = arith.index_cast %add3A_1459 : i32 to index
        %get3A_1481 = arith.constant 0 : index
        %get3A_1482 = tpu.vector_load %arg21[%get3A_1480, %get3A_1481] {strides = array<i32>} : memref<128x64xi32, #tpu.memory_space<vmem>>, vector<16xi32>,
        %shift_left3A_1483 = arith.constant 16 : i32
        %shift_left3A_1484 = vector.broadcast %shift_left3A_1483 : i32 to vector<16xi32>
        %shift_left3A_1485 = arith.shli %get3A_1482, %shift_left3A_1484 : vector<16xi32>
        %bitcast3A_1486 = vector.bitcast %shift_left3A_1485 : vector<16xi32> to vector<16xf32>
        %and3A_1487 = vector.broadcast %scan3A_590 : i32 to vector<16xi32>
        %and3A_1488 = arith.andi %get3A_1482, %and3A_1487 : vector<16xi32>
        %bitcast3A_1489 = vector.bitcast %and3A_1488 : vector<16xi32> to vector<16xf32>
        %add3A_1490 = arith.addf %bitcast3A_1466, %bitcast3A_1476 : vector<16xf32>
        %add3A_1491 = arith.addf %add3A_1490, %bitcast3A_1486 : vector<16xf32>
        %gt3A_1492 = arith.constant 0.000000e+00 : f32
        %gt3A_1493 = vector.broadcast %gt3A_1492 : f32 to vector<16xf32>
        %gt3A_1494 = arith.cmpf ogt, %add3A_1491, %gt3A_1493 : vector<16xf32>
        %exp3A_1495 = math.exp %add3A_1491 : vector<16xf32>
        %sub3A_1496 = arith.constant 1.000000e+00 : f32
        %sub3A_1497 = vector.broadcast %sub3A_1496 : f32 to vector<16xf32>
        %sub3A_1498 = arith.subf %exp3A_1495, %sub3A_1497 : vector<16xf32>
        %select_n3A_1499 = arith.select %gt3A_1494, %add3A_1491, %sub3A_1498 : vector<16xi1>, vector<16xf32>
        %add3A_1500 = arith.addf %add3A_1290, %select_n3A_1499 : vector<16xf32>
        %add3A_1501 = arith.addf %bitcast3A_1469, %bitcast3A_1479 : vector<16xf32>
        %add3A_1502 = arith.addf %add3A_1501, %bitcast3A_1489 : vector<16xf32>
        %gt3A_1503 = arith.constant 0.000000e+00 : f32
        %gt3A_1504 = vector.broadcast %gt3A_1503 : f32 to vector<16xf32>
        %gt3A_1505 = arith.cmpf ogt, %add3A_1502, %gt3A_1504 : vector<16xf32>
        %exp3A_1506 = math.exp %add3A_1502 : vector<16xf32>
        %sub3A_1507 = arith.constant 1.000000e+00 : f32
        %sub3A_1508 = vector.broadcast %sub3A_1507 : f32 to vector<16xf32>
        %sub3A_1509 = arith.subf %exp3A_1506, %sub3A_1508 : vector<16xf32>
        %select_n3A_1510 = arith.select %gt3A_1505, %add3A_1502, %sub3A_1509 : vector<16xi1>, vector<16xf32>
        %add3A_1511 = arith.addf %add3A_1301, %select_n3A_1510 : vector<16xf32>
        %get3A_1512 = arith.index_cast %add3A_1459 : i32 to index
        %get3A_1513 = arith.constant 16 : index
        %get3A_1514 = tpu.vector_load %arg17[%get3A_1512, %get3A_1513] {strides = array<i32>} : memref<128x64xi32, #tpu.memory_space<vmem>>, vector<16xi32>,
        %shift_left3A_1515 = arith.constant 16 : i32
        %shift_left3A_1516 = vector.broadcast %shift_left3A_1515 : i32 to vector<16xi32>
        %shift_left3A_1517 = arith.shli %get3A_1514, %shift_left3A_1516 : vector<16xi32>
        %bitcast3A_1518 = vector.bitcast %shift_left3A_1517 : vector<16xi32> to vector<16xf32>
        %and3A_1519 = vector.broadcast %scan3A_590 : i32 to vector<16xi32>
        %and3A_1520 = arith.andi %get3A_1514, %and3A_1519 : vector<16xi32>
        %bitcast3A_1521 = vector.bitcast %and3A_1520 : vector<16xi32> to vector<16xf32>
        %get3A_1522 = arith.index_cast %add3A_1459 : i32 to index
        %get3A_1523 = arith.constant 16 : index
        %get3A_1524 = tpu.vector_load %arg19[%get3A_1522, %get3A_1523] {strides = array<i32>} : memref<128x64xi32, #tpu.memory_space<vmem>>, vector<16xi32>,
        %shift_left3A_1525 = arith.constant 16 : i32
        %shift_left3A_1526 = vector.broadcast %shift_left3A_1525 : i32 to vector<16xi32>
        %shift_left3A_1527 = arith.shli %get3A_1524, %shift_left3A_1526 : vector<16xi32>
        %bitcast3A_1528 = vector.bitcast %shift_left3A_1527 : vector<16xi32> to vector<16xf32>
        %and3A_1529 = vector.broadcast %scan3A_590 : i32 to vector<16xi32>
        %and3A_1530 = arith.andi %get3A_1524, %and3A_1529 : vector<16xi32>
        %bitcast3A_1531 = vector.bitcast %and3A_1530 : vector<16xi32> to vector<16xf32>
        %get3A_1532 = arith.index_cast %add3A_1459 : i32 to index
        %get3A_1533 = arith.constant 16 : index
        %get3A_1534 = tpu.vector_load %arg21[%get3A_1532, %get3A_1533] {strides = array<i32>} : memref<128x64xi32, #tpu.memory_space<vmem>>, vector<16xi32>,
        %shift_left3A_1535 = arith.constant 16 : i32
        %shift_left3A_1536 = vector.broadcast %shift_left3A_1535 : i32 to vector<16xi32>
        %shift_left3A_1537 = arith.shli %get3A_1534, %shift_left3A_1536 : vector<16xi32>
        %bitcast3A_1538 = vector.bitcast %shift_left3A_1537 : vector<16xi32> to vector<16xf32>
        %and3A_1539 = vector.broadcast %scan3A_590 : i32 to vector<16xi32>
        %and3A_1540 = arith.andi %get3A_1534, %and3A_1539 : vector<16xi32>
        %bitcast3A_1541 = vector.bitcast %and3A_1540 : vector<16xi32> to vector<16xf32>
        %add3A_1542 = arith.addf %bitcast3A_1518, %bitcast3A_1528 : vector<16xf32>
        %add3A_1543 = arith.addf %add3A_1542, %bitcast3A_1538 : vector<16xf32>
        %gt3A_1544 = arith.constant 0.000000e+00 : f32
        %gt3A_1545 = vector.broadcast %gt3A_1544 : f32 to vector<16xf32>
        %gt3A_1546 = arith.cmpf ogt, %add3A_1543, %gt3A_1545 : vector<16xf32>
        %exp3A_1547 = math.exp %add3A_1543 : vector<16xf32>
        %sub3A_1548 = arith.constant 1.000000e+00 : f32
        %sub3A_1549 = vector.broadcast %sub3A_1548 : f32 to vector<16xf32>
        %sub3A_1550 = arith.subf %exp3A_1547, %sub3A_1549 : vector<16xf32>
        %select_n3A_1551 = arith.select %gt3A_1546, %add3A_1543, %sub3A_1550 : vector<16xi1>, vector<16xf32>
        %add3A_1552 = arith.addf %add3A_1342, %select_n3A_1551 : vector<16xf32>
        %add3A_1553 = arith.addf %bitcast3A_1521, %bitcast3A_1531 : vector<16xf32>
        %add3A_1554 = arith.addf %add3A_1553, %bitcast3A_1541 : vector<16xf32>
        %gt3A_1555 = arith.constant 0.000000e+00 : f32
        %gt3A_1556 = vector.broadcast %gt3A_1555 : f32 to vector<16xf32>
        %gt3A_1557 = arith.cmpf ogt, %add3A_1554, %gt3A_1556 : vector<16xf32>
        %exp3A_1558 = math.exp %add3A_1554 : vector<16xf32>
        %sub3A_1559 = arith.constant 1.000000e+00 : f32
        %sub3A_1560 = vector.broadcast %sub3A_1559 : f32 to vector<16xf32>
        %sub3A_1561 = arith.subf %exp3A_1558, %sub3A_1560 : vector<16xf32>
        %select_n3A_1562 = arith.select %gt3A_1557, %add3A_1554, %sub3A_1561 : vector<16xi1>, vector<16xf32>
        %add3A_1563 = arith.addf %add3A_1353, %select_n3A_1562 : vector<16xf32>
        %get3A_1564 = arith.index_cast %add3A_1459 : i32 to index
        %get3A_1565 = arith.constant 32 : index
        %get3A_1566 = tpu.vector_load %arg17[%get3A_1564, %get3A_1565] {strides = array<i32>} : memref<128x64xi32, #tpu.memory_space<vmem>>, vector<16xi32>,
        %shift_left3A_1567 = arith.constant 16 : i32
        %shift_left3A_1568 = vector.broadcast %shift_left3A_1567 : i32 to vector<16xi32>
        %shift_left3A_1569 = arith.shli %get3A_1566, %shift_left3A_1568 : vector<16xi32>
        %bitcast3A_1570 = vector.bitcast %shift_left3A_1569 : vector<16xi32> to vector<16xf32>
        %and3A_1571 = vector.broadcast %scan3A_590 : i32 to vector<16xi32>
        %and3A_1572 = arith.andi %get3A_1566, %and3A_1571 : vector<16xi32>
        %bitcast3A_1573 = vector.bitcast %and3A_1572 : vector<16xi32> to vector<16xf32>
        %get3A_1574 = arith.index_cast %add3A_1459 : i32 to index
        %get3A_1575 = arith.constant 32 : index
        %get3A_1576 = tpu.vector_load %arg19[%get3A_1574, %get3A_1575] {strides = array<i32>} : memref<128x64xi32, #tpu.memory_space<vmem>>, vector<16xi32>,
        %shift_left3A_1577 = arith.constant 16 : i32
        %shift_left3A_1578 = vector.broadcast %shift_left3A_1577 : i32 to vector<16xi32>
        %shift_left3A_1579 = arith.shli %get3A_1576, %shift_left3A_1578 : vector<16xi32>
        %bitcast3A_1580 = vector.bitcast %shift_left3A_1579 : vector<16xi32> to vector<16xf32>
        %and3A_1581 = vector.broadcast %scan3A_590 : i32 to vector<16xi32>
        %and3A_1582 = arith.andi %get3A_1576, %and3A_1581 : vector<16xi32>
        %bitcast3A_1583 = vector.bitcast %and3A_1582 : vector<16xi32> to vector<16xf32>
        %get3A_1584 = arith.index_cast %add3A_1459 : i32 to index
        %get3A_1585 = arith.constant 32 : index
        %get3A_1586 = tpu.vector_load %arg21[%get3A_1584, %get3A_1585] {strides = array<i32>} : memref<128x64xi32, #tpu.memory_space<vmem>>, vector<16xi32>,
        %shift_left3A_1587 = arith.constant 16 : i32
        %shift_left3A_1588 = vector.broadcast %shift_left3A_1587 : i32 to vector<16xi32>
        %shift_left3A_1589 = arith.shli %get3A_1586, %shift_left3A_1588 : vector<16xi32>
        %bitcast3A_1590 = vector.bitcast %shift_left3A_1589 : vector<16xi32> to vector<16xf32>
        %and3A_1591 = vector.broadcast %scan3A_590 : i32 to vector<16xi32>
        %and3A_1592 = arith.andi %get3A_1586, %and3A_1591 : vector<16xi32>
        %bitcast3A_1593 = vector.bitcast %and3A_1592 : vector<16xi32> to vector<16xf32>
        %add3A_1594 = arith.addf %bitcast3A_1570, %bitcast3A_1580 : vector<16xf32>
        %add3A_1595 = arith.addf %add3A_1594, %bitcast3A_1590 : vector<16xf32>
        %gt3A_1596 = arith.constant 0.000000e+00 : f32
        %gt3A_1597 = vector.broadcast %gt3A_1596 : f32 to vector<16xf32>
        %gt3A_1598 = arith.cmpf ogt, %add3A_1595, %gt3A_1597 : vector<16xf32>
        %exp3A_1599 = math.exp %add3A_1595 : vector<16xf32>
        %sub3A_1600 = arith.constant 1.000000e+00 : f32
        %sub3A_1601 = vector.broadcast %sub3A_1600 : f32 to vector<16xf32>
        %sub3A_1602 = arith.subf %exp3A_1599, %sub3A_1601 : vector<16xf32>
        %select_n3A_1603 = arith.select %gt3A_1598, %add3A_1595, %sub3A_1602 : vector<16xi1>, vector<16xf32>
        %add3A_1604 = arith.addf %add3A_1394, %select_n3A_1603 : vector<16xf32>
        %add3A_1605 = arith.addf %bitcast3A_1573, %bitcast3A_1583 : vector<16xf32>
        %add3A_1606 = arith.addf %add3A_1605, %bitcast3A_1593 : vector<16xf32>
        %gt3A_1607 = arith.constant 0.000000e+00 : f32
        %gt3A_1608 = vector.broadcast %gt3A_1607 : f32 to vector<16xf32>
        %gt3A_1609 = arith.cmpf ogt, %add3A_1606, %gt3A_1608 : vector<16xf32>
        %exp3A_1610 = math.exp %add3A_1606 : vector<16xf32>
        %sub3A_1611 = arith.constant 1.000000e+00 : f32
        %sub3A_1612 = vector.broadcast %sub3A_1611 : f32 to vector<16xf32>
        %sub3A_1613 = arith.subf %exp3A_1610, %sub3A_1612 : vector<16xf32>
        %select_n3A_1614 = arith.select %gt3A_1609, %add3A_1606, %sub3A_1613 : vector<16xi1>, vector<16xf32>
        %add3A_1615 = arith.addf %add3A_1405, %select_n3A_1614 : vector<16xf32>
        %get3A_1616 = arith.index_cast %add3A_1459 : i32 to index
        %get3A_1617 = arith.constant 48 : index
        %get3A_1618 = tpu.vector_load %arg17[%get3A_1616, %get3A_1617] {strides = array<i32>} : memref<128x64xi32, #tpu.memory_space<vmem>>, vector<16xi32>,
        %shift_left3A_1619 = arith.constant 16 : i32
        %shift_left3A_1620 = vector.broadcast %shift_left3A_1619 : i32 to vector<16xi32>
        %shift_left3A_1621 = arith.shli %get3A_1618, %shift_left3A_1620 : vector<16xi32>
        %bitcast3A_1622 = vector.bitcast %shift_left3A_1621 : vector<16xi32> to vector<16xf32>
        %and3A_1623 = vector.broadcast %scan3A_590 : i32 to vector<16xi32>
        %and3A_1624 = arith.andi %get3A_1618, %and3A_1623 : vector<16xi32>
        %bitcast3A_1625 = vector.bitcast %and3A_1624 : vector<16xi32> to vector<16xf32>
        %get3A_1626 = arith.index_cast %add3A_1459 : i32 to index
        %get3A_1627 = arith.constant 48 : index
        %get3A_1628 = tpu.vector_load %arg19[%get3A_1626, %get3A_1627] {strides = array<i32>} : memref<128x64xi32, #tpu.memory_space<vmem>>, vector<16xi32>,
        %shift_left3A_1629 = arith.constant 16 : i32
        %shift_left3A_1630 = vector.broadcast %shift_left3A_1629 : i32 to vector<16xi32>
        %shift_left3A_1631 = arith.shli %get3A_1628, %shift_left3A_1630 : vector<16xi32>
        %bitcast3A_1632 = vector.bitcast %shift_left3A_1631 : vector<16xi32> to vector<16xf32>
        %and3A_1633 = vector.broadcast %scan3A_590 : i32 to vector<16xi32>
        %and3A_1634 = arith.andi %get3A_1628, %and3A_1633 : vector<16xi32>
        %bitcast3A_1635 = vector.bitcast %and3A_1634 : vector<16xi32> to vector<16xf32>
        %get3A_1636 = arith.index_cast %add3A_1459 : i32 to index
        %get3A_1637 = arith.constant 48 : index
        %get3A_1638 = tpu.vector_load %arg21[%get3A_1636, %get3A_1637] {strides = array<i32>} : memref<128x64xi32, #tpu.memory_space<vmem>>, vector<16xi32>,
        %shift_left3A_1639 = arith.constant 16 : i32
        %shift_left3A_1640 = vector.broadcast %shift_left3A_1639 : i32 to vector<16xi32>
        %shift_left3A_1641 = arith.shli %get3A_1638, %shift_left3A_1640 : vector<16xi32>
        %bitcast3A_1642 = vector.bitcast %shift_left3A_1641 : vector<16xi32> to vector<16xf32>
        %and3A_1643 = vector.broadcast %scan3A_590 : i32 to vector<16xi32>
        %and3A_1644 = arith.andi %get3A_1638, %and3A_1643 : vector<16xi32>
        %bitcast3A_1645 = vector.bitcast %and3A_1644 : vector<16xi32> to vector<16xf32>
        %add3A_1646 = arith.addf %bitcast3A_1622, %bitcast3A_1632 : vector<16xf32>
        %add3A_1647 = arith.addf %add3A_1646, %bitcast3A_1642 : vector<16xf32>
        %gt3A_1648 = arith.constant 0.000000e+00 : f32
        %gt3A_1649 = vector.broadcast %gt3A_1648 : f32 to vector<16xf32>
        %gt3A_1650 = arith.cmpf ogt, %add3A_1647, %gt3A_1649 : vector<16xf32>
        %exp3A_1651 = math.exp %add3A_1647 : vector<16xf32>
        %sub3A_1652 = arith.constant 1.000000e+00 : f32
        %sub3A_1653 = vector.broadcast %sub3A_1652 : f32 to vector<16xf32>
        %sub3A_1654 = arith.subf %exp3A_1651, %sub3A_1653 : vector<16xf32>
        %select_n3A_1655 = arith.select %gt3A_1650, %add3A_1647, %sub3A_1654 : vector<16xi1>, vector<16xf32>
        %add3A_1656 = arith.addf %add3A_1446, %select_n3A_1655 : vector<16xf32>
        %add3A_1657 = arith.addf %bitcast3A_1625, %bitcast3A_1635 : vector<16xf32>
        %add3A_1658 = arith.addf %add3A_1657, %bitcast3A_1645 : vector<16xf32>
        %gt3A_1659 = arith.constant 0.000000e+00 : f32
        %gt3A_1660 = vector.broadcast %gt3A_1659 : f32 to vector<16xf32>
        %gt3A_1661 = arith.cmpf ogt, %add3A_1658, %gt3A_1660 : vector<16xf32>
        %exp3A_1662 = math.exp %add3A_1658 : vector<16xf32>
        %sub3A_1663 = arith.constant 1.000000e+00 : f32
        %sub3A_1664 = vector.broadcast %sub3A_1663 : f32 to vector<16xf32>
        %sub3A_1665 = arith.subf %exp3A_1662, %sub3A_1664 : vector<16xf32>
        %select_n3A_1666 = arith.select %gt3A_1661, %add3A_1658, %sub3A_1665 : vector<16xi1>, vector<16xf32>
        %add3A_1667 = arith.addf %add3A_1457, %select_n3A_1666 : vector<16xf32>
        %add3A_1668 = arith.constant 5 : i32
        %add3A_1669 = arith.addi %mul3A_608, %add3A_1668 : i32
        %get3A_1670 = arith.index_cast %add3A_1669 : i32 to index
        %get3A_1671 = arith.constant 0 : index
        %get3A_1672 = tpu.vector_load %arg17[%get3A_1670, %get3A_1671] {strides = array<i32>} : memref<128x64xi32, #tpu.memory_space<vmem>>, vector<16xi32>,
        %shift_left3A_1673 = arith.constant 16 : i32
        %shift_left3A_1674 = vector.broadcast %shift_left3A_1673 : i32 to vector<16xi32>
        %shift_left3A_1675 = arith.shli %get3A_1672, %shift_left3A_1674 : vector<16xi32>
        %bitcast3A_1676 = vector.bitcast %shift_left3A_1675 : vector<16xi32> to vector<16xf32>
        %and3A_1677 = vector.broadcast %scan3A_590 : i32 to vector<16xi32>
        %and3A_1678 = arith.andi %get3A_1672, %and3A_1677 : vector<16xi32>
        %bitcast3A_1679 = vector.bitcast %and3A_1678 : vector<16xi32> to vector<16xf32>
        %get3A_1680 = arith.index_cast %add3A_1669 : i32 to index
        %get3A_1681 = arith.constant 0 : index
        %get3A_1682 = tpu.vector_load %arg19[%get3A_1680, %get3A_1681] {strides = array<i32>} : memref<128x64xi32, #tpu.memory_space<vmem>>, vector<16xi32>,
        %shift_left3A_1683 = arith.constant 16 : i32
        %shift_left3A_1684 = vector.broadcast %shift_left3A_1683 : i32 to vector<16xi32>
        %shift_left3A_1685 = arith.shli %get3A_1682, %shift_left3A_1684 : vector<16xi32>
        %bitcast3A_1686 = vector.bitcast %shift_left3A_1685 : vector<16xi32> to vector<16xf32>
        %and3A_1687 = vector.broadcast %scan3A_590 : i32 to vector<16xi32>
        %and3A_1688 = arith.andi %get3A_1682, %and3A_1687 : vector<16xi32>
        %bitcast3A_1689 = vector.bitcast %and3A_1688 : vector<16xi32> to vector<16xf32>
        %get3A_1690 = arith.index_cast %add3A_1669 : i32 to index
        %get3A_1691 = arith.constant 0 : index
        %get3A_1692 = tpu.vector_load %arg21[%get3A_1690, %get3A_1691] {strides = array<i32>} : memref<128x64xi32, #tpu.memory_space<vmem>>, vector<16xi32>,
        %shift_left3A_1693 = arith.constant 16 : i32
        %shift_left3A_1694 = vector.broadcast %shift_left3A_1693 : i32 to vector<16xi32>
        %shift_left3A_1695 = arith.shli %get3A_1692, %shift_left3A_1694 : vector<16xi32>
        %bitcast3A_1696 = vector.bitcast %shift_left3A_1695 : vector<16xi32> to vector<16xf32>
        %and3A_1697 = vector.broadcast %scan3A_590 : i32 to vector<16xi32>
        %and3A_1698 = arith.andi %get3A_1692, %and3A_1697 : vector<16xi32>
        %bitcast3A_1699 = vector.bitcast %and3A_1698 : vector<16xi32> to vector<16xf32>
        %add3A_1700 = arith.addf %bitcast3A_1676, %bitcast3A_1686 : vector<16xf32>
        %add3A_1701 = arith.addf %add3A_1700, %bitcast3A_1696 : vector<16xf32>
        %gt3A_1702 = arith.constant 0.000000e+00 : f32
        %gt3A_1703 = vector.broadcast %gt3A_1702 : f32 to vector<16xf32>
        %gt3A_1704 = arith.cmpf ogt, %add3A_1701, %gt3A_1703 : vector<16xf32>
        %exp3A_1705 = math.exp %add3A_1701 : vector<16xf32>
        %sub3A_1706 = arith.constant 1.000000e+00 : f32
        %sub3A_1707 = vector.broadcast %sub3A_1706 : f32 to vector<16xf32>
        %sub3A_1708 = arith.subf %exp3A_1705, %sub3A_1707 : vector<16xf32>
        %select_n3A_1709 = arith.select %gt3A_1704, %add3A_1701, %sub3A_1708 : vector<16xi1>, vector<16xf32>
        %add3A_1710 = arith.addf %add3A_1500, %select_n3A_1709 : vector<16xf32>
        %add3A_1711 = arith.addf %bitcast3A_1679, %bitcast3A_1689 : vector<16xf32>
        %add3A_1712 = arith.addf %add3A_1711, %bitcast3A_1699 : vector<16xf32>
        %gt3A_1713 = arith.constant 0.000000e+00 : f32
        %gt3A_1714 = vector.broadcast %gt3A_1713 : f32 to vector<16xf32>
        %gt3A_1715 = arith.cmpf ogt, %add3A_1712, %gt3A_1714 : vector<16xf32>
        %exp3A_1716 = math.exp %add3A_1712 : vector<16xf32>
        %sub3A_1717 = arith.constant 1.000000e+00 : f32
        %sub3A_1718 = vector.broadcast %sub3A_1717 : f32 to vector<16xf32>
        %sub3A_1719 = arith.subf %exp3A_1716, %sub3A_1718 : vector<16xf32>
        %select_n3A_1720 = arith.select %gt3A_1715, %add3A_1712, %sub3A_1719 : vector<16xi1>, vector<16xf32>
        %add3A_1721 = arith.addf %add3A_1511, %select_n3A_1720 : vector<16xf32>
        %get3A_1722 = arith.index_cast %add3A_1669 : i32 to index
        %get3A_1723 = arith.constant 16 : index
        %get3A_1724 = tpu.vector_load %arg17[%get3A_1722, %get3A_1723] {strides = array<i32>} : memref<128x64xi32, #tpu.memory_space<vmem>>, vector<16xi32>,
        %shift_left3A_1725 = arith.constant 16 : i32
        %shift_left3A_1726 = vector.broadcast %shift_left3A_1725 : i32 to vector<16xi32>
        %shift_left3A_1727 = arith.shli %get3A_1724, %shift_left3A_1726 : vector<16xi32>
        %bitcast3A_1728 = vector.bitcast %shift_left3A_1727 : vector<16xi32> to vector<16xf32>
        %and3A_1729 = vector.broadcast %scan3A_590 : i32 to vector<16xi32>
        %and3A_1730 = arith.andi %get3A_1724, %and3A_1729 : vector<16xi32>
        %bitcast3A_1731 = vector.bitcast %and3A_1730 : vector<16xi32> to vector<16xf32>
        %get3A_1732 = arith.index_cast %add3A_1669 : i32 to index
        %get3A_1733 = arith.constant 16 : index
        %get3A_1734 = tpu.vector_load %arg19[%get3A_1732, %get3A_1733] {strides = array<i32>} : memref<128x64xi32, #tpu.memory_space<vmem>>, vector<16xi32>,
        %shift_left3A_1735 = arith.constant 16 : i32
        %shift_left3A_1736 = vector.broadcast %shift_left3A_1735 : i32 to vector<16xi32>
        %shift_left3A_1737 = arith.shli %get3A_1734, %shift_left3A_1736 : vector<16xi32>
        %bitcast3A_1738 = vector.bitcast %shift_left3A_1737 : vector<16xi32> to vector<16xf32>
        %and3A_1739 = vector.broadcast %scan3A_590 : i32 to vector<16xi32>
        %and3A_1740 = arith.andi %get3A_1734, %and3A_1739 : vector<16xi32>
        %bitcast3A_1741 = vector.bitcast %and3A_1740 : vector<16xi32> to vector<16xf32>
        %get3A_1742 = arith.index_cast %add3A_1669 : i32 to index
        %get3A_1743 = arith.constant 16 : index
        %get3A_1744 = tpu.vector_load %arg21[%get3A_1742, %get3A_1743] {strides = array<i32>} : memref<128x64xi32, #tpu.memory_space<vmem>>, vector<16xi32>,
        %shift_left3A_1745 = arith.constant 16 : i32
        %shift_left3A_1746 = vector.broadcast %shift_left3A_1745 : i32 to vector<16xi32>
        %shift_left3A_1747 = arith.shli %get3A_1744, %shift_left3A_1746 : vector<16xi32>
        %bitcast3A_1748 = vector.bitcast %shift_left3A_1747 : vector<16xi32> to vector<16xf32>
        %and3A_1749 = vector.broadcast %scan3A_590 : i32 to vector<16xi32>
        %and3A_1750 = arith.andi %get3A_1744, %and3A_1749 : vector<16xi32>
        %bitcast3A_1751 = vector.bitcast %and3A_1750 : vector<16xi32> to vector<16xf32>
        %add3A_1752 = arith.addf %bitcast3A_1728, %bitcast3A_1738 : vector<16xf32>
        %add3A_1753 = arith.addf %add3A_1752, %bitcast3A_1748 : vector<16xf32>
        %gt3A_1754 = arith.constant 0.000000e+00 : f32
        %gt3A_1755 = vector.broadcast %gt3A_1754 : f32 to vector<16xf32>
        %gt3A_1756 = arith.cmpf ogt, %add3A_1753, %gt3A_1755 : vector<16xf32>
        %exp3A_1757 = math.exp %add3A_1753 : vector<16xf32>
        %sub3A_1758 = arith.constant 1.000000e+00 : f32
        %sub3A_1759 = vector.broadcast %sub3A_1758 : f32 to vector<16xf32>
        %sub3A_1760 = arith.subf %exp3A_1757, %sub3A_1759 : vector<16xf32>
        %select_n3A_1761 = arith.select %gt3A_1756, %add3A_1753, %sub3A_1760 : vector<16xi1>, vector<16xf32>
        %add3A_1762 = arith.addf %add3A_1552, %select_n3A_1761 : vector<16xf32>
        %add3A_1763 = arith.addf %bitcast3A_1731, %bitcast3A_1741 : vector<16xf32>
        %add3A_1764 = arith.addf %add3A_1763, %bitcast3A_1751 : vector<16xf32>
        %gt3A_1765 = arith.constant 0.000000e+00 : f32
        %gt3A_1766 = vector.broadcast %gt3A_1765 : f32 to vector<16xf32>
        %gt3A_1767 = arith.cmpf ogt, %add3A_1764, %gt3A_1766 : vector<16xf32>
        %exp3A_1768 = math.exp %add3A_1764 : vector<16xf32>
        %sub3A_1769 = arith.constant 1.000000e+00 : f32
        %sub3A_1770 = vector.broadcast %sub3A_1769 : f32 to vector<16xf32>
        %sub3A_1771 = arith.subf %exp3A_1768, %sub3A_1770 : vector<16xf32>
        %select_n3A_1772 = arith.select %gt3A_1767, %add3A_1764, %sub3A_1771 : vector<16xi1>, vector<16xf32>
        %add3A_1773 = arith.addf %add3A_1563, %select_n3A_1772 : vector<16xf32>
        %get3A_1774 = arith.index_cast %add3A_1669 : i32 to index
        %get3A_1775 = arith.constant 32 : index
        %get3A_1776 = tpu.vector_load %arg17[%get3A_1774, %get3A_1775] {strides = array<i32>} : memref<128x64xi32, #tpu.memory_space<vmem>>, vector<16xi32>,
        %shift_left3A_1777 = arith.constant 16 : i32
        %shift_left3A_1778 = vector.broadcast %shift_left3A_1777 : i32 to vector<16xi32>
        %shift_left3A_1779 = arith.shli %get3A_1776, %shift_left3A_1778 : vector<16xi32>
        %bitcast3A_1780 = vector.bitcast %shift_left3A_1779 : vector<16xi32> to vector<16xf32>
        %and3A_1781 = vector.broadcast %scan3A_590 : i32 to vector<16xi32>
        %and3A_1782 = arith.andi %get3A_1776, %and3A_1781 : vector<16xi32>
        %bitcast3A_1783 = vector.bitcast %and3A_1782 : vector<16xi32> to vector<16xf32>
        %get3A_1784 = arith.index_cast %add3A_1669 : i32 to index
        %get3A_1785 = arith.constant 32 : index
        %get3A_1786 = tpu.vector_load %arg19[%get3A_1784, %get3A_1785] {strides = array<i32>} : memref<128x64xi32, #tpu.memory_space<vmem>>, vector<16xi32>,
        %shift_left3A_1787 = arith.constant 16 : i32
        %shift_left3A_1788 = vector.broadcast %shift_left3A_1787 : i32 to vector<16xi32>
        %shift_left3A_1789 = arith.shli %get3A_1786, %shift_left3A_1788 : vector<16xi32>
        %bitcast3A_1790 = vector.bitcast %shift_left3A_1789 : vector<16xi32> to vector<16xf32>
        %and3A_1791 = vector.broadcast %scan3A_590 : i32 to vector<16xi32>
        %and3A_1792 = arith.andi %get3A_1786, %and3A_1791 : vector<16xi32>
        %bitcast3A_1793 = vector.bitcast %and3A_1792 : vector<16xi32> to vector<16xf32>
        %get3A_1794 = arith.index_cast %add3A_1669 : i32 to index
        %get3A_1795 = arith.constant 32 : index
        %get3A_1796 = tpu.vector_load %arg21[%get3A_1794, %get3A_1795] {strides = array<i32>} : memref<128x64xi32, #tpu.memory_space<vmem>>, vector<16xi32>,
        %shift_left3A_1797 = arith.constant 16 : i32
        %shift_left3A_1798 = vector.broadcast %shift_left3A_1797 : i32 to vector<16xi32>
        %shift_left3A_1799 = arith.shli %get3A_1796, %shift_left3A_1798 : vector<16xi32>
        %bitcast3A_1800 = vector.bitcast %shift_left3A_1799 : vector<16xi32> to vector<16xf32>
        %and3A_1801 = vector.broadcast %scan3A_590 : i32 to vector<16xi32>
        %and3A_1802 = arith.andi %get3A_1796, %and3A_1801 : vector<16xi32>
        %bitcast3A_1803 = vector.bitcast %and3A_1802 : vector<16xi32> to vector<16xf32>
        %add3A_1804 = arith.addf %bitcast3A_1780, %bitcast3A_1790 : vector<16xf32>
        %add3A_1805 = arith.addf %add3A_1804, %bitcast3A_1800 : vector<16xf32>
        %gt3A_1806 = arith.constant 0.000000e+00 : f32
        %gt3A_1807 = vector.broadcast %gt3A_1806 : f32 to vector<16xf32>
        %gt3A_1808 = arith.cmpf ogt, %add3A_1805, %gt3A_1807 : vector<16xf32>
        %exp3A_1809 = math.exp %add3A_1805 : vector<16xf32>
        %sub3A_1810 = arith.constant 1.000000e+00 : f32
        %sub3A_1811 = vector.broadcast %sub3A_1810 : f32 to vector<16xf32>
        %sub3A_1812 = arith.subf %exp3A_1809, %sub3A_1811 : vector<16xf32>
        %select_n3A_1813 = arith.select %gt3A_1808, %add3A_1805, %sub3A_1812 : vector<16xi1>, vector<16xf32>
        %add3A_1814 = arith.addf %add3A_1604, %select_n3A_1813 : vector<16xf32>
        %add3A_1815 = arith.addf %bitcast3A_1783, %bitcast3A_1793 : vector<16xf32>
        %add3A_1816 = arith.addf %add3A_1815, %bitcast3A_1803 : vector<16xf32>
        %gt3A_1817 = arith.constant 0.000000e+00 : f32
        %gt3A_1818 = vector.broadcast %gt3A_1817 : f32 to vector<16xf32>
        %gt3A_1819 = arith.cmpf ogt, %add3A_1816, %gt3A_1818 : vector<16xf32>
        %exp3A_1820 = math.exp %add3A_1816 : vector<16xf32>
        %sub3A_1821 = arith.constant 1.000000e+00 : f32
        %sub3A_1822 = vector.broadcast %sub3A_1821 : f32 to vector<16xf32>
        %sub3A_1823 = arith.subf %exp3A_1820, %sub3A_1822 : vector<16xf32>
        %select_n3A_1824 = arith.select %gt3A_1819, %add3A_1816, %sub3A_1823 : vector<16xi1>, vector<16xf32>
        %add3A_1825 = arith.addf %add3A_1615, %select_n3A_1824 : vector<16xf32>
        %get3A_1826 = arith.index_cast %add3A_1669 : i32 to index
        %get3A_1827 = arith.constant 48 : index
        %get3A_1828 = tpu.vector_load %arg17[%get3A_1826, %get3A_1827] {strides = array<i32>} : memref<128x64xi32, #tpu.memory_space<vmem>>, vector<16xi32>,
        %shift_left3A_1829 = arith.constant 16 : i32
        %shift_left3A_1830 = vector.broadcast %shift_left3A_1829 : i32 to vector<16xi32>
        %shift_left3A_1831 = arith.shli %get3A_1828, %shift_left3A_1830 : vector<16xi32>
        %bitcast3A_1832 = vector.bitcast %shift_left3A_1831 : vector<16xi32> to vector<16xf32>
        %and3A_1833 = vector.broadcast %scan3A_590 : i32 to vector<16xi32>
        %and3A_1834 = arith.andi %get3A_1828, %and3A_1833 : vector<16xi32>
        %bitcast3A_1835 = vector.bitcast %and3A_1834 : vector<16xi32> to vector<16xf32>
        %get3A_1836 = arith.index_cast %add3A_1669 : i32 to index
        %get3A_1837 = arith.constant 48 : index
        %get3A_1838 = tpu.vector_load %arg19[%get3A_1836, %get3A_1837] {strides = array<i32>} : memref<128x64xi32, #tpu.memory_space<vmem>>, vector<16xi32>,
        %shift_left3A_1839 = arith.constant 16 : i32
        %shift_left3A_1840 = vector.broadcast %shift_left3A_1839 : i32 to vector<16xi32>
        %shift_left3A_1841 = arith.shli %get3A_1838, %shift_left3A_1840 : vector<16xi32>
        %bitcast3A_1842 = vector.bitcast %shift_left3A_1841 : vector<16xi32> to vector<16xf32>
        %and3A_1843 = vector.broadcast %scan3A_590 : i32 to vector<16xi32>
        %and3A_1844 = arith.andi %get3A_1838, %and3A_1843 : vector<16xi32>
        %bitcast3A_1845 = vector.bitcast %and3A_1844 : vector<16xi32> to vector<16xf32>
        %get3A_1846 = arith.index_cast %add3A_1669 : i32 to index
        %get3A_1847 = arith.constant 48 : index
        %get3A_1848 = tpu.vector_load %arg21[%get3A_1846, %get3A_1847] {strides = array<i32>} : memref<128x64xi32, #tpu.memory_space<vmem>>, vector<16xi32>,
        %shift_left3A_1849 = arith.constant 16 : i32
        %shift_left3A_1850 = vector.broadcast %shift_left3A_1849 : i32 to vector<16xi32>
        %shift_left3A_1851 = arith.shli %get3A_1848, %shift_left3A_1850 : vector<16xi32>
        %bitcast3A_1852 = vector.bitcast %shift_left3A_1851 : vector<16xi32> to vector<16xf32>
        %and3A_1853 = vector.broadcast %scan3A_590 : i32 to vector<16xi32>
        %and3A_1854 = arith.andi %get3A_1848, %and3A_1853 : vector<16xi32>
        %bitcast3A_1855 = vector.bitcast %and3A_1854 : vector<16xi32> to vector<16xf32>
        %add3A_1856 = arith.addf %bitcast3A_1832, %bitcast3A_1842 : vector<16xf32>
        %add3A_1857 = arith.addf %add3A_1856, %bitcast3A_1852 : vector<16xf32>
        %gt3A_1858 = arith.constant 0.000000e+00 : f32
        %gt3A_1859 = vector.broadcast %gt3A_1858 : f32 to vector<16xf32>
        %gt3A_1860 = arith.cmpf ogt, %add3A_1857, %gt3A_1859 : vector<16xf32>
        %exp3A_1861 = math.exp %add3A_1857 : vector<16xf32>
        %sub3A_1862 = arith.constant 1.000000e+00 : f32
        %sub3A_1863 = vector.broadcast %sub3A_1862 : f32 to vector<16xf32>
        %sub3A_1864 = arith.subf %exp3A_1861, %sub3A_1863 : vector<16xf32>
        %select_n3A_1865 = arith.select %gt3A_1860, %add3A_1857, %sub3A_1864 : vector<16xi1>, vector<16xf32>
        %add3A_1866 = arith.addf %add3A_1656, %select_n3A_1865 : vector<16xf32>
        %add3A_1867 = arith.addf %bitcast3A_1835, %bitcast3A_1845 : vector<16xf32>
        %add3A_1868 = arith.addf %add3A_1867, %bitcast3A_1855 : vector<16xf32>
        %gt3A_1869 = arith.constant 0.000000e+00 : f32
        %gt3A_1870 = vector.broadcast %gt3A_1869 : f32 to vector<16xf32>
        %gt3A_1871 = arith.cmpf ogt, %add3A_1868, %gt3A_1870 : vector<16xf32>
        %exp3A_1872 = math.exp %add3A_1868 : vector<16xf32>
        %sub3A_1873 = arith.constant 1.000000e+00 : f32
        %sub3A_1874 = vector.broadcast %sub3A_1873 : f32 to vector<16xf32>
        %sub3A_1875 = arith.subf %exp3A_1872, %sub3A_1874 : vector<16xf32>
        %select_n3A_1876 = arith.select %gt3A_1871, %add3A_1868, %sub3A_1875 : vector<16xi1>, vector<16xf32>
        %add3A_1877 = arith.addf %add3A_1667, %select_n3A_1876 : vector<16xf32>
        %add3A_1878 = arith.constant 6 : i32
        %add3A_1879 = arith.addi %mul3A_608, %add3A_1878 : i32
        %get3A_1880 = arith.index_cast %add3A_1879 : i32 to index
        %get3A_1881 = arith.constant 0 : index
        %get3A_1882 = tpu.vector_load %arg17[%get3A_1880, %get3A_1881] {strides = array<i32>} : memref<128x64xi32, #tpu.memory_space<vmem>>, vector<16xi32>,
        %shift_left3A_1883 = arith.constant 16 : i32
        %shift_left3A_1884 = vector.broadcast %shift_left3A_1883 : i32 to vector<16xi32>
        %shift_left3A_1885 = arith.shli %get3A_1882, %shift_left3A_1884 : vector<16xi32>
        %bitcast3A_1886 = vector.bitcast %shift_left3A_1885 : vector<16xi32> to vector<16xf32>
        %and3A_1887 = vector.broadcast %scan3A_590 : i32 to vector<16xi32>
        %and3A_1888 = arith.andi %get3A_1882, %and3A_1887 : vector<16xi32>
        %bitcast3A_1889 = vector.bitcast %and3A_1888 : vector<16xi32> to vector<16xf32>
        %get3A_1890 = arith.index_cast %add3A_1879 : i32 to index
        %get3A_1891 = arith.constant 0 : index
        %get3A_1892 = tpu.vector_load %arg19[%get3A_1890, %get3A_1891] {strides = array<i32>} : memref<128x64xi32, #tpu.memory_space<vmem>>, vector<16xi32>,
        %shift_left3A_1893 = arith.constant 16 : i32
        %shift_left3A_1894 = vector.broadcast %shift_left3A_1893 : i32 to vector<16xi32>
        %shift_left3A_1895 = arith.shli %get3A_1892, %shift_left3A_1894 : vector<16xi32>
        %bitcast3A_1896 = vector.bitcast %shift_left3A_1895 : vector<16xi32> to vector<16xf32>
        %and3A_1897 = vector.broadcast %scan3A_590 : i32 to vector<16xi32>
        %and3A_1898 = arith.andi %get3A_1892, %and3A_1897 : vector<16xi32>
        %bitcast3A_1899 = vector.bitcast %and3A_1898 : vector<16xi32> to vector<16xf32>
        %get3A_1900 = arith.index_cast %add3A_1879 : i32 to index
        %get3A_1901 = arith.constant 0 : index
        %get3A_1902 = tpu.vector_load %arg21[%get3A_1900, %get3A_1901] {strides = array<i32>} : memref<128x64xi32, #tpu.memory_space<vmem>>, vector<16xi32>,
        %shift_left3A_1903 = arith.constant 16 : i32
        %shift_left3A_1904 = vector.broadcast %shift_left3A_1903 : i32 to vector<16xi32>
        %shift_left3A_1905 = arith.shli %get3A_1902, %shift_left3A_1904 : vector<16xi32>
        %bitcast3A_1906 = vector.bitcast %shift_left3A_1905 : vector<16xi32> to vector<16xf32>
        %and3A_1907 = vector.broadcast %scan3A_590 : i32 to vector<16xi32>
        %and3A_1908 = arith.andi %get3A_1902, %and3A_1907 : vector<16xi32>
        %bitcast3A_1909 = vector.bitcast %and3A_1908 : vector<16xi32> to vector<16xf32>
        %add3A_1910 = arith.addf %bitcast3A_1886, %bitcast3A_1896 : vector<16xf32>
        %add3A_1911 = arith.addf %add3A_1910, %bitcast3A_1906 : vector<16xf32>
        %gt3A_1912 = arith.constant 0.000000e+00 : f32
        %gt3A_1913 = vector.broadcast %gt3A_1912 : f32 to vector<16xf32>
        %gt3A_1914 = arith.cmpf ogt, %add3A_1911, %gt3A_1913 : vector<16xf32>
        %exp3A_1915 = math.exp %add3A_1911 : vector<16xf32>
        %sub3A_1916 = arith.constant 1.000000e+00 : f32
        %sub3A_1917 = vector.broadcast %sub3A_1916 : f32 to vector<16xf32>
        %sub3A_1918 = arith.subf %exp3A_1915, %sub3A_1917 : vector<16xf32>
        %select_n3A_1919 = arith.select %gt3A_1914, %add3A_1911, %sub3A_1918 : vector<16xi1>, vector<16xf32>
        %add3A_1920 = arith.addf %add3A_1710, %select_n3A_1919 : vector<16xf32>
        %add3A_1921 = arith.addf %bitcast3A_1889, %bitcast3A_1899 : vector<16xf32>
        %add3A_1922 = arith.addf %add3A_1921, %bitcast3A_1909 : vector<16xf32>
        %gt3A_1923 = arith.constant 0.000000e+00 : f32
        %gt3A_1924 = vector.broadcast %gt3A_1923 : f32 to vector<16xf32>
        %gt3A_1925 = arith.cmpf ogt, %add3A_1922, %gt3A_1924 : vector<16xf32>
        %exp3A_1926 = math.exp %add3A_1922 : vector<16xf32>
        %sub3A_1927 = arith.constant 1.000000e+00 : f32
        %sub3A_1928 = vector.broadcast %sub3A_1927 : f32 to vector<16xf32>
        %sub3A_1929 = arith.subf %exp3A_1926, %sub3A_1928 : vector<16xf32>
        %select_n3A_1930 = arith.select %gt3A_1925, %add3A_1922, %sub3A_1929 : vector<16xi1>, vector<16xf32>
        %add3A_1931 = arith.addf %add3A_1721, %select_n3A_1930 : vector<16xf32>
        %get3A_1932 = arith.index_cast %add3A_1879 : i32 to index
        %get3A_1933 = arith.constant 16 : index
        %get3A_1934 = tpu.vector_load %arg17[%get3A_1932, %get3A_1933] {strides = array<i32>} : memref<128x64xi32, #tpu.memory_space<vmem>>, vector<16xi32>,
        %shift_left3A_1935 = arith.constant 16 : i32
        %shift_left3A_1936 = vector.broadcast %shift_left3A_1935 : i32 to vector<16xi32>
        %shift_left3A_1937 = arith.shli %get3A_1934, %shift_left3A_1936 : vector<16xi32>
        %bitcast3A_1938 = vector.bitcast %shift_left3A_1937 : vector<16xi32> to vector<16xf32>
        %and3A_1939 = vector.broadcast %scan3A_590 : i32 to vector<16xi32>
        %and3A_1940 = arith.andi %get3A_1934, %and3A_1939 : vector<16xi32>
        %bitcast3A_1941 = vector.bitcast %and3A_1940 : vector<16xi32> to vector<16xf32>
        %get3A_1942 = arith.index_cast %add3A_1879 : i32 to index
        %get3A_1943 = arith.constant 16 : index
        %get3A_1944 = tpu.vector_load %arg19[%get3A_1942, %get3A_1943] {strides = array<i32>} : memref<128x64xi32, #tpu.memory_space<vmem>>, vector<16xi32>,
        %shift_left3A_1945 = arith.constant 16 : i32
        %shift_left3A_1946 = vector.broadcast %shift_left3A_1945 : i32 to vector<16xi32>
        %shift_left3A_1947 = arith.shli %get3A_1944, %shift_left3A_1946 : vector<16xi32>
        %bitcast3A_1948 = vector.bitcast %shift_left3A_1947 : vector<16xi32> to vector<16xf32>
        %and3A_1949 = vector.broadcast %scan3A_590 : i32 to vector<16xi32>
        %and3A_1950 = arith.andi %get3A_1944, %and3A_1949 : vector<16xi32>
        %bitcast3A_1951 = vector.bitcast %and3A_1950 : vector<16xi32> to vector<16xf32>
        %get3A_1952 = arith.index_cast %add3A_1879 : i32 to index
        %get3A_1953 = arith.constant 16 : index
        %get3A_1954 = tpu.vector_load %arg21[%get3A_1952, %get3A_1953] {strides = array<i32>} : memref<128x64xi32, #tpu.memory_space<vmem>>, vector<16xi32>,
        %shift_left3A_1955 = arith.constant 16 : i32
        %shift_left3A_1956 = vector.broadcast %shift_left3A_1955 : i32 to vector<16xi32>
        %shift_left3A_1957 = arith.shli %get3A_1954, %shift_left3A_1956 : vector<16xi32>
        %bitcast3A_1958 = vector.bitcast %shift_left3A_1957 : vector<16xi32> to vector<16xf32>
        %and3A_1959 = vector.broadcast %scan3A_590 : i32 to vector<16xi32>
        %and3A_1960 = arith.andi %get3A_1954, %and3A_1959 : vector<16xi32>
        %bitcast3A_1961 = vector.bitcast %and3A_1960 : vector<16xi32> to vector<16xf32>
        %add3A_1962 = arith.addf %bitcast3A_1938, %bitcast3A_1948 : vector<16xf32>
        %add3A_1963 = arith.addf %add3A_1962, %bitcast3A_1958 : vector<16xf32>
        %gt3A_1964 = arith.constant 0.000000e+00 : f32
        %gt3A_1965 = vector.broadcast %gt3A_1964 : f32 to vector<16xf32>
        %gt3A_1966 = arith.cmpf ogt, %add3A_1963, %gt3A_1965 : vector<16xf32>
        %exp3A_1967 = math.exp %add3A_1963 : vector<16xf32>
        %sub3A_1968 = arith.constant 1.000000e+00 : f32
        %sub3A_1969 = vector.broadcast %sub3A_1968 : f32 to vector<16xf32>
        %sub3A_1970 = arith.subf %exp3A_1967, %sub3A_1969 : vector<16xf32>
        %select_n3A_1971 = arith.select %gt3A_1966, %add3A_1963, %sub3A_1970 : vector<16xi1>, vector<16xf32>
        %add3A_1972 = arith.addf %add3A_1762, %select_n3A_1971 : vector<16xf32>
        %add3A_1973 = arith.addf %bitcast3A_1941, %bitcast3A_1951 : vector<16xf32>
        %add3A_1974 = arith.addf %add3A_1973, %bitcast3A_1961 : vector<16xf32>
        %gt3A_1975 = arith.constant 0.000000e+00 : f32
        %gt3A_1976 = vector.broadcast %gt3A_1975 : f32 to vector<16xf32>
        %gt3A_1977 = arith.cmpf ogt, %add3A_1974, %gt3A_1976 : vector<16xf32>
        %exp3A_1978 = math.exp %add3A_1974 : vector<16xf32>
        %sub3A_1979 = arith.constant 1.000000e+00 : f32
        %sub3A_1980 = vector.broadcast %sub3A_1979 : f32 to vector<16xf32>
        %sub3A_1981 = arith.subf %exp3A_1978, %sub3A_1980 : vector<16xf32>
        %select_n3A_1982 = arith.select %gt3A_1977, %add3A_1974, %sub3A_1981 : vector<16xi1>, vector<16xf32>
        %add3A_1983 = arith.addf %add3A_1773, %select_n3A_1982 : vector<16xf32>
        %get3A_1984 = arith.index_cast %add3A_1879 : i32 to index
        %get3A_1985 = arith.constant 32 : index
        %get3A_1986 = tpu.vector_load %arg17[%get3A_1984, %get3A_1985] {strides = array<i32>} : memref<128x64xi32, #tpu.memory_space<vmem>>, vector<16xi32>,
        %shift_left3A_1987 = arith.constant 16 : i32
        %shift_left3A_1988 = vector.broadcast %shift_left3A_1987 : i32 to vector<16xi32>
        %shift_left3A_1989 = arith.shli %get3A_1986, %shift_left3A_1988 : vector<16xi32>
        %bitcast3A_1990 = vector.bitcast %shift_left3A_1989 : vector<16xi32> to vector<16xf32>
        %and3A_1991 = vector.broadcast %scan3A_590 : i32 to vector<16xi32>
        %and3A_1992 = arith.andi %get3A_1986, %and3A_1991 : vector<16xi32>
        %bitcast3A_1993 = vector.bitcast %and3A_1992 : vector<16xi32> to vector<16xf32>
        %get3A_1994 = arith.index_cast %add3A_1879 : i32 to index
        %get3A_1995 = arith.constant 32 : index
        %get3A_1996 = tpu.vector_load %arg19[%get3A_1994, %get3A_1995] {strides = array<i32>} : memref<128x64xi32, #tpu.memory_space<vmem>>, vector<16xi32>,
        %shift_left3A_1997 = arith.constant 16 : i32
        %shift_left3A_1998 = vector.broadcast %shift_left3A_1997 : i32 to vector<16xi32>
        %shift_left3A_1999 = arith.shli %get3A_1996, %shift_left3A_1998 : vector<16xi32>
        %bitcast3A_2000 = vector.bitcast %shift_left3A_1999 : vector<16xi32> to vector<16xf32>
        %and3A_2001 = vector.broadcast %scan3A_590 : i32 to vector<16xi32>
        %and3A_2002 = arith.andi %get3A_1996, %and3A_2001 : vector<16xi32>
        %bitcast3A_2003 = vector.bitcast %and3A_2002 : vector<16xi32> to vector<16xf32>
        %get3A_2004 = arith.index_cast %add3A_1879 : i32 to index
        %get3A_2005 = arith.constant 32 : index
        %get3A_2006 = tpu.vector_load %arg21[%get3A_2004, %get3A_2005] {strides = array<i32>} : memref<128x64xi32, #tpu.memory_space<vmem>>, vector<16xi32>,
        %shift_left3A_2007 = arith.constant 16 : i32
        %shift_left3A_2008 = vector.broadcast %shift_left3A_2007 : i32 to vector<16xi32>
        %shift_left3A_2009 = arith.shli %get3A_2006, %shift_left3A_2008 : vector<16xi32>
        %bitcast3A_2010 = vector.bitcast %shift_left3A_2009 : vector<16xi32> to vector<16xf32>
        %and3A_2011 = vector.broadcast %scan3A_590 : i32 to vector<16xi32>
        %and3A_2012 = arith.andi %get3A_2006, %and3A_2011 : vector<16xi32>
        %bitcast3A_2013 = vector.bitcast %and3A_2012 : vector<16xi32> to vector<16xf32>
        %add3A_2014 = arith.addf %bitcast3A_1990, %bitcast3A_2000 : vector<16xf32>
        %add3A_2015 = arith.addf %add3A_2014, %bitcast3A_2010 : vector<16xf32>
        %gt3A_2016 = arith.constant 0.000000e+00 : f32
        %gt3A_2017 = vector.broadcast %gt3A_2016 : f32 to vector<16xf32>
        %gt3A_2018 = arith.cmpf ogt, %add3A_2015, %gt3A_2017 : vector<16xf32>
        %exp3A_2019 = math.exp %add3A_2015 : vector<16xf32>
        %sub3A_2020 = arith.constant 1.000000e+00 : f32
        %sub3A_2021 = vector.broadcast %sub3A_2020 : f32 to vector<16xf32>
        %sub3A_2022 = arith.subf %exp3A_2019, %sub3A_2021 : vector<16xf32>
        %select_n3A_2023 = arith.select %gt3A_2018, %add3A_2015, %sub3A_2022 : vector<16xi1>, vector<16xf32>
        %add3A_2024 = arith.addf %add3A_1814, %select_n3A_2023 : vector<16xf32>
        %add3A_2025 = arith.addf %bitcast3A_1993, %bitcast3A_2003 : vector<16xf32>
        %add3A_2026 = arith.addf %add3A_2025, %bitcast3A_2013 : vector<16xf32>
        %gt3A_2027 = arith.constant 0.000000e+00 : f32
        %gt3A_2028 = vector.broadcast %gt3A_2027 : f32 to vector<16xf32>
        %gt3A_2029 = arith.cmpf ogt, %add3A_2026, %gt3A_2028 : vector<16xf32>
        %exp3A_2030 = math.exp %add3A_2026 : vector<16xf32>
        %sub3A_2031 = arith.constant 1.000000e+00 : f32
        %sub3A_2032 = vector.broadcast %sub3A_2031 : f32 to vector<16xf32>
        %sub3A_2033 = arith.subf %exp3A_2030, %sub3A_2032 : vector<16xf32>
        %select_n3A_2034 = arith.select %gt3A_2029, %add3A_2026, %sub3A_2033 : vector<16xi1>, vector<16xf32>
        %add3A_2035 = arith.addf %add3A_1825, %select_n3A_2034 : vector<16xf32>
        %get3A_2036 = arith.index_cast %add3A_1879 : i32 to index
        %get3A_2037 = arith.constant 48 : index
        %get3A_2038 = tpu.vector_load %arg17[%get3A_2036, %get3A_2037] {strides = array<i32>} : memref<128x64xi32, #tpu.memory_space<vmem>>, vector<16xi32>,
        %shift_left3A_2039 = arith.constant 16 : i32
        %shift_left3A_2040 = vector.broadcast %shift_left3A_2039 : i32 to vector<16xi32>
        %shift_left3A_2041 = arith.shli %get3A_2038, %shift_left3A_2040 : vector<16xi32>
        %bitcast3A_2042 = vector.bitcast %shift_left3A_2041 : vector<16xi32> to vector<16xf32>
        %and3A_2043 = vector.broadcast %scan3A_590 : i32 to vector<16xi32>
        %and3A_2044 = arith.andi %get3A_2038, %and3A_2043 : vector<16xi32>
        %bitcast3A_2045 = vector.bitcast %and3A_2044 : vector<16xi32> to vector<16xf32>
        %get3A_2046 = arith.index_cast %add3A_1879 : i32 to index
        %get3A_2047 = arith.constant 48 : index
        %get3A_2048 = tpu.vector_load %arg19[%get3A_2046, %get3A_2047] {strides = array<i32>} : memref<128x64xi32, #tpu.memory_space<vmem>>, vector<16xi32>,
        %shift_left3A_2049 = arith.constant 16 : i32
        %shift_left3A_2050 = vector.broadcast %shift_left3A_2049 : i32 to vector<16xi32>
        %shift_left3A_2051 = arith.shli %get3A_2048, %shift_left3A_2050 : vector<16xi32>
        %bitcast3A_2052 = vector.bitcast %shift_left3A_2051 : vector<16xi32> to vector<16xf32>
        %and3A_2053 = vector.broadcast %scan3A_590 : i32 to vector<16xi32>
        %and3A_2054 = arith.andi %get3A_2048, %and3A_2053 : vector<16xi32>
        %bitcast3A_2055 = vector.bitcast %and3A_2054 : vector<16xi32> to vector<16xf32>
        %get3A_2056 = arith.index_cast %add3A_1879 : i32 to index
        %get3A_2057 = arith.constant 48 : index
        %get3A_2058 = tpu.vector_load %arg21[%get3A_2056, %get3A_2057] {strides = array<i32>} : memref<128x64xi32, #tpu.memory_space<vmem>>, vector<16xi32>,
        %shift_left3A_2059 = arith.constant 16 : i32
        %shift_left3A_2060 = vector.broadcast %shift_left3A_2059 : i32 to vector<16xi32>
        %shift_left3A_2061 = arith.shli %get3A_2058, %shift_left3A_2060 : vector<16xi32>
        %bitcast3A_2062 = vector.bitcast %shift_left3A_2061 : vector<16xi32> to vector<16xf32>
        %and3A_2063 = vector.broadcast %scan3A_590 : i32 to vector<16xi32>
        %and3A_2064 = arith.andi %get3A_2058, %and3A_2063 : vector<16xi32>
        %bitcast3A_2065 = vector.bitcast %and3A_2064 : vector<16xi32> to vector<16xf32>
        %add3A_2066 = arith.addf %bitcast3A_2042, %bitcast3A_2052 : vector<16xf32>
        %add3A_2067 = arith.addf %add3A_2066, %bitcast3A_2062 : vector<16xf32>
        %gt3A_2068 = arith.constant 0.000000e+00 : f32
        %gt3A_2069 = vector.broadcast %gt3A_2068 : f32 to vector<16xf32>
        %gt3A_2070 = arith.cmpf ogt, %add3A_2067, %gt3A_2069 : vector<16xf32>
        %exp3A_2071 = math.exp %add3A_2067 : vector<16xf32>
        %sub3A_2072 = arith.constant 1.000000e+00 : f32
        %sub3A_2073 = vector.broadcast %sub3A_2072 : f32 to vector<16xf32>
        %sub3A_2074 = arith.subf %exp3A_2071, %sub3A_2073 : vector<16xf32>
        %select_n3A_2075 = arith.select %gt3A_2070, %add3A_2067, %sub3A_2074 : vector<16xi1>, vector<16xf32>
        %add3A_2076 = arith.addf %add3A_1866, %select_n3A_2075 : vector<16xf32>
        %add3A_2077 = arith.addf %bitcast3A_2045, %bitcast3A_2055 : vector<16xf32>
        %add3A_2078 = arith.addf %add3A_2077, %bitcast3A_2065 : vector<16xf32>
        %gt3A_2079 = arith.constant 0.000000e+00 : f32
        %gt3A_2080 = vector.broadcast %gt3A_2079 : f32 to vector<16xf32>
        %gt3A_2081 = arith.cmpf ogt, %add3A_2078, %gt3A_2080 : vector<16xf32>
        %exp3A_2082 = math.exp %add3A_2078 : vector<16xf32>
        %sub3A_2083 = arith.constant 1.000000e+00 : f32
        %sub3A_2084 = vector.broadcast %sub3A_2083 : f32 to vector<16xf32>
        %sub3A_2085 = arith.subf %exp3A_2082, %sub3A_2084 : vector<16xf32>
        %select_n3A_2086 = arith.select %gt3A_2081, %add3A_2078, %sub3A_2085 : vector<16xi1>, vector<16xf32>
        %add3A_2087 = arith.addf %add3A_1877, %select_n3A_2086 : vector<16xf32>
        %add3A_2088 = arith.constant 7 : i32
        %add3A_2089 = arith.addi %mul3A_608, %add3A_2088 : i32
        %get3A_2090 = arith.index_cast %add3A_2089 : i32 to index
        %get3A_2091 = arith.constant 0 : index
        %get3A_2092 = tpu.vector_load %arg17[%get3A_2090, %get3A_2091] {strides = array<i32>} : memref<128x64xi32, #tpu.memory_space<vmem>>, vector<16xi32>,
        %shift_left3A_2093 = arith.constant 16 : i32
        %shift_left3A_2094 = vector.broadcast %shift_left3A_2093 : i32 to vector<16xi32>
        %shift_left3A_2095 = arith.shli %get3A_2092, %shift_left3A_2094 : vector<16xi32>
        %bitcast3A_2096 = vector.bitcast %shift_left3A_2095 : vector<16xi32> to vector<16xf32>
        %and3A_2097 = vector.broadcast %scan3A_590 : i32 to vector<16xi32>
        %and3A_2098 = arith.andi %get3A_2092, %and3A_2097 : vector<16xi32>
        %bitcast3A_2099 = vector.bitcast %and3A_2098 : vector<16xi32> to vector<16xf32>
        %get3A_2100 = arith.index_cast %add3A_2089 : i32 to index
        %get3A_2101 = arith.constant 0 : index
        %get3A_2102 = tpu.vector_load %arg19[%get3A_2100, %get3A_2101] {strides = array<i32>} : memref<128x64xi32, #tpu.memory_space<vmem>>, vector<16xi32>,
        %shift_left3A_2103 = arith.constant 16 : i32
        %shift_left3A_2104 = vector.broadcast %shift_left3A_2103 : i32 to vector<16xi32>
        %shift_left3A_2105 = arith.shli %get3A_2102, %shift_left3A_2104 : vector<16xi32>
        %bitcast3A_2106 = vector.bitcast %shift_left3A_2105 : vector<16xi32> to vector<16xf32>
        %and3A_2107 = vector.broadcast %scan3A_590 : i32 to vector<16xi32>
        %and3A_2108 = arith.andi %get3A_2102, %and3A_2107 : vector<16xi32>
        %bitcast3A_2109 = vector.bitcast %and3A_2108 : vector<16xi32> to vector<16xf32>
        %get3A_2110 = arith.index_cast %add3A_2089 : i32 to index
        %get3A_2111 = arith.constant 0 : index
        %get3A_2112 = tpu.vector_load %arg21[%get3A_2110, %get3A_2111] {strides = array<i32>} : memref<128x64xi32, #tpu.memory_space<vmem>>, vector<16xi32>,
        %shift_left3A_2113 = arith.constant 16 : i32
        %shift_left3A_2114 = vector.broadcast %shift_left3A_2113 : i32 to vector<16xi32>
        %shift_left3A_2115 = arith.shli %get3A_2112, %shift_left3A_2114 : vector<16xi32>
        %bitcast3A_2116 = vector.bitcast %shift_left3A_2115 : vector<16xi32> to vector<16xf32>
        %and3A_2117 = vector.broadcast %scan3A_590 : i32 to vector<16xi32>
        %and3A_2118 = arith.andi %get3A_2112, %and3A_2117 : vector<16xi32>
        %bitcast3A_2119 = vector.bitcast %and3A_2118 : vector<16xi32> to vector<16xf32>
        %add3A_2120 = arith.addf %bitcast3A_2096, %bitcast3A_2106 : vector<16xf32>
        %add3A_2121 = arith.addf %add3A_2120, %bitcast3A_2116 : vector<16xf32>
        %gt3A_2122 = arith.constant 0.000000e+00 : f32
        %gt3A_2123 = vector.broadcast %gt3A_2122 : f32 to vector<16xf32>
        %gt3A_2124 = arith.cmpf ogt, %add3A_2121, %gt3A_2123 : vector<16xf32>
        %exp3A_2125 = math.exp %add3A_2121 : vector<16xf32>
        %sub3A_2126 = arith.constant 1.000000e+00 : f32
        %sub3A_2127 = vector.broadcast %sub3A_2126 : f32 to vector<16xf32>
        %sub3A_2128 = arith.subf %exp3A_2125, %sub3A_2127 : vector<16xf32>
        %select_n3A_2129 = arith.select %gt3A_2124, %add3A_2121, %sub3A_2128 : vector<16xi1>, vector<16xf32>
        %add3A_2130 = arith.addf %add3A_1920, %select_n3A_2129 : vector<16xf32>
        %add3A_2131 = arith.addf %bitcast3A_2099, %bitcast3A_2109 : vector<16xf32>
        %add3A_2132 = arith.addf %add3A_2131, %bitcast3A_2119 : vector<16xf32>
        %gt3A_2133 = arith.constant 0.000000e+00 : f32
        %gt3A_2134 = vector.broadcast %gt3A_2133 : f32 to vector<16xf32>
        %gt3A_2135 = arith.cmpf ogt, %add3A_2132, %gt3A_2134 : vector<16xf32>
        %exp3A_2136 = math.exp %add3A_2132 : vector<16xf32>
        %sub3A_2137 = arith.constant 1.000000e+00 : f32
        %sub3A_2138 = vector.broadcast %sub3A_2137 : f32 to vector<16xf32>
        %sub3A_2139 = arith.subf %exp3A_2136, %sub3A_2138 : vector<16xf32>
        %select_n3A_2140 = arith.select %gt3A_2135, %add3A_2132, %sub3A_2139 : vector<16xi1>, vector<16xf32>
        %add3A_2141 = arith.addf %add3A_1931, %select_n3A_2140 : vector<16xf32>
        %get3A_2142 = arith.index_cast %add3A_2089 : i32 to index
        %get3A_2143 = arith.constant 16 : index
        %get3A_2144 = tpu.vector_load %arg17[%get3A_2142, %get3A_2143] {strides = array<i32>} : memref<128x64xi32, #tpu.memory_space<vmem>>, vector<16xi32>,
        %shift_left3A_2145 = arith.constant 16 : i32
        %shift_left3A_2146 = vector.broadcast %shift_left3A_2145 : i32 to vector<16xi32>
        %shift_left3A_2147 = arith.shli %get3A_2144, %shift_left3A_2146 : vector<16xi32>
        %bitcast3A_2148 = vector.bitcast %shift_left3A_2147 : vector<16xi32> to vector<16xf32>
        %and3A_2149 = vector.broadcast %scan3A_590 : i32 to vector<16xi32>
        %and3A_2150 = arith.andi %get3A_2144, %and3A_2149 : vector<16xi32>
        %bitcast3A_2151 = vector.bitcast %and3A_2150 : vector<16xi32> to vector<16xf32>
        %get3A_2152 = arith.index_cast %add3A_2089 : i32 to index
        %get3A_2153 = arith.constant 16 : index
        %get3A_2154 = tpu.vector_load %arg19[%get3A_2152, %get3A_2153] {strides = array<i32>} : memref<128x64xi32, #tpu.memory_space<vmem>>, vector<16xi32>,
        %shift_left3A_2155 = arith.constant 16 : i32
        %shift_left3A_2156 = vector.broadcast %shift_left3A_2155 : i32 to vector<16xi32>
        %shift_left3A_2157 = arith.shli %get3A_2154, %shift_left3A_2156 : vector<16xi32>
        %bitcast3A_2158 = vector.bitcast %shift_left3A_2157 : vector<16xi32> to vector<16xf32>
        %and3A_2159 = vector.broadcast %scan3A_590 : i32 to vector<16xi32>
        %and3A_2160 = arith.andi %get3A_2154, %and3A_2159 : vector<16xi32>
        %bitcast3A_2161 = vector.bitcast %and3A_2160 : vector<16xi32> to vector<16xf32>
        %get3A_2162 = arith.index_cast %add3A_2089 : i32 to index
        %get3A_2163 = arith.constant 16 : index
        %get3A_2164 = tpu.vector_load %arg21[%get3A_2162, %get3A_2163] {strides = array<i32>} : memref<128x64xi32, #tpu.memory_space<vmem>>, vector<16xi32>,
        %shift_left3A_2165 = arith.constant 16 : i32
        %shift_left3A_2166 = vector.broadcast %shift_left3A_2165 : i32 to vector<16xi32>
        %shift_left3A_2167 = arith.shli %get3A_2164, %shift_left3A_2166 : vector<16xi32>
        %bitcast3A_2168 = vector.bitcast %shift_left3A_2167 : vector<16xi32> to vector<16xf32>
        %and3A_2169 = vector.broadcast %scan3A_590 : i32 to vector<16xi32>
        %and3A_2170 = arith.andi %get3A_2164, %and3A_2169 : vector<16xi32>
        %bitcast3A_2171 = vector.bitcast %and3A_2170 : vector<16xi32> to vector<16xf32>
        %add3A_2172 = arith.addf %bitcast3A_2148, %bitcast3A_2158 : vector<16xf32>
        %add3A_2173 = arith.addf %add3A_2172, %bitcast3A_2168 : vector<16xf32>
        %gt3A_2174 = arith.constant 0.000000e+00 : f32
        %gt3A_2175 = vector.broadcast %gt3A_2174 : f32 to vector<16xf32>
        %gt3A_2176 = arith.cmpf ogt, %add3A_2173, %gt3A_2175 : vector<16xf32>
        %exp3A_2177 = math.exp %add3A_2173 : vector<16xf32>
        %sub3A_2178 = arith.constant 1.000000e+00 : f32
        %sub3A_2179 = vector.broadcast %sub3A_2178 : f32 to vector<16xf32>
        %sub3A_2180 = arith.subf %exp3A_2177, %sub3A_2179 : vector<16xf32>
        %select_n3A_2181 = arith.select %gt3A_2176, %add3A_2173, %sub3A_2180 : vector<16xi1>, vector<16xf32>
        %add3A_2182 = arith.addf %add3A_1972, %select_n3A_2181 : vector<16xf32>
        %add3A_2183 = arith.addf %bitcast3A_2151, %bitcast3A_2161 : vector<16xf32>
        %add3A_2184 = arith.addf %add3A_2183, %bitcast3A_2171 : vector<16xf32>
        %gt3A_2185 = arith.constant 0.000000e+00 : f32
        %gt3A_2186 = vector.broadcast %gt3A_2185 : f32 to vector<16xf32>
        %gt3A_2187 = arith.cmpf ogt, %add3A_2184, %gt3A_2186 : vector<16xf32>
        %exp3A_2188 = math.exp %add3A_2184 : vector<16xf32>
        %sub3A_2189 = arith.constant 1.000000e+00 : f32
        %sub3A_2190 = vector.broadcast %sub3A_2189 : f32 to vector<16xf32>
        %sub3A_2191 = arith.subf %exp3A_2188, %sub3A_2190 : vector<16xf32>
        %select_n3A_2192 = arith.select %gt3A_2187, %add3A_2184, %sub3A_2191 : vector<16xi1>, vector<16xf32>
        %add3A_2193 = arith.addf %add3A_1983, %select_n3A_2192 : vector<16xf32>
        %get3A_2194 = arith.index_cast %add3A_2089 : i32 to index
        %get3A_2195 = arith.constant 32 : index
        %get3A_2196 = tpu.vector_load %arg17[%get3A_2194, %get3A_2195] {strides = array<i32>} : memref<128x64xi32, #tpu.memory_space<vmem>>, vector<16xi32>,
        %shift_left3A_2197 = arith.constant 16 : i32
        %shift_left3A_2198 = vector.broadcast %shift_left3A_2197 : i32 to vector<16xi32>
        %shift_left3A_2199 = arith.shli %get3A_2196, %shift_left3A_2198 : vector<16xi32>
        %bitcast3A_2200 = vector.bitcast %shift_left3A_2199 : vector<16xi32> to vector<16xf32>
        %and3A_2201 = vector.broadcast %scan3A_590 : i32 to vector<16xi32>
        %and3A_2202 = arith.andi %get3A_2196, %and3A_2201 : vector<16xi32>
        %bitcast3A_2203 = vector.bitcast %and3A_2202 : vector<16xi32> to vector<16xf32>
        %get3A_2204 = arith.index_cast %add3A_2089 : i32 to index
        %get3A_2205 = arith.constant 32 : index
        %get3A_2206 = tpu.vector_load %arg19[%get3A_2204, %get3A_2205] {strides = array<i32>} : memref<128x64xi32, #tpu.memory_space<vmem>>, vector<16xi32>,
        %shift_left3A_2207 = arith.constant 16 : i32
        %shift_left3A_2208 = vector.broadcast %shift_left3A_2207 : i32 to vector<16xi32>
        %shift_left3A_2209 = arith.shli %get3A_2206, %shift_left3A_2208 : vector<16xi32>
        %bitcast3A_2210 = vector.bitcast %shift_left3A_2209 : vector<16xi32> to vector<16xf32>
        %and3A_2211 = vector.broadcast %scan3A_590 : i32 to vector<16xi32>
        %and3A_2212 = arith.andi %get3A_2206, %and3A_2211 : vector<16xi32>
        %bitcast3A_2213 = vector.bitcast %and3A_2212 : vector<16xi32> to vector<16xf32>
        %get3A_2214 = arith.index_cast %add3A_2089 : i32 to index
        %get3A_2215 = arith.constant 32 : index
        %get3A_2216 = tpu.vector_load %arg21[%get3A_2214, %get3A_2215] {strides = array<i32>} : memref<128x64xi32, #tpu.memory_space<vmem>>, vector<16xi32>,
        %shift_left3A_2217 = arith.constant 16 : i32
        %shift_left3A_2218 = vector.broadcast %shift_left3A_2217 : i32 to vector<16xi32>
        %shift_left3A_2219 = arith.shli %get3A_2216, %shift_left3A_2218 : vector<16xi32>
        %bitcast3A_2220 = vector.bitcast %shift_left3A_2219 : vector<16xi32> to vector<16xf32>
        %and3A_2221 = vector.broadcast %scan3A_590 : i32 to vector<16xi32>
        %and3A_2222 = arith.andi %get3A_2216, %and3A_2221 : vector<16xi32>
        %bitcast3A_2223 = vector.bitcast %and3A_2222 : vector<16xi32> to vector<16xf32>
        %add3A_2224 = arith.addf %bitcast3A_2200, %bitcast3A_2210 : vector<16xf32>
        %add3A_2225 = arith.addf %add3A_2224, %bitcast3A_2220 : vector<16xf32>
        %gt3A_2226 = arith.constant 0.000000e+00 : f32
        %gt3A_2227 = vector.broadcast %gt3A_2226 : f32 to vector<16xf32>
        %gt3A_2228 = arith.cmpf ogt, %add3A_2225, %gt3A_2227 : vector<16xf32>
        %exp3A_2229 = math.exp %add3A_2225 : vector<16xf32>
        %sub3A_2230 = arith.constant 1.000000e+00 : f32
        %sub3A_2231 = vector.broadcast %sub3A_2230 : f32 to vector<16xf32>
        %sub3A_2232 = arith.subf %exp3A_2229, %sub3A_2231 : vector<16xf32>
        %select_n3A_2233 = arith.select %gt3A_2228, %add3A_2225, %sub3A_2232 : vector<16xi1>, vector<16xf32>
        %add3A_2234 = arith.addf %add3A_2024, %select_n3A_2233 : vector<16xf32>
        %add3A_2235 = arith.addf %bitcast3A_2203, %bitcast3A_2213 : vector<16xf32>
        %add3A_2236 = arith.addf %add3A_2235, %bitcast3A_2223 : vector<16xf32>
        %gt3A_2237 = arith.constant 0.000000e+00 : f32
        %gt3A_2238 = vector.broadcast %gt3A_2237 : f32 to vector<16xf32>
        %gt3A_2239 = arith.cmpf ogt, %add3A_2236, %gt3A_2238 : vector<16xf32>
        %exp3A_2240 = math.exp %add3A_2236 : vector<16xf32>
        %sub3A_2241 = arith.constant 1.000000e+00 : f32
        %sub3A_2242 = vector.broadcast %sub3A_2241 : f32 to vector<16xf32>
        %sub3A_2243 = arith.subf %exp3A_2240, %sub3A_2242 : vector<16xf32>
        %select_n3A_2244 = arith.select %gt3A_2239, %add3A_2236, %sub3A_2243 : vector<16xi1>, vector<16xf32>
        %add3A_2245 = arith.addf %add3A_2035, %select_n3A_2244 : vector<16xf32>
        %get3A_2246 = arith.index_cast %add3A_2089 : i32 to index
        %get3A_2247 = arith.constant 48 : index
        %get3A_2248 = tpu.vector_load %arg17[%get3A_2246, %get3A_2247] {strides = array<i32>} : memref<128x64xi32, #tpu.memory_space<vmem>>, vector<16xi32>,
        %shift_left3A_2249 = arith.constant 16 : i32
        %shift_left3A_2250 = vector.broadcast %shift_left3A_2249 : i32 to vector<16xi32>
        %shift_left3A_2251 = arith.shli %get3A_2248, %shift_left3A_2250 : vector<16xi32>
        %bitcast3A_2252 = vector.bitcast %shift_left3A_2251 : vector<16xi32> to vector<16xf32>
        %and3A_2253 = vector.broadcast %scan3A_590 : i32 to vector<16xi32>
        %and3A_2254 = arith.andi %get3A_2248, %and3A_2253 : vector<16xi32>
        %bitcast3A_2255 = vector.bitcast %and3A_2254 : vector<16xi32> to vector<16xf32>
        %get3A_2256 = arith.index_cast %add3A_2089 : i32 to index
        %get3A_2257 = arith.constant 48 : index
        %get3A_2258 = tpu.vector_load %arg19[%get3A_2256, %get3A_2257] {strides = array<i32>} : memref<128x64xi32, #tpu.memory_space<vmem>>, vector<16xi32>,
        %shift_left3A_2259 = arith.constant 16 : i32
        %shift_left3A_2260 = vector.broadcast %shift_left3A_2259 : i32 to vector<16xi32>
        %shift_left3A_2261 = arith.shli %get3A_2258, %shift_left3A_2260 : vector<16xi32>
        %bitcast3A_2262 = vector.bitcast %shift_left3A_2261 : vector<16xi32> to vector<16xf32>
        %and3A_2263 = vector.broadcast %scan3A_590 : i32 to vector<16xi32>
        %and3A_2264 = arith.andi %get3A_2258, %and3A_2263 : vector<16xi32>
        %bitcast3A_2265 = vector.bitcast %and3A_2264 : vector<16xi32> to vector<16xf32>
        %get3A_2266 = arith.index_cast %add3A_2089 : i32 to index
        %get3A_2267 = arith.constant 48 : index
        %get3A_2268 = tpu.vector_load %arg21[%get3A_2266, %get3A_2267] {strides = array<i32>} : memref<128x64xi32, #tpu.memory_space<vmem>>, vector<16xi32>,
        %shift_left3A_2269 = arith.constant 16 : i32
        %shift_left3A_2270 = vector.broadcast %shift_left3A_2269 : i32 to vector<16xi32>
        %shift_left3A_2271 = arith.shli %get3A_2268, %shift_left3A_2270 : vector<16xi32>
        %bitcast3A_2272 = vector.bitcast %shift_left3A_2271 : vector<16xi32> to vector<16xf32>
        %and3A_2273 = vector.broadcast %scan3A_590 : i32 to vector<16xi32>
        %and3A_2274 = arith.andi %get3A_2268, %and3A_2273 : vector<16xi32>
        %bitcast3A_2275 = vector.bitcast %and3A_2274 : vector<16xi32> to vector<16xf32>
        %add3A_2276 = arith.addf %bitcast3A_2252, %bitcast3A_2262 : vector<16xf32>
        %add3A_2277 = arith.addf %add3A_2276, %bitcast3A_2272 : vector<16xf32>
        %gt3A_2278 = arith.constant 0.000000e+00 : f32
        %gt3A_2279 = vector.broadcast %gt3A_2278 : f32 to vector<16xf32>
        %gt3A_2280 = arith.cmpf ogt, %add3A_2277, %gt3A_2279 : vector<16xf32>
        %exp3A_2281 = math.exp %add3A_2277 : vector<16xf32>
        %sub3A_2282 = arith.constant 1.000000e+00 : f32
        %sub3A_2283 = vector.broadcast %sub3A_2282 : f32 to vector<16xf32>
        %sub3A_2284 = arith.subf %exp3A_2281, %sub3A_2283 : vector<16xf32>
        %select_n3A_2285 = arith.select %gt3A_2280, %add3A_2277, %sub3A_2284 : vector<16xi1>, vector<16xf32>
        %add3A_2286 = arith.addf %add3A_2076, %select_n3A_2285 : vector<16xf32>
        %add3A_2287 = arith.addf %bitcast3A_2255, %bitcast3A_2265 : vector<16xf32>
        %add3A_2288 = arith.addf %add3A_2287, %bitcast3A_2275 : vector<16xf32>
        %gt3A_2289 = arith.constant 0.000000e+00 : f32
        %gt3A_2290 = vector.broadcast %gt3A_2289 : f32 to vector<16xf32>
        %gt3A_2291 = arith.cmpf ogt, %add3A_2288, %gt3A_2290 : vector<16xf32>
        %exp3A_2292 = math.exp %add3A_2288 : vector<16xf32>
        %sub3A_2293 = arith.constant 1.000000e+00 : f32
        %sub3A_2294 = vector.broadcast %sub3A_2293 : f32 to vector<16xf32>
        %sub3A_2295 = arith.subf %exp3A_2292, %sub3A_2294 : vector<16xf32>
        %select_n3A_2296 = arith.select %gt3A_2291, %add3A_2288, %sub3A_2295 : vector<16xi1>, vector<16xf32>
        %add3A_2297 = arith.addf %add3A_2087, %select_n3A_2296 : vector<16xf32>
        %swap3A_2298 = arith.index_cast %scan3A_606 : i32 to index
        %swap3A_2299 = arith.constant 0 : index
        %swap3A_2300 = tpu.vector_load %arg25[%swap3A_2298, %swap3A_2299] {strides = array<i32>} : memref<16x128xf32, #tpu.memory_space<vmem>>, vector<16xf32>,
        tpu.vector_store %arg25[%swap3A_2298, %swap3A_2299], %add3A_2130 {strides = array<i32>} : memref<16x128xf32, #tpu.memory_space<vmem>>, vector<16xf32>,
        %swap3A_2301 = arith.index_cast %scan3A_606 : i32 to index
        %swap3A_2302 = arith.constant 16 : index
        %swap3A_2303 = tpu.vector_load %arg25[%swap3A_2301, %swap3A_2302] {strides = array<i32>} : memref<16x128xf32, #tpu.memory_space<vmem>>, vector<16xf32>,
        tpu.vector_store %arg25[%swap3A_2301, %swap3A_2302], %add3A_2141 {strides = array<i32>} : memref<16x128xf32, #tpu.memory_space<vmem>>, vector<16xf32>,
        %swap3A_2304 = arith.index_cast %scan3A_606 : i32 to index
        %swap3A_2305 = arith.constant 32 : index
        %swap3A_2306 = tpu.vector_load %arg25[%swap3A_2304, %swap3A_2305] {strides = array<i32>} : memref<16x128xf32, #tpu.memory_space<vmem>>, vector<16xf32>,
        tpu.vector_store %arg25[%swap3A_2304, %swap3A_2305], %add3A_2182 {strides = array<i32>} : memref<16x128xf32, #tpu.memory_space<vmem>>, vector<16xf32>,
        %swap3A_2307 = arith.index_cast %scan3A_606 : i32 to index
        %swap3A_2308 = arith.constant 48 : index
        %swap3A_2309 = tpu.vector_load %arg25[%swap3A_2307, %swap3A_2308] {strides = array<i32>} : memref<16x128xf32, #tpu.memory_space<vmem>>, vector<16xf32>,
        tpu.vector_store %arg25[%swap3A_2307, %swap3A_2308], %add3A_2193 {strides = array<i32>} : memref<16x128xf32, #tpu.memory_space<vmem>>, vector<16xf32>,
        %swap3A_2310 = arith.index_cast %scan3A_606 : i32 to index
        %swap3A_2311 = arith.constant 64 : index
        %swap3A_2312 = tpu.vector_load %arg25[%swap3A_2310, %swap3A_2311] {strides = array<i32>} : memref<16x128xf32, #tpu.memory_space<vmem>>, vector<16xf32>,
        tpu.vector_store %arg25[%swap3A_2310, %swap3A_2311], %add3A_2234 {strides = array<i32>} : memref<16x128xf32, #tpu.memory_space<vmem>>, vector<16xf32>,
        %swap3A_2313 = arith.index_cast %scan3A_606 : i32 to index
        %swap3A_2314 = arith.constant 80 : index
        %swap3A_2315 = tpu.vector_load %arg25[%swap3A_2313, %swap3A_2314] {strides = array<i32>} : memref<16x128xf32, #tpu.memory_space<vmem>>, vector<16xf32>,
        tpu.vector_store %arg25[%swap3A_2313, %swap3A_2314], %add3A_2245 {strides = array<i32>} : memref<16x128xf32, #tpu.memory_space<vmem>>, vector<16xf32>,
        %swap3A_2316 = arith.index_cast %scan3A_606 : i32 to index
        %swap3A_2317 = arith.constant 96 : index
        %swap3A_2318 = tpu.vector_load %arg25[%swap3A_2316, %swap3A_2317] {strides = array<i32>} : memref<16x128xf32, #tpu.memory_space<vmem>>, vector<16xf32>,
        tpu.vector_store %arg25[%swap3A_2316, %swap3A_2317], %add3A_2286 {strides = array<i32>} : memref<16x128xf32, #tpu.memory_space<vmem>>, vector<16xf32>,
        %swap3A_2319 = arith.index_cast %scan3A_606 : i32 to index
        %swap3A_2320 = arith.constant 112 : index
        %swap3A_2321 = tpu.vector_load %arg25[%swap3A_2319, %swap3A_2320] {strides = array<i32>} : memref<16x128xf32, #tpu.memory_space<vmem>>, vector<16xf32>,
        tpu.vector_store %arg25[%swap3A_2319, %swap3A_2320], %add3A_2297 {strides = array<i32>} : memref<16x128xf32, #tpu.memory_space<vmem>>, vector<16xf32>,
      }
      %scan3A_595 = arith.constant 16 : i32
      %mul3A_596 = arith.constant 16 : i32
      %mul3A_597 = arith.muli %add3A_542, %mul3A_596 : i32
      %dma_start3A_598 = arith.constant 0 : i32
      %dma_start3A_599 = tpu.memref_slice %arg8[%mul3A_597, %dma_start3A_598] : memref<50176x128xf32, #tpu.memory_space<hbm>> -> memref<16x128xf32, #tpu.memory_space<hbm>>
      %dma_start3A_600 = arith.constant 0 : i32
      %dma_start3A_601 = tpu.memref_slice %arg8[%mul3A_597, %dma_start3A_600] : memref<50176x128xf32, #tpu.memory_space<hbm>> -> memref<16x128xf32, #tpu.memory_space<hbm>>
      tpu.enqueue_dma source(%arg25 : memref<16x128xf32, #tpu.memory_space<vmem>>) target(%dma_start3A_601 : memref<16x128xf32, #tpu.memory_space<hbm>>) target_semaphore(%arg31 : memref<!tpu.dma_semaphore, #tpu.memory_space<semaphore_mem>>)
      %dma_start3A_602 = arith.constant 0 : i32
      %dma_start3A_603 = tpu.memref_slice %arg9[%mul3A_597, %dma_start3A_602] : memref<50176x128xf32, #tpu.memory_space<hbm>> -> memref<16x128xf32, #tpu.memory_space<hbm>>
      %dma_start3A_604 = arith.constant 0 : i32
      %dma_start3A_605 = tpu.memref_slice %arg9[%mul3A_597, %dma_start3A_604] : memref<50176x128xf32, #tpu.memory_space<hbm>> -> memref<16x128xf32, #tpu.memory_space<hbm>>
      tpu.enqueue_dma source(%arg23 : memref<16x128xf32, #tpu.memory_space<vmem>>) target(%dma_start3A_605 : memref<16x128xf32, #tpu.memory_space<hbm>>) target_semaphore(%arg31 : memref<!tpu.dma_semaphore, #tpu.memory_space<semaphore_mem>>)
    }
    %scan3A_246 = arith.constant 49 : i32
    %dma_wait3A = arith.constant 0 : i32
    %dma_wait3A_247 = arith.constant 0 : i32
    %dma_wait3A_248 = tpu.memref_slice %arg8[%dma_wait3A, %dma_wait3A_247] : memref<50176x128xf32, #tpu.memory_space<hbm>> -> memref<16x128xf32, #tpu.memory_space<hbm>>
    %dma_wait3A_249 = arith.constant 0 : i32
    %dma_wait3A_250 = arith.constant 0 : i32
    %dma_wait3A_251 = tpu.memref_slice %arg8[%dma_wait3A_249, %dma_wait3A_250] : memref<50176x128xf32, #tpu.memory_space<hbm>> -> memref<16x128xf32, #tpu.memory_space<hbm>>
    tpu.wait_dma2 semaphore(%arg31 : memref<!tpu.dma_semaphore, #tpu.memory_space<semaphore_mem>>) src(%arg25 : memref<16x128xf32, #tpu.memory_space<vmem>>) dst(%dma_wait3A_251 : memref<16x128xf32, #tpu.memory_space<hbm>>)
    %dma_wait3A_252 = arith.constant 0 : i32
    %dma_wait3A_253 = arith.constant 0 : i32
    %dma_wait3A_254 = tpu.memref_slice %arg9[%dma_wait3A_252, %dma_wait3A_253] : memref<50176x128xf32, #tpu.memory_space<hbm>> -> memref<16x128xf32, #tpu.memory_space<hbm>>
    %dma_wait3A_255 = arith.constant 0 : i32
    %dma_wait3A_256 = arith.constant 0 : i32
    %dma_wait3A_257 = tpu.memref_slice %arg9[%dma_wait3A_255, %dma_wait3A_256] : memref<50176x128xf32, #tpu.memory_space<hbm>> -> memref<16x128xf32, #tpu.memory_space<hbm>>
    tpu.wait_dma2 semaphore(%arg31 : memref<!tpu.dma_semaphore, #tpu.memory_space<semaphore_mem>>) src(%arg23 : memref<16x128xf32, #tpu.memory_space<vmem>>) dst(%dma_wait3A_257 : memref<16x128xf32, #tpu.memory_space<hbm>>)
    return
  }
}

module attributes {stable_mosaic.version = 14 : i64} {
  func.func @_embed_body(%arg0: i32, %arg1: memref<2000x128xf32, #tpu.memory_space<vmem>>, %arg2: memref<128x64xf32, #tpu.memory_space<vmem>>, %arg3: memref<128x64xf32, #tpu.memory_space<vmem>>, %arg4: memref<1x64xf32, #tpu.memory_space<vmem>>, %arg5: memref<1x64xf32, #tpu.memory_space<vmem>>, %arg6: memref<128x64xf32, #tpu.memory_space<vmem>>, %arg7: memref<128x64xf32, #tpu.memory_space<vmem>>, %arg8: memref<1x64xf32, #tpu.memory_space<vmem>>, %arg9: memref<1x64xf32, #tpu.memory_space<vmem>>, %arg10: memref<128x64xf32, #tpu.memory_space<vmem>>, %arg11: memref<128x64xf32, #tpu.memory_space<vmem>>, %arg12: memref<1x64xf32, #tpu.memory_space<vmem>>, %arg13: memref<1x64xf32, #tpu.memory_space<vmem>>, %arg14: memref<2000x64xi32, #tpu.memory_space<vmem>>, %arg15: memref<2000x64xi32, #tpu.memory_space<vmem>>, %arg16: memref<2000x64xi32, #tpu.memory_space<vmem>>) attributes {dimension_semantics = [#tpu.dimension_semantics<arbitrary>], iteration_bounds = array<i64: 25>, scalar_prefetch = 0 : i64, scratch_operands = 0 : i64, tpu.core_type = #tpu.core_type<tc>, window_params = [{transform_indices = @transform_0, window_bounds = array<i64: 2000, 128>}, {pipeline_mode = #tpu.pipeline_mode<synchronous>, transform_indices = @transform_1, window_bounds = array<i64: 128, 64>}, {pipeline_mode = #tpu.pipeline_mode<synchronous>, transform_indices = @transform_2, window_bounds = array<i64: 128, 64>}, {pipeline_mode = #tpu.pipeline_mode<synchronous>, transform_indices = @transform_3, window_bounds = array<i64: 1, 64>}, {pipeline_mode = #tpu.pipeline_mode<synchronous>, transform_indices = @transform_4, window_bounds = array<i64: 1, 64>}, {pipeline_mode = #tpu.pipeline_mode<synchronous>, transform_indices = @transform_5, window_bounds = array<i64: 128, 64>}, {pipeline_mode = #tpu.pipeline_mode<synchronous>, transform_indices = @transform_6, window_bounds = array<i64: 128, 64>}, {pipeline_mode = #tpu.pipeline_mode<synchronous>, transform_indices = @transform_7, window_bounds = array<i64: 1, 64>}, {pipeline_mode = #tpu.pipeline_mode<synchronous>, transform_indices = @transform_8, window_bounds = array<i64: 1, 64>}, {pipeline_mode = #tpu.pipeline_mode<synchronous>, transform_indices = @transform_9, window_bounds = array<i64: 128, 64>}, {pipeline_mode = #tpu.pipeline_mode<synchronous>, transform_indices = @transform_10, window_bounds = array<i64: 128, 64>}, {pipeline_mode = #tpu.pipeline_mode<synchronous>, transform_indices = @transform_11, window_bounds = array<i64: 1, 64>}, {pipeline_mode = #tpu.pipeline_mode<synchronous>, transform_indices = @transform_12, window_bounds = array<i64: 1, 64>}, {transform_indices = @transform_13, window_bounds = array<i64: 2000, 64>}, {transform_indices = @transform_14, window_bounds = array<i64: 2000, 64>}, {transform_indices = @transform_15, window_bounds = array<i64: 2000, 64>}]} {
    %get3A = arith.constant 0 : index
    %get3A_0 = arith.constant 0 : index
    %get3A_1 = vector.load %arg1[%get3A, %get3A_0] : memref<2000x128xf32, #tpu.memory_space<vmem>>, vector<2000x128xf32>
    %get3A_2 = arith.constant 0 : index
    %get3A_3 = arith.constant 0 : index
    %get3A_4 = vector.load %arg2[%get3A_2, %get3A_3] : memref<128x64xf32, #tpu.memory_space<vmem>>, vector<128x64xf32>
    %dot_general3A = arith.constant dense<0.000000e+00> : vector<2000x64xf32>
    %dot_general3A_5 = tpu.matmul %get3A_1, %get3A_4, %dot_general3A {dimension_numbers = #tpu.dot_dimension_numbers<[1], [0], [0], [1], [0, 0, 1, 1], [], []>, transpose_lhs_hint = false} : vector<2000x128xf32>, vector<128x64xf32>, vector<2000x64xf32> -> vector<2000x64xf32>
    %get3A_6 = arith.constant 0 : index
    %get3A_7 = arith.constant 0 : index
    %get3A_8 = vector.load %arg4[%get3A_6, %get3A_7] : memref<1x64xf32, #tpu.memory_space<vmem>>, vector<1x64xf32>
    %add3A = vector.broadcast %get3A_8 : vector<1x64xf32> to vector<2000x64xf32>
    %add3A_9 = arith.addf %dot_general3A_5, %add3A : vector<2000x64xf32>
    %get3A_10 = arith.constant 0 : index
    %get3A_11 = arith.constant 0 : index
    %get3A_12 = vector.load %arg3[%get3A_10, %get3A_11] : memref<128x64xf32, #tpu.memory_space<vmem>>, vector<128x64xf32>
    %dot_general3A_13 = arith.constant dense<0.000000e+00> : vector<2000x64xf32>
    %dot_general3A_14 = tpu.matmul %get3A_1, %get3A_12, %dot_general3A_13 {dimension_numbers = #tpu.dot_dimension_numbers<[1], [0], [0], [1], [0, 0, 1, 1], [], []>, transpose_lhs_hint = false} : vector<2000x128xf32>, vector<128x64xf32>, vector<2000x64xf32> -> vector<2000x64xf32>
    %get3A_15 = arith.constant 0 : index
    %get3A_16 = arith.constant 0 : index
    %get3A_17 = vector.load %arg5[%get3A_15, %get3A_16] : memref<1x64xf32, #tpu.memory_space<vmem>>, vector<1x64xf32>
    %add3A_18 = vector.broadcast %get3A_17 : vector<1x64xf32> to vector<2000x64xf32>
    %add3A_19 = arith.addf %dot_general3A_14, %add3A_18 : vector<2000x64xf32>
    %convert_element_type3A = arith.truncf %add3A_9 : vector<2000x64xf32> to vector<2000x64xbf16>
    %convert_element_type3A_20 = arith.extf %convert_element_type3A : vector<2000x64xbf16> to vector<2000x64xf32>
    %bitcast_convert_type3A = tpu.bitcast %convert_element_type3A_20 : vector<2000x64xf32> -> vector<2000x64xi32>
    %convert_element_type3A_21 = arith.truncf %add3A_19 : vector<2000x64xf32> to vector<2000x64xbf16>
    %convert_element_type3A_22 = arith.extf %convert_element_type3A_21 : vector<2000x64xbf16> to vector<2000x64xf32>
    %bitcast_convert_type3A_23 = tpu.bitcast %convert_element_type3A_22 : vector<2000x64xf32> -> vector<2000x64xi32>
    %shift_right_logical3A = arith.constant 16 : i32
    %shift_right_logical3A_24 = vector.broadcast %shift_right_logical3A : i32 to vector<2000x64xi32>
    %shift_right_logical3A_25 = arith.shrui %bitcast_convert_type3A, %shift_right_logical3A_24 : vector<2000x64xi32>
    %and3A = arith.constant -65536 : i32
    %and3A_26 = vector.broadcast %and3A : i32 to vector<2000x64xi32>
    %and3A_27 = arith.andi %bitcast_convert_type3A_23, %and3A_26 : vector<2000x64xi32>
    %or3A = arith.ori %shift_right_logical3A_25, %and3A_27 : vector<2000x64xi32>
    %bitcast_convert_type3A_28 = tpu.bitcast %or3A : vector<2000x64xi32> -> vector<2000x64xi32>
    %swap3A = arith.constant 0 : index
    %swap3A_29 = arith.constant 0 : index
    %swap3A_30 = vector.load %arg14[%swap3A, %swap3A_29] : memref<2000x64xi32, #tpu.memory_space<vmem>>, vector<2000x64xi32>
    tpu.vector_store %arg14[%swap3A, %swap3A_29], %bitcast_convert_type3A_28 {strides = array<i32>} : memref<2000x64xi32, #tpu.memory_space<vmem>>, vector<2000x64xi32>,
    %get3A_31 = arith.constant 0 : index
    %get3A_32 = arith.constant 0 : index
    %get3A_33 = vector.load %arg6[%get3A_31, %get3A_32] : memref<128x64xf32, #tpu.memory_space<vmem>>, vector<128x64xf32>
    %dot_general3A_34 = arith.constant dense<0.000000e+00> : vector<2000x64xf32>
    %dot_general3A_35 = tpu.matmul %get3A_1, %get3A_33, %dot_general3A_34 {dimension_numbers = #tpu.dot_dimension_numbers<[1], [0], [0], [1], [0, 0, 1, 1], [], []>, transpose_lhs_hint = false} : vector<2000x128xf32>, vector<128x64xf32>, vector<2000x64xf32> -> vector<2000x64xf32>
    %get3A_36 = arith.constant 0 : index
    %get3A_37 = arith.constant 0 : index
    %get3A_38 = vector.load %arg8[%get3A_36, %get3A_37] : memref<1x64xf32, #tpu.memory_space<vmem>>, vector<1x64xf32>
    %add3A_39 = vector.broadcast %get3A_38 : vector<1x64xf32> to vector<2000x64xf32>
    %add3A_40 = arith.addf %dot_general3A_35, %add3A_39 : vector<2000x64xf32>
    %get3A_41 = arith.constant 0 : index
    %get3A_42 = arith.constant 0 : index
    %get3A_43 = vector.load %arg7[%get3A_41, %get3A_42] : memref<128x64xf32, #tpu.memory_space<vmem>>, vector<128x64xf32>
    %dot_general3A_44 = arith.constant dense<0.000000e+00> : vector<2000x64xf32>
    %dot_general3A_45 = tpu.matmul %get3A_1, %get3A_43, %dot_general3A_44 {dimension_numbers = #tpu.dot_dimension_numbers<[1], [0], [0], [1], [0, 0, 1, 1], [], []>, transpose_lhs_hint = false} : vector<2000x128xf32>, vector<128x64xf32>, vector<2000x64xf32> -> vector<2000x64xf32>
    %get3A_46 = arith.constant 0 : index
    %get3A_47 = arith.constant 0 : index
    %get3A_48 = vector.load %arg9[%get3A_46, %get3A_47] : memref<1x64xf32, #tpu.memory_space<vmem>>, vector<1x64xf32>
    %add3A_49 = vector.broadcast %get3A_48 : vector<1x64xf32> to vector<2000x64xf32>
    %add3A_50 = arith.addf %dot_general3A_45, %add3A_49 : vector<2000x64xf32>
    %convert_element_type3A_51 = arith.truncf %add3A_40 : vector<2000x64xf32> to vector<2000x64xbf16>
    %convert_element_type3A_52 = arith.extf %convert_element_type3A_51 : vector<2000x64xbf16> to vector<2000x64xf32>
    %bitcast_convert_type3A_53 = tpu.bitcast %convert_element_type3A_52 : vector<2000x64xf32> -> vector<2000x64xi32>
    %convert_element_type3A_54 = arith.truncf %add3A_50 : vector<2000x64xf32> to vector<2000x64xbf16>
    %convert_element_type3A_55 = arith.extf %convert_element_type3A_54 : vector<2000x64xbf16> to vector<2000x64xf32>
    %bitcast_convert_type3A_56 = tpu.bitcast %convert_element_type3A_55 : vector<2000x64xf32> -> vector<2000x64xi32>
    %shift_right_logical3A_57 = arith.constant 16 : i32
    %shift_right_logical3A_58 = vector.broadcast %shift_right_logical3A_57 : i32 to vector<2000x64xi32>
    %shift_right_logical3A_59 = arith.shrui %bitcast_convert_type3A_53, %shift_right_logical3A_58 : vector<2000x64xi32>
    %and3A_60 = arith.constant -65536 : i32
    %and3A_61 = vector.broadcast %and3A_60 : i32 to vector<2000x64xi32>
    %and3A_62 = arith.andi %bitcast_convert_type3A_56, %and3A_61 : vector<2000x64xi32>
    %or3A_63 = arith.ori %shift_right_logical3A_59, %and3A_62 : vector<2000x64xi32>
    %bitcast_convert_type3A_64 = tpu.bitcast %or3A_63 : vector<2000x64xi32> -> vector<2000x64xi32>
    %swap3A_65 = arith.constant 0 : index
    %swap3A_66 = arith.constant 0 : index
    %swap3A_67 = vector.load %arg15[%swap3A_65, %swap3A_66] : memref<2000x64xi32, #tpu.memory_space<vmem>>, vector<2000x64xi32>
    tpu.vector_store %arg15[%swap3A_65, %swap3A_66], %bitcast_convert_type3A_64 {strides = array<i32>} : memref<2000x64xi32, #tpu.memory_space<vmem>>, vector<2000x64xi32>,
    %get3A_68 = arith.constant 0 : index
    %get3A_69 = arith.constant 0 : index
    %get3A_70 = vector.load %arg10[%get3A_68, %get3A_69] : memref<128x64xf32, #tpu.memory_space<vmem>>, vector<128x64xf32>
    %dot_general3A_71 = arith.constant dense<0.000000e+00> : vector<2000x64xf32>
    %dot_general3A_72 = tpu.matmul %get3A_1, %get3A_70, %dot_general3A_71 {dimension_numbers = #tpu.dot_dimension_numbers<[1], [0], [0], [1], [0, 0, 1, 1], [], []>, transpose_lhs_hint = false} : vector<2000x128xf32>, vector<128x64xf32>, vector<2000x64xf32> -> vector<2000x64xf32>
    %get3A_73 = arith.constant 0 : index
    %get3A_74 = arith.constant 0 : index
    %get3A_75 = vector.load %arg12[%get3A_73, %get3A_74] : memref<1x64xf32, #tpu.memory_space<vmem>>, vector<1x64xf32>
    %add3A_76 = vector.broadcast %get3A_75 : vector<1x64xf32> to vector<2000x64xf32>
    %add3A_77 = arith.addf %dot_general3A_72, %add3A_76 : vector<2000x64xf32>
    %get3A_78 = arith.constant 0 : index
    %get3A_79 = arith.constant 0 : index
    %get3A_80 = vector.load %arg11[%get3A_78, %get3A_79] : memref<128x64xf32, #tpu.memory_space<vmem>>, vector<128x64xf32>
    %dot_general3A_81 = arith.constant dense<0.000000e+00> : vector<2000x64xf32>
    %dot_general3A_82 = tpu.matmul %get3A_1, %get3A_80, %dot_general3A_81 {dimension_numbers = #tpu.dot_dimension_numbers<[1], [0], [0], [1], [0, 0, 1, 1], [], []>, transpose_lhs_hint = false} : vector<2000x128xf32>, vector<128x64xf32>, vector<2000x64xf32> -> vector<2000x64xf32>
    %get3A_83 = arith.constant 0 : index
    %get3A_84 = arith.constant 0 : index
    %get3A_85 = vector.load %arg13[%get3A_83, %get3A_84] : memref<1x64xf32, #tpu.memory_space<vmem>>, vector<1x64xf32>
    %add3A_86 = vector.broadcast %get3A_85 : vector<1x64xf32> to vector<2000x64xf32>
    %add3A_87 = arith.addf %dot_general3A_82, %add3A_86 : vector<2000x64xf32>
    %convert_element_type3A_88 = arith.truncf %add3A_77 : vector<2000x64xf32> to vector<2000x64xbf16>
    %convert_element_type3A_89 = arith.extf %convert_element_type3A_88 : vector<2000x64xbf16> to vector<2000x64xf32>
    %bitcast_convert_type3A_90 = tpu.bitcast %convert_element_type3A_89 : vector<2000x64xf32> -> vector<2000x64xi32>
    %convert_element_type3A_91 = arith.truncf %add3A_87 : vector<2000x64xf32> to vector<2000x64xbf16>
    %convert_element_type3A_92 = arith.extf %convert_element_type3A_91 : vector<2000x64xbf16> to vector<2000x64xf32>
    %bitcast_convert_type3A_93 = tpu.bitcast %convert_element_type3A_92 : vector<2000x64xf32> -> vector<2000x64xi32>
    %shift_right_logical3A_94 = arith.constant 16 : i32
    %shift_right_logical3A_95 = vector.broadcast %shift_right_logical3A_94 : i32 to vector<2000x64xi32>
    %shift_right_logical3A_96 = arith.shrui %bitcast_convert_type3A_90, %shift_right_logical3A_95 : vector<2000x64xi32>
    %and3A_97 = arith.constant -65536 : i32
    %and3A_98 = vector.broadcast %and3A_97 : i32 to vector<2000x64xi32>
    %and3A_99 = arith.andi %bitcast_convert_type3A_93, %and3A_98 : vector<2000x64xi32>
    %or3A_100 = arith.ori %shift_right_logical3A_96, %and3A_99 : vector<2000x64xi32>
    %bitcast_convert_type3A_101 = tpu.bitcast %or3A_100 : vector<2000x64xi32> -> vector<2000x64xi32>
    %swap3A_102 = arith.constant 0 : index
    %swap3A_103 = arith.constant 0 : index
    %swap3A_104 = vector.load %arg16[%swap3A_102, %swap3A_103] : memref<2000x64xi32, #tpu.memory_space<vmem>>, vector<2000x64xi32>
    tpu.vector_store %arg16[%swap3A_102, %swap3A_103], %bitcast_convert_type3A_101 {strides = array<i32>} : memref<2000x64xi32, #tpu.memory_space<vmem>>, vector<2000x64xi32>,
    return
  }
  func.func @transform_0(%arg0: i32) -> (i32, i32) {
    %c0_i32 = arith.constant 0 : i32
    %c0_i32_0 = arith.constant 0 : i32
    return %arg0, %c0_i32 : i32, i32
  }
  func.func @transform_1(%arg0: i32) -> (i32, i32) {
    %c0_i32 = arith.constant 0 : i32
    %c0_i32_0 = arith.constant 0 : i32
    %c0_i32_1 = arith.constant 0 : i32
    return %c0_i32, %c0_i32_0 : i32, i32
  }
  func.func @transform_2(%arg0: i32) -> (i32, i32) {
    %c0_i32 = arith.constant 0 : i32
    %c0_i32_0 = arith.constant 0 : i32
    %c0_i32_1 = arith.constant 0 : i32
    return %c0_i32, %c0_i32_0 : i32, i32
  }
  func.func @transform_3(%arg0: i32) -> (i32, i32) {
    %c0_i32 = arith.constant 0 : i32
    %c0_i32_0 = arith.constant 0 : i32
    %c0_i32_1 = arith.constant 0 : i32
    return %c0_i32, %c0_i32_0 : i32, i32
  }
  func.func @transform_4(%arg0: i32) -> (i32, i32) {
    %c0_i32 = arith.constant 0 : i32
    %c0_i32_0 = arith.constant 0 : i32
    %c0_i32_1 = arith.constant 0 : i32
    return %c0_i32, %c0_i32_0 : i32, i32
  }
  func.func @transform_5(%arg0: i32) -> (i32, i32) {
    %c0_i32 = arith.constant 0 : i32
    %c0_i32_0 = arith.constant 0 : i32
    %c0_i32_1 = arith.constant 0 : i32
    return %c0_i32, %c0_i32_0 : i32, i32
  }
  func.func @transform_6(%arg0: i32) -> (i32, i32) {
    %c0_i32 = arith.constant 0 : i32
    %c0_i32_0 = arith.constant 0 : i32
    %c0_i32_1 = arith.constant 0 : i32
    return %c0_i32, %c0_i32_0 : i32, i32
  }
  func.func @transform_7(%arg0: i32) -> (i32, i32) {
    %c0_i32 = arith.constant 0 : i32
    %c0_i32_0 = arith.constant 0 : i32
    %c0_i32_1 = arith.constant 0 : i32
    return %c0_i32, %c0_i32_0 : i32, i32
  }
  func.func @transform_8(%arg0: i32) -> (i32, i32) {
    %c0_i32 = arith.constant 0 : i32
    %c0_i32_0 = arith.constant 0 : i32
    %c0_i32_1 = arith.constant 0 : i32
    return %c0_i32, %c0_i32_0 : i32, i32
  }
  func.func @transform_9(%arg0: i32) -> (i32, i32) {
    %c0_i32 = arith.constant 0 : i32
    %c0_i32_0 = arith.constant 0 : i32
    %c0_i32_1 = arith.constant 0 : i32
    return %c0_i32, %c0_i32_0 : i32, i32
  }
  func.func @transform_10(%arg0: i32) -> (i32, i32) {
    %c0_i32 = arith.constant 0 : i32
    %c0_i32_0 = arith.constant 0 : i32
    %c0_i32_1 = arith.constant 0 : i32
    return %c0_i32, %c0_i32_0 : i32, i32
  }
  func.func @transform_11(%arg0: i32) -> (i32, i32) {
    %c0_i32 = arith.constant 0 : i32
    %c0_i32_0 = arith.constant 0 : i32
    %c0_i32_1 = arith.constant 0 : i32
    return %c0_i32, %c0_i32_0 : i32, i32
  }
  func.func @transform_12(%arg0: i32) -> (i32, i32) {
    %c0_i32 = arith.constant 0 : i32
    %c0_i32_0 = arith.constant 0 : i32
    %c0_i32_1 = arith.constant 0 : i32
    return %c0_i32, %c0_i32_0 : i32, i32
  }
  func.func @transform_13(%arg0: i32) -> (i32, i32) {
    %c0_i32 = arith.constant 0 : i32
    %c0_i32_0 = arith.constant 0 : i32
    return %arg0, %c0_i32 : i32, i32
  }
  func.func @transform_14(%arg0: i32) -> (i32, i32) {
    %c0_i32 = arith.constant 0 : i32
    %c0_i32_0 = arith.constant 0 : i32
    return %arg0, %c0_i32 : i32, i32
  }
  func.func @transform_15(%arg0: i32) -> (i32, i32) {
    %c0_i32 = arith.constant 0 : i32
    %c0_i32_0 = arith.constant 0 : i32
    return %arg0, %c0_i32 : i32, i32
  }
}

module attributes {stable_mosaic.version = 14 : i64} {
  func.func @_final_body(%arg0: i32, %arg1: memref<2000x128xf32, #tpu.memory_space<vmem>>, %arg2: memref<2000x128xf32, #tpu.memory_space<vmem>>, %arg3: memref<2000x128xf32, #tpu.memory_space<vmem>>, %arg4: memref<128x128xf32, #tpu.memory_space<vmem>>, %arg5: memref<1x128xf32, #tpu.memory_space<vmem>>, %arg6: memref<128x128xf32, #tpu.memory_space<vmem>>, %arg7: memref<1x128xf32, #tpu.memory_space<vmem>>, %arg8: memref<128x128xf32, #tpu.memory_space<vmem>>, %arg9: memref<1x128xf32, #tpu.memory_space<vmem>>, %arg10: memref<2000x128xf32, #tpu.memory_space<vmem>>) attributes {dimension_semantics = [#tpu.dimension_semantics<arbitrary>], iteration_bounds = array<i64: 25>, scalar_prefetch = 0 : i64, scratch_operands = 0 : i64, tpu.core_type = #tpu.core_type<tc>, window_params = [{transform_indices = @transform_0, window_bounds = array<i64: 2000, 128>}, {transform_indices = @transform_1, window_bounds = array<i64: 2000, 128>}, {transform_indices = @transform_2, window_bounds = array<i64: 2000, 128>}, {pipeline_mode = #tpu.pipeline_mode<synchronous>, transform_indices = @transform_3, window_bounds = array<i64: 128, 128>}, {pipeline_mode = #tpu.pipeline_mode<synchronous>, transform_indices = @transform_4, window_bounds = array<i64: 1, 128>}, {pipeline_mode = #tpu.pipeline_mode<synchronous>, transform_indices = @transform_5, window_bounds = array<i64: 128, 128>}, {pipeline_mode = #tpu.pipeline_mode<synchronous>, transform_indices = @transform_6, window_bounds = array<i64: 1, 128>}, {pipeline_mode = #tpu.pipeline_mode<synchronous>, transform_indices = @transform_7, window_bounds = array<i64: 128, 128>}, {pipeline_mode = #tpu.pipeline_mode<synchronous>, transform_indices = @transform_8, window_bounds = array<i64: 1, 128>}, {transform_indices = @transform_9, window_bounds = array<i64: 2000, 128>}]} {
    %get3A = arith.constant 0 : index
    %get3A_0 = arith.constant 0 : index
    %get3A_1 = vector.load %arg1[%get3A, %get3A_0] : memref<2000x128xf32, #tpu.memory_space<vmem>>, vector<2000x128xf32>
    %get3A_2 = arith.constant 0 : index
    %get3A_3 = arith.constant 0 : index
    %get3A_4 = vector.load %arg4[%get3A_2, %get3A_3] : memref<128x128xf32, #tpu.memory_space<vmem>>, vector<128x128xf32>
    %dot_general3A = arith.constant dense<0.000000e+00> : vector<2000x128xf32>
    %dot_general3A_5 = tpu.matmul %get3A_1, %get3A_4, %dot_general3A {dimension_numbers = #tpu.dot_dimension_numbers<[1], [0], [0], [1], [0, 0, 1, 1], [], []>, transpose_lhs_hint = false} : vector<2000x128xf32>, vector<128x128xf32>, vector<2000x128xf32> -> vector<2000x128xf32>
    %get3A_6 = arith.constant 0 : index
    %get3A_7 = arith.constant 0 : index
    %get3A_8 = vector.load %arg2[%get3A_6, %get3A_7] : memref<2000x128xf32, #tpu.memory_space<vmem>>, vector<2000x128xf32>
    %get3A_9 = arith.constant 0 : index
    %get3A_10 = arith.constant 0 : index
    %get3A_11 = vector.load %arg6[%get3A_9, %get3A_10] : memref<128x128xf32, #tpu.memory_space<vmem>>, vector<128x128xf32>
    %dot_general3A_12 = arith.constant dense<0.000000e+00> : vector<2000x128xf32>
    %dot_general3A_13 = tpu.matmul %get3A_8, %get3A_11, %dot_general3A_12 {dimension_numbers = #tpu.dot_dimension_numbers<[1], [0], [0], [1], [0, 0, 1, 1], [], []>, transpose_lhs_hint = false} : vector<2000x128xf32>, vector<128x128xf32>, vector<2000x128xf32> -> vector<2000x128xf32>
    %add3A = arith.addf %dot_general3A_5, %dot_general3A_13 : vector<2000x128xf32>
    %get3A_14 = arith.constant 0 : index
    %get3A_15 = arith.constant 0 : index
    %get3A_16 = vector.load %arg3[%get3A_14, %get3A_15] : memref<2000x128xf32, #tpu.memory_space<vmem>>, vector<2000x128xf32>
    %get3A_17 = arith.constant 0 : index
    %get3A_18 = arith.constant 0 : index
    %get3A_19 = vector.load %arg8[%get3A_17, %get3A_18] : memref<128x128xf32, #tpu.memory_space<vmem>>, vector<128x128xf32>
    %dot_general3A_20 = arith.constant dense<0.000000e+00> : vector<2000x128xf32>
    %dot_general3A_21 = tpu.matmul %get3A_16, %get3A_19, %dot_general3A_20 {dimension_numbers = #tpu.dot_dimension_numbers<[1], [0], [0], [1], [0, 0, 1, 1], [], []>, transpose_lhs_hint = false} : vector<2000x128xf32>, vector<128x128xf32>, vector<2000x128xf32> -> vector<2000x128xf32>
    %add3A_22 = arith.addf %add3A, %dot_general3A_21 : vector<2000x128xf32>
    %get3A_23 = arith.constant 0 : index
    %get3A_24 = arith.constant 0 : index
    %get3A_25 = vector.load %arg5[%get3A_23, %get3A_24] : memref<1x128xf32, #tpu.memory_space<vmem>>, vector<1x128xf32>
    %mul3A = arith.constant 8.000000e+00 : f32
    %mul3A_26 = vector.broadcast %mul3A : f32 to vector<1x128xf32>
    %mul3A_27 = arith.mulf %mul3A_26, %get3A_25 : vector<1x128xf32>
    %get3A_28 = arith.constant 0 : index
    %get3A_29 = arith.constant 0 : index
    %get3A_30 = vector.load %arg7[%get3A_28, %get3A_29] : memref<1x128xf32, #tpu.memory_space<vmem>>, vector<1x128xf32>
    %add3A_31 = arith.addf %mul3A_27, %get3A_30 : vector<1x128xf32>
    %get3A_32 = arith.constant 0 : index
    %get3A_33 = arith.constant 0 : index
    %get3A_34 = vector.load %arg9[%get3A_32, %get3A_33] : memref<1x128xf32, #tpu.memory_space<vmem>>, vector<1x128xf32>
    %add3A_35 = arith.addf %add3A_31, %get3A_34 : vector<1x128xf32>
    %add3A_36 = vector.broadcast %add3A_35 : vector<1x128xf32> to vector<2000x128xf32>
    %add3A_37 = arith.addf %add3A_22, %add3A_36 : vector<2000x128xf32>
    %gt3A = arith.constant 0.000000e+00 : f32
    %gt3A_38 = vector.broadcast %gt3A : f32 to vector<2000x128xf32>
    %gt3A_39 = arith.cmpf ogt, %add3A_37, %gt3A_38 : vector<2000x128xf32>
    %exp3A = math.exp %add3A_37 : vector<2000x128xf32>
    %sub3A = arith.constant 1.000000e+00 : f32
    %sub3A_40 = vector.broadcast %sub3A : f32 to vector<2000x128xf32>
    %sub3A_41 = arith.subf %exp3A, %sub3A_40 : vector<2000x128xf32>
    %select_n3A = arith.select %gt3A_39, %add3A_37, %sub3A_41 : vector<2000x128xi1>, vector<2000x128xf32>
    %swap3A = arith.constant 0 : index
    %swap3A_42 = arith.constant 0 : index
    %swap3A_43 = vector.load %arg10[%swap3A, %swap3A_42] : memref<2000x128xf32, #tpu.memory_space<vmem>>, vector<2000x128xf32>
    tpu.vector_store %arg10[%swap3A, %swap3A_42], %select_n3A {strides = array<i32>} : memref<2000x128xf32, #tpu.memory_space<vmem>>, vector<2000x128xf32>,
    return
  }
  func.func @transform_0(%arg0: i32) -> (i32, i32) {
    %c0_i32 = arith.constant 0 : i32
    %c0_i32_0 = arith.constant 0 : i32
    return %arg0, %c0_i32 : i32, i32
  }
  func.func @transform_1(%arg0: i32) -> (i32, i32) {
    %c0_i32 = arith.constant 0 : i32
    %c0_i32_0 = arith.constant 0 : i32
    return %arg0, %c0_i32 : i32, i32
  }
  func.func @transform_2(%arg0: i32) -> (i32, i32) {
    %c0_i32 = arith.constant 0 : i32
    %c0_i32_0 = arith.constant 0 : i32
    return %arg0, %c0_i32 : i32, i32
  }
  func.func @transform_3(%arg0: i32) -> (i32, i32) {
    %c0_i32 = arith.constant 0 : i32
    %c0_i32_0 = arith.constant 0 : i32
    %c0_i32_1 = arith.constant 0 : i32
    return %c0_i32, %c0_i32_0 : i32, i32
  }
  func.func @transform_4(%arg0: i32) -> (i32, i32) {
    %c0_i32 = arith.constant 0 : i32
    %c0_i32_0 = arith.constant 0 : i32
    %c0_i32_1 = arith.constant 0 : i32
    return %c0_i32, %c0_i32_0 : i32, i32
  }
  func.func @transform_5(%arg0: i32) -> (i32, i32) {
    %c0_i32 = arith.constant 0 : i32
    %c0_i32_0 = arith.constant 0 : i32
    %c0_i32_1 = arith.constant 0 : i32
    return %c0_i32, %c0_i32_0 : i32, i32
  }
  func.func @transform_6(%arg0: i32) -> (i32, i32) {
    %c0_i32 = arith.constant 0 : i32
    %c0_i32_0 = arith.constant 0 : i32
    %c0_i32_1 = arith.constant 0 : i32
    return %c0_i32, %c0_i32_0 : i32, i32
  }
  func.func @transform_7(%arg0: i32) -> (i32, i32) {
    %c0_i32 = arith.constant 0 : i32
    %c0_i32_0 = arith.constant 0 : i32
    %c0_i32_1 = arith.constant 0 : i32
    return %c0_i32, %c0_i32_0 : i32, i32
  }
  func.func @transform_8(%arg0: i32) -> (i32, i32) {
    %c0_i32 = arith.constant 0 : i32
    %c0_i32_0 = arith.constant 0 : i32
    %c0_i32_1 = arith.constant 0 : i32
    return %c0_i32, %c0_i32_0 : i32, i32
  }
  func.func @transform_9(%arg0: i32) -> (i32, i32) {
    %c0_i32 = arith.constant 0 : i32
    %c0_i32_0 = arith.constant 0 : i32
    return %arg0, %c0_i32 : i32, i32
  }
}

</mosaic_0001>

<sc_bundles>
// kernel: kernel.5.cloned.1.call-start
scs
__scs_entry_jumppad:
0x0: {  	(pc) =	sbr.rel $0x88, $3  }
0x1: {  	(tag) =	ssettag $0x0;
	lr =	simm.s32 $0x1  }
0x2: {  	[smem:$0x3F92] =	sst lr;
	_ =	strace $0xD0000000  }
0x3: {  	_ = 	snop  }
0x4: {  	_ = 	snop  }
0x5: {  	_ = 	snop  }
0x6: {  	_ = 	snop  }
0x7: {  	_ = 	snop  }
__scs_overlays_trampoline_lowered:
0x8: {  	[smem:$0x3FA1] =	sst s0  }
0x9: {  	[smem:$0x3FA2] =	sst s1  }
0xa: {  	[smem:$0x3FA3] =	sst s2  }
0xb: {  	[smem:$0x3FA4] =	sst s3  }
0xc: {  	[smem:$0x3FA5] =	sst s4  }
0xd: {  	[smem:$0x3FA6] =	sst s5  }
0xe: {  	[smem:$0x3FA7] =	sst s6  }
0xf: {  	[smem:$0x3FA8] =	sst s7  }
0x10: {  	[smem:$0x3FA9] =	sst s8  }
0x11: {  	[smem:$0x3FAA] =	sst s9;
	s0 =	simm.s32 @!p0 $0x0  }
0x12: {  	s1 =	sld [smem:$0x3F90];
	s0 =	simm.s32 @p0 $0x1  }
0x13: {  	[smem:$0x3FAB] =	sst s0;
	s0 =	simm.s32 @!p1 $0x0  }
0x14: {  	s2 =	sld [smem:$0x3F8F];
	s0 =	simm.s32 @p1 $0x1  }
0x15: {  	[smem:$0x3FAC] =	sst s0;
	s0 =	simm.s32 @!p2 $0x0  }
0x16: {  	s3 =	sld [smem:$0x3FDB];
	s0 =	simm.s32 @p2 $0x1  }
0x17: {  	s4 =	simm.s32 $0x1BF5;
	[smem:$0x3FAE] =	sst s0  }
0x18: {  	s0 =	sld [smem:$0x3F91];
	_ =	swait.ge [sflag:s4], $0x0  }
0x19: {  	s7 =	sld [smem:$0x3F92]  }
0x1a: {  	s8 =	sadd.s32 $0xFFFFE003, lr  }
0x1b: {  	s9 =	sadd.s32 $0xFFFFFEF7, lr;
	s5 =	simm.s32 $0xFFFFFFFF;
	p2 =	slt.u32 s8, $0xFFFFF086  }
0x1c: {  	p1 =	slt.u32 s9, $0xF7A;
	s5 =	simm.s32 @!p2 $0x0  }
0x1d: {  	s5 =	simm.s32 @p1 $0x1;
	p0 =	seq.s32 s7, s2  }
0x1e: {  	s7 =	smul.u32 @!p0 $0xF7A, s2;
	p2 =	seq.s32 @!p0 s5, $0x0  }
0x1f: {  	s9 =	smul.u32 $0xF7A, s1;
	s8 =	simm.s32 @!p0 $0x1BF5;
	p2 =	por !p2, p0  }
0x20: {  	[sflag:s8] =	ssyncset.s32 @!p0 $0xFFFFF086;
	s6 =	sadd.s32 @!p0 s3, s7;
	s7 =	simm.s32 @!p0 $0x108  }
0x21: {  	s3 =	sadd.s32 s3, s9;
	s6 =	sadd.s32 @!p0 $0x88, s6;
	s7 =	simm.s32 @p2 $0x1082  }
0x22: {  	[simem:s7], [sflag:s8] =	dma.local @!p0 [hbm:s6], $0xF7A  }
0x23: {  	s9 =	sor.u32 $0xD0000000, s2;
	s6 =	simm.s32 $0x108;
	_ =	swait.ge @!p0 [sflag:s8], $0x0  }
0x24: {  	s3 =	sadd.s32 $0x88, s3;
	s6 =	simm.s32 @!p1 $0x1082;
	[sflag:s4] =	ssyncset.s32 $0xFFFFF086  }
0x25: {  	[simem:s6], [sflag:s4] =	dma.local [hbm:s3], $0xF7A  }
0x26: {  	[smem:$0x3F92] =	sst s1;
	(tag) =	ssettag s2;
	_ =	strace s9  }
0x27: {  	s1 =	sld [smem:$0x3FA2]  }
0x28: {  	s2 =	sld [smem:$0x3FA3]  }
0x29: {  	s4 =	sld [smem:$0x3FA5]  }
0x2a: {  	p0 =	seq.s32 s5, $0x0;
	s5 =	sld [smem:$0x3FA6]  }
0x2b: {  	s6 =	sld [smem:$0x3FA7]  }
0x2c: {  	s7 =	sld [smem:$0x3FA8]  }
0x2d: {  	s3 =	simm.s32 $0x108;
	s8 =	sld [smem:$0x3FA9]  }
0x2e: {  	s3 =	simm.s32 @!p0 $0x1082;
	s9 =	sld [smem:$0x3FAA]  }
0x2f: {  	lr =	sadd.s32 s0, s3;
	s0 =	sld [smem:$0x3FA1]  }
0x30: {  	s3 =	sld [smem:$0x3FA4]  }
0x31: {  	[smem:$0x3FAD] =	sst s10  }
0x32: {  	s10 =	sld [smem:$0x3FAB];
	_ =	sdelay $0x3  }
0x33: {  	p0 =	seq.s32 s10, $0x1;
	s10 =	sld [smem:$0x3FAD];
	_ =	sdelay $0x3  }
0x34: {  	[smem:$0x3FAD] =	sst s10  }
0x35: {  	s10 =	sld [smem:$0x3FAC];
	_ =	sdelay $0x3  }
0x36: {  	p1 =	seq.s32 s10, $0x1;
	s10 =	sld [smem:$0x3FAD];
	_ =	sdelay $0x3  }
0x37: {  	[smem:$0x3FAD] =	sst s10  }
0x38: {  	s10 =	sld [smem:$0x3FAE]  }
0x39: {  	_ = 	snop;
	(pc) =	sbr.ind lr, $3  }
0x3a: {  	_ = 	snop  }
0x3b: {  	_ = 	snop  }
0x3c: {  	p2 =	seq.s32 s10, $0x1;
	s10 =	sld [smem:$0x3FAD]  }
0x3d: {  	_ =	shalt  }
0x3e: {  	_ =	shalt  }
0x3f: {  	_ =	shalt  }
0x40: {  	_ =	shalt  }
0x41: {  	_ =	shalt  }
0x42: {  	_ =	shalt  }
0x43: {  	_ =	shalt  }
0x44: {  	_ =	shalt  }
0x45: {  	_ =	shalt  }
0x46: {  	_ =	shalt  }
0x47: {  	_ =	shalt  }
0x48: {  	_ =	shalt  }
0x49: {  	_ =	shalt  }
0x4a: {  	_ =	shalt  }
0x4b: {  	_ =	shalt  }
0x4c: {  	_ =	shalt  }
0x4d: {  	_ =	shalt  }
0x4e: {  	_ =	shalt  }
0x4f: {  	_ =	shalt  }
0x50: {  	_ =	shalt  }
0x51: {  	_ =	shalt  }
0x52: {  	_ =	shalt  }
0x53: {  	_ =	shalt  }
0x54: {  	_ =	shalt  }
0x55: {  	_ =	shalt  }
0x56: {  	_ =	shalt  }
0x57: {  	_ =	shalt  }
0x58: {  	_ =	shalt  }
0x59: {  	_ =	shalt  }
0x5a: {  	_ =	shalt  }
0x5b: {  	_ =	shalt  }
0x5c: {  	_ =	shalt  }
0x5d: {  	_ =	shalt  }
0x5e: {  	_ =	shalt  }
0x5f: {  	_ =	shalt  }
0x60: {  	_ =	shalt  }
0x61: {  	_ =	shalt  }
0x62: {  	_ =	shalt  }
0x63: {  	_ =	shalt  }
0x64: {  	_ =	shalt  }
0x65: {  	_ =	shalt  }
0x66: {  	_ =	shalt  }
0x67: {  	_ =	shalt  }
0x68: {  	_ =	shalt  }
0x69: {  	_ =	shalt  }
0x6a: {  	_ =	shalt  }
0x6b: {  	_ =	shalt  }
0x6c: {  	_ =	shalt  }
0x6d: {  	_ =	shalt  }
0x6e: {  	_ =	shalt  }
0x6f: {  	_ =	shalt  }
0x70: {  	_ =	shalt  }
0x71: {  	_ =	shalt  }
0x72: {  	_ =	shalt  }
0x73: {  	_ =	shalt  }
0x74: {  	_ =	shalt  }
0x75: {  	_ =	shalt  }
0x76: {  	_ =	shalt  }
0x77: {  	_ =	shalt  }
0x78: {  	_ =	shalt  }
0x79: {  	_ =	shalt  }
0x7a: {  	_ =	shalt  }
0x7b: {  	_ =	shalt  }
0x7c: {  	_ =	shalt  }
0x7d: {  	_ =	shalt  }
0x7e: {  	_ =	shalt  }
0x7f: {  	_ =	shalt  }
0x80: {  	_ =	shalt  }
0x81: {  	_ =	shalt  }
0x82: {  	_ =	shalt  }
0x83: {  	_ =	shalt  }
0x84: {  	_ =	shalt  }
0x85: {  	_ =	shalt  }
0x86: {  	_ =	shalt  }
0x87: {  	_ =	shalt  }
.Lfunc_end0:
.L_simem_size_0:
called_computation_lowered:
.L_overlay_start_0:
0x88: {  	s2 =	sld [smem:$0x3FD9]  }
0x89: {  	s3 =	sld [smem:$0x3FFE];
	_ =	sdelay $0x1  }
0x8a: {  	s1 =	srdreg.scid  }
0x8b: {  	s0 =	sand.u32 $0x1, s1  }
0x8c: {  	s17 =	sshll.u32 s0, $0xA;
	s2 =	sadd.s32 s3, s2  }
0x8d: {  	s2 =	sadd.s32 s2, s17  }
0x8e: {  	[smem:$0x3FB9] =	sst s2  }
0x8f: {  	_ = 	snop  }
0x90: {  	s2 =	sld [smem:$0x3FC9]  }
0x91: {  	s18 =	sld [smem:$0x3FD0];
	(tm) =	ssettm $0x1  }
0x92: {  	s4 =	sld [smem:$0x3FFB];
	_ =	sdelay $0x3  }
0x93: {  	_ =	strace s4  }
0x94: {  	s4 =	sld [smem:$0x3FFC];
	_ =	sdelay $0x3  }
0x95: {  	_ =	strace s4  }
0x96: {  	s4 =	sld [smem:$0x3FFD];
	_ =	sdelay $0x3  }
0x97: {  	_ =	strace s4  }
0x98: {  	_ =	strace $0x8FFFFFFF  }
0x99: {  	s19 =	sld [smem:$0x3FDB];
	_ =	sdelay $0x1  }
0x9a: {  	s5 =	simm.s32 $_scs_section_size  }
0x9b: {  	s6 =	simm.s32 $_size__tile_overlayer_lowered;
	s7 =	simm.s32 $_tile_overlayer_lowered  }
0x9c: {  	s22 =	simm.s32 $0x1BFF;
	s21 =	sshll.u32 s7, $0x1;
	s4 =	sadd.s32 s5, s19  }
0x9d: {  	s8 =	simm.s32 $0x0;
	s20 =	sshll.u32 s6, $0x1;
	s6 =	sadd.s32 s21, s4  }
0x9e: {  	[timem:s8], [sflag:s22] =	dma.local [hbm:s6], s20  }
0x9f: {  	_ =	swait.ge [sflag:s22], s20  }
0xa0: {  	s5 =	ssub.s32 $0x0, s20;
	[sflag:s22] =	ssyncset.done $0x0  }
0xa1: {  	[sflag:s22] =	ssyncadd.s32 s5;
	_ =	sdelay $0x1  }
0xa2: {  	s23 =	simm.s32 $0x1B8B  }
0xa3: {  	_ =	swait.ge [sflag:s23], $0x1  }
0xa4: {  	[sflag:s23] =	ssyncset.done $0x0  }
0xa5: {  	s25 =	simm.s32 $0x1B8E;
	s24 =	sld [smem:$0x3FFE];
	[sflag:s23] =	ssyncadd.s32 $0xFFFFFFFF  }
0xa6: {  	s26 =	simm.s32 $execute0_lowered;
	[smem:$0x3FD2] =	sst s25  }
0xa7: {  	s6 =	sshll.u32 s26, $0x1;
	_ =	strace $0x80000046;
	[dreg:$0x1] =	wrdreg $0xFFFFFFFF  }
0xa8: {  	s28 =	simm.s32 $_size_execute0_lowered;
	s4 =	sadd.s32 s4, s6;
	[dreg:$0x0] =	wrdreg $0x0  }
0xa9: {  	s6 =	sshll.u32 s28, $0x1;
	[dreg:$0x2] =	wrdreg s4  }
0xaa: {  	[dreg:$0x3] =	wrdreg s6  }
0xab: {  	[dreg:$0x4] =	wrdreg $0xC0  }
0xac: {  	_ =	task [dreg:s8], $0x5FFFF  }
0xad: {  	[dreg:$0x1] =	wrdreg $0xFFFFFFFF  }
0xae: {  	[dreg:$0x0] =	wrdreg $0x60  }
0xaf: {  	[dreg:$0x2] =	wrdreg s18  }
0xb0: {  	[dreg:$0x3] =	wrdreg s24  }
0xb1: {  	[dreg:$0x4] =	wrdreg s2  }
0xb2: {  	[dreg:$0x5] =	wrdreg $0x9  }
0xb3: {  	_ =	task.clear_ibuf [dreg:s8], $0x6FFFF;
	_ =	strace $0x90000046  }
0xb4: {  	s29 =	simm.s32 $0x9;
	_ =	strace $0x80000048  }
0xb5: {  	_ =	swait.ge [sflag:s29], $0x1  }
0xb6: {  	[sflag:s29] =	ssyncadd.s32 $0xFFFFFFFF  }
0xb7: {  	_ =	strace $0x90000048  }
0xb8: {  	_ =	sfence  }
0xb9: {  	s30 =	sld [smem:$0x0];
	_ =	sdelay $0x2  }
0xba: {  	s31 =	sshll.u32 s1, $0xD;
	s1 =	sshrl.u32 s1, $0x2  }
0xbb: {  	s3 =	sand.u32 $0x4000, s31;
	s1 =	sadd.s32 s1, s30  }
0xbc: {  	s0 =	sor.u32 s3, s0;
	s1 =	sshll.u32 s1, $0x11  }
0xbd: {  	s0 =	sor.u32 s1, s0  }
0xbe: {  	s0 =	sadd.s32 $0x8F2B, s0  }
0xbf: {  	[sflag:s0] =	ssyncadd.remote.s32 $0x1  }
0xc0: {  	_ =	sfence.sel $0xFFFF  }
0xc1: {  	[dreg:$0x0] =	wrdreg $0xFFFFFFFF;
	(pc) =	sbr.abs _section_cstart, $3  }
0xc2: {  	[dreg:$0x1] =	wrdreg $0xFFFFFFFF  }
0xc3: {  	_ =	task.clear_ibuf [dreg:s8], $0x2FFFF;
	_ =	strace $0x9FFFFFFF  }
0xc4: {  	(tm) =	ssettm $0x7FFFFFFF  }
0xc5: {  	_ =	shalt  }
tec
execute0_lowered:
.L_overlay_start_1:
0x0: {  	(tag) =	ssettag $0x1  }
0x1: {  	v0 =	vimm.s32 $0x76543210;
	v1 =	vimm.s32 $0xFEDCBA  }
0x2: {  	vm0 =	vcmask $0x1F00;
	v2 =	vimm.s32 $0x21201F1E;
	v3 =	vimm.s32 $0x25242322  }
0x3: {  	v4 =	vimm.s32 $0x17161514;
	v5 =	vimm.s32 $0x1B1A1918;
	v6 =	vimm.s32 $0xFEDCB  }
0x4: {  	vm13 =	vcmask $0x1F10;
	vm1 =	vcmask $0x1F14;
	vm14 =	vcmask $0x3720  }
0x5: {  	v9 =	vimm.s32 $0x3F3E3D3C;
	v10 =	vimm.s32 $0x43424140;
	v11 =	vimm.s32 $0x5D5C5B5A  }
0x6: {  	v12 =	vimm.s32 $0x61605F5E;
	v13 =	vimm.s32 $0x87654321;
	v14 =	vimm.s32 $0x8F8E8D8C  }
0x7: {  	v15 =	vimm.s32 $0x93929190;
	v19 =	vimm.s32 $0x86858483;
	v20 =	vimm.s32 $0x8A898887  }
0x8: {  	v21 =	vimm.s32 $0x7C7B7A79;
	v22 =	vimm.s32 $0x807F7E7D;
	v23 =	vimm.s32 $0x45444342  }
0x9: {  	v24 =	vimm.s32 $0x5F5E5D5C;
	v25 =	vimm.s32 $0x63626160;
	v26 =	vimm.s32 $0x55545352  }
0xa: {  	v27 =	vimm.s32 $0x59585756;
	v55 =	vimm.s32 $0x8B8A8988;
	v56 =	vimm.s32 $0x7D7C7B7A  }
0xb: {  	v57 =	vimm.s32 $0x81807F7E;
	v58 =	vimm.s32 $0x9B9A9998;
	v28 =	vimm.s32 $0x9F9E9D9C  }
0xc: {  	v29 =	vimm.s32 $0x91908F8E;
	v30 =	vimm.s32 $0x95949392;
	v61 =	vimm.s32 $0x69686766  }
0xd: {  	v62 =	vimm.s32 $0x6D6C6B6A;
	vm15 =	vcmask $0x3B38;
	v0 =	vunpack.c.l.s4.s8 v0  }
0xe: {  	v1 =	vunpack.c.l.s4.s8 v1;
	v2 =	vunpack.c.0.s8.s32 v2;
	v3 =	vunpack.c.0.s8.s32 v3  }
0xf: {  	v4 =	vunpack.c.0.s8.s32 v4;
	v5 =	vunpack.c.0.s8.s32 v5;
	v9 =	vunpack.c.0.s8.s32 v9  }
0x10: {  	v10 =	vunpack.c.0.s8.s32 v10;
	v13 =	vunpack.c.l.s4.s8 v13;
	v19 =	vunpack.c.0.s8.s32 v19  }
0x11: {  	v20 =	vunpack.c.0.s8.s32 v20;
	v21 =	vunpack.c.0.s8.s32 v21;
	v0 =	vunpack.c.0.s8.s32 v0  }
0x12: {  	v22 =	vunpack.c.0.s8.s32 v22;
	v23 =	vunpack.c.0.s8.s32 v23;
	v1 =	vunpack.c.0.s8.s32 v1  }
0x13: {  	v24 =	vunpack.c.0.s8.s32 v24;
	v25 =	vunpack.c.0.s8.s32 v25;
	v0 =	vand.u32 $0xF, v0  }
0x14: {  	v7 =	vnsel vm0, $0x11, v0;
	v0 =	vunpack.c.l.s4.s8 v6;
	v6 =	vand.u32 $0xF, v1  }
0x15: {  	v1 =	vsel vm13, v3, v2;
	v2 =	vsel vm13, v5, v4;
	v3 =	vimm.s32 $0x35343332  }
0x16: {  	v4 =	vimm.s32 $0x12111000;
	v5 =	vimm.s32 $0x39383736;
	v0 =	vunpack.c.0.s8.s32 v0  }
0x17: {  	v3 =	vunpack.c.0.s8.s32 v3;
	v4 =	vunpack.c.0.s8.s32 v4;
	v5 =	vunpack.c.0.s8.s32 v5  }
0x18: {  	v26 =	vunpack.c.0.s8.s32 v26;
	v16 =	vsel vm14, v6, v7;
	v0 =	vand.u32 $0xF, v0  }
0x19: {  	v8 =	vsel vm1, v4, v0;
	v0 =	vcombine.low v2, v1;
	v1 =	vsel vm13, v5, v3  }
0x1a: {  	v2 =	vimm.s32 $0x2B2A2928;
	v3 =	vimm.s32 $0x2F2E2D2C;
	v4 =	vimm.s32 $0x49484746  }
0x1b: {  	v5 =	vimm.s32 $0x4D4C4B4A;
	v2 =	vunpack.c.0.s8.s32 v2;
	v3 =	vunpack.c.0.s8.s32 v3  }
0x1c: {  	v7 =	vimm.s32 $0x18171615;
	v4 =	vunpack.c.0.s8.s32 v4;
	v5 =	vunpack.c.0.s8.s32 v5  }
0x1d: {  	v2 =	vsel vm13, v3, v2;
	v3 =	vunpack.c.0.s8.s32 v11;
	v11 =	vunpack.c.0.s8.s32 v12  }
0x1e: {  	v12 =	vimm.s32 $0x6B6A6968;
	v1 =	vcombine.low v2, v1;
	v2 =	vsel vm13, v5, v4  }
0x1f: {  	v4 =	vsel vm13, v10, v9;
	v5 =	vimm.s32 $0x57565554;
	v9 =	vimm.s32 $0x71706F6E  }
0x20: {  	v10 =	vimm.s32 $0x75747372;
	v2 =	vcombine.low v4, v2;
	v4 =	vimm.s32 $0x53525150  }
0x21: {  	v3 =	vsel vm13, v11, v3;
	v5 =	vunpack.c.0.s8.s32 v5;
	v4 =	vunpack.c.0.s8.s32 v4  }
0x22: {  	v9 =	vunpack.c.0.s8.s32 v9;
	v10 =	vunpack.c.0.s8.s32 v10;
	v11 =	vimm.s32 $0x67666564  }
0x23: {  	v4 =	vsel vm13, v5, v4;
	v5 =	vunpack.c.0.s8.s32 v11;
	v11 =	vunpack.c.0.s8.s32 v12  }
0x24: {  	v9 =	vsel vm13, v10, v9;
	v10 =	vimm.s32 $0x85848382;
	v12 =	vimm.s32 $0x89888786  }
0x25: {  	v10 =	vunpack.c.0.s8.s32 v10;
	v5 =	vsel vm13, v11, v5;
	v11 =	vunpack.c.0.s8.s32 v12  }
0x26: {  	v3 =	vcombine.low v4, v3;
	v12 =	vimm.s32 $0x9D9C9B9A;
	v4 =	vcombine.low v5, v9  }
0x27: {  	v5 =	vimm.s32 $0x7B7A7978;
	v9 =	vsel vm13, v11, v10;
	v10 =	vimm.s32 $0x7F7E7D7C  }
0x28: {  	v5 =	vunpack.c.0.s8.s32 v5;
	v11 =	vimm.s32 $0x99989796;
	v10 =	vunpack.c.0.s8.s32 v10  }
0x29: {  	v7 =	vunpack.c.0.s8.s32 v7;
	v12 =	vunpack.c.0.s8.s32 v12;
	v11 =	vunpack.c.0.s8.s32 v11  }
0x2a: {  	v5 =	vsel vm13, v10, v5;
	v10 =	vunpack.c.0.s8.s32 v14;
	v14 =	vunpack.c.0.s8.s32 v15  }
0x2b: {  	v15 =	vimm.s32 $0x6C6B6A69;
	v17 =	vcombine.low v5, v9;
	v5 =	vsel vm13, v12, v11  }
0x2c: {  	v9 =	vunpack.c.0.s8.s32 v13;
	v11 =	vimm.s32 $0x2221201F;
	v12 =	vimm.s32 $0x26252423  }
0x2d: {  	v13 =	vimm.s32 $0x4A494847;
	v10 =	vsel vm13, v14, v10;
	v11 =	vunpack.c.0.s8.s32 v11  }
0x2e: {  	v12 =	vunpack.c.0.s8.s32 v12;
	v14 =	vimm.s32 $0x4E4D4C4B;
	v9 =	vand.u32 $0xF, v9  }
0x2f: {  	v18 =	vcombine.low v10, v5;
	v10 =	vimm.s32 $0x3A393837;
	v5 =	vcombine.low v9, v8  }
0x30: {  	v6 =	vsel vm13, v12, v11;
	v8 =	vimm.s32 $0x1C1B1A19;
	v9 =	vimm.s32 $0x36353433  }
0x31: {  	v11 =	vimm.s32 $0x2C2B2A29;
	v10 =	vunpack.c.0.s8.s32 v10;
	v8 =	vunpack.c.0.s8.s32 v8  }
0x32: {  	v12 =	vimm.s32 $0x302F2E2D;
	v9 =	vunpack.c.0.s8.s32 v9;
	v11 =	vunpack.c.0.s8.s32 v11  }
0x33: {  	v12 =	vunpack.c.0.s8.s32 v12;
	v7 =	vsel vm13, v8, v7;
	v8 =	vunpack.c.0.s8.s32 v13  }
0x34: {  	v13 =	vunpack.c.0.s8.s32 v14;
	v14 =	vimm.s32 $0x58575655;
	v6 =	vcombine.low v7, v6  }
0x35: {  	v7 =	vsel vm13, v10, v9;
	v9 =	vsel vm13, v12, v11;
	v10 =	vimm.s32 $0x44434241  }
0x36: {  	v11 =	vimm.s32 $0x5E5D5C5B;
	v12 =	vimm.s32 $0x6261605F;
	v7 =	vcombine.low v9, v7  }
0x37: {  	v9 =	vimm.s32 $0x403F3E3D;
	v11 =	vunpack.c.0.s8.s32 v11;
	v12 =	vunpack.c.0.s8.s32 v12  }
0x38: {  	v8 =	vsel vm13, v13, v8;
	v10 =	vunpack.c.0.s8.s32 v10;
	v9 =	vunpack.c.0.s8.s32 v9  }
0x39: {  	v13 =	vimm.s32 $0x54535251;
	v11 =	vsel vm13, v12, v11;
	v12 =	vimm.s32 $0x7271706F  }
0x3a: {  	v9 =	vsel vm13, v10, v9;
	v10 =	vunpack.c.0.s8.s32 v13;
	v13 =	vunpack.c.0.s8.s32 v14  }
0x3b: {  	v15 =	vunpack.c.0.s8.s32 v15;
	v14 =	vimm.s32 $0x76757473;
	v12 =	vunpack.c.0.s8.s32 v12  }
0x3c: {  	v10 =	vsel vm13, v13, v10;
	v13 =	vunpack.c.0.s8.s32 v14;
	v14 =	vimm.s32 $0x68676665  }
0x3d: {  	v8 =	vcombine.low v9, v8;
	v14 =	vunpack.c.0.s8.s32 v14;
	v9 =	vcombine.low v10, v11  }
0x3e: {  	v10 =	vsel vm13, v13, v12;
	v12 =	vsel vm13, v20, v19;
	v13 =	vsel vm13, v22, v21  }
0x3f: {  	v20 =	vimm.s32 $0x13121110;
	v11 =	vsel vm13, v15, v14;
	v19 =	vcombine.low v13, v12  }
0x40: {  	v12 =	vimm.s32 $0x9E9D9C9B;
	v13 =	vimm.s32 $0x908F8E8D;
	v14 =	vimm.s32 $0x94939291  }
0x41: {  	v10 =	vcombine.low v11, v10;
	v11 =	vimm.s32 $0x9A999897;
	v12 =	vunpack.c.0.s8.s32 v12  }
0x42: {  	v13 =	vunpack.c.0.s8.s32 v13;
	v14 =	vunpack.c.0.s8.s32 v14;
	v11 =	vunpack.c.0.s8.s32 v11  }
0x43: {  	v15 =	vimm.s32 $0xF0E0D0C;
	v21 =	vunpack.c.0.s8.s32 v20;
	v20 =	vimm.s32 $0x98765432  }
0x44: {  	v15 =	vunpack.c.0.s8.s32 v15;
	v11 =	vsel vm13, v12, v11;
	v12 =	vsel vm13, v14, v13  }
0x45: {  	v13 =	vunpack.c.l.s4.s8 v20;
	v14 =	vimm.s32 $0x27262524;
	v20 =	vcombine.low v12, v11  }
0x46: {  	v11 =	vsel vm13, v21, v15;
	v12 =	vimm.s32 $0x23222120;
	v14 =	vunpack.c.0.s8.s32 v14  }
0x47: {  	v15 =	vimm.s32 $0x19181716;
	v21 =	vimm.s32 $0x1D1C1B1A;
	v13 =	vunpack.c.0.s8.s32 v13  }
0x48: {  	v12 =	vunpack.c.0.s8.s32 v12;
	v15 =	vunpack.c.0.s8.s32 v15;
	v21 =	vunpack.c.0.s8.s32 v21  }
0x49: {  	v27 =	vunpack.c.0.s8.s32 v27;
	v28 =	vunpack.c.0.s8.s32 v28;
	v22 =	vimm.s32 $0x31302F2E  }
0x4a: {  	s0 =	rddreg [dreg:$0x0];
	v13 =	vand.u32 $0xF, v13;
	v12 =	vsel vm13, v14, v12;
	v14 =	vsel vm13, v21, v15  }
0x4b: {  	s2 =	rddreg [dreg:$0x1];
	v15 =	vimm.s32 $0x3B3A3938;
	v21 =	vimm.s32 $0x2D2C2B2A;
	v11 =	vcombine.low v13, v11  }
0x4c: {  	s1 =	rddreg [dreg:$0x2];
	s3 =	simm.s32 $0x0;
	v13 =	vimm.s32 $0x37363534;
	v15 =	vunpack.c.0.s8.s32 v15;
	v12 =	vcombine.low v14, v12  }
0x4d: {  	s4 =	srdreg.scid;
	s5 =	stileid.u32;
	s20 =	simm.s32 $0x80;
	v14 =	vunpack.c.0.s8.s32 v21;
	v21 =	vunpack.c.0.s8.s32 v22;
	v13 =	vunpack.c.0.s8.s32 v13  }
0x4e: {  	s28 =	simm.s32 $0x3A0;
	s29 =	simm.s32 $0x450;
	s30 =	simm.s32 $0x2;
	v29 =	vunpack.c.0.s8.s32 v29;
	v30 =	vunpack.c.0.s8.s32 v30;
	v22 =	vimm.s32 $0x4F4E4D4C  }
0x4f: {  	s18 =	simm.s32 $0x3;
	s19 =	simm.s32 $0xD460;
	s21 =	simm.s32 $0x5;
	v14 =	vsel vm13, v21, v14;
	v13 =	vsel vm13, v15, v13;
	v15 =	vimm.s32 $0x4B4A4948  }
0x50: {  	s22 =	simm.s32 $0x4;
	[smem:$0x7FF] =	sst s3;
	s4 =	sand.u32 $0x1, s4;
	v21 =	vunpack.c.0.s8.s32 v22;
	v22 =	vimm.s32 $0x41403F3E;
	v15 =	vunpack.c.0.s8.s32 v15  }
0x51: {  	s5 =	sshll.u32 s5, $0x1;
	s7 =	sadd.s32 $0x18A400, s2;
	s8 =	sadd.s32 $0x65400, s2;
	v63 =	vunpack.c.0.s8.s32 v61;
	v60 =	vsel vm13, v30, v29;
	v22 =	vunpack.c.0.s8.s32 v22  }
0x52: {  	s9 =	sadd.s32 $0x74A00, s2;
	s11 =	sadd.s32 $0x1EC000, s2;
	s10 =	sor.u32 s4, s5;
	v16 =	vsel vm15, $0x10, v16;
	v13 =	vcombine.low v14, v13;
	v14 =	vsel vm13, v21, v15  }
0x53: {  	_ =	strace $0x80000047;
	s4 =	ssub.s32 $0x2, s4;
	s6 =	smul.u32 $0x62, s10;
	v15 =	vsel vm13, v23, v22;
	v21 =	vsel vm13, v25, v24;
	v22 =	vsel vm13, v27, v26  }
0x54: {  	s5 =	sadd.s32 $0x3800, s2;
	s12 =	smul.u32 $0x7A8, s10;
	s16 =	sshrl.u32 s4, $0x1;
	v23 =	vimm.s32 $0x73727170;
	v24 =	vunpack.c.0.s8.s32 v55;
	v27 =	vunpack.c.0.s8.s32 v58  }
0x55: {  	s13 =	smul.u32 $0xC4, s10;
	s10 =	sadd.s32 $0x76400, s2;
	s23 =	ssub.s32 s4, s16;
	v14 =	vcombine.low v15, v14;
	v15 =	vcombine.low v22, v21;
	v22 =	vimm.s32 $0x77767574  }
0x56: {  	s16 =	simm.s32 $0x300;
	s14 =	sor.u32 $0x1, s6;
	s24 =	sadd.s32 s8, s12;
	v21 =	vunpack.c.0.s8.s32 v23;
	v23 =	vimm.s32 $0x87868584;
	v22 =	vunpack.c.0.s8.s32 v22  }
0x57: {  	s25 =	sadd.s32 s9, s13;
	s2 =	smax.u32 s23, $0x1;
	[dreg:$0x4] =	wrdreg s24;
	v25 =	vunpack.c.0.s8.s32 v56;
	v26 =	vunpack.c.0.s8.s32 v57;
	v23 =	vunpack.c.0.s8.s32 v23  }
0x58: {  	s23 =	simm.s32 $0xDC60;
	s12 =	simm.s32 $0x0;
	[dreg:$0x5] =	wrdreg s25;
	v17 =	vand.u32 $0xFF, v17;
	v59 =	vsel vm13, v28, v27;
	v21 =	vsel vm13, v22, v21  }
0x59: {  	s15 =	smul.u32 $0x14, s14;
	s31 =	sshll.u32 s14, $0x1;
	[dreg:$0x8] =	wrdreg s2;
	v22 =	vsel vm13, v24, v23;
	v23 =	vsel vm13, v26, v25;
	v24 =	vunpack.c.0.s8.s32 v62  }
0x5a: {  	s25 =	simm.s32 $0x10;
	s14 =	simm.s32 $0xA460;
	s4 =	sadd.s32 s9, s31;
	v18 =	vand.u32 $0xFF, v18;
	v22 =	vcombine.low v23, v22;
	v23 =	vcombine.low v60, v59  }
0x5b: {  	s24 =	simm.s32 $0x1;
	s26 =	sadd.s32 s8, s15;
	[dreg:$0x7] =	wrdreg s4;
	v19 =	vand.u32 $0xFF, v19;
	v20 =	vand.u32 $0xFF, v20;
	v24 =	vsel vm13, v24, v63  }
0x5c: {  	s15 =	simm.s32 $0xCC60;
	[dreg:$0x6] =	wrdreg s26;
	s26 =	simm.s32 $0xC460;
	v21 =	vcombine.low v24, v21;
	v22 =	vand.u32 $0xFF, v22;
	v23 =	vand.u32 $0xFF, v23  }
.LBB2_1:
0x5d: {  	[dreg:$0x9] =	wrdreg s12  }
0x5e: {  	s2 =	rddreg [dreg:$0x4];
	s31 =	simm.s32 $0x7  }
0x5f: {  	[tilespmem:s16], [sflag:$0x7] =	stream.linear.gather [hbm4b:s2+s3], $0xA0, $0x38;
	[tilespmem:$0xE460] =	vst v63  }
0x60: {  	_ =	swait.ge [sflag:s31], $0xA0  }
0x61: {  	[sflag:s31] =	ssyncset.done $0x0  }
0x62: {  	s4 =	simm.s32 $0x440;
	s13 =	rddreg [dreg:$0x5];
	[sflag:s31] =	ssyncadd.s32 $0xFFFFFF60  }
0x63: {  	[tilespmem:s4], [sflag:$0x7] =	stream.linear.gather [hbm4b:s13+s3], $0x10, $0x38;
	[tilespmem:$0xE460] =	vst v63  }
0x64: {  	_ =	swait.ge [sflag:s31], $0x10  }
0x65: {  	[sflag:s31] =	ssyncset.done $0x0  }
0x66: {  	[sflag:s31] =	ssyncadd.s32 $0xFFFFFFF0  }
0x67: {  	v24 =	vld.idx.msk [tilespmem:v16+s16+$0x0], $0xffff;
	_ =	sdelay $0x4  }
0x68: {  	[tilespmem:$0x0] =	vst v24  }
0x69: {  	v24 =	vld.idx.msk [tilespmem:v0+s16+$0x0], $0xffff;
	_ =	sdelay $0x4  }
0x6a: {  	[tilespmem:$0x10] =	vst v24  }
0x6b: {  	v24 =	vld.idx.msk [tilespmem:v1+s16+$0x0], $0xffff;
	_ =	sdelay $0x4  }
0x6c: {  	[tilespmem:$0x20] =	vst v24  }
0x6d: {  	v24 =	vld.idx.msk [tilespmem:v2+s16+$0x0], $0xffff;
	_ =	sdelay $0x4  }
0x6e: {  	[tilespmem:$0x30] =	vst v24  }
0x6f: {  	v24 =	vld.idx.msk [tilespmem:v3+s16+$0x0], $0xffff;
	_ =	sdelay $0x4  }
0x70: {  	[tilespmem:$0x40] =	vst v24  }
0x71: {  	v24 =	vld.idx.msk [tilespmem:v4+s16+$0x0], $0xffff;
	_ =	sdelay $0x4  }
0x72: {  	[tilespmem:$0x50] =	vst v24  }
0x73: {  	v24 =	vld.idx.msk [tilespmem:v17+s16+$0x0], $0xffff;
	_ =	sdelay $0x4  }
0x74: {  	[tilespmem:$0x60] =	vst v24  }
0x75: {  	v24 =	vld.idx.msk [tilespmem:v18+s16+$0x0], $0xffff;
	_ =	sdelay $0x4  }
0x76: {  	[tilespmem:$0x70] =	vst v24  }
0x77: {  	v24 =	vld.idx.msk [tilespmem:v5+s16+$0x0], $0xffff;
	_ =	sdelay $0x4  }
0x78: {  	[tilespmem:$0x80] =	vst v24  }
0x79: {  	v24 =	vld.idx.msk [tilespmem:v6+s16+$0x0], $0xffff;
	_ =	sdelay $0x4  }
0x7a: {  	[tilespmem:$0x90] =	vst v24  }
0x7b: {  	v24 =	vld.idx.msk [tilespmem:v7+s16+$0x0], $0xffff;
	_ =	sdelay $0x4  }
0x7c: {  	[tilespmem:$0xA0] =	vst v24  }
0x7d: {  	v24 =	vld.idx.msk [tilespmem:v8+s16+$0x0], $0xffff;
	_ =	sdelay $0x4  }
0x7e: {  	[tilespmem:$0xB0] =	vst v24  }
0x7f: {  	v24 =	vld.idx.msk [tilespmem:v9+s16+$0x0], $0xffff;
	_ =	sdelay $0x4  }
0x80: {  	[tilespmem:$0xC0] =	vst v24  }
0x81: {  	v24 =	vld.idx.msk [tilespmem:v10+s16+$0x0], $0xffff;
	_ =	sdelay $0x4  }
0x82: {  	[tilespmem:$0xD0] =	vst v24  }
0x83: {  	v24 =	vld.idx.msk [tilespmem:v19+s16+$0x0], $0xffff;
	_ =	sdelay $0x4  }
0x84: {  	[tilespmem:$0xE0] =	vst v24  }
0x85: {  	v24 =	vld.idx.msk [tilespmem:v20+s16+$0x0], $0xffff;
	_ =	sdelay $0x4  }
0x86: {  	[tilespmem:$0xF0] =	vst v24  }
0x87: {  	v24 =	vld.idx.msk [tilespmem:v11+s16+$0x0], $0xffff;
	_ =	sdelay $0x4  }
0x88: {  	[tilespmem:$0x100] =	vst v24  }
0x89: {  	v24 =	vld.idx.msk [tilespmem:v12+s16+$0x0], $0xffff;
	_ =	sdelay $0x4  }
0x8a: {  	[tilespmem:$0x110] =	vst v24  }
0x8b: {  	v24 =	vld.idx.msk [tilespmem:v13+s16+$0x0], $0xffff;
	_ =	sdelay $0x4  }
0x8c: {  	[tilespmem:$0x120] =	vst v24  }
0x8d: {  	v24 =	vld.idx.msk [tilespmem:v14+s16+$0x0], $0xffff;
	_ =	sdelay $0x4  }
0x8e: {  	[tilespmem:$0x130] =	vst v24  }
0x8f: {  	v24 =	vld.idx.msk [tilespmem:v15+s16+$0x0], $0xffff;
	_ =	sdelay $0x4  }
0x90: {  	[tilespmem:$0x140] =	vst v24  }
0x91: {  	v24 =	vld.idx.msk [tilespmem:v21+s16+$0x0], $0xffff;
	_ =	sdelay $0x4  }
0x92: {  	[tilespmem:$0x150] =	vst v24  }
0x93: {  	v24 =	vld.idx.msk [tilespmem:v22+s16+$0x0], $0xffff;
	_ =	sdelay $0x4  }
0x94: {  	[tilespmem:$0x160] =	vst v24  }
0x95: {  	v24 =	vld.idx.msk [tilespmem:v23+s16+$0x0], $0xffff;
	_ =	sdelay $0x4  }
0x96: {  	s17 =	simm.s32 $0x460;
	[tilespmem:$0x170] =	vst v24  }
0x97: {  	[tilespmem:s17], [sflag:$0x3] =	stream.indirect.gather [hbm4b:s0+s20], $0x40, s3, s20, $0xb8;
	[tilespmem:$0xE460] =	vst v63  }
0x98: {  	s31 =	simm.s32 $0x4460  }
0x99: {  	[tilespmem:s31], [sflag:$0x3] =	stream.indirect.gather [hbm4b:s5+s20], $0x40, s20, s20, $0xb8;
	[tilespmem:$0xE460] =	vst v63  }
0x9a: {  	s12 =	simm.s32 $0x100;
	s13 =	simm.s32 $0x8460  }
0x9b: {  	[tilespmem:s13], [sflag:$0x3] =	stream.indirect.gather [hbm4b:s7+s20], $0x40, s12, s20, $0xb8;
	[tilespmem:$0xE460] =	vst v63  }
0x9c: {  	_ = 	snop  }
0x9d: {  	[tilespmem:s26], [sflag:$0x3] =	stream.indirect.gather [hbm4b:s1+s25], $0x80, s4, s25, $0xb8;
	[tilespmem:$0xE460] =	vst v63  }
0x9e: {  	s17 =	rddreg [dreg:$0x6]  }
0x9f: {  	[tilespmem:s28], [sflag:$0x2] =	stream.linear.gather [hbm4b:s17+s3], $0xA0, $0x38;
	[tilespmem:$0xE460] =	vst v63  }
0xa0: {  	s31 =	rddreg [dreg:$0x7];
	s17 =	simm.s32 $0x0  }
0xa1: {  	[tilespmem:s29], [sflag:$0x2] =	stream.linear.gather [hbm4b:s31+s3], $0x10, $0x38;
	[tilespmem:$0xE460] =	vst v63  }
.LBB2_2:
0xa2: {  	p0 =	seq.s32 s17, $0x0  }
0xa3: {  	s2 =	simm.s32 @!p0 $0x6  }
0xa4: {  	_ =	swait.ge @!p0 [sflag:s2], $0x800  }
0xa5: {  	[sflag:s2] =	ssyncset.done @!p0 $0x0  }
0xa6: {  	[sflag:s2] =	ssyncadd.s32 @!p0 $0xFFFFF800  }
0xa7: {  	_ =	swait.ge @!p0 [sflag:s2], $0x800  }
0xa8: {  	[sflag:s2] =	ssyncset.done @!p0 $0x0  }
0xa9: {  	[sflag:s2] =	ssyncadd.s32 @!p0 $0xFFFFF800  }
0xaa: {  	_ =	swait.ge [sflag:s30], $0xA0  }
0xab: {  	[sflag:s30] =	ssyncset.done $0x0  }
0xac: {  	[sflag:s30] =	ssyncadd.s32 $0xFFFFFF60  }
0xad: {  	_ =	swait.ge [sflag:s30], $0x10  }
0xae: {  	[sflag:s30] =	ssyncset.done $0x0  }
0xaf: {  	[sflag:s30] =	ssyncadd.s32 $0xFFFFFFF0  }
0xb0: {  	v24 =	vld.idx.msk [tilespmem:v16+s28+$0x0], $0xffff;
	_ =	sdelay $0x4  }
0xb1: {  	[tilespmem:$0x180] =	vst v24  }
0xb2: {  	v24 =	vld.idx.msk [tilespmem:v0+s28+$0x0], $0xffff;
	_ =	sdelay $0x4  }
0xb3: {  	[tilespmem:$0x190] =	vst v24  }
0xb4: {  	v24 =	vld.idx.msk [tilespmem:v1+s28+$0x0], $0xffff;
	_ =	sdelay $0x4  }
0xb5: {  	[tilespmem:$0x1A0] =	vst v24  }
0xb6: {  	v24 =	vld.idx.msk [tilespmem:v2+s28+$0x0], $0xffff;
	_ =	sdelay $0x4  }
0xb7: {  	[tilespmem:$0x1B0] =	vst v24  }
0xb8: {  	v24 =	vld.idx.msk [tilespmem:v3+s28+$0x0], $0xffff;
	_ =	sdelay $0x4  }
0xb9: {  	[tilespmem:$0x1C0] =	vst v24  }
0xba: {  	v24 =	vld.idx.msk [tilespmem:v4+s28+$0x0], $0xffff;
	_ =	sdelay $0x4  }
0xbb: {  	[tilespmem:$0x1D0] =	vst v24  }
0xbc: {  	v24 =	vld.idx.msk [tilespmem:v17+s28+$0x0], $0xffff;
	_ =	sdelay $0x4  }
0xbd: {  	[tilespmem:$0x1E0] =	vst v24  }
0xbe: {  	v24 =	vld.idx.msk [tilespmem:v18+s28+$0x0], $0xffff;
	_ =	sdelay $0x4  }
0xbf: {  	[tilespmem:$0x1F0] =	vst v24  }
0xc0: {  	v24 =	vld.idx.msk [tilespmem:v5+s28+$0x0], $0xffff;
	_ =	sdelay $0x4  }
0xc1: {  	[tilespmem:$0x200] =	vst v24  }
0xc2: {  	v24 =	vld.idx.msk [tilespmem:v6+s28+$0x0], $0xffff;
	_ =	sdelay $0x4  }
0xc3: {  	[tilespmem:$0x210] =	vst v24  }
0xc4: {  	v24 =	vld.idx.msk [tilespmem:v7+s28+$0x0], $0xffff;
	_ =	sdelay $0x4  }
0xc5: {  	[tilespmem:$0x220] =	vst v24  }
0xc6: {  	v24 =	vld.idx.msk [tilespmem:v8+s28+$0x0], $0xffff;
	_ =	sdelay $0x4  }
0xc7: {  	[tilespmem:$0x230] =	vst v24  }
0xc8: {  	v24 =	vld.idx.msk [tilespmem:v9+s28+$0x0], $0xffff;
	_ =	sdelay $0x4  }
0xc9: {  	[tilespmem:$0x240] =	vst v24  }
0xca: {  	v24 =	vld.idx.msk [tilespmem:v10+s28+$0x0], $0xffff;
	_ =	sdelay $0x4  }
0xcb: {  	[tilespmem:$0x250] =	vst v24  }
0xcc: {  	v24 =	vld.idx.msk [tilespmem:v19+s28+$0x0], $0xffff;
	_ =	sdelay $0x4  }
0xcd: {  	[tilespmem:$0x260] =	vst v24  }
0xce: {  	v24 =	vld.idx.msk [tilespmem:v20+s28+$0x0], $0xffff;
	_ =	sdelay $0x4  }
0xcf: {  	[tilespmem:$0x270] =	vst v24  }
0xd0: {  	v24 =	vld.idx.msk [tilespmem:v11+s28+$0x0], $0xffff;
	_ =	sdelay $0x4  }
0xd1: {  	[tilespmem:$0x280] =	vst v24  }
0xd2: {  	v24 =	vld.idx.msk [tilespmem:v12+s28+$0x0], $0xffff;
	_ =	sdelay $0x4  }
0xd3: {  	[tilespmem:$0x290] =	vst v24  }
0xd4: {  	v24 =	vld.idx.msk [tilespmem:v13+s28+$0x0], $0xffff;
	_ =	sdelay $0x4  }
0xd5: {  	[tilespmem:$0x2A0] =	vst v24  }
0xd6: {  	v24 =	vld.idx.msk [tilespmem:v14+s28+$0x0], $0xffff;
	_ =	sdelay $0x4  }
0xd7: {  	[tilespmem:$0x2B0] =	vst v24  }
0xd8: {  	v24 =	vld.idx.msk [tilespmem:v15+s28+$0x0], $0xffff;
	_ =	sdelay $0x4  }
0xd9: {  	[tilespmem:$0x2C0] =	vst v24  }
0xda: {  	v24 =	vld.idx.msk [tilespmem:v21+s28+$0x0], $0xffff;
	_ =	sdelay $0x4  }
0xdb: {  	[tilespmem:$0x2D0] =	vst v24  }
0xdc: {  	v24 =	vld.idx.msk [tilespmem:v22+s28+$0x0], $0xffff;
	_ =	sdelay $0x4  }
0xdd: {  	[tilespmem:$0x2E0] =	vst v24  }
0xde: {  	v24 =	vld.idx.msk [tilespmem:v23+s28+$0x0], $0xffff;
	_ =	sdelay $0x4  }
0xdf: {  	s13 =	simm.s32 $0x180;
	s4 =	simm.s32 $0x2460;
	[tilespmem:$0x2F0] =	vst v24  }
0xe0: {  	[tilespmem:s4], [sflag:$0x4] =	stream.indirect.gather [hbm4b:s0+s20], $0x40, s13, s20, $0xb8;
	[tilespmem:$0xE460] =	vst v63  }
0xe1: {  	s12 =	simm.s32 $0x200;
	s13 =	simm.s32 $0x6460  }
0xe2: {  	[tilespmem:s13], [sflag:$0x4] =	stream.indirect.gather [hbm4b:s5+s20], $0x40, s12, s20, $0xb8;
	[tilespmem:$0xE460] =	vst v63  }
0xe3: {  	s12 =	simm.s32 $0x280  }
0xe4: {  	[tilespmem:s14], [sflag:$0x4] =	stream.indirect.gather [hbm4b:s7+s20], $0x40, s12, s20, $0xb8;
	[tilespmem:$0xE460] =	vst v63  }
0xe5: {  	_ = 	snop  }
0xe6: {  	[tilespmem:s15], [sflag:$0x4] =	stream.indirect.gather [hbm4b:s1+s25], $0x80, s29, s25, $0xb8;
	[tilespmem:$0xE460] =	vst v63  }
0xe7: {  	_ =	swait.ge [sflag:s18], $0x2000  }
0xe8: {  	[sflag:s18] =	ssyncset.done $0x0  }
0xe9: {  	[sflag:s18] =	ssyncadd.s32 $0xFFFFE000  }
0xea: {  	_ =	swait.ge [sflag:s18], $0x2000  }
0xeb: {  	[sflag:s18] =	ssyncset.done $0x0  }
0xec: {  	[sflag:s18] =	ssyncadd.s32 $0xFFFFE000  }
0xed: {  	s13 =	sshll.u32 s17, $0x1;
	_ =	swait.ge [sflag:s18], $0x2000  }
0xee: {  	p0 =	seq.s32 s17, $0x30;
	s31 =	sadd.s32 s6, s13;
	[sflag:s18] =	ssyncset.done $0x0  }
0xef: {  	s2 =	sadd.s32 @!p0 $0x2, s31;
	[sflag:s18] =	ssyncadd.s32 $0xFFFFE000  }
0xf0: {  	s13 =	simm.s32 @!p0 $0x300;
	s4 =	smul.u32 @!p0 $0x14, s2;
	_ =	swait.ge [sflag:s18], $0x800  }
0xf1: {  	s12 =	simm.s32 @!p0 $0x0;
	s2 =	sshll.u32 @!p0 s2, $0x1;
	[sflag:s18] =	ssyncset.done $0x0  }
0xf2: {  	s2 =	sand.u32 @!p0 $0x1FFFFFFC, s2;
	s4 =	sadd.s32 @!p0 s8, s4;
	[sflag:s18] =	ssyncadd.s32 $0xFFFFF800  }
0xf3: {  	[tilespmem:s13], [sflag:$0x1] =	stream.linear.gather @!p0 [hbm4b:s4+s12], $0xA0, $0x38;
	[tilespmem:$0xE460] =	vst v63  }
0xf4: {  	s2 =	sadd.s32 @!p0 s9, s2;
	s4 =	simm.s32 @!p0 $0x440  }
0xf5: {  	[tilespmem:s4], [sflag:$0x1] =	stream.linear.gather @!p0 [hbm4b:s2+s12], $0x10, $0x38;
	[tilespmem:$0xE460] =	vst v63  }
0xf6: {  	s4 =	simm.s32 $0x0;
	s2 =	simm.s32 $0xD4A0  }
.LBB2_3:
0xf7: {  	s12 =	sshra.s32 s4, $0x2  }
0xf8: {  	v24 =	vld [tilespmem:s12+$0x460]  }
0xf9: {  	v25 =	vld [tilespmem:s12+$0x4460]  }
0xfa: {  	v26 =	vld [tilespmem:s12+$0x8460]  }
0xfb: {  	v27 =	vld [tilespmem:s12+$0x470]  }
0xfc: {  	v30 =	vld [tilespmem:s12+$0x4470]  }
0xfd: {  	v31 =	vld [tilespmem:s12+$0x8470]  }
0xfe: {  	v59 =	vld [tilespmem:s12+$0x480]  }
0xff: {  	v33 =	vld [tilespmem:s12+$0x4480]  }
0x100: {  	v63 =	vld [tilespmem:s12+$0x8480];
	v28 =	vshll.u32 v24, $0x10;
	v29 =	vshll.u32 v25, $0x10  }
0x101: {  	v35 =	vld [tilespmem:s12+$0x490];
	v53 =	vshll.u32 v26, $0x10;
	v24 =	vand.u32 $0xFFFF0000, v24;
	v25 =	vand.u32 $0xFFFF0000, v25  }
0x102: {  	v43 =	vld [tilespmem:s12+$0x4490];
	v26 =	vand.u32 $0xFFFF0000, v26;
	v55 =	vshll.u32 v27, $0x10;
	v32 =	vshll.u32 v30, $0x10  }
0x103: {  	v57 =	vshll.u32 v31, $0x10;
	v27 =	vand.u32 $0xFFFF0000, v27;
	v62 =	vand.u32 $0xFFFF0000, v30  }
0x104: {  	v39 =	vand.u32 $0xFFFF0000, v31;
	v41 =	vshll.u32 v59, $0x10;
	v34 =	vshll.u32 v33, $0x10  }
0x105: {  	v45 =	vld [tilespmem:s12+$0x8490];
	v37 =	vshll.u32 v63, $0x10;
	v33 =	vand.u32 $0xFFFF0000, v33;
	v30 =	vand.u32 $0xFFFF0000, v63  }
0x106: {  	v48 =	vld [tilespmem:s12+$0x44A0];
	v49 =	vshll.u32 v35, $0x10;
	v35 =	vand.u32 $0xFFFF0000, v35;
	v28 =	vadd.f32 v29, v28  }
0x107: {  	v31 =	vand.u32 $0xFFFF0000, v43;
	v24 =	vadd.f32 v25, v24;
	v56 =	vadd.f32 v32, v55  }
0x108: {  	v27 =	vadd.f32 v62, v27;
	v29 =	vand.u32 $0xFFFF0000, v59;
	v31 =	vadd.f32 v31, v35  }
0x109: {  	v50 =	vshll.u32 v43, $0x10;
	v29 =	vadd.f32 v33, v29;
	v28 =	vadd.f32 v53, v28  }
0x10a: {  	v52 =	vshll.u32 v45, $0x10;
	v26 =	vadd.f32 v26, v24;
	v32 =	vadd.f32 v57, v56  }
0x10b: {  	v46 =	vld [tilespmem:s12+$0x4A0];
	v55 =	vshll.u32 v48, $0x10;
	v27 =	vadd.f32 v39, v27;
	v29 =	vadd.f32 v30, v29  }
0x10c: {  	v30 =	vadd.f32 v50, v49;
	v54 =	vmul.f32 $1.442695020e+00, v28;
	v58 =	vmul.f32 $1.442695020e+00, v26  }
0x10d: {  	v24 =	vmul.f32 $1.442695020e+00, v32;
	v61 =	vadd.f32 $0.0e+00, v28;
	vm0 =	vgt.f32 v28, $0.0e+00  }
0x10e: {  	v59 =	vld [tilespmem:s12+$0x4C0];
	vm13 =	vgt.f32 v26, $0.0e+00;
	v26 =	vadd.f32 $0.0e+00, v26;
	v28 =	vadd.f32 v34, v41  }
0x10f: {  	v44 =	vadd.f32 $0.0e+00, v32;
	v36 =	vmul.f32 $1.442695020e+00, v27;
	vm14 =	vgt.f32 v32, $0.0e+00  }
0x110: {  	vm15 =	vgt.f32 v27, $0.0e+00;
	v32 =	vand.u32 $0xFFFF0000, v46;
	(erf) = vpow2.f32 v54  }
0x111: {  	v51 =	vld [tilespmem:s12+$0x84A0];
	v34 =	vand.u32 $0xFFFF0000, v48;
	v27 =	vadd.f32 $0.0e+00, v27;
	(erf) = vpow2.f32 v58  }
0x112: {  	v56 =	vld [tilespmem:s12+$0x44B0];
	v53 =	vmul.f32 $1.442695020e+00, v29;
	v30 =	vadd.f32 v52, v30;
	(erf) = vpow2.f32 v24  }
0x113: {  	v63 =	vld [tilespmem:s12+$0x84C0];
	v32 =	vadd.f32 v34, v32;
	v49 =	vshll.u32 v59, $0x10;
	v28 =	vadd.f32 v37, v28  }
0x114: {  	v34 =	vand.u32 $0xFFFF0000, v59;
	vm5 =	vgt.f32 v29, $0.0e+00;
	(erf) = vpow2.f32 v36  }
0x115: {  	v37 =	vand.u32 $0xFFFF0000, v45;
	v54 =	vshll.u32 v46, $0x10;
	v58 =	vld [tilespmem:s12+$0x84B0];
	v47 =	vmul.f32 $1.442695020e+00, v28  }
0x116: {  	v31 =	vadd.f32 v37, v31;
	v33 =	vadd.f32 v55, v54;
	v57 =	vmul.f32 $1.442695020e+00, v30  }
0x117: {  	v35 =	vand.u32 $0xFFFF0000, v56;
	v36 =	vand.u32 $0xFFFF0000, v51;
	(erf) = vpow2.f32 v47  }
0x118: {  	v37 =	vand.u32 $0xFFFF0000, v63;
	vm6 =	vgt.f32 v30, $0.0e+00;
	v32 =	vadd.f32 v36, v32  }
0x119: {  	v45 =	vadd.f32 $0.0e+00, v28;
	vm4 =	vgt.f32 v28, $0.0e+00;
	v39 =	vmul.f32 $1.442695020e+00, v31;
	v60 =	vpop (erf)  }
0x11a: {  	v48 =	vmul.f32 $1.442695020e+00, v32;
	v43 =	vshll.u32 v58, $0x10;
	v24 =	vadd.f32 $-1.000000000e+00, v60;
	v38 =	vpop (erf)  }
0x11b: {  	vm8 =	vgt.f32 v32, $0.0e+00;
	(erf) = vpow2.f32 v53;
	v25 =	vadd.f32 $-1.000000000e+00, v38;
	v40 =	vpop (erf)  }
0x11c: {  	v38 =	vld [tilespmem:s12+$0x4B0];
	(erf) = vpow2.f32 v57;
	v24 =	vsel vm0, v61, v24;
	v42 =	vadd.f32 $-1.000000000e+00, v40  }
0x11d: {  	v40 =	vshll.u32 v51, $0x10;
	v41 =	vpop (erf);
	(erf) = vpow2.f32 v39;
	v51 =	vshll.u32 v63, $0x10  }
0x11e: {  	v61 =	vld [tilespmem:s12+$0x44C0];
	v25 =	vsel vm13, v26, v25;
	v33 =	vadd.f32 v40, v33;
	v41 =	vadd.f32 $-1.000000000e+00, v41  }
0x11f: {  	v40 =	vand.u32 $0xFFFF0000, v58;
	vm13 =	vgt.f32 v31, $0.0e+00;
	v26 =	vsel vm14, v44, v42  }
0x120: {  	v53 =	vpop (erf);
	v42 =	vshll.u32 v56, $0x10;
	v60 =	vmul.f32 $1.442695020e+00, v33;
	v27 =	vsel vm15, v27, v41  }
0x121: {  	v41 =	vadd.f32 $-1.000000000e+00, v53;
	vm7 =	vgt.f32 v33, $0.0e+00;
	v62 =	vshll.u32 v38, $0x10  }
0x122: {  	v38 =	vand.u32 $0xFFFF0000, v38;
	(erf) = vpow2.f32 v60;
	v36 =	vadd.f32 v42, v62  }
0x123: {  	v35 =	vadd.f32 v35, v38;
	v50 =	vshll.u32 v61, $0x10;
	v39 =	vand.u32 $0xFFFF0000, v61  }
0x124: {  	v41 =	vsel vm4, v45, v41;
	v38 =	vadd.f32 v50, v49;
	v36 =	vadd.f32 v43, v36  }
0x125: {  	v34 =	vadd.f32 v39, v34;
	v39 =	vld [tilespmem:s12+$0x44D0];
	(erf) = vpow2.f32 v48;
	v35 =	vadd.f32 v40, v35  }
0x126: {  	v62 =	vadd.f32 $0.0e+00, v29;
	v43 =	vld [tilespmem:s12+$0x4D0];
	v38 =	vadd.f32 v51, v38;
	v44 =	vmul.f32 $1.442695020e+00, v36  }
0x127: {  	v48 =	vadd.f32 $0.0e+00, v30;
	v46 =	vpop (erf);
	v34 =	vadd.f32 v37, v34;
	v52 =	vmul.f32 $1.442695020e+00, v35  }
0x128: {  	v37 =	vld [tilespmem:s12+$0x84D0];
	v59 =	vadd.f32 $-1.000000000e+00, v46;
	v61 =	vpop (erf);
	v54 =	vmul.f32 $1.442695020e+00, v38;
	(erf) = vpow2.f32 v44  }
0x129: {  	v63 =	vadd.f32 $-1.000000000e+00, v61;
	v55 =	vmul.f32 $1.442695020e+00, v34;
	(erf) = vpow2.f32 v52  }
0x12a: {  	vm9 =	vgt.f32 v36, $0.0e+00;
	vm10 =	vgt.f32 v35, $0.0e+00;
	(erf) = vpow2.f32 v54  }
0x12b: {  	v57 =	vshll.u32 v39, $0x10;
	v56 =	vshll.u32 v43, $0x10;
	(erf) = vpow2.f32 v55  }
0x12c: {  	v49 =	vpop (erf);
	v28 =	vsel vm5, v62, v59;
	vm11 =	vgt.f32 v38, $0.0e+00;
	v58 =	vadd.f32 v57, v56  }
0x12d: {  	v47 =	vld [tilespmem:s12+$0x44E0];
	v62 =	vadd.f32 $0.0e+00, v31;
	vm12 =	vgt.f32 v34, $0.0e+00;
	v60 =	vshll.u32 v37, $0x10;
	v50 =	vpop (erf)  }
0x12e: {  	v29 =	vsel vm6, v48, v63;
	v63 =	vld [tilespmem:s12+$0x4E0];
	v52 =	vadd.f32 $-1.000000000e+00, v49;
	v40 =	vadd.f32 v60, v58;
	v53 =	vpop (erf)  }
0x12f: {  	v48 =	vand.u32 $0xFFFF0000, v43;
	v30 =	vadd.f32 $-1.000000000e+00, v50;
	v44 =	vadd.f32 $-1.000000000e+00, v53;
	v53 =	vld [tilespmem:s12+$0x44F0]  }
0x130: {  	v49 =	vand.u32 $0xFFFF0000, v39;
	v37 =	vand.u32 $0xFFFF0000, v37;
	v51 =	vmul.f32 $1.442695020e+00, v40  }
0x131: {  	v30 =	vsel vm7, v33, v30;
	vm14 =	vgt.f32 v40, $0.0e+00;
	v32 =	vsel vm8, v32, v44;
	v54 =	vpop (erf)  }
0x132: {  	v50 =	vld [tilespmem:s12+$0x84E0];
	v24 =	vadd.f32 v30, v24;
	(erf) = vpow2.f32 v51;
	v55 =	vadd.f32 $-1.000000000e+00, v54;
	v56 =	vpop (erf)  }
0x133: {  	v25 =	vadd.f32 v32, v25;
	v32 =	vand.u32 $0xFFFF0000, v47;
	v54 =	vshll.u32 v63, $0x10;
	v58 =	vpop (erf)  }
0x134: {  	v39 =	vand.u32 $0xFFFF0000, v53;
	v57 =	vadd.f32 $-1.000000000e+00, v56;
	v33 =	vsel vm9, v36, v55;
	v60 =	vpop (erf)  }
0x135: {  	v59 =	vadd.f32 $-1.000000000e+00, v58;
	v55 =	vshll.u32 v47, $0x10;
	v61 =	vadd.f32 $-1.000000000e+00, v60  }
0x136: {  	v35 =	vsel vm10, v35, v57;
	v26 =	vadd.f32 v33, v26;
	v33 =	vadd.f32 v49, v48  }
0x137: {  	v56 =	vld [tilespmem:s12+$0x84F0];
	v57 =	vshll.u32 v50, $0x10;
	v60 =	vshll.u32 v53, $0x10;
	v36 =	vsel vm11, v38, v59  }
0x138: {  	v27 =	vadd.f32 v35, v27;
	v38 =	vand.u32 $0xFFFF0000, v63;
	v35 =	vand.u32 $0xFFFF0000, v50  }
0x139: {  	v63 =	vld [tilespmem:s12+$0x4500];
	v46 =	vsel vm12, v34, v61;
	v33 =	vadd.f32 v37, v33;
	v37 =	vadd.f32 v55, v54  }
0x13a: {  	v31 =	vadd.f32 v36, v41;
	v36 =	vsel vm13, v62, v52;
	v52 =	vld [tilespmem:s12+$0x4F0];
	v32 =	vadd.f32 v32, v38  }
0x13b: {  	v61 =	vld [tilespmem:s12+$0x500];
	v28 =	vadd.f32 v46, v28;
	v58 =	vmul.f32 $1.442695020e+00, v33;
	v37 =	vadd.f32 v57, v37  }
0x13c: {  	v41 =	vld [tilespmem:s12+$0x4510];
	v50 =	vshll.u32 v56, $0x10;
	v51 =	vpop (erf);
	v32 =	vadd.f32 v35, v32;
	vm15 =	vgt.f32 v33, $0.0e+00  }
0x13d: {  	v30 =	vadd.f32 $-1.000000000e+00, v51;
	(erf) = vpow2.f32 v58;
	v48 =	vmul.f32 $1.442695020e+00, v37  }
0x13e: {  	v38 =	vld [tilespmem:s12+$0x510];
	v49 =	vmul.f32 $1.442695020e+00, v32;
	v55 =	vshll.u32 v63, $0x10;
	v35 =	vand.u32 $0xFFFF0000, v63  }
0x13f: {  	vm4 =	vgt.f32 v37, $0.0e+00;
	v30 =	vsel vm14, v40, v30;
	v59 =	vshll.u32 v52, $0x10  }
0x140: {  	v34 =	vand.u32 $0xFFFF0000, v52;
	v52 =	vand.u32 $0xFFFF0000, v56;
	v54 =	vshll.u32 v61, $0x10  }
0x141: {  	v51 =	vld [tilespmem:s12+$0x8500];
	v42 =	vand.u32 $0xFFFF0000, v61;
	v61 =	vshll.u32 v41, $0x10;
	v29 =	vadd.f32 v30, v29  }
0x142: {  	v41 =	vand.u32 $0xFFFF0000, v41;
	v62 =	vadd.f32 v60, v59;
	v34 =	vadd.f32 v39, v34  }
0x143: {  	v56 =	vld [tilespmem:s12+$0x8510];
	v39 =	vadd.f32 v55, v54;
	v60 =	vshll.u32 v38, $0x10;
	v38 =	vand.u32 $0xFFFF0000, v38  }
0x144: {  	vm5 =	vgt.f32 v32, $0.0e+00;
	v35 =	vadd.f32 v35, v42;
	v38 =	vadd.f32 v41, v38  }
0x145: {  	(erf) = vpow2.f32 v48;
	v30 =	vadd.f32 v50, v62;
	v34 =	vadd.f32 v52, v34  }
0x146: {  	v57 =	vshll.u32 v51, $0x10;
	v43 =	vand.u32 $0xFFFF0000, v51;
	v62 =	vadd.f32 v61, v60  }
0x147: {  	v44 =	vld [tilespmem:s12+$0x8520];
	(erf) = vpow2.f32 v49;
	v39 =	vadd.f32 v57, v39;
	v35 =	vadd.f32 v43, v35  }
0x148: {  	v47 =	vld [tilespmem:s12+$0x520];
	v53 =	vmul.f32 $1.442695020e+00, v30;
	v58 =	vmul.f32 $1.442695020e+00, v34;
	v54 =	vand.u32 $0xFFFF0000, v56  }
0x149: {  	vm6 =	vgt.f32 v30, $0.0e+00;
	vm7 =	vgt.f32 v34, $0.0e+00;
	v63 =	vmul.f32 $1.442695020e+00, v39  }
0x14a: {  	v46 =	vld [tilespmem:s12+$0x4520];
	v52 =	vmul.f32 $1.442695020e+00, v35;
	v38 =	vadd.f32 v54, v38;
	vm8 =	vgt.f32 v39, $0.0e+00  }
0x14b: {  	vm9 =	vgt.f32 v35, $0.0e+00;
	(erf) = vpow2.f32 v53;
	v53 =	vshll.u32 v56, $0x10  }
0x14c: {  	(erf) = vpow2.f32 v58;
	v42 =	vadd.f32 v53, v62;
	v57 =	vmul.f32 $1.442695020e+00, v38  }
0x14d: {  	v59 =	vpop (erf);
	v58 =	vshll.u32 v47, $0x10;
	v62 =	vshll.u32 v44, $0x10;
	(erf) = vpow2.f32 v63  }
0x14e: {  	vm11 =	vgt.f32 v38, $0.0e+00;
	v40 =	vadd.f32 $-1.000000000e+00, v59;
	v48 =	vpop (erf);
	v55 =	vmul.f32 $1.442695020e+00, v42  }
0x14f: {  	v59 =	vshll.u32 v46, $0x10;
	(erf) = vpow2.f32 v52;
	v48 =	vadd.f32 $-1.000000000e+00, v48  }
0x150: {  	v33 =	vsel vm15, v33, v40;
	v60 =	vpop (erf);
	v40 =	vadd.f32 v59, v58;
	(erf) = vpow2.f32 v55  }
0x151: {  	vm10 =	vgt.f32 v42, $0.0e+00;
	v33 =	vadd.f32 v33, v36;
	v36 =	vadd.f32 $-1.000000000e+00, v60;
	v55 =	vld [tilespmem:s12+$0x4530]  }
0x152: {  	v58 =	vand.u32 $0xFFFF0000, v47;
	v56 =	vsel vm4, v37, v48;
	v37 =	vadd.f32 v62, v40;
	v40 =	vld [tilespmem:s12+$0x530]  }
0x153: {  	v59 =	vand.u32 $0xFFFF0000, v46;
	v60 =	vand.u32 $0xFFFF0000, v44;
	v32 =	vsel vm5, v32, v36  }
0x154: {  	v24 =	vadd.f32 v56, v24;
	v49 =	vmul.f32 $1.442695020e+00, v37;
	v25 =	vadd.f32 v32, v25;
	v61 =	vpop (erf)  }
0x155: {  	vm12 =	vgt.f32 v37, $0.0e+00;
	(erf) = vpow2.f32 v57;
	v41 =	vadd.f32 $-1.000000000e+00, v61;
	v63 =	vpop (erf)  }
0x156: {  	v62 =	vshll.u32 v55, $0x10;
	v45 =	vadd.f32 $-1.000000000e+00, v63;
	v48 =	vpop (erf);
	(erf) = vpow2.f32 v49  }
0x157: {  	v61 =	vshll.u32 v40, $0x10;
	v40 =	vand.u32 $0xFFFF0000, v40;
	v51 =	vadd.f32 $-1.000000000e+00, v48  }
0x158: {  	v63 =	vld [tilespmem:s12+$0x540];
	v30 =	vsel vm6, v30, v41;
	v52 =	vpop (erf);
	v47 =	vadd.f32 v62, v61;
	v50 =	vsel vm7, v34, v45  }
0x159: {  	v36 =	vadd.f32 $-1.000000000e+00, v52;
	v26 =	vadd.f32 v30, v26;
	v45 =	vld [tilespmem:s12+$0x8530];
	v53 =	vsel vm8, v39, v51;
	v54 =	vpop (erf)  }
0x15a: {  	v52 =	vld [tilespmem:s12+$0x8540];
	v27 =	vadd.f32 v50, v27;
	v39 =	vand.u32 $0xFFFF0000, v55;
	v34 =	vadd.f32 $-1.000000000e+00, v54  }
0x15b: {  	v48 =	vld [tilespmem:s12+$0x4540];
	v43 =	vsel vm9, v35, v36;
	v30 =	vadd.f32 v53, v31;
	v35 =	vadd.f32 v59, v58  }
0x15c: {  	v55 =	vld [tilespmem:s12+$0x4550];
	v39 =	vadd.f32 v39, v40;
	v28 =	vadd.f32 v43, v28;
	v56 =	vsel vm10, v42, v34  }
0x15d: {  	v43 =	vand.u32 $0xFFFF0000, v63;
	v35 =	vadd.f32 v60, v35;
	v29 =	vadd.f32 v56, v29  }
0x15e: {  	v53 =	vld [tilespmem:s12+$0x550];
	v57 =	vpop (erf);
	v49 =	vshll.u32 v45, $0x10;
	v31 =	vand.u32 $0xFFFF0000, v45;
	v56 =	vshll.u32 v63, $0x10  }
0x15f: {  	v59 =	vld [tilespmem:s12+$0x8550];
	v60 =	vshll.u32 v52, $0x10;
	v36 =	vand.u32 $0xFFFF0000, v52;
	v34 =	vadd.f32 $-1.000000000e+00, v57  }
0x160: {  	v51 =	vmul.f32 $1.442695020e+00, v35;
	v57 =	vshll.u32 v48, $0x10;
	v31 =	vadd.f32 v31, v39  }
0x161: {  	v63 =	vshll.u32 v55, $0x10;
	v40 =	vand.u32 $0xFFFF0000, v55;
	v34 =	vsel vm11, v38, v34  }
0x162: {  	vm13 =	vgt.f32 v35, $0.0e+00;
	v32 =	vadd.f32 v34, v33;
	v33 =	vadd.f32 v49, v47  }
0x163: {  	v46 =	vld [tilespmem:s12+$0x560];
	v58 =	vadd.f32 v57, v56;
	v62 =	vshll.u32 v53, $0x10;
	v42 =	vand.u32 $0xFFFF0000, v53  }
0x164: {  	v41 =	vand.u32 $0xFFFF0000, v59;
	(erf) = vpow2.f32 v51;
	v54 =	vmul.f32 $1.442695020e+00, v33  }
0x165: {  	v38 =	vand.u32 $0xFFFF0000, v48;
	v61 =	vmul.f32 $1.442695020e+00, v31;
	v51 =	vshll.u32 v59, $0x10  }
0x166: {  	v40 =	vadd.f32 v40, v42;
	v39 =	vadd.f32 v60, v58;
	(erf) = vpow2.f32 v54  }
0x167: {  	v50 =	vpop (erf);
	vm15 =	vgt.f32 v31, $0.0e+00;
	v38 =	vadd.f32 v38, v43;
	v49 =	vadd.f32 v63, v62  }
0x168: {  	v34 =	vadd.f32 $-1.000000000e+00, v50;
	v50 =	vld [tilespmem:s12+$0x4560];
	v47 =	vand.u32 $0xFFFF0000, v46;
	v40 =	vadd.f32 v41, v40  }
0x169: {  	v42 =	vld [tilespmem:s12+$0x8560];
	v48 =	vmul.f32 $1.442695020e+00, v39;
	v36 =	vadd.f32 v36, v38;
	v38 =	vadd.f32 v51, v49  }
0x16a: {  	v34 =	vsel vm12, v37, v34;
	vm14 =	vgt.f32 v33, $0.0e+00;
	vm4 =	vgt.f32 v39, $0.0e+00  }
0x16b: {  	v57 =	vmul.f32 $1.442695020e+00, v40;
	v34 =	vadd.f32 v34, v24;
	(erf) = vpow2.f32 v61  }
0x16c: {  	vm7 =	vgt.f32 v40, $0.0e+00;
	v52 =	vmul.f32 $1.442695020e+00, v36;
	v53 =	vmul.f32 $1.442695020e+00, v38  }
0x16d: {  	v54 =	vshll.u32 v46, $0x10;
	v55 =	vshll.u32 v50, $0x10;
	(erf) = vpow2.f32 v48  }
0x16e: {  	v60 =	vshll.u32 v42, $0x10;
	v41 =	vadd.f32 v55, v54;
	(erf) = vpow2.f32 v52;
	v56 =	vpop (erf)  }
0x16f: {  	v48 =	vand.u32 $0xFFFF0000, v50;
	v54 =	vld [tilespmem:s12+$0x570];
	(erf) = vpow2.f32 v53;
	v58 =	vadd.f32 $-1.000000000e+00, v56;
	v59 =	vpop (erf)  }
0x170: {  	vm5 =	vgt.f32 v36, $0.0e+00;
	v50 =	vadd.f32 v48, v47;
	v45 =	vadd.f32 $-1.000000000e+00, v59  }
0x171: {  	v37 =	vadd.f32 v60, v41;
	v61 =	vsel vm13, v35, v58;
	(erf) = vpow2.f32 v57;
	v57 =	vld [tilespmem:s12+$0x4570]  }
0x172: {  	vm6 =	vgt.f32 v38, $0.0e+00;
	v52 =	vand.u32 $0xFFFF0000, v42;
	v25 =	vadd.f32 v61, v25;
	v61 =	vld [tilespmem:s12+$0x8570]  }
0x173: {  	v63 =	vmul.f32 $1.442695020e+00, v37;
	v62 =	vsel vm14, v33, v45;
	v33 =	vadd.f32 v52, v50;
	v52 =	vld [tilespmem:s12+$0x590]  }
0x174: {  	vm8 =	vgt.f32 v37, $0.0e+00;
	v46 =	vshll.u32 v54, $0x10;
	v41 =	vand.u32 $0xFFFF0000, v54;
	v45 =	vpop (erf)  }
0x175: {  	v24 =	vadd.f32 v62, v26;
	v62 =	vld [tilespmem:s12+$0x580];
	v58 =	vmul.f32 $1.442695020e+00, v33;
	v26 =	vadd.f32 $-1.000000000e+00, v45  }
0x176: {  	v47 =	vshll.u32 v57, $0x10;
	vm9 =	vgt.f32 v33, $0.0e+00;
	v49 =	vpop (erf);
	(erf) = vpow2.f32 v63  }
0x177: {  	v54 =	vld [tilespmem:s12+$0x4590];
	v51 =	vadd.f32 $-1.000000000e+00, v49;
	v53 =	vpop (erf);
	v49 =	vshll.u32 v61, $0x10;
	v26 =	vsel vm15, v31, v26  }
0x178: {  	v63 =	vld [tilespmem:s12+$0x4580];
	v31 =	vadd.f32 $-1.000000000e+00, v53;
	v56 =	vpop (erf);
	(erf) = vpow2.f32 v58;
	v43 =	vand.u32 $0xFFFF0000, v52  }
0x179: {  	v26 =	vadd.f32 v26, v27;
	v55 =	vsel vm4, v39, v51;
	v35 =	vadd.f32 $-1.000000000e+00, v56  }
0x17a: {  	v60 =	vpop (erf);
	v39 =	vand.u32 $0xFFFF0000, v57;
	v50 =	vshll.u32 v62, $0x10;
	v27 =	vadd.f32 v55, v30  }
0x17b: {  	v59 =	vsel vm5, v36, v31;
	v31 =	vadd.f32 $-1.000000000e+00, v60;
	v39 =	vadd.f32 v39, v41  }
0x17c: {  	v58 =	vld [tilespmem:s12+$0x8590];
	v36 =	vand.u32 $0xFFFF0000, v61;
	v41 =	vand.u32 $0xFFFF0000, v54;
	v35 =	vsel vm6, v38, v35  }
0x17d: {  	v28 =	vadd.f32 v59, v28;
	v51 =	vshll.u32 v63, $0x10;
	v38 =	vand.u32 $0xFFFF0000, v62  }
0x17e: {  	v60 =	vld [tilespmem:s12+$0x5A0];
	v30 =	vand.u32 $0xFFFF0000, v63;
	v29 =	vadd.f32 v35, v29;
	v35 =	vadd.f32 v47, v46  }
0x17f: {  	v63 =	vshll.u32 v52, $0x10;
	v53 =	vadd.f32 v51, v50;
	v36 =	vadd.f32 v36, v39  }
0x180: {  	v62 =	vld [tilespmem:s12+$0x45A0];
	v31 =	vsel vm7, v40, v31;
	v30 =	vadd.f32 v30, v38;
	v51 =	vadd.f32 v41, v43  }
0x181: {  	v40 =	vld [tilespmem:s12+$0x8580];
	v31 =	vadd.f32 v31, v32;
	v50 =	vshll.u32 v58, $0x10;
	v39 =	vand.u32 $0xFFFF0000, v58  }
0x182: {  	v35 =	vadd.f32 v49, v35;
	v59 =	vmul.f32 $1.442695020e+00, v36;
	v39 =	vadd.f32 v39, v51  }
0x183: {  	vm11 =	vgt.f32 v36, $0.0e+00;
	v48 =	vpop (erf);
	v52 =	vshll.u32 v60, $0x10;
	v44 =	vand.u32 $0xFFFF0000, v60  }
0x184: {  	v32 =	vadd.f32 $-1.000000000e+00, v48;
	v55 =	vmul.f32 $1.442695020e+00, v35;
	v48 =	vshll.u32 v54, $0x10  }
0x185: {  	v46 =	vand.u32 $0xFFFF0000, v62;
	vm10 =	vgt.f32 v35, $0.0e+00;
	vm15 =	vgt.f32 v39, $0.0e+00  }
0x186: {  	v49 =	vld [tilespmem:s12+$0x85A0];
	v56 =	vshll.u32 v40, $0x10;
	v40 =	vand.u32 $0xFFFF0000, v40;
	v38 =	vadd.f32 v48, v63  }
0x187: {  	v44 =	vadd.f32 v46, v44;
	v32 =	vsel vm8, v37, v32;
	v37 =	vadd.f32 v56, v53  }
0x188: {  	v57 =	vpop (erf);
	(erf) = vpow2.f32 v55;
	v30 =	vadd.f32 v40, v30;
	v53 =	vshll.u32 v62, $0x10  }
0x189: {  	v32 =	vadd.f32 v32, v34;
	v34 =	vadd.f32 $-1.000000000e+00, v57;
	v61 =	vmul.f32 $1.442695020e+00, v37  }
0x18a: {  	(erf) = vpow2.f32 v59;
	v38 =	vadd.f32 v50, v38;
	v41 =	vadd.f32 v53, v52  }
0x18b: {  	v47 =	vld [tilespmem:s12+$0x5B0];
	v56 =	vshll.u32 v49, $0x10;
	v54 =	vmul.f32 $1.442695020e+00, v30;
	(erf) = vpow2.f32 v61  }
0x18c: {  	v42 =	vand.u32 $0xFFFF0000, v49;
	v55 =	vmul.f32 $1.442695020e+00, v38;
	v40 =	vadd.f32 v56, v41;
	v41 =	vld [tilespmem:s12+$0x45B0]  }
0x18d: {  	v46 =	vld [tilespmem:s12+$0x85B0];
	v57 =	vmul.f32 $1.442695020e+00, v39;
	v42 =	vadd.f32 v42, v44;
	(erf) = vpow2.f32 v54  }
0x18e: {  	vm12 =	vgt.f32 v37, $0.0e+00;
	vm13 =	vgt.f32 v30, $0.0e+00;
	(erf) = vpow2.f32 v55  }
0x18f: {  	v33 =	vsel vm9, v33, v34;
	v58 =	vmul.f32 $1.442695020e+00, v40;
	(erf) = vpow2.f32 v57  }
0x190: {  	vm14 =	vgt.f32 v38, $0.0e+00;
	v60 =	vmul.f32 $1.442695020e+00, v42;
	v61 =	vshll.u32 v47, $0x10  }
0x191: {  	v33 =	vadd.f32 v33, v25;
	v62 =	vshll.u32 v41, $0x10;
	v59 =	vpop (erf);
	(erf) = vpow2.f32 v58  }
0x192: {  	v51 =	vshll.u32 v46, $0x10;
	v49 =	vadd.f32 v62, v61;
	v34 =	vadd.f32 $-1.000000000e+00, v59  }
0x193: {  	vm5 =	vgt.f32 v42, $0.0e+00;
	vm4 =	vgt.f32 v40, $0.0e+00;
	v41 =	vand.u32 $0xFFFF0000, v41;
	v62 =	vld [tilespmem:s12+$0x45C0];
	v48 =	vpop (erf)  }
0x194: {  	v63 =	vsel vm10, v35, v34;
	v34 =	vadd.f32 $-1.000000000e+00, v48;
	v35 =	vadd.f32 v51, v49;
	v50 =	vpop (erf)  }
0x195: {  	(erf) = vpow2.f32 v60;
	v43 =	vadd.f32 v63, v24;
	v60 =	vld [tilespmem:s12+$0x5C0];
	v44 =	vadd.f32 $-1.000000000e+00, v50  }
0x196: {  	v52 =	vsel vm11, v36, v34;
	v54 =	vpop (erf);
	v55 =	vmul.f32 $1.442695020e+00, v35;
	vm6 =	vgt.f32 v35, $0.0e+00  }
0x197: {  	v50 =	vld [tilespmem:s12+$0x5D0];
	v25 =	vadd.f32 v52, v26;
	v26 =	vadd.f32 $-1.000000000e+00, v54;
	v56 =	vpop (erf);
	v53 =	vsel vm12, v37, v44  }
0x198: {  	v49 =	vshll.u32 v62, $0x10;
	v52 =	vld [tilespmem:s12+$0x45D0];
	v57 =	vpop (erf);
	(erf) = vpow2.f32 v55;
	v24 =	vadd.f32 v53, v27  }
0x199: {  	v27 =	vadd.f32 $-1.000000000e+00, v56;
	v26 =	vsel vm13, v30, v26;
	v58 =	vadd.f32 $-1.000000000e+00, v57  }
0x19a: {  	v44 =	vld [tilespmem:s12+$0x85C0];
	v30 =	vand.u32 $0xFFFF0000, v62;
	v59 =	vpop (erf);
	v26 =	vadd.f32 v26, v28;
	v48 =	vshll.u32 v60, $0x10  }
0x19b: {  	v55 =	vld [tilespmem:s12+$0x85D0];
	v36 =	vand.u32 $0xFFFF0000, v60;
	v27 =	vsel vm14, v38, v27;
	v34 =	vadd.f32 $-1.000000000e+00, v59  }
0x19c: {  	v61 =	vsel vm15, v39, v58;
	v30 =	vadd.f32 v30, v36;
	v27 =	vadd.f32 v27, v29  }
0x19d: {  	v28 =	vadd.f32 v61, v31;
	v61 =	vshll.u32 v50, $0x10;
	v62 =	vshll.u32 v52, $0x10  }
0x19e: {  	v57 =	vld [tilespmem:s12+$0x5E0];
	v37 =	vand.u32 $0xFFFF0000, v52;
	v63 =	vsel vm4, v40, v34;
	v40 =	vand.u32 $0xFFFF0000, v47  }
0x19f: {  	v59 =	vld [tilespmem:s12+$0x45E0];
	v47 =	vand.u32 $0xFFFF0000, v46;
	v34 =	vadd.f32 v49, v48;
	v53 =	vshll.u32 v44, $0x10  }
0x1a0: {  	v38 =	vand.u32 $0xFFFF0000, v44;
	v48 =	vshll.u32 v55, $0x10;
	v29 =	vadd.f32 v63, v32  }
0x1a1: {  	v52 =	vld [tilespmem:s12+$0x45F0];
	v49 =	vand.u32 $0xFFFF0000, v55;
	v39 =	vpop (erf);
	v45 =	vadd.f32 v41, v40;
	v30 =	vadd.f32 v38, v30  }
0x1a2: {  	v31 =	vadd.f32 $-1.000000000e+00, v39;
	v34 =	vadd.f32 v53, v34;
	v39 =	vand.u32 $0xFFFF0000, v50  }
0x1a3: {  	v55 =	vld [tilespmem:s12+$0x85F0];
	v50 =	vshll.u32 v57, $0x10;
	v32 =	vadd.f32 v47, v45;
	v60 =	vmul.f32 $1.442695020e+00, v30  }
0x1a4: {  	v63 =	vld [tilespmem:s12+$0x85E0];
	v37 =	vadd.f32 v37, v39;
	v38 =	vand.u32 $0xFFFF0000, v59;
	vm9 =	vgt.f32 v30, $0.0e+00  }
0x1a5: {  	v31 =	vsel vm5, v42, v31;
	v51 =	vpop (erf);
	v58 =	vmul.f32 $1.442695020e+00, v34;
	v42 =	vadd.f32 v62, v61  }
0x1a6: {  	v61 =	vshll.u32 v52, $0x10;
	vm8 =	vgt.f32 v34, $0.0e+00;
	v40 =	vadd.f32 $-1.000000000e+00, v51  }
0x1a7: {  	v54 =	vmul.f32 $1.442695020e+00, v32;
	v31 =	vadd.f32 v31, v33;
	v37 =	vadd.f32 v49, v37  }
0x1a8: {  	v51 =	vshll.u32 v59, $0x10;
	vm7 =	vgt.f32 v32, $0.0e+00;
	v44 =	vand.u32 $0xFFFF0000, v55  }
0x1a9: {  	v36 =	vadd.f32 v48, v42;
	v39 =	vadd.f32 v51, v50;
	v53 =	vshll.u32 v63, $0x10  }
0x1aa: {  	v41 =	vld [tilespmem:s12+$0x5F0];
	v56 =	vsel vm6, v35, v40;
	(erf) = vpow2.f32 v54;
	v35 =	vand.u32 $0xFFFF0000, v57  }
0x1ab: {  	v54 =	vmul.f32 $1.442695020e+00, v37;
	v40 =	vand.u32 $0xFFFF0000, v52;
	vm11 =	vgt.f32 v37, $0.0e+00  }
0x1ac: {  	v33 =	vadd.f32 v56, v43;
	(erf) = vpow2.f32 v58;
	v42 =	vmul.f32 $1.442695020e+00, v36  }
0x1ad: {  	v48 =	vld [tilespmem:s12+$0x4600];
	v35 =	vadd.f32 v38, v35;
	v43 =	vand.u32 $0xFFFF0000, v63;
	v39 =	vadd.f32 v53, v39  }
0x1ae: {  	v63 =	vshll.u32 v55, $0x10;
	vm10 =	vgt.f32 v36, $0.0e+00;
	(erf) = vpow2.f32 v60  }
0x1af: {  	v60 =	vshll.u32 v41, $0x10;
	v41 =	vand.u32 $0xFFFF0000, v41;
	v35 =	vadd.f32 v43, v35;
	v43 =	vld [tilespmem:s12+$0x600]  }
0x1b0: {  	(erf) = vpow2.f32 v42;
	v62 =	vadd.f32 v61, v60;
	v40 =	vadd.f32 v40, v41  }
0x1b1: {  	v45 =	vld [tilespmem:s12+$0x8600];
	v58 =	vmul.f32 $1.442695020e+00, v39;
	vm12 =	vgt.f32 v39, $0.0e+00;
	(erf) = vpow2.f32 v54  }
0x1b2: {  	v53 =	vshll.u32 v48, $0x10;
	v38 =	vadd.f32 v63, v62;
	v40 =	vadd.f32 v44, v40  }
0x1b3: {  	v59 =	vmul.f32 $1.442695020e+00, v35;
	(erf) = vpow2.f32 v58;
	vm13 =	vgt.f32 v35, $0.0e+00  }
0x1b4: {  	v51 =	vmul.f32 $1.442695020e+00, v38;
	v58 =	vmul.f32 $1.442695020e+00, v40;
	v52 =	vshll.u32 v43, $0x10  }
0x1b5: {  	vm14 =	vgt.f32 v38, $0.0e+00;
	v56 =	vpop (erf);
	(erf) = vpow2.f32 v59;
	v55 =	vadd.f32 v53, v52  }
0x1b6: {  	v44 =	vld [tilespmem:s12+$0x610];
	vm15 =	vgt.f32 v40, $0.0e+00;
	v57 =	vadd.f32 $-1.000000000e+00, v56;
	v49 =	vpop (erf);
	v56 =	vshll.u32 v45, $0x10  }
0x1b7: {  	v52 =	vld [tilespmem:s12+$0x4610];
	v50 =	vadd.f32 $-1.000000000e+00, v49;
	v54 =	vpop (erf);
	(erf) = vpow2.f32 v51;
	v41 =	vadd.f32 v56, v55  }
0x1b8: {  	v56 =	vand.u32 $0xFFFF0000, v43;
	v32 =	vsel vm7, v32, v57;
	v42 =	vadd.f32 $-1.000000000e+00, v54  }
0x1b9: {  	v34 =	vsel vm8, v34, v50;
	v32 =	vadd.f32 v32, v25;
	v61 =	vmul.f32 $1.442695020e+00, v41  }
0x1ba: {  	vm4 =	vgt.f32 v41, $0.0e+00;
	v57 =	vpop (erf);
	v30 =	vsel vm9, v30, v42;
	(erf) = vpow2.f32 v58  }
0x1bb: {  	v25 =	vadd.f32 v34, v24;
	v58 =	vshll.u32 v44, $0x10;
	v44 =	vand.u32 $0xFFFF0000, v44  }
0x1bc: {  	v42 =	vand.u32 $0xFFFF0000, v52;
	v59 =	vadd.f32 $-1.000000000e+00, v57;
	v60 =	vpop (erf);
	v30 =	vadd.f32 v30, v26  }
0x1bd: {  	v57 =	vand.u32 $0xFFFF0000, v48;
	v48 =	vld [tilespmem:s12+$0x8620];
	v42 =	vadd.f32 v42, v44;
	v63 =	vadd.f32 $-1.000000000e+00, v60;
	v49 =	vpop (erf)  }
0x1be: {  	v60 =	vld [tilespmem:s12+$0x620];
	v62 =	vsel vm10, v36, v59;
	v36 =	vadd.f32 $-1.000000000e+00, v49;
	v59 =	vshll.u32 v52, $0x10;
	v50 =	vpop (erf)  }
0x1bf: {  	v52 =	vld [tilespmem:s12+$0x4630];
	(erf) = vpow2.f32 v61;
	v34 =	vsel vm11, v37, v63;
	v51 =	vadd.f32 $-1.000000000e+00, v50  }
0x1c0: {  	v63 =	vld [tilespmem:s12+$0x4620];
	v53 =	vsel vm12, v39, v36;
	v36 =	vadd.f32 v62, v27;
	v27 =	vadd.f32 v34, v28  }
0x1c1: {  	v28 =	vld [tilespmem:s12+$0x8610];
	v62 =	vand.u32 $0xFFFF0000, v45;
	v34 =	vadd.f32 v59, v58;
	v26 =	vadd.f32 v53, v29;
	v55 =	vpop (erf)  }
0x1c2: {  	v39 =	vand.u32 $0xFFFF0000, v48;
	v54 =	vsel vm13, v35, v51;
	v29 =	vadd.f32 $-1.000000000e+00, v55  }
0x1c3: {  	v50 =	vld [tilespmem:s12+$0x630];
	v53 =	vshll.u32 v60, $0x10;
	v37 =	vand.u32 $0xFFFF0000, v60;
	v24 =	vadd.f32 v54, v31  }
0x1c4: {  	v31 =	vadd.f32 v57, v56;
	v57 =	vshll.u32 v48, $0x10;
	v59 =	vshll.u32 v52, $0x10  }
0x1c5: {  	v29 =	vsel vm14, v38, v29;
	v61 =	vpop (erf);
	v54 =	vshll.u32 v63, $0x10;
	v35 =	vand.u32 $0xFFFF0000, v63  }
0x1c6: {  	v38 =	vadd.f32 $-1.000000000e+00, v61;
	v31 =	vadd.f32 v62, v31;
	v46 =	vshll.u32 v28, $0x10  }
0x1c7: {  	v29 =	vadd.f32 v29, v33;
	v28 =	vand.u32 $0xFFFF0000, v28;
	v55 =	vadd.f32 v54, v53  }
0x1c8: {  	v56 =	vld [tilespmem:s12+$0x8630];
	v35 =	vadd.f32 v35, v37;
	v58 =	vshll.u32 v50, $0x10;
	v34 =	vadd.f32 v46, v34  }
0x1c9: {  	v43 =	vand.u32 $0xFFFF0000, v50;
	v28 =	vadd.f32 v28, v42;
	v37 =	vadd.f32 v59, v58  }
0x1ca: {  	v46 =	vand.u32 $0xFFFF0000, v52;
	v38 =	vsel vm15, v40, v38;
	v40 =	vadd.f32 v57, v55  }
0x1cb: {  	v63 =	vld [tilespmem:s12+$0x640];
	v49 =	vmul.f32 $1.442695020e+00, v31;
	v35 =	vadd.f32 v39, v35;
	v43 =	vadd.f32 v46, v43  }
0x1cc: {  	v54 =	vld [tilespmem:s12+$0x8640];
	vm5 =	vgt.f32 v31, $0.0e+00;
	v51 =	vmul.f32 $1.442695020e+00, v34;
	v60 =	vmul.f32 $1.442695020e+00, v28  }
0x1cd: {  	v47 =	vpop (erf);
	v62 =	vshll.u32 v56, $0x10;
	v55 =	vand.u32 $0xFFFF0000, v56;
	v32 =	vadd.f32 v38, v32  }
0x1ce: {  	v52 =	vld [tilespmem:s12+$0x4640];
	vm6 =	vgt.f32 v34, $0.0e+00;
	vm7 =	vgt.f32 v28, $0.0e+00;
	v33 =	vadd.f32 $-1.000000000e+00, v47  }
0x1cf: {  	v58 =	vld [tilespmem:s12+$0x4650];
	(erf) = vpow2.f32 v49;
	v61 =	vmul.f32 $1.442695020e+00, v40;
	v37 =	vadd.f32 v62, v37  }
0x1d0: {  	v57 =	vld [tilespmem:s12+$0x650];
	v53 =	vmul.f32 $1.442695020e+00, v35;
	v42 =	vadd.f32 v55, v43;
	(erf) = vpow2.f32 v51  }
0x1d1: {  	v47 =	vand.u32 $0xFFFF0000, v63;
	v46 =	vand.u32 $0xFFFF0000, v54;
	(erf) = vpow2.f32 v60  }
0x1d2: {  	v56 =	vmul.f32 $1.442695020e+00, v37;
	v33 =	vsel vm4, v41, v33;
	v59 =	vmul.f32 $1.442695020e+00, v42  }
0x1d3: {  	v62 =	vld [tilespmem:s12+$0x8650];
	v60 =	vshll.u32 v63, $0x10;
	v39 =	vand.u32 $0xFFFF0000, v52;
	v63 =	vshll.u32 v54, $0x10  }
0x1d4: {  	v50 =	vshll.u32 v58, $0x10;
	(erf) = vpow2.f32 v61;
	v61 =	vshll.u32 v52, $0x10  }
0x1d5: {  	v43 =	vand.u32 $0xFFFF0000, v58;
	v49 =	vshll.u32 v57, $0x10;
	v41 =	vadd.f32 v61, v60  }
0x1d6: {  	v39 =	vadd.f32 v39, v47;
	v52 =	vand.u32 $0xFFFF0000, v57;
	v51 =	vadd.f32 v50, v49  }
0x1d7: {  	(erf) = vpow2.f32 v53;
	v43 =	vadd.f32 v43, v52;
	v41 =	vadd.f32 v63, v41  }
0x1d8: {  	(erf) = vpow2.f32 v56;
	v38 =	vadd.f32 v46, v39;
	v53 =	vshll.u32 v62, $0x10  }
0x1d9: {  	v45 =	vand.u32 $0xFFFF0000, v62;
	v39 =	vadd.f32 v53, v51;
	v55 =	vmul.f32 $1.442695020e+00, v41  }
0x1da: {  	(erf) = vpow2.f32 v59;
	v43 =	vadd.f32 v45, v43;
	v57 =	vmul.f32 $1.442695020e+00, v38  }
0x1db: {  	vm8 =	vgt.f32 v40, $0.0e+00;
	v58 =	vmul.f32 $1.442695020e+00, v39;
	v54 =	vpop (erf);
	(erf) = vpow2.f32 v55  }
0x1dc: {  	vm9 =	vgt.f32 v35, $0.0e+00;
	v59 =	vmul.f32 $1.442695020e+00, v43;
	v56 =	vpop (erf);
	(erf) = vpow2.f32 v57  }
0x1dd: {  	vm10 =	vgt.f32 v37, $0.0e+00;
	vm11 =	vgt.f32 v42, $0.0e+00;
	v60 =	vpop (erf);
	(erf) = vpow2.f32 v58  }
0x1de: {  	v25 =	vadd.f32 v33, v25;
	v46 =	vadd.f32 $-1.000000000e+00, v54;
	v62 =	vpop (erf);
	(erf) = vpow2.f32 v59  }
0x1df: {  	vm13 =	vgt.f32 v38, $0.0e+00;
	vm12 =	vgt.f32 v41, $0.0e+00;
	v44 =	vadd.f32 $-1.000000000e+00, v56  }
0x1e0: {  	vm14 =	vgt.f32 v39, $0.0e+00;
	v31 =	vsel vm5, v31, v46;
	v61 =	vadd.f32 $-1.000000000e+00, v60  }
0x1e1: {  	v34 =	vsel vm6, v34, v44;
	v30 =	vadd.f32 v31, v30;
	v63 =	vpop (erf);
	v33 =	vadd.f32 $-1.000000000e+00, v62  }
0x1e2: {  	v34 =	vadd.f32 v34, v36;
	v28 =	vsel vm7, v28, v61;
	v46 =	vadd.f32 $-1.000000000e+00, v63;
	v47 =	vpop (erf)  }
0x1e3: {  	v27 =	vadd.f32 v28, v27;
	v48 =	vsel vm8, v40, v33;
	v49 =	vpop (erf);
	v50 =	vadd.f32 $-1.000000000e+00, v47  }
0x1e4: {  	v31 =	vsel vm9, v35, v46;
	v26 =	vadd.f32 v48, v26;
	v52 =	vadd.f32 $-1.000000000e+00, v49;
	v51 =	vpop (erf)  }
0x1e5: {  	v24 =	vadd.f32 v31, v24;
	v28 =	vsel vm10, v37, v50;
	v53 =	vadd.f32 $-1.000000000e+00, v51;
	v54 =	vpop (erf)  }
0x1e6: {  	v28 =	vadd.f32 v28, v29;
	v55 =	vsel vm11, v42, v52;
	[tilespmem:s2+$0xFFFFFFC0] =	vst v26;
	v56 =	vpop (erf);
	v58 =	vadd.f32 $-1.000000000e+00, v54  }
0x1e7: {  	v29 =	vadd.f32 v55, v32;
	[tilespmem:s2+$0xFFFFFFD0] =	vst v24;
	v57 =	vsel vm12, v41, v53;
	v59 =	vadd.f32 $-1.000000000e+00, v56;
	v60 =	vpop (erf)  }
0x1e8: {  	p1 =	sne.s32 s4, $0x7800;
	[tilespmem:s2+$0xFFFFFFE0] =	vst v28;
	v25 =	vadd.f32 v57, v25;
	v61 =	vsel vm13, v38, v58;
	v31 =	vadd.f32 $-1.000000000e+00, v60  }
.Ltmp0:
0x1e9: {  	vm15 =	vgt.f32 v43, $0.0e+00;
	[tilespmem:s2+$0xFFFFFFF0] =	vst v29;
	v24 =	vadd.f32 v61, v30;
	v26 =	vsel vm14, v39, v59;
	(pc) =	sbr.rel @p1 .LBB2_3-.Ltmp0, $4  }
0x1ea: {  	v26 =	vadd.f32 v26, v34;
	v62 =	vsel vm15, v43, v31;
	[tilespmem:s2+$0x0] =	vst v25  }
0x1eb: {  	v63 =	vadd.f32 v62, v27;
	[tilespmem:s2+$0x10] =	vst v24  }
0x1ec: {  	[tilespmem:s2+$0x20] =	vst v26  }
0x1ed: {  	s4 =	sadd.s32 $0x800, s4;
	[tilespmem:s2+$0x30] =	vst v63;
	s2 =	sadd.s32 $0x80, s2  }
0x1ee: {  	s4 =	sshll.u32 s31, $0x8  }
0x1ef: {  	s2 =	sadd.s32 s10, s4  }
0x1f0: {  	[hbm4b:s2+s3] =	stream.linear.scatter [tilespmem:s19], [sflag:$0x5], $0x800, $0x38;
	[tilespmem:$0xE460] =	vst v63  }
0x1f1: {  	s13 =	sadd.s32 s11, s4  }
0x1f2: {  	[hbm4b:s13+s3] =	stream.linear.scatter [tilespmem:s26], [sflag:$0x5], $0x800, $0x38;
	[tilespmem:$0xE460] =	vst v63  }
0x1f3: {  	_ =	swait.ge [sflag:s21], $0x800  }
.Ltmp1:
0x1f4: {  	[sflag:s21] =	ssyncset.done $0x0;
	(pc) =	sbr.rel @p0 .LBB2_6-.Ltmp1, $4  }
0x1f5: {  	[sflag:s21] =	ssyncadd.s32 $0xFFFFF800  }
0x1f6: {  	_ =	swait.ge [sflag:s21], $0x800  }
0x1f7: {  	[sflag:s21] =	ssyncset.done $0x0  }
0x1f8: {  	[sflag:s21] =	ssyncadd.s32 $0xFFFFF800  }
0x1f9: {  	_ =	swait.ge [sflag:s24], $0xA0  }
0x1fa: {  	[sflag:s24] =	ssyncset.done $0x0  }
0x1fb: {  	[sflag:s24] =	ssyncadd.s32 $0xFFFFFF60  }
0x1fc: {  	_ =	swait.ge [sflag:s24], $0x10  }
0x1fd: {  	[sflag:s24] =	ssyncset.done $0x0  }
0x1fe: {  	[sflag:s24] =	ssyncadd.s32 $0xFFFFFFF0  }
0x1ff: {  	v24 =	vld.idx.msk [tilespmem:v16+s16+$0x0], $0xffff;
	_ =	sdelay $0x4  }
0x200: {  	[tilespmem:$0x0] =	vst v24  }
0x201: {  	v24 =	vld.idx.msk [tilespmem:v0+s16+$0x0], $0xffff;
	_ =	sdelay $0x4  }
0x202: {  	[tilespmem:$0x10] =	vst v24  }
0x203: {  	v24 =	vld.idx.msk [tilespmem:v1+s16+$0x0], $0xffff;
	_ =	sdelay $0x4  }
0x204: {  	[tilespmem:$0x20] =	vst v24  }
0x205: {  	v24 =	vld.idx.msk [tilespmem:v2+s16+$0x0], $0xffff;
	_ =	sdelay $0x4  }
0x206: {  	[tilespmem:$0x30] =	vst v24  }
0x207: {  	v24 =	vld.idx.msk [tilespmem:v3+s16+$0x0], $0xffff;
	_ =	sdelay $0x4  }
0x208: {  	[tilespmem:$0x40] =	vst v24  }
0x209: {  	v24 =	vld.idx.msk [tilespmem:v4+s16+$0x0], $0xffff;
	_ =	sdelay $0x4  }
0x20a: {  	[tilespmem:$0x50] =	vst v24  }
0x20b: {  	v24 =	vld.idx.msk [tilespmem:v17+s16+$0x0], $0xffff;
	_ =	sdelay $0x4  }
0x20c: {  	[tilespmem:$0x60] =	vst v24  }
0x20d: {  	v24 =	vld.idx.msk [tilespmem:v18+s16+$0x0], $0xffff;
	_ =	sdelay $0x4  }
0x20e: {  	[tilespmem:$0x70] =	vst v24  }
0x20f: {  	v24 =	vld.idx.msk [tilespmem:v5+s16+$0x0], $0xffff;
	_ =	sdelay $0x4  }
0x210: {  	[tilespmem:$0x80] =	vst v24  }
0x211: {  	v24 =	vld.idx.msk [tilespmem:v6+s16+$0x0], $0xffff;
	_ =	sdelay $0x4  }
0x212: {  	[tilespmem:$0x90] =	vst v24  }
0x213: {  	v24 =	vld.idx.msk [tilespmem:v7+s16+$0x0], $0xffff;
	_ =	sdelay $0x4  }
0x214: {  	[tilespmem:$0xA0] =	vst v24  }
0x215: {  	v24 =	vld.idx.msk [tilespmem:v8+s16+$0x0], $0xffff;
	_ =	sdelay $0x4  }
0x216: {  	[tilespmem:$0xB0] =	vst v24  }
0x217: {  	v24 =	vld.idx.msk [tilespmem:v9+s16+$0x0], $0xffff;
	_ =	sdelay $0x4  }
0x218: {  	[tilespmem:$0xC0] =	vst v24  }
0x219: {  	v24 =	vld.idx.msk [tilespmem:v10+s16+$0x0], $0xffff;
	_ =	sdelay $0x4  }
0x21a: {  	[tilespmem:$0xD0] =	vst v24  }
0x21b: {  	v24 =	vld.idx.msk [tilespmem:v19+s16+$0x0], $0xffff;
	_ =	sdelay $0x4  }
0x21c: {  	[tilespmem:$0xE0] =	vst v24  }
0x21d: {  	v24 =	vld.idx.msk [tilespmem:v20+s16+$0x0], $0xffff;
	_ =	sdelay $0x4  }
0x21e: {  	[tilespmem:$0xF0] =	vst v24  }
0x21f: {  	v24 =	vld.idx.msk [tilespmem:v11+s16+$0x0], $0xffff;
	_ =	sdelay $0x4  }
0x220: {  	[tilespmem:$0x100] =	vst v24  }
0x221: {  	v24 =	vld.idx.msk [tilespmem:v12+s16+$0x0], $0xffff;
	_ =	sdelay $0x4  }
0x222: {  	[tilespmem:$0x110] =	vst v24  }
0x223: {  	v24 =	vld.idx.msk [tilespmem:v13+s16+$0x0], $0xffff;
	_ =	sdelay $0x4  }
0x224: {  	[tilespmem:$0x120] =	vst v24  }
0x225: {  	v24 =	vld.idx.msk [tilespmem:v14+s16+$0x0], $0xffff;
	_ =	sdelay $0x4  }
0x226: {  	[tilespmem:$0x130] =	vst v24  }
0x227: {  	v24 =	vld.idx.msk [tilespmem:v15+s16+$0x0], $0xffff;
	_ =	sdelay $0x4  }
0x228: {  	[tilespmem:$0x140] =	vst v24  }
0x229: {  	v24 =	vld.idx.msk [tilespmem:v21+s16+$0x0], $0xffff;
	_ =	sdelay $0x4  }
0x22a: {  	[tilespmem:$0x150] =	vst v24  }
0x22b: {  	v24 =	vld.idx.msk [tilespmem:v22+s16+$0x0], $0xffff;
	_ =	sdelay $0x4  }
0x22c: {  	[tilespmem:$0x160] =	vst v24  }
0x22d: {  	v24 =	vld.idx.msk [tilespmem:v23+s16+$0x0], $0xffff;
	_ =	sdelay $0x4  }
0x22e: {  	s2 =	simm.s32 $0x460;
	[tilespmem:$0x170] =	vst v24  }
0x22f: {  	[tilespmem:s2], [sflag:$0x3] =	stream.indirect.gather [hbm4b:s0+s20], $0x40, s3, s20, $0xb8;
	[tilespmem:$0xE460] =	vst v63  }
0x230: {  	s12 =	simm.s32 $0x4460  }
0x231: {  	[tilespmem:s12], [sflag:$0x3] =	stream.indirect.gather [hbm4b:s5+s20], $0x40, s20, s20, $0xb8;
	[tilespmem:$0xE460] =	vst v63  }
0x232: {  	s13 =	simm.s32 $0x100;
	s12 =	simm.s32 $0x8460  }
0x233: {  	[tilespmem:s12], [sflag:$0x3] =	stream.indirect.gather [hbm4b:s7+s20], $0x40, s13, s20, $0xb8;
	[tilespmem:$0xE460] =	vst v63  }
0x234: {  	s13 =	simm.s32 $0x440  }
0x235: {  	[tilespmem:s26], [sflag:$0x3] =	stream.indirect.gather [hbm4b:s1+s25], $0x80, s13, s25, $0xb8;
	[tilespmem:$0xE460] =	vst v63  }
.LBB2_6:
0x236: {  	_ =	swait.ge [sflag:s22], $0x2000  }
0x237: {  	[sflag:s22] =	ssyncset.done $0x0  }
0x238: {  	[sflag:s22] =	ssyncadd.s32 $0xFFFFE000  }
0x239: {  	_ =	swait.ge [sflag:s22], $0x2000  }
0x23a: {  	[sflag:s22] =	ssyncset.done $0x0  }
0x23b: {  	[sflag:s22] =	ssyncadd.s32 $0xFFFFE000  }
0x23c: {  	_ =	swait.ge [sflag:s22], $0x2000  }
0x23d: {  	[sflag:s22] =	ssyncset.done $0x0  }
0x23e: {  	s2 =	sadd.s32 @!p0 $0x3, s31;
	[sflag:s22] =	ssyncadd.s32 $0xFFFFE000  }
0x23f: {  	s13 =	simm.s32 @!p0 $0x0;
	s12 =	smul.u32 @!p0 $0x14, s2;
	_ =	swait.ge [sflag:s22], $0x800  }
0x240: {  	s31 =	simm.s32 @!p0 $0x3A0;
	s2 =	sshll.u32 @!p0 s2, $0x1;
	[sflag:s22] =	ssyncset.done $0x0  }
0x241: {  	s2 =	sand.u32 @!p0 $0x1FFFFFFE, s2;
	s12 =	sadd.s32 @!p0 s8, s12;
	[sflag:s22] =	ssyncadd.s32 $0xFFFFF800  }
0x242: {  	[tilespmem:s31], [sflag:$0x2] =	stream.linear.gather @!p0 [hbm4b:s12+s13], $0xA0, $0x38;
	[tilespmem:$0xE460] =	vst v63  }
0x243: {  	s2 =	sadd.s32 @!p0 s9, s2;
	s12 =	simm.s32 @!p0 $0x450  }
0x244: {  	[tilespmem:s12], [sflag:$0x2] =	stream.linear.gather @!p0 [hbm4b:s2+s13], $0x10, $0x38;
	[tilespmem:$0xE460] =	vst v63  }
0x245: {  	s31 =	simm.s32 $0x0;
	s2 =	simm.s32 $0xDCA0  }
.LBB2_7:
0x246: {  	s12 =	sshra.s32 s31, $0x2  }
0x247: {  	v24 =	vld [tilespmem:s12+$0x2460]  }
0x248: {  	v25 =	vld [tilespmem:s12+$0x6460]  }
0x249: {  	v26 =	vld [tilespmem:s12+$0xA460]  }
0x24a: {  	v27 =	vld [tilespmem:s12+$0x2470]  }
0x24b: {  	v30 =	vld [tilespmem:s12+$0x6470]  }
0x24c: {  	v31 =	vld [tilespmem:s12+$0xA470]  }
0x24d: {  	v59 =	vld [tilespmem:s12+$0x2480]  }
0x24e: {  	v33 =	vld [tilespmem:s12+$0x6480]  }
0x24f: {  	v63 =	vld [tilespmem:s12+$0xA480];
	v28 =	vshll.u32 v24, $0x10;
	v29 =	vshll.u32 v25, $0x10  }
0x250: {  	v35 =	vld [tilespmem:s12+$0x2490];
	v53 =	vshll.u32 v26, $0x10;
	v24 =	vand.u32 $0xFFFF0000, v24;
	v25 =	vand.u32 $0xFFFF0000, v25  }
0x251: {  	v43 =	vld [tilespmem:s12+$0x6490];
	v26 =	vand.u32 $0xFFFF0000, v26;
	v55 =	vshll.u32 v27, $0x10;
	v32 =	vshll.u32 v30, $0x10  }
0x252: {  	v57 =	vshll.u32 v31, $0x10;
	v27 =	vand.u32 $0xFFFF0000, v27;
	v62 =	vand.u32 $0xFFFF0000, v30  }
0x253: {  	v39 =	vand.u32 $0xFFFF0000, v31;
	v41 =	vshll.u32 v59, $0x10;
	v34 =	vshll.u32 v33, $0x10  }
0x254: {  	v45 =	vld [tilespmem:s12+$0xA490];
	v37 =	vshll.u32 v63, $0x10;
	v33 =	vand.u32 $0xFFFF0000, v33;
	v30 =	vand.u32 $0xFFFF0000, v63  }
0x255: {  	v48 =	vld [tilespmem:s12+$0x64A0];
	v49 =	vshll.u32 v35, $0x10;
	v35 =	vand.u32 $0xFFFF0000, v35;
	v28 =	vadd.f32 v29, v28  }
0x256: {  	v31 =	vand.u32 $0xFFFF0000, v43;
	v24 =	vadd.f32 v25, v24;
	v56 =	vadd.f32 v32, v55  }
0x257: {  	v27 =	vadd.f32 v62, v27;
	v29 =	vand.u32 $0xFFFF0000, v59;
	v31 =	vadd.f32 v31, v35  }
0x258: {  	v50 =	vshll.u32 v43, $0x10;
	v29 =	vadd.f32 v33, v29;
	v28 =	vadd.f32 v53, v28  }
0x259: {  	v52 =	vshll.u32 v45, $0x10;
	v26 =	vadd.f32 v26, v24;
	v32 =	vadd.f32 v57, v56  }
0x25a: {  	v46 =	vld [tilespmem:s12+$0x24A0];
	v55 =	vshll.u32 v48, $0x10;
	v27 =	vadd.f32 v39, v27;
	v29 =	vadd.f32 v30, v29  }
0x25b: {  	v30 =	vadd.f32 v50, v49;
	v54 =	vmul.f32 $1.442695020e+00, v28;
	v58 =	vmul.f32 $1.442695020e+00, v26  }
0x25c: {  	v24 =	vmul.f32 $1.442695020e+00, v32;
	v61 =	vadd.f32 $0.0e+00, v28;
	vm0 =	vgt.f32 v28, $0.0e+00  }
0x25d: {  	v59 =	vld [tilespmem:s12+$0x24C0];
	vm13 =	vgt.f32 v26, $0.0e+00;
	v26 =	vadd.f32 $0.0e+00, v26;
	v28 =	vadd.f32 v34, v41  }
0x25e: {  	v44 =	vadd.f32 $0.0e+00, v32;
	v36 =	vmul.f32 $1.442695020e+00, v27;
	vm14 =	vgt.f32 v32, $0.0e+00  }
0x25f: {  	vm15 =	vgt.f32 v27, $0.0e+00;
	v32 =	vand.u32 $0xFFFF0000, v46;
	(erf) = vpow2.f32 v54  }
0x260: {  	v51 =	vld [tilespmem:s12+$0xA4A0];
	v34 =	vand.u32 $0xFFFF0000, v48;
	v27 =	vadd.f32 $0.0e+00, v27;
	(erf) = vpow2.f32 v58  }
0x261: {  	v56 =	vld [tilespmem:s12+$0x64B0];
	v53 =	vmul.f32 $1.442695020e+00, v29;
	v30 =	vadd.f32 v52, v30;
	(erf) = vpow2.f32 v24  }
0x262: {  	v63 =	vld [tilespmem:s12+$0xA4C0];
	v32 =	vadd.f32 v34, v32;
	v49 =	vshll.u32 v59, $0x10;
	v28 =	vadd.f32 v37, v28  }
0x263: {  	v34 =	vand.u32 $0xFFFF0000, v59;
	vm5 =	vgt.f32 v29, $0.0e+00;
	(erf) = vpow2.f32 v36  }
0x264: {  	v37 =	vand.u32 $0xFFFF0000, v45;
	v54 =	vshll.u32 v46, $0x10;
	v58 =	vld [tilespmem:s12+$0xA4B0];
	v47 =	vmul.f32 $1.442695020e+00, v28  }
0x265: {  	v31 =	vadd.f32 v37, v31;
	v33 =	vadd.f32 v55, v54;
	v57 =	vmul.f32 $1.442695020e+00, v30  }
0x266: {  	v35 =	vand.u32 $0xFFFF0000, v56;
	v36 =	vand.u32 $0xFFFF0000, v51;
	(erf) = vpow2.f32 v47  }
0x267: {  	v37 =	vand.u32 $0xFFFF0000, v63;
	vm6 =	vgt.f32 v30, $0.0e+00;
	v32 =	vadd.f32 v36, v32  }
0x268: {  	v45 =	vadd.f32 $0.0e+00, v28;
	vm4 =	vgt.f32 v28, $0.0e+00;
	v39 =	vmul.f32 $1.442695020e+00, v31;
	v60 =	vpop (erf)  }
0x269: {  	v48 =	vmul.f32 $1.442695020e+00, v32;
	v43 =	vshll.u32 v58, $0x10;
	v24 =	vadd.f32 $-1.000000000e+00, v60;
	v38 =	vpop (erf)  }
0x26a: {  	vm8 =	vgt.f32 v32, $0.0e+00;
	(erf) = vpow2.f32 v53;
	v25 =	vadd.f32 $-1.000000000e+00, v38;
	v40 =	vpop (erf)  }
0x26b: {  	v38 =	vld [tilespmem:s12+$0x24B0];
	(erf) = vpow2.f32 v57;
	v24 =	vsel vm0, v61, v24;
	v42 =	vadd.f32 $-1.000000000e+00, v40  }
0x26c: {  	v40 =	vshll.u32 v51, $0x10;
	v41 =	vpop (erf);
	(erf) = vpow2.f32 v39;
	v51 =	vshll.u32 v63, $0x10  }
0x26d: {  	v61 =	vld [tilespmem:s12+$0x64C0];
	v25 =	vsel vm13, v26, v25;
	v33 =	vadd.f32 v40, v33;
	v41 =	vadd.f32 $-1.000000000e+00, v41  }
0x26e: {  	v40 =	vand.u32 $0xFFFF0000, v58;
	vm13 =	vgt.f32 v31, $0.0e+00;
	v26 =	vsel vm14, v44, v42  }
0x26f: {  	v53 =	vpop (erf);
	v42 =	vshll.u32 v56, $0x10;
	v60 =	vmul.f32 $1.442695020e+00, v33;
	v27 =	vsel vm15, v27, v41  }
0x270: {  	v41 =	vadd.f32 $-1.000000000e+00, v53;
	vm7 =	vgt.f32 v33, $0.0e+00;
	v62 =	vshll.u32 v38, $0x10  }
0x271: {  	v38 =	vand.u32 $0xFFFF0000, v38;
	(erf) = vpow2.f32 v60;
	v36 =	vadd.f32 v42, v62  }
0x272: {  	v35 =	vadd.f32 v35, v38;
	v50 =	vshll.u32 v61, $0x10;
	v39 =	vand.u32 $0xFFFF0000, v61  }
0x273: {  	v41 =	vsel vm4, v45, v41;
	v38 =	vadd.f32 v50, v49;
	v36 =	vadd.f32 v43, v36  }
0x274: {  	v34 =	vadd.f32 v39, v34;
	v39 =	vld [tilespmem:s12+$0x64D0];
	(erf) = vpow2.f32 v48;
	v35 =	vadd.f32 v40, v35  }
0x275: {  	v62 =	vadd.f32 $0.0e+00, v29;
	v43 =	vld [tilespmem:s12+$0x24D0];
	v38 =	vadd.f32 v51, v38;
	v44 =	vmul.f32 $1.442695020e+00, v36  }
0x276: {  	v48 =	vadd.f32 $0.0e+00, v30;
	v46 =	vpop (erf);
	v34 =	vadd.f32 v37, v34;
	v52 =	vmul.f32 $1.442695020e+00, v35  }
0x277: {  	v37 =	vld [tilespmem:s12+$0xA4D0];
	v59 =	vadd.f32 $-1.000000000e+00, v46;
	v61 =	vpop (erf);
	v54 =	vmul.f32 $1.442695020e+00, v38;
	(erf) = vpow2.f32 v44  }
0x278: {  	v63 =	vadd.f32 $-1.000000000e+00, v61;
	v55 =	vmul.f32 $1.442695020e+00, v34;
	(erf) = vpow2.f32 v52  }
0x279: {  	vm9 =	vgt.f32 v36, $0.0e+00;
	vm10 =	vgt.f32 v35, $0.0e+00;
	(erf) = vpow2.f32 v54  }
0x27a: {  	v57 =	vshll.u32 v39, $0x10;
	v56 =	vshll.u32 v43, $0x10;
	(erf) = vpow2.f32 v55  }
0x27b: {  	v49 =	vpop (erf);
	v28 =	vsel vm5, v62, v59;
	vm11 =	vgt.f32 v38, $0.0e+00;
	v58 =	vadd.f32 v57, v56  }
0x27c: {  	v47 =	vld [tilespmem:s12+$0x64E0];
	v62 =	vadd.f32 $0.0e+00, v31;
	vm12 =	vgt.f32 v34, $0.0e+00;
	v60 =	vshll.u32 v37, $0x10;
	v50 =	vpop (erf)  }
0x27d: {  	v29 =	vsel vm6, v48, v63;
	v63 =	vld [tilespmem:s12+$0x24E0];
	v52 =	vadd.f32 $-1.000000000e+00, v49;
	v40 =	vadd.f32 v60, v58;
	v53 =	vpop (erf)  }
0x27e: {  	v48 =	vand.u32 $0xFFFF0000, v43;
	v30 =	vadd.f32 $-1.000000000e+00, v50;
	v44 =	vadd.f32 $-1.000000000e+00, v53;
	v53 =	vld [tilespmem:s12+$0x64F0]  }
0x27f: {  	v49 =	vand.u32 $0xFFFF0000, v39;
	v37 =	vand.u32 $0xFFFF0000, v37;
	v51 =	vmul.f32 $1.442695020e+00, v40  }
0x280: {  	v30 =	vsel vm7, v33, v30;
	vm14 =	vgt.f32 v40, $0.0e+00;
	v32 =	vsel vm8, v32, v44;
	v54 =	vpop (erf)  }
0x281: {  	v50 =	vld [tilespmem:s12+$0xA4E0];
	v24 =	vadd.f32 v30, v24;
	(erf) = vpow2.f32 v51;
	v55 =	vadd.f32 $-1.000000000e+00, v54;
	v56 =	vpop (erf)  }
0x282: {  	v25 =	vadd.f32 v32, v25;
	v32 =	vand.u32 $0xFFFF0000, v47;
	v54 =	vshll.u32 v63, $0x10;
	v58 =	vpop (erf)  }
0x283: {  	v39 =	vand.u32 $0xFFFF0000, v53;
	v57 =	vadd.f32 $-1.000000000e+00, v56;
	v33 =	vsel vm9, v36, v55;
	v60 =	vpop (erf)  }
0x284: {  	v59 =	vadd.f32 $-1.000000000e+00, v58;
	v55 =	vshll.u32 v47, $0x10;
	v61 =	vadd.f32 $-1.000000000e+00, v60  }
0x285: {  	v35 =	vsel vm10, v35, v57;
	v26 =	vadd.f32 v33, v26;
	v33 =	vadd.f32 v49, v48  }
0x286: {  	v56 =	vld [tilespmem:s12+$0xA4F0];
	v57 =	vshll.u32 v50, $0x10;
	v60 =	vshll.u32 v53, $0x10;
	v36 =	vsel vm11, v38, v59  }
0x287: {  	v27 =	vadd.f32 v35, v27;
	v38 =	vand.u32 $0xFFFF0000, v63;
	v35 =	vand.u32 $0xFFFF0000, v50  }
0x288: {  	v63 =	vld [tilespmem:s12+$0x6500];
	v46 =	vsel vm12, v34, v61;
	v33 =	vadd.f32 v37, v33;
	v37 =	vadd.f32 v55, v54  }
0x289: {  	v31 =	vadd.f32 v36, v41;
	v36 =	vsel vm13, v62, v52;
	v52 =	vld [tilespmem:s12+$0x24F0];
	v32 =	vadd.f32 v32, v38  }
0x28a: {  	v61 =	vld [tilespmem:s12+$0x2500];
	v28 =	vadd.f32 v46, v28;
	v58 =	vmul.f32 $1.442695020e+00, v33;
	v37 =	vadd.f32 v57, v37  }
0x28b: {  	v41 =	vld [tilespmem:s12+$0x6510];
	v50 =	vshll.u32 v56, $0x10;
	v51 =	vpop (erf);
	v32 =	vadd.f32 v35, v32;
	vm15 =	vgt.f32 v33, $0.0e+00  }
0x28c: {  	v30 =	vadd.f32 $-1.000000000e+00, v51;
	(erf) = vpow2.f32 v58;
	v48 =	vmul.f32 $1.442695020e+00, v37  }
0x28d: {  	v38 =	vld [tilespmem:s12+$0x2510];
	v49 =	vmul.f32 $1.442695020e+00, v32;
	v55 =	vshll.u32 v63, $0x10;
	v35 =	vand.u32 $0xFFFF0000, v63  }
0x28e: {  	vm4 =	vgt.f32 v37, $0.0e+00;
	v30 =	vsel vm14, v40, v30;
	v59 =	vshll.u32 v52, $0x10  }
0x28f: {  	v34 =	vand.u32 $0xFFFF0000, v52;
	v52 =	vand.u32 $0xFFFF0000, v56;
	v54 =	vshll.u32 v61, $0x10  }
0x290: {  	v51 =	vld [tilespmem:s12+$0xA500];
	v42 =	vand.u32 $0xFFFF0000, v61;
	v61 =	vshll.u32 v41, $0x10;
	v29 =	vadd.f32 v30, v29  }
0x291: {  	v41 =	vand.u32 $0xFFFF0000, v41;
	v62 =	vadd.f32 v60, v59;
	v34 =	vadd.f32 v39, v34  }
0x292: {  	v56 =	vld [tilespmem:s12+$0xA510];
	v39 =	vadd.f32 v55, v54;
	v60 =	vshll.u32 v38, $0x10;
	v38 =	vand.u32 $0xFFFF0000, v38  }
0x293: {  	vm5 =	vgt.f32 v32, $0.0e+00;
	v35 =	vadd.f32 v35, v42;
	v38 =	vadd.f32 v41, v38  }
0x294: {  	(erf) = vpow2.f32 v48;
	v30 =	vadd.f32 v50, v62;
	v34 =	vadd.f32 v52, v34  }
0x295: {  	v57 =	vshll.u32 v51, $0x10;
	v43 =	vand.u32 $0xFFFF0000, v51;
	v62 =	vadd.f32 v61, v60  }
0x296: {  	v44 =	vld [tilespmem:s12+$0xA520];
	(erf) = vpow2.f32 v49;
	v39 =	vadd.f32 v57, v39;
	v35 =	vadd.f32 v43, v35  }
0x297: {  	v47 =	vld [tilespmem:s12+$0x2520];
	v53 =	vmul.f32 $1.442695020e+00, v30;
	v58 =	vmul.f32 $1.442695020e+00, v34;
	v54 =	vand.u32 $0xFFFF0000, v56  }
0x298: {  	vm6 =	vgt.f32 v30, $0.0e+00;
	vm7 =	vgt.f32 v34, $0.0e+00;
	v63 =	vmul.f32 $1.442695020e+00, v39  }
0x299: {  	v46 =	vld [tilespmem:s12+$0x6520];
	v52 =	vmul.f32 $1.442695020e+00, v35;
	v38 =	vadd.f32 v54, v38;
	vm8 =	vgt.f32 v39, $0.0e+00  }
0x29a: {  	vm9 =	vgt.f32 v35, $0.0e+00;
	(erf) = vpow2.f32 v53;
	v53 =	vshll.u32 v56, $0x10  }
0x29b: {  	(erf) = vpow2.f32 v58;
	v42 =	vadd.f32 v53, v62;
	v57 =	vmul.f32 $1.442695020e+00, v38  }
0x29c: {  	v59 =	vpop (erf);
	v58 =	vshll.u32 v47, $0x10;
	v62 =	vshll.u32 v44, $0x10;
	(erf) = vpow2.f32 v63  }
0x29d: {  	vm11 =	vgt.f32 v38, $0.0e+00;
	v40 =	vadd.f32 $-1.000000000e+00, v59;
	v48 =	vpop (erf);
	v55 =	vmul.f32 $1.442695020e+00, v42  }
0x29e: {  	v59 =	vshll.u32 v46, $0x10;
	(erf) = vpow2.f32 v52;
	v48 =	vadd.f32 $-1.000000000e+00, v48  }
0x29f: {  	v33 =	vsel vm15, v33, v40;
	v60 =	vpop (erf);
	v40 =	vadd.f32 v59, v58;
	(erf) = vpow2.f32 v55  }
0x2a0: {  	vm10 =	vgt.f32 v42, $0.0e+00;
	v33 =	vadd.f32 v33, v36;
	v36 =	vadd.f32 $-1.000000000e+00, v60;
	v55 =	vld [tilespmem:s12+$0x6530]  }
0x2a1: {  	v58 =	vand.u32 $0xFFFF0000, v47;
	v56 =	vsel vm4, v37, v48;
	v37 =	vadd.f32 v62, v40;
	v40 =	vld [tilespmem:s12+$0x2530]  }
0x2a2: {  	v59 =	vand.u32 $0xFFFF0000, v46;
	v60 =	vand.u32 $0xFFFF0000, v44;
	v32 =	vsel vm5, v32, v36  }
0x2a3: {  	v24 =	vadd.f32 v56, v24;
	v49 =	vmul.f32 $1.442695020e+00, v37;
	v25 =	vadd.f32 v32, v25;
	v61 =	vpop (erf)  }
0x2a4: {  	vm12 =	vgt.f32 v37, $0.0e+00;
	(erf) = vpow2.f32 v57;
	v41 =	vadd.f32 $-1.000000000e+00, v61;
	v63 =	vpop (erf)  }
0x2a5: {  	v62 =	vshll.u32 v55, $0x10;
	v45 =	vadd.f32 $-1.000000000e+00, v63;
	v48 =	vpop (erf);
	(erf) = vpow2.f32 v49  }
0x2a6: {  	v61 =	vshll.u32 v40, $0x10;
	v40 =	vand.u32 $0xFFFF0000, v40;
	v51 =	vadd.f32 $-1.000000000e+00, v48  }
0x2a7: {  	v63 =	vld [tilespmem:s12+$0x2540];
	v30 =	vsel vm6, v30, v41;
	v52 =	vpop (erf);
	v47 =	vadd.f32 v62, v61;
	v50 =	vsel vm7, v34, v45  }
0x2a8: {  	v36 =	vadd.f32 $-1.000000000e+00, v52;
	v26 =	vadd.f32 v30, v26;
	v45 =	vld [tilespmem:s12+$0xA530];
	v53 =	vsel vm8, v39, v51;
	v54 =	vpop (erf)  }
0x2a9: {  	v52 =	vld [tilespmem:s12+$0xA540];
	v27 =	vadd.f32 v50, v27;
	v39 =	vand.u32 $0xFFFF0000, v55;
	v34 =	vadd.f32 $-1.000000000e+00, v54  }
0x2aa: {  	v48 =	vld [tilespmem:s12+$0x6540];
	v43 =	vsel vm9, v35, v36;
	v30 =	vadd.f32 v53, v31;
	v35 =	vadd.f32 v59, v58  }
0x2ab: {  	v55 =	vld [tilespmem:s12+$0x6550];
	v39 =	vadd.f32 v39, v40;
	v28 =	vadd.f32 v43, v28;
	v56 =	vsel vm10, v42, v34  }
0x2ac: {  	v43 =	vand.u32 $0xFFFF0000, v63;
	v35 =	vadd.f32 v60, v35;
	v29 =	vadd.f32 v56, v29  }
0x2ad: {  	v53 =	vld [tilespmem:s12+$0x2550];
	v57 =	vpop (erf);
	v49 =	vshll.u32 v45, $0x10;
	v31 =	vand.u32 $0xFFFF0000, v45;
	v56 =	vshll.u32 v63, $0x10  }
0x2ae: {  	v59 =	vld [tilespmem:s12+$0xA550];
	v60 =	vshll.u32 v52, $0x10;
	v36 =	vand.u32 $0xFFFF0000, v52;
	v34 =	vadd.f32 $-1.000000000e+00, v57  }
0x2af: {  	v51 =	vmul.f32 $1.442695020e+00, v35;
	v57 =	vshll.u32 v48, $0x10;
	v31 =	vadd.f32 v31, v39  }
0x2b0: {  	v63 =	vshll.u32 v55, $0x10;
	v40 =	vand.u32 $0xFFFF0000, v55;
	v34 =	vsel vm11, v38, v34  }
0x2b1: {  	vm13 =	vgt.f32 v35, $0.0e+00;
	v32 =	vadd.f32 v34, v33;
	v33 =	vadd.f32 v49, v47  }
0x2b2: {  	v46 =	vld [tilespmem:s12+$0x2560];
	v58 =	vadd.f32 v57, v56;
	v62 =	vshll.u32 v53, $0x10;
	v42 =	vand.u32 $0xFFFF0000, v53  }
0x2b3: {  	v41 =	vand.u32 $0xFFFF0000, v59;
	(erf) = vpow2.f32 v51;
	v54 =	vmul.f32 $1.442695020e+00, v33  }
0x2b4: {  	v38 =	vand.u32 $0xFFFF0000, v48;
	v61 =	vmul.f32 $1.442695020e+00, v31;
	v51 =	vshll.u32 v59, $0x10  }
0x2b5: {  	v40 =	vadd.f32 v40, v42;
	v39 =	vadd.f32 v60, v58;
	(erf) = vpow2.f32 v54  }
0x2b6: {  	v50 =	vpop (erf);
	vm15 =	vgt.f32 v31, $0.0e+00;
	v38 =	vadd.f32 v38, v43;
	v49 =	vadd.f32 v63, v62  }
0x2b7: {  	v34 =	vadd.f32 $-1.000000000e+00, v50;
	v50 =	vld [tilespmem:s12+$0x6560];
	v47 =	vand.u32 $0xFFFF0000, v46;
	v40 =	vadd.f32 v41, v40  }
0x2b8: {  	v42 =	vld [tilespmem:s12+$0xA560];
	v48 =	vmul.f32 $1.442695020e+00, v39;
	v36 =	vadd.f32 v36, v38;
	v38 =	vadd.f32 v51, v49  }
0x2b9: {  	v34 =	vsel vm12, v37, v34;
	vm14 =	vgt.f32 v33, $0.0e+00;
	vm4 =	vgt.f32 v39, $0.0e+00  }
0x2ba: {  	v57 =	vmul.f32 $1.442695020e+00, v40;
	v34 =	vadd.f32 v34, v24;
	(erf) = vpow2.f32 v61  }
0x2bb: {  	vm7 =	vgt.f32 v40, $0.0e+00;
	v52 =	vmul.f32 $1.442695020e+00, v36;
	v53 =	vmul.f32 $1.442695020e+00, v38  }
0x2bc: {  	v54 =	vshll.u32 v46, $0x10;
	v55 =	vshll.u32 v50, $0x10;
	(erf) = vpow2.f32 v48  }
0x2bd: {  	v60 =	vshll.u32 v42, $0x10;
	v41 =	vadd.f32 v55, v54;
	(erf) = vpow2.f32 v52;
	v56 =	vpop (erf)  }
0x2be: {  	v48 =	vand.u32 $0xFFFF0000, v50;
	v54 =	vld [tilespmem:s12+$0x2570];
	(erf) = vpow2.f32 v53;
	v58 =	vadd.f32 $-1.000000000e+00, v56;
	v59 =	vpop (erf)  }
0x2bf: {  	vm5 =	vgt.f32 v36, $0.0e+00;
	v50 =	vadd.f32 v48, v47;
	v45 =	vadd.f32 $-1.000000000e+00, v59  }
0x2c0: {  	v37 =	vadd.f32 v60, v41;
	v61 =	vsel vm13, v35, v58;
	(erf) = vpow2.f32 v57;
	v57 =	vld [tilespmem:s12+$0x6570]  }
0x2c1: {  	vm6 =	vgt.f32 v38, $0.0e+00;
	v52 =	vand.u32 $0xFFFF0000, v42;
	v25 =	vadd.f32 v61, v25;
	v61 =	vld [tilespmem:s12+$0xA570]  }
0x2c2: {  	v63 =	vmul.f32 $1.442695020e+00, v37;
	v62 =	vsel vm14, v33, v45;
	v33 =	vadd.f32 v52, v50;
	v52 =	vld [tilespmem:s12+$0x2590]  }
0x2c3: {  	vm8 =	vgt.f32 v37, $0.0e+00;
	v46 =	vshll.u32 v54, $0x10;
	v41 =	vand.u32 $0xFFFF0000, v54;
	v45 =	vpop (erf)  }
0x2c4: {  	v24 =	vadd.f32 v62, v26;
	v62 =	vld [tilespmem:s12+$0x2580];
	v58 =	vmul.f32 $1.442695020e+00, v33;
	v26 =	vadd.f32 $-1.000000000e+00, v45  }
0x2c5: {  	v47 =	vshll.u32 v57, $0x10;
	vm9 =	vgt.f32 v33, $0.0e+00;
	v49 =	vpop (erf);
	(erf) = vpow2.f32 v63  }
0x2c6: {  	v54 =	vld [tilespmem:s12+$0x6590];
	v51 =	vadd.f32 $-1.000000000e+00, v49;
	v53 =	vpop (erf);
	v49 =	vshll.u32 v61, $0x10;
	v26 =	vsel vm15, v31, v26  }
0x2c7: {  	v63 =	vld [tilespmem:s12+$0x6580];
	v31 =	vadd.f32 $-1.000000000e+00, v53;
	v56 =	vpop (erf);
	(erf) = vpow2.f32 v58;
	v43 =	vand.u32 $0xFFFF0000, v52  }
0x2c8: {  	v26 =	vadd.f32 v26, v27;
	v55 =	vsel vm4, v39, v51;
	v35 =	vadd.f32 $-1.000000000e+00, v56  }
0x2c9: {  	v60 =	vpop (erf);
	v39 =	vand.u32 $0xFFFF0000, v57;
	v50 =	vshll.u32 v62, $0x10;
	v27 =	vadd.f32 v55, v30  }
0x2ca: {  	v59 =	vsel vm5, v36, v31;
	v31 =	vadd.f32 $-1.000000000e+00, v60;
	v39 =	vadd.f32 v39, v41  }
0x2cb: {  	v58 =	vld [tilespmem:s12+$0xA590];
	v36 =	vand.u32 $0xFFFF0000, v61;
	v41 =	vand.u32 $0xFFFF0000, v54;
	v35 =	vsel vm6, v38, v35  }
0x2cc: {  	v28 =	vadd.f32 v59, v28;
	v51 =	vshll.u32 v63, $0x10;
	v38 =	vand.u32 $0xFFFF0000, v62  }
0x2cd: {  	v60 =	vld [tilespmem:s12+$0x25A0];
	v30 =	vand.u32 $0xFFFF0000, v63;
	v29 =	vadd.f32 v35, v29;
	v35 =	vadd.f32 v47, v46  }
0x2ce: {  	v63 =	vshll.u32 v52, $0x10;
	v53 =	vadd.f32 v51, v50;
	v36 =	vadd.f32 v36, v39  }
0x2cf: {  	v62 =	vld [tilespmem:s12+$0x65A0];
	v31 =	vsel vm7, v40, v31;
	v30 =	vadd.f32 v30, v38;
	v51 =	vadd.f32 v41, v43  }
0x2d0: {  	v40 =	vld [tilespmem:s12+$0xA580];
	v31 =	vadd.f32 v31, v32;
	v50 =	vshll.u32 v58, $0x10;
	v39 =	vand.u32 $0xFFFF0000, v58  }
0x2d1: {  	v35 =	vadd.f32 v49, v35;
	v59 =	vmul.f32 $1.442695020e+00, v36;
	v39 =	vadd.f32 v39, v51  }
0x2d2: {  	vm11 =	vgt.f32 v36, $0.0e+00;
	v48 =	vpop (erf);
	v52 =	vshll.u32 v60, $0x10;
	v44 =	vand.u32 $0xFFFF0000, v60  }
0x2d3: {  	v32 =	vadd.f32 $-1.000000000e+00, v48;
	v55 =	vmul.f32 $1.442695020e+00, v35;
	v48 =	vshll.u32 v54, $0x10  }
0x2d4: {  	v46 =	vand.u32 $0xFFFF0000, v62;
	vm10 =	vgt.f32 v35, $0.0e+00;
	vm15 =	vgt.f32 v39, $0.0e+00  }
0x2d5: {  	v49 =	vld [tilespmem:s12+$0xA5A0];
	v56 =	vshll.u32 v40, $0x10;
	v40 =	vand.u32 $0xFFFF0000, v40;
	v38 =	vadd.f32 v48, v63  }
0x2d6: {  	v44 =	vadd.f32 v46, v44;
	v32 =	vsel vm8, v37, v32;
	v37 =	vadd.f32 v56, v53  }
0x2d7: {  	v57 =	vpop (erf);
	(erf) = vpow2.f32 v55;
	v30 =	vadd.f32 v40, v30;
	v53 =	vshll.u32 v62, $0x10  }
0x2d8: {  	v32 =	vadd.f32 v32, v34;
	v34 =	vadd.f32 $-1.000000000e+00, v57;
	v61 =	vmul.f32 $1.442695020e+00, v37  }
0x2d9: {  	(erf) = vpow2.f32 v59;
	v38 =	vadd.f32 v50, v38;
	v41 =	vadd.f32 v53, v52  }
0x2da: {  	v47 =	vld [tilespmem:s12+$0x25B0];
	v56 =	vshll.u32 v49, $0x10;
	v54 =	vmul.f32 $1.442695020e+00, v30;
	(erf) = vpow2.f32 v61  }
0x2db: {  	v42 =	vand.u32 $0xFFFF0000, v49;
	v55 =	vmul.f32 $1.442695020e+00, v38;
	v40 =	vadd.f32 v56, v41;
	v41 =	vld [tilespmem:s12+$0x65B0]  }
0x2dc: {  	v46 =	vld [tilespmem:s12+$0xA5B0];
	v57 =	vmul.f32 $1.442695020e+00, v39;
	v42 =	vadd.f32 v42, v44;
	(erf) = vpow2.f32 v54  }
0x2dd: {  	vm12 =	vgt.f32 v37, $0.0e+00;
	vm13 =	vgt.f32 v30, $0.0e+00;
	(erf) = vpow2.f32 v55  }
0x2de: {  	v33 =	vsel vm9, v33, v34;
	v58 =	vmul.f32 $1.442695020e+00, v40;
	(erf) = vpow2.f32 v57  }
0x2df: {  	vm14 =	vgt.f32 v38, $0.0e+00;
	v60 =	vmul.f32 $1.442695020e+00, v42;
	v61 =	vshll.u32 v47, $0x10  }
0x2e0: {  	v33 =	vadd.f32 v33, v25;
	v62 =	vshll.u32 v41, $0x10;
	v59 =	vpop (erf);
	(erf) = vpow2.f32 v58  }
0x2e1: {  	v51 =	vshll.u32 v46, $0x10;
	v49 =	vadd.f32 v62, v61;
	v34 =	vadd.f32 $-1.000000000e+00, v59  }
0x2e2: {  	vm5 =	vgt.f32 v42, $0.0e+00;
	vm4 =	vgt.f32 v40, $0.0e+00;
	v41 =	vand.u32 $0xFFFF0000, v41;
	v62 =	vld [tilespmem:s12+$0x65C0];
	v48 =	vpop (erf)  }
0x2e3: {  	v63 =	vsel vm10, v35, v34;
	v34 =	vadd.f32 $-1.000000000e+00, v48;
	v35 =	vadd.f32 v51, v49;
	v50 =	vpop (erf)  }
0x2e4: {  	(erf) = vpow2.f32 v60;
	v43 =	vadd.f32 v63, v24;
	v60 =	vld [tilespmem:s12+$0x25C0];
	v44 =	vadd.f32 $-1.000000000e+00, v50  }
0x2e5: {  	v52 =	vsel vm11, v36, v34;
	v54 =	vpop (erf);
	v55 =	vmul.f32 $1.442695020e+00, v35;
	vm6 =	vgt.f32 v35, $0.0e+00  }
0x2e6: {  	v50 =	vld [tilespmem:s12+$0x25D0];
	v25 =	vadd.f32 v52, v26;
	v26 =	vadd.f32 $-1.000000000e+00, v54;
	v56 =	vpop (erf);
	v53 =	vsel vm12, v37, v44  }
0x2e7: {  	v49 =	vshll.u32 v62, $0x10;
	v52 =	vld [tilespmem:s12+$0x65D0];
	v57 =	vpop (erf);
	(erf) = vpow2.f32 v55;
	v24 =	vadd.f32 v53, v27  }
0x2e8: {  	v27 =	vadd.f32 $-1.000000000e+00, v56;
	v26 =	vsel vm13, v30, v26;
	v58 =	vadd.f32 $-1.000000000e+00, v57  }
0x2e9: {  	v44 =	vld [tilespmem:s12+$0xA5C0];
	v30 =	vand.u32 $0xFFFF0000, v62;
	v59 =	vpop (erf);
	v26 =	vadd.f32 v26, v28;
	v48 =	vshll.u32 v60, $0x10  }
0x2ea: {  	v55 =	vld [tilespmem:s12+$0xA5D0];
	v36 =	vand.u32 $0xFFFF0000, v60;
	v27 =	vsel vm14, v38, v27;
	v34 =	vadd.f32 $-1.000000000e+00, v59  }
0x2eb: {  	v61 =	vsel vm15, v39, v58;
	v30 =	vadd.f32 v30, v36;
	v27 =	vadd.f32 v27, v29  }
0x2ec: {  	v28 =	vadd.f32 v61, v31;
	v61 =	vshll.u32 v50, $0x10;
	v62 =	vshll.u32 v52, $0x10  }
0x2ed: {  	v57 =	vld [tilespmem:s12+$0x25E0];
	v37 =	vand.u32 $0xFFFF0000, v52;
	v63 =	vsel vm4, v40, v34;
	v40 =	vand.u32 $0xFFFF0000, v47  }
0x2ee: {  	v59 =	vld [tilespmem:s12+$0x65E0];
	v47 =	vand.u32 $0xFFFF0000, v46;
	v34 =	vadd.f32 v49, v48;
	v53 =	vshll.u32 v44, $0x10  }
0x2ef: {  	v38 =	vand.u32 $0xFFFF0000, v44;
	v48 =	vshll.u32 v55, $0x10;
	v29 =	vadd.f32 v63, v32  }
0x2f0: {  	v52 =	vld [tilespmem:s12+$0x65F0];
	v49 =	vand.u32 $0xFFFF0000, v55;
	v39 =	vpop (erf);
	v45 =	vadd.f32 v41, v40;
	v30 =	vadd.f32 v38, v30  }
0x2f1: {  	v31 =	vadd.f32 $-1.000000000e+00, v39;
	v34 =	vadd.f32 v53, v34;
	v39 =	vand.u32 $0xFFFF0000, v50  }
0x2f2: {  	v55 =	vld [tilespmem:s12+$0xA5F0];
	v50 =	vshll.u32 v57, $0x10;
	v32 =	vadd.f32 v47, v45;
	v60 =	vmul.f32 $1.442695020e+00, v30  }
0x2f3: {  	v63 =	vld [tilespmem:s12+$0xA5E0];
	v37 =	vadd.f32 v37, v39;
	v38 =	vand.u32 $0xFFFF0000, v59;
	vm9 =	vgt.f32 v30, $0.0e+00  }
0x2f4: {  	v31 =	vsel vm5, v42, v31;
	v51 =	vpop (erf);
	v58 =	vmul.f32 $1.442695020e+00, v34;
	v42 =	vadd.f32 v62, v61  }
0x2f5: {  	v61 =	vshll.u32 v52, $0x10;
	vm8 =	vgt.f32 v34, $0.0e+00;
	v40 =	vadd.f32 $-1.000000000e+00, v51  }
0x2f6: {  	v54 =	vmul.f32 $1.442695020e+00, v32;
	v31 =	vadd.f32 v31, v33;
	v37 =	vadd.f32 v49, v37  }
0x2f7: {  	v51 =	vshll.u32 v59, $0x10;
	vm7 =	vgt.f32 v32, $0.0e+00;
	v44 =	vand.u32 $0xFFFF0000, v55  }
0x2f8: {  	v36 =	vadd.f32 v48, v42;
	v39 =	vadd.f32 v51, v50;
	v53 =	vshll.u32 v63, $0x10  }
0x2f9: {  	v41 =	vld [tilespmem:s12+$0x25F0];
	v56 =	vsel vm6, v35, v40;
	(erf) = vpow2.f32 v54;
	v35 =	vand.u32 $0xFFFF0000, v57  }
0x2fa: {  	v54 =	vmul.f32 $1.442695020e+00, v37;
	v40 =	vand.u32 $0xFFFF0000, v52;
	vm11 =	vgt.f32 v37, $0.0e+00  }
0x2fb: {  	v33 =	vadd.f32 v56, v43;
	(erf) = vpow2.f32 v58;
	v42 =	vmul.f32 $1.442695020e+00, v36  }
0x2fc: {  	v48 =	vld [tilespmem:s12+$0x6600];
	v35 =	vadd.f32 v38, v35;
	v43 =	vand.u32 $0xFFFF0000, v63;
	v39 =	vadd.f32 v53, v39  }
0x2fd: {  	v63 =	vshll.u32 v55, $0x10;
	vm10 =	vgt.f32 v36, $0.0e+00;
	(erf) = vpow2.f32 v60  }
0x2fe: {  	v60 =	vshll.u32 v41, $0x10;
	v41 =	vand.u32 $0xFFFF0000, v41;
	v35 =	vadd.f32 v43, v35;
	v43 =	vld [tilespmem:s12+$0x2600]  }
0x2ff: {  	(erf) = vpow2.f32 v42;
	v62 =	vadd.f32 v61, v60;
	v40 =	vadd.f32 v40, v41  }
0x300: {  	v45 =	vld [tilespmem:s12+$0xA600];
	v58 =	vmul.f32 $1.442695020e+00, v39;
	vm12 =	vgt.f32 v39, $0.0e+00;
	(erf) = vpow2.f32 v54  }
0x301: {  	v53 =	vshll.u32 v48, $0x10;
	v38 =	vadd.f32 v63, v62;
	v40 =	vadd.f32 v44, v40  }
0x302: {  	v59 =	vmul.f32 $1.442695020e+00, v35;
	(erf) = vpow2.f32 v58;
	vm13 =	vgt.f32 v35, $0.0e+00  }
0x303: {  	v51 =	vmul.f32 $1.442695020e+00, v38;
	v58 =	vmul.f32 $1.442695020e+00, v40;
	v52 =	vshll.u32 v43, $0x10  }
0x304: {  	vm14 =	vgt.f32 v38, $0.0e+00;
	v56 =	vpop (erf);
	(erf) = vpow2.f32 v59;
	v55 =	vadd.f32 v53, v52  }
0x305: {  	v44 =	vld [tilespmem:s12+$0x2610];
	vm15 =	vgt.f32 v40, $0.0e+00;
	v57 =	vadd.f32 $-1.000000000e+00, v56;
	v49 =	vpop (erf);
	v56 =	vshll.u32 v45, $0x10  }
0x306: {  	v52 =	vld [tilespmem:s12+$0x6610];
	v50 =	vadd.f32 $-1.000000000e+00, v49;
	v54 =	vpop (erf);
	(erf) = vpow2.f32 v51;
	v41 =	vadd.f32 v56, v55  }
0x307: {  	v56 =	vand.u32 $0xFFFF0000, v43;
	v32 =	vsel vm7, v32, v57;
	v42 =	vadd.f32 $-1.000000000e+00, v54  }
0x308: {  	v34 =	vsel vm8, v34, v50;
	v32 =	vadd.f32 v32, v25;
	v61 =	vmul.f32 $1.442695020e+00, v41  }
0x309: {  	vm4 =	vgt.f32 v41, $0.0e+00;
	v57 =	vpop (erf);
	v30 =	vsel vm9, v30, v42;
	(erf) = vpow2.f32 v58  }
0x30a: {  	v25 =	vadd.f32 v34, v24;
	v58 =	vshll.u32 v44, $0x10;
	v44 =	vand.u32 $0xFFFF0000, v44  }
0x30b: {  	v42 =	vand.u32 $0xFFFF0000, v52;
	v59 =	vadd.f32 $-1.000000000e+00, v57;
	v60 =	vpop (erf);
	v30 =	vadd.f32 v30, v26  }
0x30c: {  	v57 =	vand.u32 $0xFFFF0000, v48;
	v48 =	vld [tilespmem:s12+$0xA620];
	v42 =	vadd.f32 v42, v44;
	v63 =	vadd.f32 $-1.000000000e+00, v60;
	v49 =	vpop (erf)  }
0x30d: {  	v60 =	vld [tilespmem:s12+$0x2620];
	v62 =	vsel vm10, v36, v59;
	v36 =	vadd.f32 $-1.000000000e+00, v49;
	v59 =	vshll.u32 v52, $0x10;
	v50 =	vpop (erf)  }
0x30e: {  	v52 =	vld [tilespmem:s12+$0x6630];
	(erf) = vpow2.f32 v61;
	v34 =	vsel vm11, v37, v63;
	v51 =	vadd.f32 $-1.000000000e+00, v50  }
0x30f: {  	v63 =	vld [tilespmem:s12+$0x6620];
	v53 =	vsel vm12, v39, v36;
	v36 =	vadd.f32 v62, v27;
	v27 =	vadd.f32 v34, v28  }
0x310: {  	v28 =	vld [tilespmem:s12+$0xA610];
	v62 =	vand.u32 $0xFFFF0000, v45;
	v34 =	vadd.f32 v59, v58;
	v26 =	vadd.f32 v53, v29;
	v55 =	vpop (erf)  }
0x311: {  	v39 =	vand.u32 $0xFFFF0000, v48;
	v54 =	vsel vm13, v35, v51;
	v29 =	vadd.f32 $-1.000000000e+00, v55  }
0x312: {  	v50 =	vld [tilespmem:s12+$0x2630];
	v53 =	vshll.u32 v60, $0x10;
	v37 =	vand.u32 $0xFFFF0000, v60;
	v24 =	vadd.f32 v54, v31  }
0x313: {  	v31 =	vadd.f32 v57, v56;
	v57 =	vshll.u32 v48, $0x10;
	v59 =	vshll.u32 v52, $0x10  }
0x314: {  	v29 =	vsel vm14, v38, v29;
	v61 =	vpop (erf);
	v54 =	vshll.u32 v63, $0x10;
	v35 =	vand.u32 $0xFFFF0000, v63  }
0x315: {  	v38 =	vadd.f32 $-1.000000000e+00, v61;
	v31 =	vadd.f32 v62, v31;
	v46 =	vshll.u32 v28, $0x10  }
0x316: {  	v29 =	vadd.f32 v29, v33;
	v28 =	vand.u32 $0xFFFF0000, v28;
	v55 =	vadd.f32 v54, v53  }
0x317: {  	v56 =	vld [tilespmem:s12+$0xA630];
	v35 =	vadd.f32 v35, v37;
	v58 =	vshll.u32 v50, $0x10;
	v34 =	vadd.f32 v46, v34  }
0x318: {  	v43 =	vand.u32 $0xFFFF0000, v50;
	v28 =	vadd.f32 v28, v42;
	v37 =	vadd.f32 v59, v58  }
0x319: {  	v46 =	vand.u32 $0xFFFF0000, v52;
	v38 =	vsel vm15, v40, v38;
	v40 =	vadd.f32 v57, v55  }
0x31a: {  	v63 =	vld [tilespmem:s12+$0x2640];
	v49 =	vmul.f32 $1.442695020e+00, v31;
	v35 =	vadd.f32 v39, v35;
	v43 =	vadd.f32 v46, v43  }
0x31b: {  	v54 =	vld [tilespmem:s12+$0xA640];
	vm5 =	vgt.f32 v31, $0.0e+00;
	v51 =	vmul.f32 $1.442695020e+00, v34;
	v60 =	vmul.f32 $1.442695020e+00, v28  }
0x31c: {  	v47 =	vpop (erf);
	v62 =	vshll.u32 v56, $0x10;
	v55 =	vand.u32 $0xFFFF0000, v56;
	v32 =	vadd.f32 v38, v32  }
0x31d: {  	v52 =	vld [tilespmem:s12+$0x6640];
	vm6 =	vgt.f32 v34, $0.0e+00;
	vm7 =	vgt.f32 v28, $0.0e+00;
	v33 =	vadd.f32 $-1.000000000e+00, v47  }
0x31e: {  	v58 =	vld [tilespmem:s12+$0x6650];
	(erf) = vpow2.f32 v49;
	v61 =	vmul.f32 $1.442695020e+00, v40;
	v37 =	vadd.f32 v62, v37  }
0x31f: {  	v57 =	vld [tilespmem:s12+$0x2650];
	v53 =	vmul.f32 $1.442695020e+00, v35;
	v42 =	vadd.f32 v55, v43;
	(erf) = vpow2.f32 v51  }
0x320: {  	v47 =	vand.u32 $0xFFFF0000, v63;
	v46 =	vand.u32 $0xFFFF0000, v54;
	(erf) = vpow2.f32 v60  }
0x321: {  	v56 =	vmul.f32 $1.442695020e+00, v37;
	v33 =	vsel vm4, v41, v33;
	v59 =	vmul.f32 $1.442695020e+00, v42  }
0x322: {  	v62 =	vld [tilespmem:s12+$0xA650];
	v60 =	vshll.u32 v63, $0x10;
	v39 =	vand.u32 $0xFFFF0000, v52;
	v63 =	vshll.u32 v54, $0x10  }
0x323: {  	v50 =	vshll.u32 v58, $0x10;
	(erf) = vpow2.f32 v61;
	v61 =	vshll.u32 v52, $0x10  }
0x324: {  	v43 =	vand.u32 $0xFFFF0000, v58;
	v49 =	vshll.u32 v57, $0x10;
	v41 =	vadd.f32 v61, v60  }
0x325: {  	v39 =	vadd.f32 v39, v47;
	v52 =	vand.u32 $0xFFFF0000, v57;
	v51 =	vadd.f32 v50, v49  }
0x326: {  	(erf) = vpow2.f32 v53;
	v43 =	vadd.f32 v43, v52;
	v41 =	vadd.f32 v63, v41  }
0x327: {  	(erf) = vpow2.f32 v56;
	v38 =	vadd.f32 v46, v39;
	v53 =	vshll.u32 v62, $0x10  }
0x328: {  	v45 =	vand.u32 $0xFFFF0000, v62;
	v39 =	vadd.f32 v53, v51;
	v55 =	vmul.f32 $1.442695020e+00, v41  }
0x329: {  	(erf) = vpow2.f32 v59;
	v43 =	vadd.f32 v45, v43;
	v57 =	vmul.f32 $1.442695020e+00, v38  }
0x32a: {  	vm8 =	vgt.f32 v40, $0.0e+00;
	v58 =	vmul.f32 $1.442695020e+00, v39;
	v54 =	vpop (erf);
	(erf) = vpow2.f32 v55  }
0x32b: {  	vm9 =	vgt.f32 v35, $0.0e+00;
	v59 =	vmul.f32 $1.442695020e+00, v43;
	v56 =	vpop (erf);
	(erf) = vpow2.f32 v57  }
0x32c: {  	vm10 =	vgt.f32 v37, $0.0e+00;
	vm11 =	vgt.f32 v42, $0.0e+00;
	v60 =	vpop (erf);
	(erf) = vpow2.f32 v58  }
0x32d: {  	v25 =	vadd.f32 v33, v25;
	v46 =	vadd.f32 $-1.000000000e+00, v54;
	v62 =	vpop (erf);
	(erf) = vpow2.f32 v59  }
0x32e: {  	vm13 =	vgt.f32 v38, $0.0e+00;
	vm12 =	vgt.f32 v41, $0.0e+00;
	v44 =	vadd.f32 $-1.000000000e+00, v56  }
0x32f: {  	vm14 =	vgt.f32 v39, $0.0e+00;
	v31 =	vsel vm5, v31, v46;
	v61 =	vadd.f32 $-1.000000000e+00, v60  }
0x330: {  	v34 =	vsel vm6, v34, v44;
	v30 =	vadd.f32 v31, v30;
	v63 =	vpop (erf);
	v33 =	vadd.f32 $-1.000000000e+00, v62  }
0x331: {  	v34 =	vadd.f32 v34, v36;
	v28 =	vsel vm7, v28, v61;
	v46 =	vadd.f32 $-1.000000000e+00, v63;
	v47 =	vpop (erf)  }
0x332: {  	v27 =	vadd.f32 v28, v27;
	v48 =	vsel vm8, v40, v33;
	v49 =	vpop (erf);
	v50 =	vadd.f32 $-1.000000000e+00, v47  }
0x333: {  	v31 =	vsel vm9, v35, v46;
	v26 =	vadd.f32 v48, v26;
	v52 =	vadd.f32 $-1.000000000e+00, v49;
	v51 =	vpop (erf)  }
0x334: {  	v24 =	vadd.f32 v31, v24;
	v28 =	vsel vm10, v37, v50;
	v53 =	vadd.f32 $-1.000000000e+00, v51;
	v54 =	vpop (erf)  }
0x335: {  	v28 =	vadd.f32 v28, v29;
	v55 =	vsel vm11, v42, v52;
	[tilespmem:s2+$0xFFFFFFC0] =	vst v26;
	v56 =	vpop (erf);
	v58 =	vadd.f32 $-1.000000000e+00, v54  }
0x336: {  	v29 =	vadd.f32 v55, v32;
	[tilespmem:s2+$0xFFFFFFD0] =	vst v24;
	v57 =	vsel vm12, v41, v53;
	v59 =	vadd.f32 $-1.000000000e+00, v56;
	v60 =	vpop (erf)  }
0x337: {  	p0 =	sne.s32 s31, $0x7800;
	[tilespmem:s2+$0xFFFFFFE0] =	vst v28;
	v25 =	vadd.f32 v57, v25;
	v61 =	vsel vm13, v38, v58;
	v31 =	vadd.f32 $-1.000000000e+00, v60  }
.Ltmp2:
0x338: {  	vm15 =	vgt.f32 v43, $0.0e+00;
	[tilespmem:s2+$0xFFFFFFF0] =	vst v29;
	v24 =	vadd.f32 v61, v30;
	v26 =	vsel vm14, v39, v59;
	(pc) =	sbr.rel @p0 .LBB2_7-.Ltmp2, $4  }
0x339: {  	v26 =	vadd.f32 v26, v34;
	v62 =	vsel vm15, v43, v31;
	[tilespmem:s2+$0x0] =	vst v25  }
0x33a: {  	v63 =	vadd.f32 v62, v27;
	[tilespmem:s2+$0x10] =	vst v24  }
0x33b: {  	[tilespmem:s2+$0x20] =	vst v26  }
0x33c: {  	s31 =	sadd.s32 $0x800, s31;
	[tilespmem:s2+$0x30] =	vst v63;
	s2 =	sadd.s32 $0x80, s2  }
0x33d: {  	s17 =	sadd.s32 $0x1, s17  }
0x33e: {  	p0 =	sne.s32 s17, $0x31  }
.Ltmp3:
0x33f: {  	s2 =	sor.u32 $0x100, s4;
	(pc) =	sbr.rel @p0 .LBB2_2-.Ltmp3, $4  }
0x340: {  	s4 =	sadd.s32 s10, s2  }
0x341: {  	[hbm4b:s4+s3] =	stream.linear.scatter [tilespmem:s23], [sflag:$0x6], $0x800, $0x38;
	[tilespmem:$0xE460] =	vst v63  }
0x342: {  	s2 =	sadd.s32 s11, s2  }
0x343: {  	[hbm4b:s2+s3] =	stream.linear.scatter [tilespmem:s15], [sflag:$0x6], $0x800, $0x38;
	[tilespmem:$0xE460] =	vst v63  }
0x344: {  	s4 =	simm.s32 $0x6  }
0x345: {  	_ =	swait.ge [sflag:s4], $0x800  }
0x346: {  	[sflag:s4] =	ssyncset.done $0x0  }
0x347: {  	[sflag:s4] =	ssyncadd.s32 $0xFFFFF800  }
0x348: {  	_ =	swait.ge [sflag:s4], $0x800  }
0x349: {  	s12 =	rddreg [dreg:$0x9]  }
0x34a: {  	s2 =	rddreg [dreg:$0x8];
	s12 =	sadd.s32 $0x1, s12  }
0x34b: {  	p0 =	sne.s32 s12, s2  }
.Ltmp4:
0x34c: {  	_ = 	snop;
	(pc) =	sbr.rel @p0 .LBB2_1-.Ltmp4, $3  }
0x34d: {  	_ =	sdelay $0x1  }
0x34e: {  	[sflag:s4] =	ssyncset.done $0x0  }
0x34f: {  	[sflag:s4] =	ssyncadd.s32 $0xFFFFF800  }
0x350: {  	_ =	sfence.sel $0x180000  }
0x351: {  	[bflag:$0x0] =	sbarrier.arrive $0xFFFF  }
0x352: {  	_ =	strace $0x90000047  }
0x353: {  	s0 =	stileid.u32;
	[bflag:$0x2] =	sbarrier.arrive $0xFFFF  }
0x354: {  	p0 =	sne.s32 s0, $0x0;
	s0 =	rddreg [dreg:$0x3]  }
0x355: {  	s0 =	sadd.s32 @!p0 $0x100000, s0  }
0x356: {  	[sflag:s0] =	ssyncadd.tile.s32 @!p0 $0x1;
	_ =	shalt  }
.Lfunc_end2:
_tile_overlayer_lowered:
.L_overlay_start_2:
0x357: {  	(tag) =	ssettag $0x2  }
0x358: {  	s0 =	rddreg [dreg:$0x0];
	s2 =	stileid.u32  }
0x359: {  	s1 =	rddreg [dreg:$0x1];
	p0 =	sne.s32 s2, $0x0  }
0x35a: {  	s3 =	rddreg [dreg:$0x2];
	[bflag:$0x3] =	sbarrier.arrive $0xFFFF;
	s2 =	simm.s32 @!p0 $0x1C07  }
0x35b: {  	[timem:s3], [sflag:s2] =	dma.local @!p0 [hbm:s0], s1  }
0x35c: {  	s0 =	simm.s32 @!p0 $0x7  }
0x35d: {  	_ =	swait.ge @!p0 [sflag:s0], s1  }
0x35e: {  	s1 =	ssub.s32 @!p0 $0x0, s1;
	[sflag:s0] =	ssyncset.done @!p0 $0x0  }
0x35f: {  	[sflag:s0] =	ssyncadd.s32 @!p0 s1  }
0x360: {  	[bflag:$0x3] =	sbarrier.arrive $0xFFFF  }
0x361: {  	_ =	shalt  }

</sc_bundles>
